<compile_context>
chip_gen: v7x
topology: tpu7x:2x2x1
jax: 0.10.2.dev20260603
libtpu: 0.0.44.dev20260713+nightly
codegen_flags: <defaults>
</compile_context>

<pallas_src>
import functools

import jax
import jax.numpy as jnp
from jax import lax
from jax.experimental import pallas as pl
from jax.experimental.pallas import tpu as pltpu
from jax.experimental.pallas import tpu_sc as plsc

N = 10000
E = 160000
D = 256
H = 128
NC = 2
NS = 16
L = 16

K = 128
CH = 80
EPT = CH * K
EPAD = NS * EPT
EPC = EPAD // (NC * NS)

NROW = 624
NPAD = 10112
NZ = NPAD // NS
NPC = 10240

R = 1024


def _sc_mesh():
    return plsc.VectorSubcoreMesh(core_axis_name="c", subcore_axis_name="s")


def _sc_counts(dst_p):

    @functools.partial(
        pl.kernel,
        out_type=jax.ShapeDtypeStruct((NC * NS * NPC,), jnp.float32),
        mesh=_sc_mesh(),
        scratch_types=[
            pltpu.VMEM((EPC,), jnp.int32),
            pltpu.VMEM((NPC,), jnp.float32),
        ],
        compiler_params=pltpu.CompilerParams(needs_layout_passes=False),
    )
    def k(dst_hbm, out_hbm, dstv, cntv):
        c = lax.axis_index("c")
        s = lax.axis_index("s")
        g = s * NC + c
        zeros = jnp.zeros((L,), jnp.float32)

        def zbody(i, carry):
            cntv[pl.ds(i * L, L)] = zeros
            return carry

        lax.fori_loop(0, NPC // L, zbody, 0)
        pltpu.sync_copy(dst_hbm.at[pl.ds(g * EPC, EPC)], dstv)
        ones = jnp.ones((L,), jnp.float32)

        def body(i, carry):
            idx = dstv[pl.ds(i * L, L)]
            plsc.addupdate_scatter(cntv, [idx], ones)
            return carry

        lax.fori_loop(0, EPC // L, body, 0)
        pltpu.sync_copy(cntv, out_hbm.at[pl.ds(g * NPC, NPC)])

    return k(dst_p)


def _sc_segsum(y2n, src_s, dst_s, zrows):

    @functools.partial(
        pl.kernel,
        out_type=jax.ShapeDtypeStruct((N, D), jnp.float32),
        mesh=_sc_mesh(),
        scratch_types=[
            pltpu.VMEM((CH, K), jnp.int32),
            pltpu.VMEM((2, K), jnp.int32),
            pltpu.VMEM((K, H), jnp.float32),
            pltpu.VMEM((K, H), jnp.float32),
            pltpu.VMEM_SHARED((NPAD, H), jnp.float32),
            pltpu.SemaphoreType.DMA,
            pltpu.SemaphoreType.DMA,
            pltpu.SemaphoreType.DMA,
            pltpu.SemaphoreType.DMA,
        ],
    )
    def k(y_hbm, src_hbm, dst_hbm, z_hbm, out_hbm, dall, sx,
          rows0, rows1, acc, sg0, sg1, sx0, sx1):
        c = lax.axis_index("c")
        s = lax.axis_index("s")
        base = c * N
        rows = (rows0, rows1)
        sg = (sg0, sg1)
        sxs = (sx0, sx1)

        pltpu.sync_copy(dst_hbm.at[s], dall)
        pltpu.sync_copy(z_hbm.at[pl.ds(s * NZ, NZ)], acc.at[pl.ds(s * NZ, NZ)])
        plsc.subcore_barrier()

        def add_base(b):
            for q in range(K // L):
                sl = pl.ds(q * L, L)
                sx[b, sl] = sx[b, sl] + base

        for b in range(2):
            pltpu.sync_copy(src_hbm.at[s, b], sx.at[b])
            add_base(b)
            pltpu.async_copy(y_hbm.at[sx.at[b]], rows[b], sg[b])

        def step(jj, carry):
            for b in range(2):
                ch = 2 * jj + b
                pltpu.make_async_copy(y_hbm.at[sx.at[b]], rows[b], sg[b]).wait()
                pltpu.async_copy(src_hbm.at[s, ch + 2], sx.at[b], sxs[b])
                pltpu.sync_copy(rows[b], acc.at[dall.at[ch]], add=True)
                pltpu.make_async_copy(src_hbm.at[s, ch + 2], sx.at[b],
                                      sxs[b]).wait()
                add_base(b)
                pltpu.async_copy(y_hbm.at[sx.at[b]], rows[b], sg[b])
            return carry

        lax.fori_loop(0, CH // 2 - 1, step, 0)
        for b in range(2):
            ch = CH - 2 + b
            pltpu.make_async_copy(y_hbm.at[sx.at[b]], rows[b], sg[b]).wait()
            pltpu.sync_copy(rows[b], acc.at[dall.at[ch]], add=True)
        plsc.subcore_barrier()
        pltpu.sync_copy(
            acc.at[pl.ds(s * NROW, NROW)],
            out_hbm.at[pl.ds(s * NROW, NROW), pl.ds(c * H, H)],
        )

        @pl.when(s == 0)
        def _tail():
            pltpu.sync_copy(
                acc.at[pl.ds(NS * NROW, N - NS * NROW)],
                out_hbm.at[pl.ds(NS * NROW, N - NS * NROW), pl.ds(c * H, H)],
            )

    return k(y2n, src_s, dst_s, zrows)


def _tc_first(x, Wl, Wr, bl8):
    grid = (pl.cdiv(N, R),)

    def body(x_ref, wl_ref, wr_ref, b_ref, y_ref, z_ref):
        xb = x_ref[...]
        y = jnp.dot(xb, wl_ref[...], preferred_element_type=jnp.float32)
        y_ref[0] = y[:, :H]
        y_ref[1] = y[:, H:]
        z_ref[...] = (
            jnp.dot(xb, wr_ref[...], preferred_element_type=jnp.float32)
            + b_ref[0][None, :]
        )

    return pl.pallas_call(
        body,
        grid=grid,
        in_specs=[
            pl.BlockSpec((R, D), lambda i: (i, 0)),
            pl.BlockSpec((D, D), lambda i: (0, 0)),
            pl.BlockSpec((D, D), lambda i: (0, 0)),
            pl.BlockSpec((8, D), lambda i: (0, 0)),
        ],
        out_specs=[
            pl.BlockSpec((2, R, H), lambda i: (0, i, 0)),
            pl.BlockSpec((R, D), lambda i: (i, 0)),
        ],
        out_shape=[
            jax.ShapeDtypeStruct((2, N, H), jnp.float32),
            jax.ShapeDtypeStruct((N, D), jnp.float32),
        ],
    )(x, Wl, Wr, bl8)


def _tc_mid(agg, cnt32, z_prev, Wl, Wr, bl8):
    grid = (pl.cdiv(N, R),)

    def body(a_ref, c_ref, zp_ref, wl_ref, wr_ref, b_ref, y_ref, z_ref):
        cnt = jnp.sum(c_ref[...], axis=0)
        inv = 1.0 / jnp.maximum(cnt, 1.0)
        h = jnp.maximum(a_ref[...] * inv[:, None] + zp_ref[...], 0.0)
        y = jnp.dot(h, wl_ref[...], preferred_element_type=jnp.float32)
        y_ref[0] = y[:, :H]
        y_ref[1] = y[:, H:]
        z_ref[...] = (
            jnp.dot(h, wr_ref[...], preferred_element_type=jnp.float32)
            + b_ref[0][None, :]
        )

    return pl.pallas_call(
        body,
        grid=grid,
        in_specs=[
            pl.BlockSpec((R, D), lambda i: (i, 0)),
            pl.BlockSpec((NC * NS, R), lambda i: (0, i)),
            pl.BlockSpec((R, D), lambda i: (i, 0)),
            pl.BlockSpec((D, D), lambda i: (0, 0)),
            pl.BlockSpec((D, D), lambda i: (0, 0)),
            pl.BlockSpec((8, D), lambda i: (0, 0)),
        ],
        out_specs=[
            pl.BlockSpec((2, R, H), lambda i: (0, i, 0)),
            pl.BlockSpec((R, D), lambda i: (i, 0)),
        ],
        out_shape=[
            jax.ShapeDtypeStruct((2, N, H), jnp.float32),
            jax.ShapeDtypeStruct((N, D), jnp.float32),
        ],
    )(agg, cnt32, z_prev, Wl, Wr, bl8)


def _tc_last(agg, cnt32, z_prev):
    grid = (pl.cdiv(N, R),)

    def body(a_ref, c_ref, zp_ref, o_ref):
        cnt = jnp.sum(c_ref[...], axis=0)
        inv = 1.0 / jnp.maximum(cnt, 1.0)
        o_ref[...] = a_ref[...] * inv[:, None] + zp_ref[...]

    return pl.pallas_call(
        body,
        grid=grid,
        in_specs=[
            pl.BlockSpec((R, D), lambda i: (i, 0)),
            pl.BlockSpec((NC * NS, R), lambda i: (0, i)),
            pl.BlockSpec((R, D), lambda i: (i, 0)),
        ],
        out_specs=pl.BlockSpec((R, D), lambda i: (i, 0)),
        out_shape=jax.ShapeDtypeStruct((N, D), jnp.float32),
    )(agg, cnt32, z_prev)


def kernel(x, edge_index, Wl0, bl0, Wr0, Wl1, bl1, Wr1, Wl2, bl2, Wr2):
    src = edge_index[0]
    dst = edge_index[1]
    pad = EPAD - E
    pi = jnp.arange(pad, dtype=jnp.int32)
    src_p = jnp.concatenate([src, (pi * 97) % N])
    dst_p = jnp.concatenate([dst, N + (pi % (NPAD - N))])
    src_s = src_p.reshape(NS, CH, K)
    dst_s = dst_p.reshape(NS, CH, K)
    zrows = jnp.zeros((NPAD, H), jnp.float32)
    bl8s = [jnp.broadcast_to(b[None, :], (8, D)) for b in (bl0, bl1, bl2)]

    cnt32 = _sc_counts(dst_p).reshape(NC * NS, NPC)

    y2, z = _tc_first(x, Wl0, Wr0, bl8s[0])
    agg = _sc_segsum(y2.reshape(2 * N, H), src_s, dst_s, zrows)
    y2, z = _tc_mid(agg, cnt32, z, Wl1, Wr1, bl8s[1])
    agg = _sc_segsum(y2.reshape(2 * N, H), src_s, dst_s, zrows)
    y2, z = _tc_mid(agg, cnt32, z, Wl2, Wr2, bl8s[2])
    agg = _sc_segsum(y2.reshape(2 * N, H), src_s, dst_s, zrows)
    return _tc_last(agg, cnt32, z)

# --- scband reference (transcript-rebuilt; emitter-appended) ---
"""Pipeline reference for scband-sage-39797166964810 (READ-ONLY COPY).

The authoritative reference and input builder live on the scoring server;
editing this copy changes nothing except your own understanding.
"""

import jax, jax.numpy as jnp
import numpy as np

N = 10000
E = 160000
D_IN = 256
D_HID = 256
D_OUT = 256


def _init_linear(key, fan_in, fan_out):
    scale = 1.0 / np.sqrt(fan_in)
    return jax.random.uniform(key, (fan_in, fan_out), jnp.float32, -scale, scale)


def setup_inputs(seed: int = 0) -> dict:
    key = jax.random.key(seed)
    ks = jax.random.split(key, 12)
    x = jax.random.normal(ks[0], (N, D_IN), jnp.float32)
    edge_index = jax.random.randint(ks[1], (2, E), 0, N, dtype=jnp.int32)
    dims = [(D_IN, D_HID), (D_HID, D_HID), (D_HID, D_OUT)]
    inp = {"x": x, "edge_index": edge_index}
    for i, (fi, fo) in enumerate(dims):
        inp[f"Wl{i}"] = _init_linear(ks[2 + 3 * i], fi, fo)
        inp[f"bl{i}"] = jnp.zeros((fo,), jnp.float32)
        inp[f"Wr{i}"] = _init_linear(ks[3 + 3 * i], fi, fo)
    return inp


def _sage_conv(x, edge_index, Wl, bl, Wr):
    # PyG SAGEConv with mean aggregation:
    #   out = lin_l(mean_{j in N(i)} x_j) + lin_r(x_i)
    src = edge_index[0]
    dst = edge_index[1]
    n = x.shape[0]
    msgs = jnp.take(x, src, axis=0)                      # gather
    summed = jax.ops.segment_sum(msgs, dst, num_segments=n)  # scatter-add
    cnt = jax.ops.segment_sum(jnp.ones((msgs.shape[0],), x.dtype), dst, num_segments=n)
    mean = summed / jnp.clip(cnt, 1.0, None)[:, None]
    return mean @ Wl + bl + x @ Wr


def reference(x, edge_index, Wl0, bl0, Wr0, Wl1, bl1, Wr1, Wl2, bl2, Wr2):
    params = [(Wl0, bl0, Wr0), (Wl1, bl1, Wr1), (Wl2, bl2, Wr2)]
    h = x
    num_layers = len(params)
    for i, (Wl, bl, Wr) in enumerate(params):
        h = _sage_conv(h, edge_index, Wl, bl, Wr)
        if i != num_layers - 1:
            h = jax.nn.relu(h)
            # dropout p=0.5 is identity in eval mode
    return h

if __name__ == "__main__":
    import jax
    _d = setup_inputs()
    print(jax.jit(kernel)(*tuple(_d.values())))

</pallas_src>

<mosaic_0001>
#map = affine_map<(d0, d1) -> (0, 0)>
#map1 = affine_map<(d0, d1) -> (0, 0, 0)>
module attributes {stable_mosaic.version = 14 : i64} {
  func.func @k(%arg0: i32, %arg1: i32, %arg2: memref<20000x128xf32, #tpu.memory_space<hbm>>, %arg3: memref<16x80x128xi32, #tpu.memory_space<hbm>>, %arg4: memref<16x80x128xi32, #tpu.memory_space<hbm>>, %arg5: memref<10112x128xf32, #tpu.memory_space<hbm>>, %arg6: memref<10000x256xf32, #tpu.memory_space<hbm>>, %arg7: memref<80x128xi32, #tpu.memory_space<vmem>>, %arg8: memref<2x128xi32, #tpu.memory_space<vmem>>, %arg9: memref<128x128xf32, #tpu.memory_space<vmem>>, %arg10: memref<128x128xf32, #tpu.memory_space<vmem>>, %arg11: memref<10112x128xf32, #tpu.memory_space<vmem_shared>>, %arg12: memref<!tpu.dma_semaphore, #tpu.memory_space<semaphore_mem>>, %arg13: memref<!tpu.dma_semaphore, #tpu.memory_space<semaphore_mem>>, %arg14: memref<!tpu.dma_semaphore, #tpu.memory_space<semaphore_mem>>, %arg15: memref<!tpu.dma_semaphore, #tpu.memory_space<semaphore_mem>>) attributes {dimension_semantics = [#tpu.dimension_semantics<core_parallel>, #tpu.dimension_semantics<subcore_parallel>], iteration_bounds = array<i64: 2, 16>, scalar_prefetch = 0 : i64, scratch_operands = 9 : i64, tpu.core_type = #tpu.core_type<sc_vector_subcore>, window_params = [{transform_indices = #map}, {transform_indices = #map1}, {transform_indices = #map1}, {transform_indices = #map}, {transform_indices = #map}]} {
    %mul3A = arith.constant 10000 : i32
    %mul3A_0 = arith.muli %arg0, %mul3A : i32
    "tpu.region"() ({
      %run_scoped3A_255 = tpu.sem_alloc : memref<!tpu.dma_semaphore, #tpu.memory_space<semaphore_mem>>
      %dma_start3A_256 = arith.constant 0 : i32
      %dma_start3A_257 = arith.constant 0 : i32
      %dma_start3A_258 = tpu.memref_slice %arg4[%arg1, %dma_start3A_256, %dma_start3A_257] : memref<16x80x128xi32, #tpu.memory_space<hbm>> -> memref<1x80x128xi32, #tpu.memory_space<hbm>>
      %dma_start3A_259 = tpu.memref_squeeze %dma_start3A_258 : memref<1x80x128xi32, #tpu.memory_space<hbm>> -> memref<80x128xi32, #tpu.memory_space<hbm>>
      %dma_start3A_260 = arith.constant 0 : i32
      %dma_start3A_261 = arith.constant 0 : i32
      %dma_start3A_262 = tpu.memref_slice %arg4[%arg1, %dma_start3A_260, %dma_start3A_261] : memref<16x80x128xi32, #tpu.memory_space<hbm>> -> memref<1x80x128xi32, #tpu.memory_space<hbm>>
      %dma_start3A_263 = tpu.memref_squeeze %dma_start3A_262 : memref<1x80x128xi32, #tpu.memory_space<hbm>> -> memref<80x128xi32, #tpu.memory_space<hbm>>
      tpu.enqueue_dma source(%dma_start3A_263 : memref<80x128xi32, #tpu.memory_space<hbm>>) target(%arg7 : memref<80x128xi32, #tpu.memory_space<vmem>>) target_semaphore(%run_scoped3A_255 : memref<!tpu.dma_semaphore, #tpu.memory_space<semaphore_mem>>)
      %dma_wait3A_264 = arith.constant 0 : i32
      %dma_wait3A_265 = arith.constant 0 : i32
      %dma_wait3A_266 = tpu.memref_slice %arg4[%arg1, %dma_wait3A_264, %dma_wait3A_265] : memref<16x80x128xi32, #tpu.memory_space<hbm>> -> memref<1x80x128xi32, #tpu.memory_space<hbm>>
      %dma_wait3A_267 = tpu.memref_squeeze %dma_wait3A_266 : memref<1x80x128xi32, #tpu.memory_space<hbm>> -> memref<80x128xi32, #tpu.memory_space<hbm>>
      %dma_wait3A_268 = arith.constant 0 : i32
      %dma_wait3A_269 = arith.constant 0 : i32
      %dma_wait3A_270 = tpu.memref_slice %arg4[%arg1, %dma_wait3A_268, %dma_wait3A_269] : memref<16x80x128xi32, #tpu.memory_space<hbm>> -> memref<1x80x128xi32, #tpu.memory_space<hbm>>
      %dma_wait3A_271 = tpu.memref_squeeze %dma_wait3A_270 : memref<1x80x128xi32, #tpu.memory_space<hbm>> -> memref<80x128xi32, #tpu.memory_space<hbm>>
      tpu.wait_dma2 semaphore(%run_scoped3A_255 : memref<!tpu.dma_semaphore, #tpu.memory_space<semaphore_mem>>) src(%dma_wait3A_271 : memref<80x128xi32, #tpu.memory_space<hbm>>) dst(%arg7 : memref<80x128xi32, #tpu.memory_space<vmem>>)
      tpu.yield
    }) : () -> ()
    %mul3A_1 = arith.constant 632 : i32
    %mul3A_2 = arith.muli %arg1, %mul3A_1 : i32
    %mul3A_3 = arith.constant 632 : i32
    %mul3A_4 = arith.muli %arg1, %mul3A_3 : i32
    "tpu.region"() ({
      %run_scoped3A_255 = tpu.sem_alloc : memref<!tpu.dma_semaphore, #tpu.memory_space<semaphore_mem>>
      %dma_start3A_256 = arith.constant 0 : i32
      %dma_start3A_257 = tpu.memref_slice %arg11[%mul3A_4, %dma_start3A_256] : memref<10112x128xf32, #tpu.memory_space<vmem_shared>> -> memref<632x128xf32, #tpu.memory_space<vmem_shared>>
      %dma_start3A_258 = arith.constant 0 : i32
      %dma_start3A_259 = tpu.memref_slice %arg5[%mul3A_2, %dma_start3A_258] : memref<10112x128xf32, #tpu.memory_space<hbm>> -> memref<632x128xf32, #tpu.memory_space<hbm>>
      tpu.enqueue_dma source(%dma_start3A_259 : memref<632x128xf32, #tpu.memory_space<hbm>>) target(%dma_start3A_257 : memref<632x128xf32, #tpu.memory_space<vmem_shared>>) target_semaphore(%run_scoped3A_255 : memref<!tpu.dma_semaphore, #tpu.memory_space<semaphore_mem>>)
      %dma_wait3A_260 = arith.constant 0 : i32
      %dma_wait3A_261 = tpu.memref_slice %arg11[%mul3A_4, %dma_wait3A_260] : memref<10112x128xf32, #tpu.memory_space<vmem_shared>> -> memref<632x128xf32, #tpu.memory_space<vmem_shared>>
      %dma_wait3A_262 = arith.constant 0 : i32
      %dma_wait3A_263 = tpu.memref_slice %arg5[%mul3A_2, %dma_wait3A_262] : memref<10112x128xf32, #tpu.memory_space<hbm>> -> memref<632x128xf32, #tpu.memory_space<hbm>>
      tpu.wait_dma2 semaphore(%run_scoped3A_255 : memref<!tpu.dma_semaphore, #tpu.memory_space<semaphore_mem>>) src(%dma_wait3A_263 : memref<632x128xf32, #tpu.memory_space<hbm>>) dst(%dma_wait3A_261 : memref<632x128xf32, #tpu.memory_space<vmem_shared>>)
      tpu.yield
    }) : () -> ()
    %barrier3A = arith.constant 0 : index
    tpu.barrier barrier_id(%barrier3A)
    %run_scoped3A = arith.constant 0 : i32
    %run_scoped3A_5 = arith.constant 0 : i32
    "tpu.region"() ({
      %run_scoped3A_255 = tpu.sem_alloc : memref<!tpu.dma_semaphore, #tpu.memory_space<semaphore_mem>>
      %dma_start3A_256 = arith.constant 0 : i32
      %dma_start3A_257 = tpu.memref_slice %arg8[%run_scoped3A_5, %dma_start3A_256] : memref<2x128xi32, #tpu.memory_space<vmem>> -> memref<1x128xi32, #tpu.memory_space<vmem>>
      %dma_start3A_258 = tpu.memref_squeeze %dma_start3A_257 : memref<1x128xi32, #tpu.memory_space<vmem>> -> memref<128xi32, #tpu.memory_space<vmem>>
      %dma_start3A_259 = arith.constant 0 : i32
      %dma_start3A_260 = tpu.memref_slice %arg3[%arg1, %run_scoped3A, %dma_start3A_259] : memref<16x80x128xi32, #tpu.memory_space<hbm>> -> memref<1x1x128xi32, #tpu.memory_space<hbm>>
      %dma_start3A_261 = tpu.memref_squeeze %dma_start3A_260 : memref<1x1x128xi32, #tpu.memory_space<hbm>> -> memref<128xi32, #tpu.memory_space<hbm>>
      %dma_start3A_262 = arith.constant 0 : i32
      %dma_start3A_263 = tpu.memref_slice %arg8[%run_scoped3A_5, %dma_start3A_262] : memref<2x128xi32, #tpu.memory_space<vmem>> -> memref<1x128xi32, #tpu.memory_space<vmem>>
      %dma_start3A_264 = tpu.memref_squeeze %dma_start3A_263 : memref<1x128xi32, #tpu.memory_space<vmem>> -> memref<128xi32, #tpu.memory_space<vmem>>
      %dma_start3A_265 = arith.constant 0 : i32
      %dma_start3A_266 = tpu.memref_slice %arg3[%arg1, %run_scoped3A, %dma_start3A_265] : memref<16x80x128xi32, #tpu.memory_space<hbm>> -> memref<1x1x128xi32, #tpu.memory_space<hbm>>
      %dma_start3A_267 = tpu.memref_squeeze %dma_start3A_266 : memref<1x1x128xi32, #tpu.memory_space<hbm>> -> memref<128xi32, #tpu.memory_space<hbm>>
      tpu.enqueue_dma source(%dma_start3A_267 : memref<128xi32, #tpu.memory_space<hbm>>) target(%dma_start3A_264 : memref<128xi32, #tpu.memory_space<vmem>>) target_semaphore(%run_scoped3A_255 : memref<!tpu.dma_semaphore, #tpu.memory_space<semaphore_mem>>)
      %dma_wait3A_268 = arith.constant 0 : i32
      %dma_wait3A_269 = tpu.memref_slice %arg8[%run_scoped3A_5, %dma_wait3A_268] : memref<2x128xi32, #tpu.memory_space<vmem>> -> memref<1x128xi32, #tpu.memory_space<vmem>>
      %dma_wait3A_270 = tpu.memref_squeeze %dma_wait3A_269 : memref<1x128xi32, #tpu.memory_space<vmem>> -> memref<128xi32, #tpu.memory_space<vmem>>
      %dma_wait3A_271 = arith.constant 0 : i32
      %dma_wait3A_272 = tpu.memref_slice %arg3[%arg1, %run_scoped3A, %dma_wait3A_271] : memref<16x80x128xi32, #tpu.memory_space<hbm>> -> memref<1x1x128xi32, #tpu.memory_space<hbm>>
      %dma_wait3A_273 = tpu.memref_squeeze %dma_wait3A_272 : memref<1x1x128xi32, #tpu.memory_space<hbm>> -> memref<128xi32, #tpu.memory_space<hbm>>
      %dma_wait3A_274 = arith.constant 0 : i32
      %dma_wait3A_275 = tpu.memref_slice %arg8[%run_scoped3A_5, %dma_wait3A_274] : memref<2x128xi32, #tpu.memory_space<vmem>> -> memref<1x128xi32, #tpu.memory_space<vmem>>
      %dma_wait3A_276 = tpu.memref_squeeze %dma_wait3A_275 : memref<1x128xi32, #tpu.memory_space<vmem>> -> memref<128xi32, #tpu.memory_space<vmem>>
      %dma_wait3A_277 = arith.constant 0 : i32
      %dma_wait3A_278 = tpu.memref_slice %arg3[%arg1, %run_scoped3A, %dma_wait3A_277] : memref<16x80x128xi32, #tpu.memory_space<hbm>> -> memref<1x1x128xi32, #tpu.memory_space<hbm>>
      %dma_wait3A_279 = tpu.memref_squeeze %dma_wait3A_278 : memref<1x1x128xi32, #tpu.memory_space<hbm>> -> memref<128xi32, #tpu.memory_space<hbm>>
      tpu.wait_dma2 semaphore(%run_scoped3A_255 : memref<!tpu.dma_semaphore, #tpu.memory_space<semaphore_mem>>) src(%dma_wait3A_279 : memref<128xi32, #tpu.memory_space<hbm>>) dst(%dma_wait3A_276 : memref<128xi32, #tpu.memory_space<vmem>>)
      tpu.yield
    }) : () -> ()
    %get3A = arith.constant 0 : i32
    %get3A_6 = arith.index_cast %get3A : i32 to index
    %get3A_7 = arith.constant 0 : index
    %get3A_8 = tpu.vector_load %arg8[%get3A_6, %get3A_7] {strides = array<i32>} : memref<2x128xi32, #tpu.memory_space<vmem>>, vector<1x16xi32>,
    %get3A_9 = vector.shape_cast %get3A_8 : vector<1x16xi32> to vector<16xi32>
    %add3A = vector.broadcast %mul3A_0 : i32 to vector<16xi32>
    %add3A_10 = arith.addi %get3A_9, %add3A : vector<16xi32>
    %swap3A = arith.constant 0 : i32
    %swap3A_11 = arith.index_cast %swap3A : i32 to index
    %swap3A_12 = arith.constant 0 : index
    %swap3A_13 = tpu.vector_load %arg8[%swap3A_11, %swap3A_12] {strides = array<i32>} : memref<2x128xi32, #tpu.memory_space<vmem>>, vector<1x16xi32>,
    %swap3A_14 = vector.shape_cast %swap3A_13 : vector<1x16xi32> to vector<16xi32>
    %swap3A_15 = vector.shape_cast %add3A_10 : vector<16xi32> to vector<1x16xi32>
    tpu.vector_store %arg8[%swap3A_11, %swap3A_12], %swap3A_15 {strides = array<i32>} : memref<2x128xi32, #tpu.memory_space<vmem>>, vector<1x16xi32>,
    %get3A_16 = arith.constant 0 : i32
    %get3A_17 = arith.index_cast %get3A_16 : i32 to index
    %get3A_18 = arith.constant 16 : index
    %get3A_19 = tpu.vector_load %arg8[%get3A_17, %get3A_18] {strides = array<i32>} : memref<2x128xi32, #tpu.memory_space<vmem>>, vector<1x16xi32>,
    %get3A_20 = vector.shape_cast %get3A_19 : vector<1x16xi32> to vector<16xi32>
    %add3A_21 = vector.broadcast %mul3A_0 : i32 to vector<16xi32>
    %add3A_22 = arith.addi %get3A_20, %add3A_21 : vector<16xi32>
    %swap3A_23 = arith.constant 0 : i32
    %swap3A_24 = arith.index_cast %swap3A_23 : i32 to index
    %swap3A_25 = arith.constant 16 : index
    %swap3A_26 = tpu.vector_load %arg8[%swap3A_24, %swap3A_25] {strides = array<i32>} : memref<2x128xi32, #tpu.memory_space<vmem>>, vector<1x16xi32>,
    %swap3A_27 = vector.shape_cast %swap3A_26 : vector<1x16xi32> to vector<16xi32>
    %swap3A_28 = vector.shape_cast %add3A_22 : vector<16xi32> to vector<1x16xi32>
    tpu.vector_store %arg8[%swap3A_24, %swap3A_25], %swap3A_28 {strides = array<i32>} : memref<2x128xi32, #tpu.memory_space<vmem>>, vector<1x16xi32>,
    %get3A_29 = arith.constant 0 : i32
    %get3A_30 = arith.index_cast %get3A_29 : i32 to index
    %get3A_31 = arith.constant 32 : index
    %get3A_32 = tpu.vector_load %arg8[%get3A_30, %get3A_31] {strides = array<i32>} : memref<2x128xi32, #tpu.memory_space<vmem>>, vector<1x16xi32>,
    %get3A_33 = vector.shape_cast %get3A_32 : vector<1x16xi32> to vector<16xi32>
    %add3A_34 = vector.broadcast %mul3A_0 : i32 to vector<16xi32>
    %add3A_35 = arith.addi %get3A_33, %add3A_34 : vector<16xi32>
    %swap3A_36 = arith.constant 0 : i32
    %swap3A_37 = arith.index_cast %swap3A_36 : i32 to index
    %swap3A_38 = arith.constant 32 : index
    %swap3A_39 = tpu.vector_load %arg8[%swap3A_37, %swap3A_38] {strides = array<i32>} : memref<2x128xi32, #tpu.memory_space<vmem>>, vector<1x16xi32>,
    %swap3A_40 = vector.shape_cast %swap3A_39 : vector<1x16xi32> to vector<16xi32>
    %swap3A_41 = vector.shape_cast %add3A_35 : vector<16xi32> to vector<1x16xi32>
    tpu.vector_store %arg8[%swap3A_37, %swap3A_38], %swap3A_41 {strides = array<i32>} : memref<2x128xi32, #tpu.memory_space<vmem>>, vector<1x16xi32>,
    %get3A_42 = arith.constant 0 : i32
    %get3A_43 = arith.index_cast %get3A_42 : i32 to index
    %get3A_44 = arith.constant 48 : index
    %get3A_45 = tpu.vector_load %arg8[%get3A_43, %get3A_44] {strides = array<i32>} : memref<2x128xi32, #tpu.memory_space<vmem>>, vector<1x16xi32>,
    %get3A_46 = vector.shape_cast %get3A_45 : vector<1x16xi32> to vector<16xi32>
    %add3A_47 = vector.broadcast %mul3A_0 : i32 to vector<16xi32>
    %add3A_48 = arith.addi %get3A_46, %add3A_47 : vector<16xi32>
    %swap3A_49 = arith.constant 0 : i32
    %swap3A_50 = arith.index_cast %swap3A_49 : i32 to index
    %swap3A_51 = arith.constant 48 : index
    %swap3A_52 = tpu.vector_load %arg8[%swap3A_50, %swap3A_51] {strides = array<i32>} : memref<2x128xi32, #tpu.memory_space<vmem>>, vector<1x16xi32>,
    %swap3A_53 = vector.shape_cast %swap3A_52 : vector<1x16xi32> to vector<16xi32>
    %swap3A_54 = vector.shape_cast %add3A_48 : vector<16xi32> to vector<1x16xi32>
    tpu.vector_store %arg8[%swap3A_50, %swap3A_51], %swap3A_54 {strides = array<i32>} : memref<2x128xi32, #tpu.memory_space<vmem>>, vector<1x16xi32>,
    %get3A_55 = arith.constant 0 : i32
    %get3A_56 = arith.index_cast %get3A_55 : i32 to index
    %get3A_57 = arith.constant 64 : index
    %get3A_58 = tpu.vector_load %arg8[%get3A_56, %get3A_57] {strides = array<i32>} : memref<2x128xi32, #tpu.memory_space<vmem>>, vector<1x16xi32>,
    %get3A_59 = vector.shape_cast %get3A_58 : vector<1x16xi32> to vector<16xi32>
    %add3A_60 = vector.broadcast %mul3A_0 : i32 to vector<16xi32>
    %add3A_61 = arith.addi %get3A_59, %add3A_60 : vector<16xi32>
    %swap3A_62 = arith.constant 0 : i32
    %swap3A_63 = arith.index_cast %swap3A_62 : i32 to index
    %swap3A_64 = arith.constant 64 : index
    %swap3A_65 = tpu.vector_load %arg8[%swap3A_63, %swap3A_64] {strides = array<i32>} : memref<2x128xi32, #tpu.memory_space<vmem>>, vector<1x16xi32>,
    %swap3A_66 = vector.shape_cast %swap3A_65 : vector<1x16xi32> to vector<16xi32>
    %swap3A_67 = vector.shape_cast %add3A_61 : vector<16xi32> to vector<1x16xi32>
    tpu.vector_store %arg8[%swap3A_63, %swap3A_64], %swap3A_67 {strides = array<i32>} : memref<2x128xi32, #tpu.memory_space<vmem>>, vector<1x16xi32>,
    %get3A_68 = arith.constant 0 : i32
    %get3A_69 = arith.index_cast %get3A_68 : i32 to index
    %get3A_70 = arith.constant 80 : index
    %get3A_71 = tpu.vector_load %arg8[%get3A_69, %get3A_70] {strides = array<i32>} : memref<2x128xi32, #tpu.memory_space<vmem>>, vector<1x16xi32>,
    %get3A_72 = vector.shape_cast %get3A_71 : vector<1x16xi32> to vector<16xi32>
    %add3A_73 = vector.broadcast %mul3A_0 : i32 to vector<16xi32>
    %add3A_74 = arith.addi %get3A_72, %add3A_73 : vector<16xi32>
    %swap3A_75 = arith.constant 0 : i32
    %swap3A_76 = arith.index_cast %swap3A_75 : i32 to index
    %swap3A_77 = arith.constant 80 : index
    %swap3A_78 = tpu.vector_load %arg8[%swap3A_76, %swap3A_77] {strides = array<i32>} : memref<2x128xi32, #tpu.memory_space<vmem>>, vector<1x16xi32>,
    %swap3A_79 = vector.shape_cast %swap3A_78 : vector<1x16xi32> to vector<16xi32>
    %swap3A_80 = vector.shape_cast %add3A_74 : vector<16xi32> to vector<1x16xi32>
    tpu.vector_store %arg8[%swap3A_76, %swap3A_77], %swap3A_80 {strides = array<i32>} : memref<2x128xi32, #tpu.memory_space<vmem>>, vector<1x16xi32>,
    %get3A_81 = arith.constant 0 : i32
    %get3A_82 = arith.index_cast %get3A_81 : i32 to index
    %get3A_83 = arith.constant 96 : index
    %get3A_84 = tpu.vector_load %arg8[%get3A_82, %get3A_83] {strides = array<i32>} : memref<2x128xi32, #tpu.memory_space<vmem>>, vector<1x16xi32>,
    %get3A_85 = vector.shape_cast %get3A_84 : vector<1x16xi32> to vector<16xi32>
    %add3A_86 = vector.broadcast %mul3A_0 : i32 to vector<16xi32>
    %add3A_87 = arith.addi %get3A_85, %add3A_86 : vector<16xi32>
    %swap3A_88 = arith.constant 0 : i32
    %swap3A_89 = arith.index_cast %swap3A_88 : i32 to index
    %swap3A_90 = arith.constant 96 : index
    %swap3A_91 = tpu.vector_load %arg8[%swap3A_89, %swap3A_90] {strides = array<i32>} : memref<2x128xi32, #tpu.memory_space<vmem>>, vector<1x16xi32>,
    %swap3A_92 = vector.shape_cast %swap3A_91 : vector<1x16xi32> to vector<16xi32>
    %swap3A_93 = vector.shape_cast %add3A_87 : vector<16xi32> to vector<1x16xi32>
    tpu.vector_store %arg8[%swap3A_89, %swap3A_90], %swap3A_93 {strides = array<i32>} : memref<2x128xi32, #tpu.memory_space<vmem>>, vector<1x16xi32>,
    %get3A_94 = arith.constant 0 : i32
    %get3A_95 = arith.index_cast %get3A_94 : i32 to index
    %get3A_96 = arith.constant 112 : index
    %get3A_97 = tpu.vector_load %arg8[%get3A_95, %get3A_96] {strides = array<i32>} : memref<2x128xi32, #tpu.memory_space<vmem>>, vector<1x16xi32>,
    %get3A_98 = vector.shape_cast %get3A_97 : vector<1x16xi32> to vector<16xi32>
    %add3A_99 = vector.broadcast %mul3A_0 : i32 to vector<16xi32>
    %add3A_100 = arith.addi %get3A_98, %add3A_99 : vector<16xi32>
    %swap3A_101 = arith.constant 0 : i32
    %swap3A_102 = arith.index_cast %swap3A_101 : i32 to index
    %swap3A_103 = arith.constant 112 : index
    %swap3A_104 = tpu.vector_load %arg8[%swap3A_102, %swap3A_103] {strides = array<i32>} : memref<2x128xi32, #tpu.memory_space<vmem>>, vector<1x16xi32>,
    %swap3A_105 = vector.shape_cast %swap3A_104 : vector<1x16xi32> to vector<16xi32>
    %swap3A_106 = vector.shape_cast %add3A_100 : vector<16xi32> to vector<1x16xi32>
    tpu.vector_store %arg8[%swap3A_102, %swap3A_103], %swap3A_106 {strides = array<i32>} : memref<2x128xi32, #tpu.memory_space<vmem>>, vector<1x16xi32>,
    %dma_start3A = arith.constant 0 : i32
    %dma_start3A_107 = arith.constant 0 : i32
    %dma_start3A_108 = tpu.memref_slice %arg8[%dma_start3A, %dma_start3A_107] : memref<2x128xi32, #tpu.memory_space<vmem>> -> memref<1x128xi32, #tpu.memory_space<vmem>>
    %dma_start3A_109 = tpu.memref_squeeze %dma_start3A_108 : memref<1x128xi32, #tpu.memory_space<vmem>> -> memref<128xi32, #tpu.memory_space<vmem>>
    %dma_start3A_110 = arith.constant 0 : i32
    %dma_start3A_111 = arith.constant 0 : i32
    %dma_start3A_112 = tpu.memref_slice %arg2[%dma_start3A_110, %dma_start3A_111] : memref<20000x128xf32, #tpu.memory_space<hbm>> -> memref<20000x128xf32, #tpu.memory_space<hbm>>
    tpu.enqueue_indirect_dma source(%dma_start3A_112 : memref<20000x128xf32, #tpu.memory_space<hbm>>) target(%arg9 : memref<128x128xf32, #tpu.memory_space<vmem>>) offsets(%dma_start3A_109 : memref<128xi32, #tpu.memory_space<vmem>>) semaphore(%arg12 : memref<!tpu.dma_semaphore, #tpu.memory_space<semaphore_mem>>)
    %run_scoped3A_113 = arith.constant 1 : i32
    %run_scoped3A_114 = arith.constant 1 : i32
    "tpu.region"() ({
      %run_scoped3A_255 = tpu.sem_alloc : memref<!tpu.dma_semaphore, #tpu.memory_space<semaphore_mem>>
      %dma_start3A_256 = arith.constant 0 : i32
      %dma_start3A_257 = tpu.memref_slice %arg8[%run_scoped3A_114, %dma_start3A_256] : memref<2x128xi32, #tpu.memory_space<vmem>> -> memref<1x128xi32, #tpu.memory_space<vmem>>
      %dma_start3A_258 = tpu.memref_squeeze %dma_start3A_257 : memref<1x128xi32, #tpu.memory_space<vmem>> -> memref<128xi32, #tpu.memory_space<vmem>>
      %dma_start3A_259 = arith.constant 0 : i32
      %dma_start3A_260 = tpu.memref_slice %arg3[%arg1, %run_scoped3A_113, %dma_start3A_259] : memref<16x80x128xi32, #tpu.memory_space<hbm>> -> memref<1x1x128xi32, #tpu.memory_space<hbm>>
      %dma_start3A_261 = tpu.memref_squeeze %dma_start3A_260 : memref<1x1x128xi32, #tpu.memory_space<hbm>> -> memref<128xi32, #tpu.memory_space<hbm>>
      %dma_start3A_262 = arith.constant 0 : i32
      %dma_start3A_263 = tpu.memref_slice %arg8[%run_scoped3A_114, %dma_start3A_262] : memref<2x128xi32, #tpu.memory_space<vmem>> -> memref<1x128xi32, #tpu.memory_space<vmem>>
      %dma_start3A_264 = tpu.memref_squeeze %dma_start3A_263 : memref<1x128xi32, #tpu.memory_space<vmem>> -> memref<128xi32, #tpu.memory_space<vmem>>
      %dma_start3A_265 = arith.constant 0 : i32
      %dma_start3A_266 = tpu.memref_slice %arg3[%arg1, %run_scoped3A_113, %dma_start3A_265] : memref<16x80x128xi32, #tpu.memory_space<hbm>> -> memref<1x1x128xi32, #tpu.memory_space<hbm>>
      %dma_start3A_267 = tpu.memref_squeeze %dma_start3A_266 : memref<1x1x128xi32, #tpu.memory_space<hbm>> -> memref<128xi32, #tpu.memory_space<hbm>>
      tpu.enqueue_dma source(%dma_start3A_267 : memref<128xi32, #tpu.memory_space<hbm>>) target(%dma_start3A_264 : memref<128xi32, #tpu.memory_space<vmem>>) target_semaphore(%run_scoped3A_255 : memref<!tpu.dma_semaphore, #tpu.memory_space<semaphore_mem>>)
      %dma_wait3A_268 = arith.constant 0 : i32
      %dma_wait3A_269 = tpu.memref_slice %arg8[%run_scoped3A_114, %dma_wait3A_268] : memref<2x128xi32, #tpu.memory_space<vmem>> -> memref<1x128xi32, #tpu.memory_space<vmem>>
      %dma_wait3A_270 = tpu.memref_squeeze %dma_wait3A_269 : memref<1x128xi32, #tpu.memory_space<vmem>> -> memref<128xi32, #tpu.memory_space<vmem>>
      %dma_wait3A_271 = arith.constant 0 : i32
      %dma_wait3A_272 = tpu.memref_slice %arg3[%arg1, %run_scoped3A_113, %dma_wait3A_271] : memref<16x80x128xi32, #tpu.memory_space<hbm>> -> memref<1x1x128xi32, #tpu.memory_space<hbm>>
      %dma_wait3A_273 = tpu.memref_squeeze %dma_wait3A_272 : memref<1x1x128xi32, #tpu.memory_space<hbm>> -> memref<128xi32, #tpu.memory_space<hbm>>
      %dma_wait3A_274 = arith.constant 0 : i32
      %dma_wait3A_275 = tpu.memref_slice %arg8[%run_scoped3A_114, %dma_wait3A_274] : memref<2x128xi32, #tpu.memory_space<vmem>> -> memref<1x128xi32, #tpu.memory_space<vmem>>
      %dma_wait3A_276 = tpu.memref_squeeze %dma_wait3A_275 : memref<1x128xi32, #tpu.memory_space<vmem>> -> memref<128xi32, #tpu.memory_space<vmem>>
      %dma_wait3A_277 = arith.constant 0 : i32
      %dma_wait3A_278 = tpu.memref_slice %arg3[%arg1, %run_scoped3A_113, %dma_wait3A_277] : memref<16x80x128xi32, #tpu.memory_space<hbm>> -> memref<1x1x128xi32, #tpu.memory_space<hbm>>
      %dma_wait3A_279 = tpu.memref_squeeze %dma_wait3A_278 : memref<1x1x128xi32, #tpu.memory_space<hbm>> -> memref<128xi32, #tpu.memory_space<hbm>>
      tpu.wait_dma2 semaphore(%run_scoped3A_255 : memref<!tpu.dma_semaphore, #tpu.memory_space<semaphore_mem>>) src(%dma_wait3A_279 : memref<128xi32, #tpu.memory_space<hbm>>) dst(%dma_wait3A_276 : memref<128xi32, #tpu.memory_space<vmem>>)
      tpu.yield
    }) : () -> ()
    %get3A_115 = arith.constant 1 : i32
    %get3A_116 = arith.index_cast %get3A_115 : i32 to index
    %get3A_117 = arith.constant 0 : index
    %get3A_118 = tpu.vector_load %arg8[%get3A_116, %get3A_117] {strides = array<i32>} : memref<2x128xi32, #tpu.memory_space<vmem>>, vector<1x16xi32>,
    %get3A_119 = vector.shape_cast %get3A_118 : vector<1x16xi32> to vector<16xi32>
    %add3A_120 = vector.broadcast %mul3A_0 : i32 to vector<16xi32>
    %add3A_121 = arith.addi %get3A_119, %add3A_120 : vector<16xi32>
    %swap3A_122 = arith.constant 1 : i32
    %swap3A_123 = arith.index_cast %swap3A_122 : i32 to index
    %swap3A_124 = arith.constant 0 : index
    %swap3A_125 = tpu.vector_load %arg8[%swap3A_123, %swap3A_124] {strides = array<i32>} : memref<2x128xi32, #tpu.memory_space<vmem>>, vector<1x16xi32>,
    %swap3A_126 = vector.shape_cast %swap3A_125 : vector<1x16xi32> to vector<16xi32>
    %swap3A_127 = vector.shape_cast %add3A_121 : vector<16xi32> to vector<1x16xi32>
    tpu.vector_store %arg8[%swap3A_123, %swap3A_124], %swap3A_127 {strides = array<i32>} : memref<2x128xi32, #tpu.memory_space<vmem>>, vector<1x16xi32>,
    %get3A_128 = arith.constant 1 : i32
    %get3A_129 = arith.index_cast %get3A_128 : i32 to index
    %get3A_130 = arith.constant 16 : index
    %get3A_131 = tpu.vector_load %arg8[%get3A_129, %get3A_130] {strides = array<i32>} : memref<2x128xi32, #tpu.memory_space<vmem>>, vector<1x16xi32>,
    %get3A_132 = vector.shape_cast %get3A_131 : vector<1x16xi32> to vector<16xi32>
    %add3A_133 = vector.broadcast %mul3A_0 : i32 to vector<16xi32>
    %add3A_134 = arith.addi %get3A_132, %add3A_133 : vector<16xi32>
    %swap3A_135 = arith.constant 1 : i32
    %swap3A_136 = arith.index_cast %swap3A_135 : i32 to index
    %swap3A_137 = arith.constant 16 : index
    %swap3A_138 = tpu.vector_load %arg8[%swap3A_136, %swap3A_137] {strides = array<i32>} : memref<2x128xi32, #tpu.memory_space<vmem>>, vector<1x16xi32>,
    %swap3A_139 = vector.shape_cast %swap3A_138 : vector<1x16xi32> to vector<16xi32>
    %swap3A_140 = vector.shape_cast %add3A_134 : vector<16xi32> to vector<1x16xi32>
    tpu.vector_store %arg8[%swap3A_136, %swap3A_137], %swap3A_140 {strides = array<i32>} : memref<2x128xi32, #tpu.memory_space<vmem>>, vector<1x16xi32>,
    %get3A_141 = arith.constant 1 : i32
    %get3A_142 = arith.index_cast %get3A_141 : i32 to index
    %get3A_143 = arith.constant 32 : index
    %get3A_144 = tpu.vector_load %arg8[%get3A_142, %get3A_143] {strides = array<i32>} : memref<2x128xi32, #tpu.memory_space<vmem>>, vector<1x16xi32>,
    %get3A_145 = vector.shape_cast %get3A_144 : vector<1x16xi32> to vector<16xi32>
    %add3A_146 = vector.broadcast %mul3A_0 : i32 to vector<16xi32>
    %add3A_147 = arith.addi %get3A_145, %add3A_146 : vector<16xi32>
    %swap3A_148 = arith.constant 1 : i32
    %swap3A_149 = arith.index_cast %swap3A_148 : i32 to index
    %swap3A_150 = arith.constant 32 : index
    %swap3A_151 = tpu.vector_load %arg8[%swap3A_149, %swap3A_150] {strides = array<i32>} : memref<2x128xi32, #tpu.memory_space<vmem>>, vector<1x16xi32>,
    %swap3A_152 = vector.shape_cast %swap3A_151 : vector<1x16xi32> to vector<16xi32>
    %swap3A_153 = vector.shape_cast %add3A_147 : vector<16xi32> to vector<1x16xi32>
    tpu.vector_store %arg8[%swap3A_149, %swap3A_150], %swap3A_153 {strides = array<i32>} : memref<2x128xi32, #tpu.memory_space<vmem>>, vector<1x16xi32>,
    %get3A_154 = arith.constant 1 : i32
    %get3A_155 = arith.index_cast %get3A_154 : i32 to index
    %get3A_156 = arith.constant 48 : index
    %get3A_157 = tpu.vector_load %arg8[%get3A_155, %get3A_156] {strides = array<i32>} : memref<2x128xi32, #tpu.memory_space<vmem>>, vector<1x16xi32>,
    %get3A_158 = vector.shape_cast %get3A_157 : vector<1x16xi32> to vector<16xi32>
    %add3A_159 = vector.broadcast %mul3A_0 : i32 to vector<16xi32>
    %add3A_160 = arith.addi %get3A_158, %add3A_159 : vector<16xi32>
    %swap3A_161 = arith.constant 1 : i32
    %swap3A_162 = arith.index_cast %swap3A_161 : i32 to index
    %swap3A_163 = arith.constant 48 : index
    %swap3A_164 = tpu.vector_load %arg8[%swap3A_162, %swap3A_163] {strides = array<i32>} : memref<2x128xi32, #tpu.memory_space<vmem>>, vector<1x16xi32>,
    %swap3A_165 = vector.shape_cast %swap3A_164 : vector<1x16xi32> to vector<16xi32>
    %swap3A_166 = vector.shape_cast %add3A_160 : vector<16xi32> to vector<1x16xi32>
    tpu.vector_store %arg8[%swap3A_162, %swap3A_163], %swap3A_166 {strides = array<i32>} : memref<2x128xi32, #tpu.memory_space<vmem>>, vector<1x16xi32>,
    %get3A_167 = arith.constant 1 : i32
    %get3A_168 = arith.index_cast %get3A_167 : i32 to index
    %get3A_169 = arith.constant 64 : index
    %get3A_170 = tpu.vector_load %arg8[%get3A_168, %get3A_169] {strides = array<i32>} : memref<2x128xi32, #tpu.memory_space<vmem>>, vector<1x16xi32>,
    %get3A_171 = vector.shape_cast %get3A_170 : vector<1x16xi32> to vector<16xi32>
    %add3A_172 = vector.broadcast %mul3A_0 : i32 to vector<16xi32>
    %add3A_173 = arith.addi %get3A_171, %add3A_172 : vector<16xi32>
    %swap3A_174 = arith.constant 1 : i32
    %swap3A_175 = arith.index_cast %swap3A_174 : i32 to index
    %swap3A_176 = arith.constant 64 : index
    %swap3A_177 = tpu.vector_load %arg8[%swap3A_175, %swap3A_176] {strides = array<i32>} : memref<2x128xi32, #tpu.memory_space<vmem>>, vector<1x16xi32>,
    %swap3A_178 = vector.shape_cast %swap3A_177 : vector<1x16xi32> to vector<16xi32>
    %swap3A_179 = vector.shape_cast %add3A_173 : vector<16xi32> to vector<1x16xi32>
    tpu.vector_store %arg8[%swap3A_175, %swap3A_176], %swap3A_179 {strides = array<i32>} : memref<2x128xi32, #tpu.memory_space<vmem>>, vector<1x16xi32>,
    %get3A_180 = arith.constant 1 : i32
    %get3A_181 = arith.index_cast %get3A_180 : i32 to index
    %get3A_182 = arith.constant 80 : index
    %get3A_183 = tpu.vector_load %arg8[%get3A_181, %get3A_182] {strides = array<i32>} : memref<2x128xi32, #tpu.memory_space<vmem>>, vector<1x16xi32>,
    %get3A_184 = vector.shape_cast %get3A_183 : vector<1x16xi32> to vector<16xi32>
    %add3A_185 = vector.broadcast %mul3A_0 : i32 to vector<16xi32>
    %add3A_186 = arith.addi %get3A_184, %add3A_185 : vector<16xi32>
    %swap3A_187 = arith.constant 1 : i32
    %swap3A_188 = arith.index_cast %swap3A_187 : i32 to index
    %swap3A_189 = arith.constant 80 : index
    %swap3A_190 = tpu.vector_load %arg8[%swap3A_188, %swap3A_189] {strides = array<i32>} : memref<2x128xi32, #tpu.memory_space<vmem>>, vector<1x16xi32>,
    %swap3A_191 = vector.shape_cast %swap3A_190 : vector<1x16xi32> to vector<16xi32>
    %swap3A_192 = vector.shape_cast %add3A_186 : vector<16xi32> to vector<1x16xi32>
    tpu.vector_store %arg8[%swap3A_188, %swap3A_189], %swap3A_192 {strides = array<i32>} : memref<2x128xi32, #tpu.memory_space<vmem>>, vector<1x16xi32>,
    %get3A_193 = arith.constant 1 : i32
    %get3A_194 = arith.index_cast %get3A_193 : i32 to index
    %get3A_195 = arith.constant 96 : index
    %get3A_196 = tpu.vector_load %arg8[%get3A_194, %get3A_195] {strides = array<i32>} : memref<2x128xi32, #tpu.memory_space<vmem>>, vector<1x16xi32>,
    %get3A_197 = vector.shape_cast %get3A_196 : vector<1x16xi32> to vector<16xi32>
    %add3A_198 = vector.broadcast %mul3A_0 : i32 to vector<16xi32>
    %add3A_199 = arith.addi %get3A_197, %add3A_198 : vector<16xi32>
    %swap3A_200 = arith.constant 1 : i32
    %swap3A_201 = arith.index_cast %swap3A_200 : i32 to index
    %swap3A_202 = arith.constant 96 : index
    %swap3A_203 = tpu.vector_load %arg8[%swap3A_201, %swap3A_202] {strides = array<i32>} : memref<2x128xi32, #tpu.memory_space<vmem>>, vector<1x16xi32>,
    %swap3A_204 = vector.shape_cast %swap3A_203 : vector<1x16xi32> to vector<16xi32>
    %swap3A_205 = vector.shape_cast %add3A_199 : vector<16xi32> to vector<1x16xi32>
    tpu.vector_store %arg8[%swap3A_201, %swap3A_202], %swap3A_205 {strides = array<i32>} : memref<2x128xi32, #tpu.memory_space<vmem>>, vector<1x16xi32>,
    %get3A_206 = arith.constant 1 : i32
    %get3A_207 = arith.index_cast %get3A_206 : i32 to index
    %get3A_208 = arith.constant 112 : index
    %get3A_209 = tpu.vector_load %arg8[%get3A_207, %get3A_208] {strides = array<i32>} : memref<2x128xi32, #tpu.memory_space<vmem>>, vector<1x16xi32>,
    %get3A_210 = vector.shape_cast %get3A_209 : vector<1x16xi32> to vector<16xi32>
    %add3A_211 = vector.broadcast %mul3A_0 : i32 to vector<16xi32>
    %add3A_212 = arith.addi %get3A_210, %add3A_211 : vector<16xi32>
    %swap3A_213 = arith.constant 1 : i32
    %swap3A_214 = arith.index_cast %swap3A_213 : i32 to index
    %swap3A_215 = arith.constant 112 : index
    %swap3A_216 = tpu.vector_load %arg8[%swap3A_214, %swap3A_215] {strides = array<i32>} : memref<2x128xi32, #tpu.memory_space<vmem>>, vector<1x16xi32>,
    %swap3A_217 = vector.shape_cast %swap3A_216 : vector<1x16xi32> to vector<16xi32>
    %swap3A_218 = vector.shape_cast %add3A_212 : vector<16xi32> to vector<1x16xi32>
    tpu.vector_store %arg8[%swap3A_214, %swap3A_215], %swap3A_218 {strides = array<i32>} : memref<2x128xi32, #tpu.memory_space<vmem>>, vector<1x16xi32>,
    %dma_start3A_219 = arith.constant 1 : i32
    %dma_start3A_220 = arith.constant 0 : i32
    %dma_start3A_221 = tpu.memref_slice %arg8[%dma_start3A_219, %dma_start3A_220] : memref<2x128xi32, #tpu.memory_space<vmem>> -> memref<1x128xi32, #tpu.memory_space<vmem>>
    %dma_start3A_222 = tpu.memref_squeeze %dma_start3A_221 : memref<1x128xi32, #tpu.memory_space<vmem>> -> memref<128xi32, #tpu.memory_space<vmem>>
    %dma_start3A_223 = arith.constant 0 : i32
    %dma_start3A_224 = arith.constant 0 : i32
    %dma_start3A_225 = tpu.memref_slice %arg2[%dma_start3A_223, %dma_start3A_224] : memref<20000x128xf32, #tpu.memory_space<hbm>> -> memref<20000x128xf32, #tpu.memory_space<hbm>>
    tpu.enqueue_indirect_dma source(%dma_start3A_225 : memref<20000x128xf32, #tpu.memory_space<hbm>>) target(%arg10 : memref<128x128xf32, #tpu.memory_space<vmem>>) offsets(%dma_start3A_222 : memref<128xi32, #tpu.memory_space<vmem>>) semaphore(%arg13 : memref<!tpu.dma_semaphore, #tpu.memory_space<semaphore_mem>>)
    %scan3A = arith.constant 0 : i32
    %scan3A_226 = arith.constant 0 : i32
    %scan3A_227 = arith.constant 39 : i32
    %scan3A_228 = arith.addi %scan3A_226, %scan3A_227 : i32
    %scan3A_229 = arith.constant 1 : i32
    scf.for %scan3A_255 = %scan3A_226 to %scan3A_228 step %scan3A_229  : i32 {
      %mul3A_256 = arith.constant 2 : i32
      %mul3A_257 = arith.muli %mul3A_256, %scan3A_255 : i32
      %add3A_258 = arith.constant 0 : i32
      %add3A_259 = arith.addi %mul3A_257, %add3A_258 : i32
      %dma_wait3A_260 = arith.constant 0 : i32
      %dma_wait3A_261 = arith.constant 0 : i32
      %dma_wait3A_262 = tpu.memref_slice %arg8[%dma_wait3A_260, %dma_wait3A_261] : memref<2x128xi32, #tpu.memory_space<vmem>> -> memref<1x128xi32, #tpu.memory_space<vmem>>
      %dma_wait3A_263 = tpu.memref_squeeze %dma_wait3A_262 : memref<1x128xi32, #tpu.memory_space<vmem>> -> memref<128xi32, #tpu.memory_space<vmem>>
      %dma_wait3A_264 = arith.constant 0 : i32
      %dma_wait3A_265 = arith.constant 0 : i32
      %dma_wait3A_266 = tpu.memref_slice %arg2[%dma_wait3A_264, %dma_wait3A_265] : memref<20000x128xf32, #tpu.memory_space<hbm>> -> memref<20000x128xf32, #tpu.memory_space<hbm>>
      tpu.wait_indirect_dma semaphore(%arg12 : memref<!tpu.dma_semaphore, #tpu.memory_space<semaphore_mem>>) src(%dma_wait3A_266 : memref<20000x128xf32, #tpu.memory_space<hbm>>) dst(%arg9 : memref<128x128xf32, #tpu.memory_space<vmem>>)
      %add3A_267 = arith.constant 2 : i32
      %add3A_268 = arith.addi %add3A_259, %add3A_267 : i32
      %dma_start3A_269 = arith.constant 0 : i32
      %dma_start3A_270 = arith.constant 0 : i32
      %dma_start3A_271 = tpu.memref_slice %arg8[%dma_start3A_269, %dma_start3A_270] : memref<2x128xi32, #tpu.memory_space<vmem>> -> memref<1x128xi32, #tpu.memory_space<vmem>>
      %dma_start3A_272 = tpu.memref_squeeze %dma_start3A_271 : memref<1x128xi32, #tpu.memory_space<vmem>> -> memref<128xi32, #tpu.memory_space<vmem>>
      %dma_start3A_273 = arith.constant 0 : i32
      %dma_start3A_274 = tpu.memref_slice %arg3[%arg1, %add3A_268, %dma_start3A_273] : memref<16x80x128xi32, #tpu.memory_space<hbm>> -> memref<1x1x128xi32, #tpu.memory_space<hbm>>
      %dma_start3A_275 = tpu.memref_squeeze %dma_start3A_274 : memref<1x1x128xi32, #tpu.memory_space<hbm>> -> memref<128xi32, #tpu.memory_space<hbm>>
      %dma_start3A_276 = arith.constant 0 : i32
      %dma_start3A_277 = tpu.memref_slice %arg8[%dma_start3A_269, %dma_start3A_276] : memref<2x128xi32, #tpu.memory_space<vmem>> -> memref<1x128xi32, #tpu.memory_space<vmem>>
      %dma_start3A_278 = tpu.memref_squeeze %dma_start3A_277 : memref<1x128xi32, #tpu.memory_space<vmem>> -> memref<128xi32, #tpu.memory_space<vmem>>
      %dma_start3A_279 = arith.constant 0 : i32
      %dma_start3A_280 = tpu.memref_slice %arg3[%arg1, %add3A_268, %dma_start3A_279] : memref<16x80x128xi32, #tpu.memory_space<hbm>> -> memref<1x1x128xi32, #tpu.memory_space<hbm>>
      %dma_start3A_281 = tpu.memref_squeeze %dma_start3A_280 : memref<1x1x128xi32, #tpu.memory_space<hbm>> -> memref<128xi32, #tpu.memory_space<hbm>>
      tpu.enqueue_dma source(%dma_start3A_281 : memref<128xi32, #tpu.memory_space<hbm>>) target(%dma_start3A_278 : memref<128xi32, #tpu.memory_space<vmem>>) target_semaphore(%arg14 : memref<!tpu.dma_semaphore, #tpu.memory_space<semaphore_mem>>)
      "tpu.region"() ({
        %run_scoped3A_560 = tpu.sem_alloc : memref<!tpu.dma_semaphore, #tpu.memory_space<semaphore_mem>>
        %dma_start3A_561 = arith.constant 0 : i32
        %dma_start3A_562 = tpu.memref_slice %arg7[%add3A_259, %dma_start3A_561] : memref<80x128xi32, #tpu.memory_space<vmem>> -> memref<1x128xi32, #tpu.memory_space<vmem>>
        %dma_start3A_563 = tpu.memref_squeeze %dma_start3A_562 : memref<1x128xi32, #tpu.memory_space<vmem>> -> memref<128xi32, #tpu.memory_space<vmem>>
        %dma_start3A_564 = arith.constant 0 : i32
        %dma_start3A_565 = arith.constant 0 : i32
        %dma_start3A_566 = tpu.memref_slice %arg11[%dma_start3A_564, %dma_start3A_565] : memref<10112x128xf32, #tpu.memory_space<vmem_shared>> -> memref<10112x128xf32, #tpu.memory_space<vmem_shared>>
        tpu.enqueue_indirect_dma source(%arg9 : memref<128x128xf32, #tpu.memory_space<vmem>>) target(%dma_start3A_566 : memref<10112x128xf32, #tpu.memory_space<vmem_shared>>) offsets(%dma_start3A_563 : memref<128xi32, #tpu.memory_space<vmem>>) semaphore(%run_scoped3A_560 : memref<!tpu.dma_semaphore, #tpu.memory_space<semaphore_mem>>) {add = true}
        %dma_wait3A_567 = arith.constant 0 : i32
        %dma_wait3A_568 = tpu.memref_slice %arg7[%add3A_259, %dma_wait3A_567] : memref<80x128xi32, #tpu.memory_space<vmem>> -> memref<1x128xi32, #tpu.memory_space<vmem>>
        %dma_wait3A_569 = tpu.memref_squeeze %dma_wait3A_568 : memref<1x128xi32, #tpu.memory_space<vmem>> -> memref<128xi32, #tpu.memory_space<vmem>>
        %dma_wait3A_570 = arith.constant 0 : i32
        %dma_wait3A_571 = arith.constant 0 : i32
        %dma_wait3A_572 = tpu.memref_slice %arg11[%dma_wait3A_570, %dma_wait3A_571] : memref<10112x128xf32, #tpu.memory_space<vmem_shared>> -> memref<10112x128xf32, #tpu.memory_space<vmem_shared>>
        tpu.wait_indirect_dma semaphore(%run_scoped3A_560 : memref<!tpu.dma_semaphore, #tpu.memory_space<semaphore_mem>>) src(%arg9 : memref<128x128xf32, #tpu.memory_space<vmem>>) dst(%dma_wait3A_572 : memref<10112x128xf32, #tpu.memory_space<vmem_shared>>)
        tpu.yield
      }) : () -> ()
      %add3A_282 = arith.constant 2 : i32
      %add3A_283 = arith.addi %add3A_259, %add3A_282 : i32
      %dma_wait3A_284 = arith.constant 0 : i32
      %dma_wait3A_285 = arith.constant 0 : i32
      %dma_wait3A_286 = tpu.memref_slice %arg8[%dma_wait3A_284, %dma_wait3A_285] : memref<2x128xi32, #tpu.memory_space<vmem>> -> memref<1x128xi32, #tpu.memory_space<vmem>>
      %dma_wait3A_287 = tpu.memref_squeeze %dma_wait3A_286 : memref<1x128xi32, #tpu.memory_space<vmem>> -> memref<128xi32, #tpu.memory_space<vmem>>
      %dma_wait3A_288 = arith.constant 0 : i32
      %dma_wait3A_289 = tpu.memref_slice %arg3[%arg1, %add3A_283, %dma_wait3A_288] : memref<16x80x128xi32, #tpu.memory_space<hbm>> -> memref<1x1x128xi32, #tpu.memory_space<hbm>>
      %dma_wait3A_290 = tpu.memref_squeeze %dma_wait3A_289 : memref<1x1x128xi32, #tpu.memory_space<hbm>> -> memref<128xi32, #tpu.memory_space<hbm>>
      %dma_wait3A_291 = arith.constant 0 : i32
      %dma_wait3A_292 = tpu.memref_slice %arg8[%dma_wait3A_284, %dma_wait3A_291] : memref<2x128xi32, #tpu.memory_space<vmem>> -> memref<1x128xi32, #tpu.memory_space<vmem>>
      %dma_wait3A_293 = tpu.memref_squeeze %dma_wait3A_292 : memref<1x128xi32, #tpu.memory_space<vmem>> -> memref<128xi32, #tpu.memory_space<vmem>>
      %dma_wait3A_294 = arith.constant 0 : i32
      %dma_wait3A_295 = tpu.memref_slice %arg3[%arg1, %add3A_283, %dma_wait3A_294] : memref<16x80x128xi32, #tpu.memory_space<hbm>> -> memref<1x1x128xi32, #tpu.memory_space<hbm>>
      %dma_wait3A_296 = tpu.memref_squeeze %dma_wait3A_295 : memref<1x1x128xi32, #tpu.memory_space<hbm>> -> memref<128xi32, #tpu.memory_space<hbm>>
      tpu.wait_dma2 semaphore(%arg14 : memref<!tpu.dma_semaphore, #tpu.memory_space<semaphore_mem>>) src(%dma_wait3A_296 : memref<128xi32, #tpu.memory_space<hbm>>) dst(%dma_wait3A_293 : memref<128xi32, #tpu.memory_space<vmem>>)
      %get3A_297 = arith.constant 0 : i32
      %get3A_298 = arith.index_cast %get3A_297 : i32 to index
      %get3A_299 = arith.constant 0 : index
      %get3A_300 = tpu.vector_load %arg8[%get3A_298, %get3A_299] {strides = array<i32>} : memref<2x128xi32, #tpu.memory_space<vmem>>, vector<1x16xi32>,
      %get3A_301 = vector.shape_cast %get3A_300 : vector<1x16xi32> to vector<16xi32>
      %add3A_302 = vector.broadcast %mul3A_0 : i32 to vector<16xi32>
      %add3A_303 = arith.addi %get3A_301, %add3A_302 : vector<16xi32>
      %swap3A_304 = arith.constant 0 : i32
      %swap3A_305 = arith.index_cast %swap3A_304 : i32 to index
      %swap3A_306 = arith.constant 0 : index
      %swap3A_307 = tpu.vector_load %arg8[%swap3A_305, %swap3A_306] {strides = array<i32>} : memref<2x128xi32, #tpu.memory_space<vmem>>, vector<1x16xi32>,
      %swap3A_308 = vector.shape_cast %swap3A_307 : vector<1x16xi32> to vector<16xi32>
      %swap3A_309 = vector.shape_cast %add3A_303 : vector<16xi32> to vector<1x16xi32>
      tpu.vector_store %arg8[%swap3A_305, %swap3A_306], %swap3A_309 {strides = array<i32>} : memref<2x128xi32, #tpu.memory_space<vmem>>, vector<1x16xi32>,
      %get3A_310 = arith.constant 0 : i32
      %get3A_311 = arith.index_cast %get3A_310 : i32 to index
      %get3A_312 = arith.constant 16 : index
      %get3A_313 = tpu.vector_load %arg8[%get3A_311, %get3A_312] {strides = array<i32>} : memref<2x128xi32, #tpu.memory_space<vmem>>, vector<1x16xi32>,
      %get3A_314 = vector.shape_cast %get3A_313 : vector<1x16xi32> to vector<16xi32>
      %add3A_315 = vector.broadcast %mul3A_0 : i32 to vector<16xi32>
      %add3A_316 = arith.addi %get3A_314, %add3A_315 : vector<16xi32>
      %swap3A_317 = arith.constant 0 : i32
      %swap3A_318 = arith.index_cast %swap3A_317 : i32 to index
      %swap3A_319 = arith.constant 16 : index
      %swap3A_320 = tpu.vector_load %arg8[%swap3A_318, %swap3A_319] {strides = array<i32>} : memref<2x128xi32, #tpu.memory_space<vmem>>, vector<1x16xi32>,
      %swap3A_321 = vector.shape_cast %swap3A_320 : vector<1x16xi32> to vector<16xi32>
      %swap3A_322 = vector.shape_cast %add3A_316 : vector<16xi32> to vector<1x16xi32>
      tpu.vector_store %arg8[%swap3A_318, %swap3A_319], %swap3A_322 {strides = array<i32>} : memref<2x128xi32, #tpu.memory_space<vmem>>, vector<1x16xi32>,
      %get3A_323 = arith.constant 0 : i32
      %get3A_324 = arith.index_cast %get3A_323 : i32 to index
      %get3A_325 = arith.constant 32 : index
      %get3A_326 = tpu.vector_load %arg8[%get3A_324, %get3A_325] {strides = array<i32>} : memref<2x128xi32, #tpu.memory_space<vmem>>, vector<1x16xi32>,
      %get3A_327 = vector.shape_cast %get3A_326 : vector<1x16xi32> to vector<16xi32>
      %add3A_328 = vector.broadcast %mul3A_0 : i32 to vector<16xi32>
      %add3A_329 = arith.addi %get3A_327, %add3A_328 : vector<16xi32>
      %swap3A_330 = arith.constant 0 : i32
      %swap3A_331 = arith.index_cast %swap3A_330 : i32 to index
      %swap3A_332 = arith.constant 32 : index
      %swap3A_333 = tpu.vector_load %arg8[%swap3A_331, %swap3A_332] {strides = array<i32>} : memref<2x128xi32, #tpu.memory_space<vmem>>, vector<1x16xi32>,
      %swap3A_334 = vector.shape_cast %swap3A_333 : vector<1x16xi32> to vector<16xi32>
      %swap3A_335 = vector.shape_cast %add3A_329 : vector<16xi32> to vector<1x16xi32>
      tpu.vector_store %arg8[%swap3A_331, %swap3A_332], %swap3A_335 {strides = array<i32>} : memref<2x128xi32, #tpu.memory_space<vmem>>, vector<1x16xi32>,
      %get3A_336 = arith.constant 0 : i32
      %get3A_337 = arith.index_cast %get3A_336 : i32 to index
      %get3A_338 = arith.constant 48 : index
      %get3A_339 = tpu.vector_load %arg8[%get3A_337, %get3A_338] {strides = array<i32>} : memref<2x128xi32, #tpu.memory_space<vmem>>, vector<1x16xi32>,
      %get3A_340 = vector.shape_cast %get3A_339 : vector<1x16xi32> to vector<16xi32>
      %add3A_341 = vector.broadcast %mul3A_0 : i32 to vector<16xi32>
      %add3A_342 = arith.addi %get3A_340, %add3A_341 : vector<16xi32>
      %swap3A_343 = arith.constant 0 : i32
      %swap3A_344 = arith.index_cast %swap3A_343 : i32 to index
      %swap3A_345 = arith.constant 48 : index
      %swap3A_346 = tpu.vector_load %arg8[%swap3A_344, %swap3A_345] {strides = array<i32>} : memref<2x128xi32, #tpu.memory_space<vmem>>, vector<1x16xi32>,
      %swap3A_347 = vector.shape_cast %swap3A_346 : vector<1x16xi32> to vector<16xi32>
      %swap3A_348 = vector.shape_cast %add3A_342 : vector<16xi32> to vector<1x16xi32>
      tpu.vector_store %arg8[%swap3A_344, %swap3A_345], %swap3A_348 {strides = array<i32>} : memref<2x128xi32, #tpu.memory_space<vmem>>, vector<1x16xi32>,
      %get3A_349 = arith.constant 0 : i32
      %get3A_350 = arith.index_cast %get3A_349 : i32 to index
      %get3A_351 = arith.constant 64 : index
      %get3A_352 = tpu.vector_load %arg8[%get3A_350, %get3A_351] {strides = array<i32>} : memref<2x128xi32, #tpu.memory_space<vmem>>, vector<1x16xi32>,
      %get3A_353 = vector.shape_cast %get3A_352 : vector<1x16xi32> to vector<16xi32>
      %add3A_354 = vector.broadcast %mul3A_0 : i32 to vector<16xi32>
      %add3A_355 = arith.addi %get3A_353, %add3A_354 : vector<16xi32>
      %swap3A_356 = arith.constant 0 : i32
      %swap3A_357 = arith.index_cast %swap3A_356 : i32 to index
      %swap3A_358 = arith.constant 64 : index
      %swap3A_359 = tpu.vector_load %arg8[%swap3A_357, %swap3A_358] {strides = array<i32>} : memref<2x128xi32, #tpu.memory_space<vmem>>, vector<1x16xi32>,
      %swap3A_360 = vector.shape_cast %swap3A_359 : vector<1x16xi32> to vector<16xi32>
      %swap3A_361 = vector.shape_cast %add3A_355 : vector<16xi32> to vector<1x16xi32>
      tpu.vector_store %arg8[%swap3A_357, %swap3A_358], %swap3A_361 {strides = array<i32>} : memref<2x128xi32, #tpu.memory_space<vmem>>, vector<1x16xi32>,
      %get3A_362 = arith.constant 0 : i32
      %get3A_363 = arith.index_cast %get3A_362 : i32 to index
      %get3A_364 = arith.constant 80 : index
      %get3A_365 = tpu.vector_load %arg8[%get3A_363, %get3A_364] {strides = array<i32>} : memref<2x128xi32, #tpu.memory_space<vmem>>, vector<1x16xi32>,
      %get3A_366 = vector.shape_cast %get3A_365 : vector<1x16xi32> to vector<16xi32>
      %add3A_367 = vector.broadcast %mul3A_0 : i32 to vector<16xi32>
      %add3A_368 = arith.addi %get3A_366, %add3A_367 : vector<16xi32>
      %swap3A_369 = arith.constant 0 : i32
      %swap3A_370 = arith.index_cast %swap3A_369 : i32 to index
      %swap3A_371 = arith.constant 80 : index
      %swap3A_372 = tpu.vector_load %arg8[%swap3A_370, %swap3A_371] {strides = array<i32>} : memref<2x128xi32, #tpu.memory_space<vmem>>, vector<1x16xi32>,
      %swap3A_373 = vector.shape_cast %swap3A_372 : vector<1x16xi32> to vector<16xi32>
      %swap3A_374 = vector.shape_cast %add3A_368 : vector<16xi32> to vector<1x16xi32>
      tpu.vector_store %arg8[%swap3A_370, %swap3A_371], %swap3A_374 {strides = array<i32>} : memref<2x128xi32, #tpu.memory_space<vmem>>, vector<1x16xi32>,
      %get3A_375 = arith.constant 0 : i32
      %get3A_376 = arith.index_cast %get3A_375 : i32 to index
      %get3A_377 = arith.constant 96 : index
      %get3A_378 = tpu.vector_load %arg8[%get3A_376, %get3A_377] {strides = array<i32>} : memref<2x128xi32, #tpu.memory_space<vmem>>, vector<1x16xi32>,
      %get3A_379 = vector.shape_cast %get3A_378 : vector<1x16xi32> to vector<16xi32>
      %add3A_380 = vector.broadcast %mul3A_0 : i32 to vector<16xi32>
      %add3A_381 = arith.addi %get3A_379, %add3A_380 : vector<16xi32>
      %swap3A_382 = arith.constant 0 : i32
      %swap3A_383 = arith.index_cast %swap3A_382 : i32 to index
      %swap3A_384 = arith.constant 96 : index
      %swap3A_385 = tpu.vector_load %arg8[%swap3A_383, %swap3A_384] {strides = array<i32>} : memref<2x128xi32, #tpu.memory_space<vmem>>, vector<1x16xi32>,
      %swap3A_386 = vector.shape_cast %swap3A_385 : vector<1x16xi32> to vector<16xi32>
      %swap3A_387 = vector.shape_cast %add3A_381 : vector<16xi32> to vector<1x16xi32>
      tpu.vector_store %arg8[%swap3A_383, %swap3A_384], %swap3A_387 {strides = array<i32>} : memref<2x128xi32, #tpu.memory_space<vmem>>, vector<1x16xi32>,
      %get3A_388 = arith.constant 0 : i32
      %get3A_389 = arith.index_cast %get3A_388 : i32 to index
      %get3A_390 = arith.constant 112 : index
      %get3A_391 = tpu.vector_load %arg8[%get3A_389, %get3A_390] {strides = array<i32>} : memref<2x128xi32, #tpu.memory_space<vmem>>, vector<1x16xi32>,
      %get3A_392 = vector.shape_cast %get3A_391 : vector<1x16xi32> to vector<16xi32>
      %add3A_393 = vector.broadcast %mul3A_0 : i32 to vector<16xi32>
      %add3A_394 = arith.addi %get3A_392, %add3A_393 : vector<16xi32>
      %swap3A_395 = arith.constant 0 : i32
      %swap3A_396 = arith.index_cast %swap3A_395 : i32 to index
      %swap3A_397 = arith.constant 112 : index
      %swap3A_398 = tpu.vector_load %arg8[%swap3A_396, %swap3A_397] {strides = array<i32>} : memref<2x128xi32, #tpu.memory_space<vmem>>, vector<1x16xi32>,
      %swap3A_399 = vector.shape_cast %swap3A_398 : vector<1x16xi32> to vector<16xi32>
      %swap3A_400 = vector.shape_cast %add3A_394 : vector<16xi32> to vector<1x16xi32>
      tpu.vector_store %arg8[%swap3A_396, %swap3A_397], %swap3A_400 {strides = array<i32>} : memref<2x128xi32, #tpu.memory_space<vmem>>, vector<1x16xi32>,
      %dma_start3A_401 = arith.constant 0 : i32
      %dma_start3A_402 = arith.constant 0 : i32
      %dma_start3A_403 = tpu.memref_slice %arg8[%dma_start3A_401, %dma_start3A_402] : memref<2x128xi32, #tpu.memory_space<vmem>> -> memref<1x128xi32, #tpu.memory_space<vmem>>
      %dma_start3A_404 = tpu.memref_squeeze %dma_start3A_403 : memref<1x128xi32, #tpu.memory_space<vmem>> -> memref<128xi32, #tpu.memory_space<vmem>>
      %dma_start3A_405 = arith.constant 0 : i32
      %dma_start3A_406 = arith.constant 0 : i32
      %dma_start3A_407 = tpu.memref_slice %arg2[%dma_start3A_405, %dma_start3A_406] : memref<20000x128xf32, #tpu.memory_space<hbm>> -> memref<20000x128xf32, #tpu.memory_space<hbm>>
      tpu.enqueue_indirect_dma source(%dma_start3A_407 : memref<20000x128xf32, #tpu.memory_space<hbm>>) target(%arg9 : memref<128x128xf32, #tpu.memory_space<vmem>>) offsets(%dma_start3A_404 : memref<128xi32, #tpu.memory_space<vmem>>) semaphore(%arg12 : memref<!tpu.dma_semaphore, #tpu.memory_space<semaphore_mem>>)
      %mul3A_408 = arith.constant 2 : i32
      %mul3A_409 = arith.muli %mul3A_408, %scan3A_255 : i32
      %add3A_410 = arith.constant 1 : i32
      %add3A_411 = arith.addi %mul3A_409, %add3A_410 : i32
      %dma_wait3A_412 = arith.constant 1 : i32
      %dma_wait3A_413 = arith.constant 0 : i32
      %dma_wait3A_414 = tpu.memref_slice %arg8[%dma_wait3A_412, %dma_wait3A_413] : memref<2x128xi32, #tpu.memory_space<vmem>> -> memref<1x128xi32, #tpu.memory_space<vmem>>
      %dma_wait3A_415 = tpu.memref_squeeze %dma_wait3A_414 : memref<1x128xi32, #tpu.memory_space<vmem>> -> memref<128xi32, #tpu.memory_space<vmem>>
      %dma_wait3A_416 = arith.constant 0 : i32
      %dma_wait3A_417 = arith.constant 0 : i32
      %dma_wait3A_418 = tpu.memref_slice %arg2[%dma_wait3A_416, %dma_wait3A_417] : memref<20000x128xf32, #tpu.memory_space<hbm>> -> memref<20000x128xf32, #tpu.memory_space<hbm>>
      tpu.wait_indirect_dma semaphore(%arg13 : memref<!tpu.dma_semaphore, #tpu.memory_space<semaphore_mem>>) src(%dma_wait3A_418 : memref<20000x128xf32, #tpu.memory_space<hbm>>) dst(%arg10 : memref<128x128xf32, #tpu.memory_space<vmem>>)
      %add3A_419 = arith.constant 2 : i32
      %add3A_420 = arith.addi %add3A_411, %add3A_419 : i32
      %dma_start3A_421 = arith.constant 1 : i32
      %dma_start3A_422 = arith.constant 0 : i32
      %dma_start3A_423 = tpu.memref_slice %arg8[%dma_start3A_421, %dma_start3A_422] : memref<2x128xi32, #tpu.memory_space<vmem>> -> memref<1x128xi32, #tpu.memory_space<vmem>>
      %dma_start3A_424 = tpu.memref_squeeze %dma_start3A_423 : memref<1x128xi32, #tpu.memory_space<vmem>> -> memref<128xi32, #tpu.memory_space<vmem>>
      %dma_start3A_425 = arith.constant 0 : i32
      %dma_start3A_426 = tpu.memref_slice %arg3[%arg1, %add3A_420, %dma_start3A_425] : memref<16x80x128xi32, #tpu.memory_space<hbm>> -> memref<1x1x128xi32, #tpu.memory_space<hbm>>
      %dma_start3A_427 = tpu.memref_squeeze %dma_start3A_426 : memref<1x1x128xi32, #tpu.memory_space<hbm>> -> memref<128xi32, #tpu.memory_space<hbm>>
      %dma_start3A_428 = arith.constant 0 : i32
      %dma_start3A_429 = tpu.memref_slice %arg8[%dma_start3A_421, %dma_start3A_428] : memref<2x128xi32, #tpu.memory_space<vmem>> -> memref<1x128xi32, #tpu.memory_space<vmem>>
      %dma_start3A_430 = tpu.memref_squeeze %dma_start3A_429 : memref<1x128xi32, #tpu.memory_space<vmem>> -> memref<128xi32, #tpu.memory_space<vmem>>
      %dma_start3A_431 = arith.constant 0 : i32
      %dma_start3A_432 = tpu.memref_slice %arg3[%arg1, %add3A_420, %dma_start3A_431] : memref<16x80x128xi32, #tpu.memory_space<hbm>> -> memref<1x1x128xi32, #tpu.memory_space<hbm>>
      %dma_start3A_433 = tpu.memref_squeeze %dma_start3A_432 : memref<1x1x128xi32, #tpu.memory_space<hbm>> -> memref<128xi32, #tpu.memory_space<hbm>>
      tpu.enqueue_dma source(%dma_start3A_433 : memref<128xi32, #tpu.memory_space<hbm>>) target(%dma_start3A_430 : memref<128xi32, #tpu.memory_space<vmem>>) target_semaphore(%arg15 : memref<!tpu.dma_semaphore, #tpu.memory_space<semaphore_mem>>)
      "tpu.region"() ({
        %run_scoped3A_560 = tpu.sem_alloc : memref<!tpu.dma_semaphore, #tpu.memory_space<semaphore_mem>>
        %dma_start3A_561 = arith.constant 0 : i32
        %dma_start3A_562 = tpu.memref_slice %arg7[%add3A_411, %dma_start3A_561] : memref<80x128xi32, #tpu.memory_space<vmem>> -> memref<1x128xi32, #tpu.memory_space<vmem>>
        %dma_start3A_563 = tpu.memref_squeeze %dma_start3A_562 : memref<1x128xi32, #tpu.memory_space<vmem>> -> memref<128xi32, #tpu.memory_space<vmem>>
        %dma_start3A_564 = arith.constant 0 : i32
        %dma_start3A_565 = arith.constant 0 : i32
        %dma_start3A_566 = tpu.memref_slice %arg11[%dma_start3A_564, %dma_start3A_565] : memref<10112x128xf32, #tpu.memory_space<vmem_shared>> -> memref<10112x128xf32, #tpu.memory_space<vmem_shared>>
        tpu.enqueue_indirect_dma source(%arg10 : memref<128x128xf32, #tpu.memory_space<vmem>>) target(%dma_start3A_566 : memref<10112x128xf32, #tpu.memory_space<vmem_shared>>) offsets(%dma_start3A_563 : memref<128xi32, #tpu.memory_space<vmem>>) semaphore(%run_scoped3A_560 : memref<!tpu.dma_semaphore, #tpu.memory_space<semaphore_mem>>) {add = true}
        %dma_wait3A_567 = arith.constant 0 : i32
        %dma_wait3A_568 = tpu.memref_slice %arg7[%add3A_411, %dma_wait3A_567] : memref<80x128xi32, #tpu.memory_space<vmem>> -> memref<1x128xi32, #tpu.memory_space<vmem>>
        %dma_wait3A_569 = tpu.memref_squeeze %dma_wait3A_568 : memref<1x128xi32, #tpu.memory_space<vmem>> -> memref<128xi32, #tpu.memory_space<vmem>>
        %dma_wait3A_570 = arith.constant 0 : i32
        %dma_wait3A_571 = arith.constant 0 : i32
        %dma_wait3A_572 = tpu.memref_slice %arg11[%dma_wait3A_570, %dma_wait3A_571] : memref<10112x128xf32, #tpu.memory_space<vmem_shared>> -> memref<10112x128xf32, #tpu.memory_space<vmem_shared>>
        tpu.wait_indirect_dma semaphore(%run_scoped3A_560 : memref<!tpu.dma_semaphore, #tpu.memory_space<semaphore_mem>>) src(%arg10 : memref<128x128xf32, #tpu.memory_space<vmem>>) dst(%dma_wait3A_572 : memref<10112x128xf32, #tpu.memory_space<vmem_shared>>)
        tpu.yield
      }) : () -> ()
      %add3A_434 = arith.constant 2 : i32
      %add3A_435 = arith.addi %add3A_411, %add3A_434 : i32
      %dma_wait3A_436 = arith.constant 1 : i32
      %dma_wait3A_437 = arith.constant 0 : i32
      %dma_wait3A_438 = tpu.memref_slice %arg8[%dma_wait3A_436, %dma_wait3A_437] : memref<2x128xi32, #tpu.memory_space<vmem>> -> memref<1x128xi32, #tpu.memory_space<vmem>>
      %dma_wait3A_439 = tpu.memref_squeeze %dma_wait3A_438 : memref<1x128xi32, #tpu.memory_space<vmem>> -> memref<128xi32, #tpu.memory_space<vmem>>
      %dma_wait3A_440 = arith.constant 0 : i32
      %dma_wait3A_441 = tpu.memref_slice %arg3[%arg1, %add3A_435, %dma_wait3A_440] : memref<16x80x128xi32, #tpu.memory_space<hbm>> -> memref<1x1x128xi32, #tpu.memory_space<hbm>>
      %dma_wait3A_442 = tpu.memref_squeeze %dma_wait3A_441 : memref<1x1x128xi32, #tpu.memory_space<hbm>> -> memref<128xi32, #tpu.memory_space<hbm>>
      %dma_wait3A_443 = arith.constant 0 : i32
      %dma_wait3A_444 = tpu.memref_slice %arg8[%dma_wait3A_436, %dma_wait3A_443] : memref<2x128xi32, #tpu.memory_space<vmem>> -> memref<1x128xi32, #tpu.memory_space<vmem>>
      %dma_wait3A_445 = tpu.memref_squeeze %dma_wait3A_444 : memref<1x128xi32, #tpu.memory_space<vmem>> -> memref<128xi32, #tpu.memory_space<vmem>>
      %dma_wait3A_446 = arith.constant 0 : i32
      %dma_wait3A_447 = tpu.memref_slice %arg3[%arg1, %add3A_435, %dma_wait3A_446] : memref<16x80x128xi32, #tpu.memory_space<hbm>> -> memref<1x1x128xi32, #tpu.memory_space<hbm>>
      %dma_wait3A_448 = tpu.memref_squeeze %dma_wait3A_447 : memref<1x1x128xi32, #tpu.memory_space<hbm>> -> memref<128xi32, #tpu.memory_space<hbm>>
      tpu.wait_dma2 semaphore(%arg15 : memref<!tpu.dma_semaphore, #tpu.memory_space<semaphore_mem>>) src(%dma_wait3A_448 : memref<128xi32, #tpu.memory_space<hbm>>) dst(%dma_wait3A_445 : memref<128xi32, #tpu.memory_space<vmem>>)
      %get3A_449 = arith.constant 1 : i32
      %get3A_450 = arith.index_cast %get3A_449 : i32 to index
      %get3A_451 = arith.constant 0 : index
      %get3A_452 = tpu.vector_load %arg8[%get3A_450, %get3A_451] {strides = array<i32>} : memref<2x128xi32, #tpu.memory_space<vmem>>, vector<1x16xi32>,
      %get3A_453 = vector.shape_cast %get3A_452 : vector<1x16xi32> to vector<16xi32>
      %add3A_454 = vector.broadcast %mul3A_0 : i32 to vector<16xi32>
      %add3A_455 = arith.addi %get3A_453, %add3A_454 : vector<16xi32>
      %swap3A_456 = arith.constant 1 : i32
      %swap3A_457 = arith.index_cast %swap3A_456 : i32 to index
      %swap3A_458 = arith.constant 0 : index
      %swap3A_459 = tpu.vector_load %arg8[%swap3A_457, %swap3A_458] {strides = array<i32>} : memref<2x128xi32, #tpu.memory_space<vmem>>, vector<1x16xi32>,
      %swap3A_460 = vector.shape_cast %swap3A_459 : vector<1x16xi32> to vector<16xi32>
      %swap3A_461 = vector.shape_cast %add3A_455 : vector<16xi32> to vector<1x16xi32>
      tpu.vector_store %arg8[%swap3A_457, %swap3A_458], %swap3A_461 {strides = array<i32>} : memref<2x128xi32, #tpu.memory_space<vmem>>, vector<1x16xi32>,
      %get3A_462 = arith.constant 1 : i32
      %get3A_463 = arith.index_cast %get3A_462 : i32 to index
      %get3A_464 = arith.constant 16 : index
      %get3A_465 = tpu.vector_load %arg8[%get3A_463, %get3A_464] {strides = array<i32>} : memref<2x128xi32, #tpu.memory_space<vmem>>, vector<1x16xi32>,
      %get3A_466 = vector.shape_cast %get3A_465 : vector<1x16xi32> to vector<16xi32>
      %add3A_467 = vector.broadcast %mul3A_0 : i32 to vector<16xi32>
      %add3A_468 = arith.addi %get3A_466, %add3A_467 : vector<16xi32>
      %swap3A_469 = arith.constant 1 : i32
      %swap3A_470 = arith.index_cast %swap3A_469 : i32 to index
      %swap3A_471 = arith.constant 16 : index
      %swap3A_472 = tpu.vector_load %arg8[%swap3A_470, %swap3A_471] {strides = array<i32>} : memref<2x128xi32, #tpu.memory_space<vmem>>, vector<1x16xi32>,
      %swap3A_473 = vector.shape_cast %swap3A_472 : vector<1x16xi32> to vector<16xi32>
      %swap3A_474 = vector.shape_cast %add3A_468 : vector<16xi32> to vector<1x16xi32>
      tpu.vector_store %arg8[%swap3A_470, %swap3A_471], %swap3A_474 {strides = array<i32>} : memref<2x128xi32, #tpu.memory_space<vmem>>, vector<1x16xi32>,
      %get3A_475 = arith.constant 1 : i32
      %get3A_476 = arith.index_cast %get3A_475 : i32 to index
      %get3A_477 = arith.constant 32 : index
      %get3A_478 = tpu.vector_load %arg8[%get3A_476, %get3A_477] {strides = array<i32>} : memref<2x128xi32, #tpu.memory_space<vmem>>, vector<1x16xi32>,
      %get3A_479 = vector.shape_cast %get3A_478 : vector<1x16xi32> to vector<16xi32>
      %add3A_480 = vector.broadcast %mul3A_0 : i32 to vector<16xi32>
      %add3A_481 = arith.addi %get3A_479, %add3A_480 : vector<16xi32>
      %swap3A_482 = arith.constant 1 : i32
      %swap3A_483 = arith.index_cast %swap3A_482 : i32 to index
      %swap3A_484 = arith.constant 32 : index
      %swap3A_485 = tpu.vector_load %arg8[%swap3A_483, %swap3A_484] {strides = array<i32>} : memref<2x128xi32, #tpu.memory_space<vmem>>, vector<1x16xi32>,
      %swap3A_486 = vector.shape_cast %swap3A_485 : vector<1x16xi32> to vector<16xi32>
      %swap3A_487 = vector.shape_cast %add3A_481 : vector<16xi32> to vector<1x16xi32>
      tpu.vector_store %arg8[%swap3A_483, %swap3A_484], %swap3A_487 {strides = array<i32>} : memref<2x128xi32, #tpu.memory_space<vmem>>, vector<1x16xi32>,
      %get3A_488 = arith.constant 1 : i32
      %get3A_489 = arith.index_cast %get3A_488 : i32 to index
      %get3A_490 = arith.constant 48 : index
      %get3A_491 = tpu.vector_load %arg8[%get3A_489, %get3A_490] {strides = array<i32>} : memref<2x128xi32, #tpu.memory_space<vmem>>, vector<1x16xi32>,
      %get3A_492 = vector.shape_cast %get3A_491 : vector<1x16xi32> to vector<16xi32>
      %add3A_493 = vector.broadcast %mul3A_0 : i32 to vector<16xi32>
      %add3A_494 = arith.addi %get3A_492, %add3A_493 : vector<16xi32>
      %swap3A_495 = arith.constant 1 : i32
      %swap3A_496 = arith.index_cast %swap3A_495 : i32 to index
      %swap3A_497 = arith.constant 48 : index
      %swap3A_498 = tpu.vector_load %arg8[%swap3A_496, %swap3A_497] {strides = array<i32>} : memref<2x128xi32, #tpu.memory_space<vmem>>, vector<1x16xi32>,
      %swap3A_499 = vector.shape_cast %swap3A_498 : vector<1x16xi32> to vector<16xi32>
      %swap3A_500 = vector.shape_cast %add3A_494 : vector<16xi32> to vector<1x16xi32>
      tpu.vector_store %arg8[%swap3A_496, %swap3A_497], %swap3A_500 {strides = array<i32>} : memref<2x128xi32, #tpu.memory_space<vmem>>, vector<1x16xi32>,
      %get3A_501 = arith.constant 1 : i32
      %get3A_502 = arith.index_cast %get3A_501 : i32 to index
      %get3A_503 = arith.constant 64 : index
      %get3A_504 = tpu.vector_load %arg8[%get3A_502, %get3A_503] {strides = array<i32>} : memref<2x128xi32, #tpu.memory_space<vmem>>, vector<1x16xi32>,
      %get3A_505 = vector.shape_cast %get3A_504 : vector<1x16xi32> to vector<16xi32>
      %add3A_506 = vector.broadcast %mul3A_0 : i32 to vector<16xi32>
      %add3A_507 = arith.addi %get3A_505, %add3A_506 : vector<16xi32>
      %swap3A_508 = arith.constant 1 : i32
      %swap3A_509 = arith.index_cast %swap3A_508 : i32 to index
      %swap3A_510 = arith.constant 64 : index
      %swap3A_511 = tpu.vector_load %arg8[%swap3A_509, %swap3A_510] {strides = array<i32>} : memref<2x128xi32, #tpu.memory_space<vmem>>, vector<1x16xi32>,
      %swap3A_512 = vector.shape_cast %swap3A_511 : vector<1x16xi32> to vector<16xi32>
      %swap3A_513 = vector.shape_cast %add3A_507 : vector<16xi32> to vector<1x16xi32>
      tpu.vector_store %arg8[%swap3A_509, %swap3A_510], %swap3A_513 {strides = array<i32>} : memref<2x128xi32, #tpu.memory_space<vmem>>, vector<1x16xi32>,
      %get3A_514 = arith.constant 1 : i32
      %get3A_515 = arith.index_cast %get3A_514 : i32 to index
      %get3A_516 = arith.constant 80 : index
      %get3A_517 = tpu.vector_load %arg8[%get3A_515, %get3A_516] {strides = array<i32>} : memref<2x128xi32, #tpu.memory_space<vmem>>, vector<1x16xi32>,
      %get3A_518 = vector.shape_cast %get3A_517 : vector<1x16xi32> to vector<16xi32>
      %add3A_519 = vector.broadcast %mul3A_0 : i32 to vector<16xi32>
      %add3A_520 = arith.addi %get3A_518, %add3A_519 : vector<16xi32>
      %swap3A_521 = arith.constant 1 : i32
      %swap3A_522 = arith.index_cast %swap3A_521 : i32 to index
      %swap3A_523 = arith.constant 80 : index
      %swap3A_524 = tpu.vector_load %arg8[%swap3A_522, %swap3A_523] {strides = array<i32>} : memref<2x128xi32, #tpu.memory_space<vmem>>, vector<1x16xi32>,
      %swap3A_525 = vector.shape_cast %swap3A_524 : vector<1x16xi32> to vector<16xi32>
      %swap3A_526 = vector.shape_cast %add3A_520 : vector<16xi32> to vector<1x16xi32>
      tpu.vector_store %arg8[%swap3A_522, %swap3A_523], %swap3A_526 {strides = array<i32>} : memref<2x128xi32, #tpu.memory_space<vmem>>, vector<1x16xi32>,
      %get3A_527 = arith.constant 1 : i32
      %get3A_528 = arith.index_cast %get3A_527 : i32 to index
      %get3A_529 = arith.constant 96 : index
      %get3A_530 = tpu.vector_load %arg8[%get3A_528, %get3A_529] {strides = array<i32>} : memref<2x128xi32, #tpu.memory_space<vmem>>, vector<1x16xi32>,
      %get3A_531 = vector.shape_cast %get3A_530 : vector<1x16xi32> to vector<16xi32>
      %add3A_532 = vector.broadcast %mul3A_0 : i32 to vector<16xi32>
      %add3A_533 = arith.addi %get3A_531, %add3A_532 : vector<16xi32>
      %swap3A_534 = arith.constant 1 : i32
      %swap3A_535 = arith.index_cast %swap3A_534 : i32 to index
      %swap3A_536 = arith.constant 96 : index
      %swap3A_537 = tpu.vector_load %arg8[%swap3A_535, %swap3A_536] {strides = array<i32>} : memref<2x128xi32, #tpu.memory_space<vmem>>, vector<1x16xi32>,
      %swap3A_538 = vector.shape_cast %swap3A_537 : vector<1x16xi32> to vector<16xi32>
      %swap3A_539 = vector.shape_cast %add3A_533 : vector<16xi32> to vector<1x16xi32>
      tpu.vector_store %arg8[%swap3A_535, %swap3A_536], %swap3A_539 {strides = array<i32>} : memref<2x128xi32, #tpu.memory_space<vmem>>, vector<1x16xi32>,
      %get3A_540 = arith.constant 1 : i32
      %get3A_541 = arith.index_cast %get3A_540 : i32 to index
      %get3A_542 = arith.constant 112 : index
      %get3A_543 = tpu.vector_load %arg8[%get3A_541, %get3A_542] {strides = array<i32>} : memref<2x128xi32, #tpu.memory_space<vmem>>, vector<1x16xi32>,
      %get3A_544 = vector.shape_cast %get3A_543 : vector<1x16xi32> to vector<16xi32>
      %add3A_545 = vector.broadcast %mul3A_0 : i32 to vector<16xi32>
      %add3A_546 = arith.addi %get3A_544, %add3A_545 : vector<16xi32>
      %swap3A_547 = arith.constant 1 : i32
      %swap3A_548 = arith.index_cast %swap3A_547 : i32 to index
      %swap3A_549 = arith.constant 112 : index
      %swap3A_550 = tpu.vector_load %arg8[%swap3A_548, %swap3A_549] {strides = array<i32>} : memref<2x128xi32, #tpu.memory_space<vmem>>, vector<1x16xi32>,
      %swap3A_551 = vector.shape_cast %swap3A_550 : vector<1x16xi32> to vector<16xi32>
      %swap3A_552 = vector.shape_cast %add3A_546 : vector<16xi32> to vector<1x16xi32>
      tpu.vector_store %arg8[%swap3A_548, %swap3A_549], %swap3A_552 {strides = array<i32>} : memref<2x128xi32, #tpu.memory_space<vmem>>, vector<1x16xi32>,
      %dma_start3A_553 = arith.constant 1 : i32
      %dma_start3A_554 = arith.constant 0 : i32
      %dma_start3A_555 = tpu.memref_slice %arg8[%dma_start3A_553, %dma_start3A_554] : memref<2x128xi32, #tpu.memory_space<vmem>> -> memref<1x128xi32, #tpu.memory_space<vmem>>
      %dma_start3A_556 = tpu.memref_squeeze %dma_start3A_555 : memref<1x128xi32, #tpu.memory_space<vmem>> -> memref<128xi32, #tpu.memory_space<vmem>>
      %dma_start3A_557 = arith.constant 0 : i32
      %dma_start3A_558 = arith.constant 0 : i32
      %dma_start3A_559 = tpu.memref_slice %arg2[%dma_start3A_557, %dma_start3A_558] : memref<20000x128xf32, #tpu.memory_space<hbm>> -> memref<20000x128xf32, #tpu.memory_space<hbm>>
      tpu.enqueue_indirect_dma source(%dma_start3A_559 : memref<20000x128xf32, #tpu.memory_space<hbm>>) target(%arg10 : memref<128x128xf32, #tpu.memory_space<vmem>>) offsets(%dma_start3A_556 : memref<128xi32, #tpu.memory_space<vmem>>) semaphore(%arg13 : memref<!tpu.dma_semaphore, #tpu.memory_space<semaphore_mem>>)
    }
    %scan3A_230 = arith.constant 39 : i32
    %dma_wait3A = arith.constant 0 : i32
    %dma_wait3A_231 = arith.constant 0 : i32
    %dma_wait3A_232 = tpu.memref_slice %arg8[%dma_wait3A, %dma_wait3A_231] : memref<2x128xi32, #tpu.memory_space<vmem>> -> memref<1x128xi32, #tpu.memory_space<vmem>>
    %dma_wait3A_233 = tpu.memref_squeeze %dma_wait3A_232 : memref<1x128xi32, #tpu.memory_space<vmem>> -> memref<128xi32, #tpu.memory_space<vmem>>
    %dma_wait3A_234 = arith.constant 0 : i32
    %dma_wait3A_235 = arith.constant 0 : i32
    %dma_wait3A_236 = tpu.memref_slice %arg2[%dma_wait3A_234, %dma_wait3A_235] : memref<20000x128xf32, #tpu.memory_space<hbm>> -> memref<20000x128xf32, #tpu.memory_space<hbm>>
    tpu.wait_indirect_dma semaphore(%arg12 : memref<!tpu.dma_semaphore, #tpu.memory_space<semaphore_mem>>) src(%dma_wait3A_236 : memref<20000x128xf32, #tpu.memory_space<hbm>>) dst(%arg9 : memref<128x128xf32, #tpu.memory_space<vmem>>)
    %run_scoped3A_237 = arith.constant 78 : i32
    "tpu.region"() ({
      %run_scoped3A_255 = tpu.sem_alloc : memref<!tpu.dma_semaphore, #tpu.memory_space<semaphore_mem>>
      %dma_start3A_256 = arith.constant 0 : i32
      %dma_start3A_257 = tpu.memref_slice %arg7[%run_scoped3A_237, %dma_start3A_256] : memref<80x128xi32, #tpu.memory_space<vmem>> -> memref<1x128xi32, #tpu.memory_space<vmem>>
      %dma_start3A_258 = tpu.memref_squeeze %dma_start3A_257 : memref<1x128xi32, #tpu.memory_space<vmem>> -> memref<128xi32, #tpu.memory_space<vmem>>
      %dma_start3A_259 = arith.constant 0 : i32
      %dma_start3A_260 = arith.constant 0 : i32
      %dma_start3A_261 = tpu.memref_slice %arg11[%dma_start3A_259, %dma_start3A_260] : memref<10112x128xf32, #tpu.memory_space<vmem_shared>> -> memref<10112x128xf32, #tpu.memory_space<vmem_shared>>
      tpu.enqueue_indirect_dma source(%arg9 : memref<128x128xf32, #tpu.memory_space<vmem>>) target(%dma_start3A_261 : memref<10112x128xf32, #tpu.memory_space<vmem_shared>>) offsets(%dma_start3A_258 : memref<128xi32, #tpu.memory_space<vmem>>) semaphore(%run_scoped3A_255 : memref<!tpu.dma_semaphore, #tpu.memory_space<semaphore_mem>>) {add = true}
      %dma_wait3A_262 = arith.constant 0 : i32
      %dma_wait3A_263 = tpu.memref_slice %arg7[%run_scoped3A_237, %dma_wait3A_262] : memref<80x128xi32, #tpu.memory_space<vmem>> -> memref<1x128xi32, #tpu.memory_space<vmem>>
      %dma_wait3A_264 = tpu.memref_squeeze %dma_wait3A_263 : memref<1x128xi32, #tpu.memory_space<vmem>> -> memref<128xi32, #tpu.memory_space<vmem>>
      %dma_wait3A_265 = arith.constant 0 : i32
      %dma_wait3A_266 = arith.constant 0 : i32
      %dma_wait3A_267 = tpu.memref_slice %arg11[%dma_wait3A_265, %dma_wait3A_266] : memref<10112x128xf32, #tpu.memory_space<vmem_shared>> -> memref<10112x128xf32, #tpu.memory_space<vmem_shared>>
      tpu.wait_indirect_dma semaphore(%run_scoped3A_255 : memref<!tpu.dma_semaphore, #tpu.memory_space<semaphore_mem>>) src(%arg9 : memref<128x128xf32, #tpu.memory_space<vmem>>) dst(%dma_wait3A_267 : memref<10112x128xf32, #tpu.memory_space<vmem_shared>>)
      tpu.yield
    }) : () -> ()
    %dma_wait3A_238 = arith.constant 1 : i32
    %dma_wait3A_239 = arith.constant 0 : i32
    %dma_wait3A_240 = tpu.memref_slice %arg8[%dma_wait3A_238, %dma_wait3A_239] : memref<2x128xi32, #tpu.memory_space<vmem>> -> memref<1x128xi32, #tpu.memory_space<vmem>>
    %dma_wait3A_241 = tpu.memref_squeeze %dma_wait3A_240 : memref<1x128xi32, #tpu.memory_space<vmem>> -> memref<128xi32, #tpu.memory_space<vmem>>
    %dma_wait3A_242 = arith.constant 0 : i32
    %dma_wait3A_243 = arith.constant 0 : i32
    %dma_wait3A_244 = tpu.memref_slice %arg2[%dma_wait3A_242, %dma_wait3A_243] : memref<20000x128xf32, #tpu.memory_space<hbm>> -> memref<20000x128xf32, #tpu.memory_space<hbm>>
    tpu.wait_indirect_dma semaphore(%arg13 : memref<!tpu.dma_semaphore, #tpu.memory_space<semaphore_mem>>) src(%dma_wait3A_244 : memref<20000x128xf32, #tpu.memory_space<hbm>>) dst(%arg10 : memref<128x128xf32, #tpu.memory_space<vmem>>)
    %run_scoped3A_245 = arith.constant 79 : i32
    "tpu.region"() ({
      %run_scoped3A_255 = tpu.sem_alloc : memref<!tpu.dma_semaphore, #tpu.memory_space<semaphore_mem>>
      %dma_start3A_256 = arith.constant 0 : i32
      %dma_start3A_257 = tpu.memref_slice %arg7[%run_scoped3A_245, %dma_start3A_256] : memref<80x128xi32, #tpu.memory_space<vmem>> -> memref<1x128xi32, #tpu.memory_space<vmem>>
      %dma_start3A_258 = tpu.memref_squeeze %dma_start3A_257 : memref<1x128xi32, #tpu.memory_space<vmem>> -> memref<128xi32, #tpu.memory_space<vmem>>
      %dma_start3A_259 = arith.constant 0 : i32
      %dma_start3A_260 = arith.constant 0 : i32
      %dma_start3A_261 = tpu.memref_slice %arg11[%dma_start3A_259, %dma_start3A_260] : memref<10112x128xf32, #tpu.memory_space<vmem_shared>> -> memref<10112x128xf32, #tpu.memory_space<vmem_shared>>
      tpu.enqueue_indirect_dma source(%arg10 : memref<128x128xf32, #tpu.memory_space<vmem>>) target(%dma_start3A_261 : memref<10112x128xf32, #tpu.memory_space<vmem_shared>>) offsets(%dma_start3A_258 : memref<128xi32, #tpu.memory_space<vmem>>) semaphore(%run_scoped3A_255 : memref<!tpu.dma_semaphore, #tpu.memory_space<semaphore_mem>>) {add = true}
      %dma_wait3A_262 = arith.constant 0 : i32
      %dma_wait3A_263 = tpu.memref_slice %arg7[%run_scoped3A_245, %dma_wait3A_262] : memref<80x128xi32, #tpu.memory_space<vmem>> -> memref<1x128xi32, #tpu.memory_space<vmem>>
      %dma_wait3A_264 = tpu.memref_squeeze %dma_wait3A_263 : memref<1x128xi32, #tpu.memory_space<vmem>> -> memref<128xi32, #tpu.memory_space<vmem>>
      %dma_wait3A_265 = arith.constant 0 : i32
      %dma_wait3A_266 = arith.constant 0 : i32
      %dma_wait3A_267 = tpu.memref_slice %arg11[%dma_wait3A_265, %dma_wait3A_266] : memref<10112x128xf32, #tpu.memory_space<vmem_shared>> -> memref<10112x128xf32, #tpu.memory_space<vmem_shared>>
      tpu.wait_indirect_dma semaphore(%run_scoped3A_255 : memref<!tpu.dma_semaphore, #tpu.memory_space<semaphore_mem>>) src(%arg10 : memref<128x128xf32, #tpu.memory_space<vmem>>) dst(%dma_wait3A_267 : memref<10112x128xf32, #tpu.memory_space<vmem_shared>>)
      tpu.yield
    }) : () -> ()
    %barrier3A_246 = arith.constant 0 : index
    tpu.barrier barrier_id(%barrier3A_246)
    %mul3A_247 = arith.constant 624 : i32
    %mul3A_248 = arith.muli %arg1, %mul3A_247 : i32
    %mul3A_249 = arith.constant 624 : i32
    %mul3A_250 = arith.muli %arg1, %mul3A_249 : i32
    %mul3A_251 = arith.constant 128 : i32
    %mul3A_252 = arith.muli %arg0, %mul3A_251 : i32
    "tpu.region"() ({
      %run_scoped3A_255 = tpu.sem_alloc : memref<!tpu.dma_semaphore, #tpu.memory_space<semaphore_mem>>
      %dma_start3A_256 = tpu.memref_slice %arg6[%mul3A_250, %mul3A_252] : memref<10000x256xf32, #tpu.memory_space<hbm>> -> memref<624x128xf32, #tpu.memory_space<hbm>>
      %dma_start3A_257 = arith.constant 0 : i32
      %dma_start3A_258 = tpu.memref_slice %arg11[%mul3A_248, %dma_start3A_257] : memref<10112x128xf32, #tpu.memory_space<vmem_shared>> -> memref<624x128xf32, #tpu.memory_space<vmem_shared>>
      tpu.enqueue_dma source(%dma_start3A_258 : memref<624x128xf32, #tpu.memory_space<vmem_shared>>) target(%dma_start3A_256 : memref<624x128xf32, #tpu.memory_space<hbm>>) target_semaphore(%run_scoped3A_255 : memref<!tpu.dma_semaphore, #tpu.memory_space<semaphore_mem>>)
      %dma_wait3A_259 = tpu.memref_slice %arg6[%mul3A_250, %mul3A_252] : memref<10000x256xf32, #tpu.memory_space<hbm>> -> memref<624x128xf32, #tpu.memory_space<hbm>>
      %dma_wait3A_260 = arith.constant 0 : i32
      %dma_wait3A_261 = tpu.memref_slice %arg11[%mul3A_248, %dma_wait3A_260] : memref<10112x128xf32, #tpu.memory_space<vmem_shared>> -> memref<624x128xf32, #tpu.memory_space<vmem_shared>>
      tpu.wait_dma2 semaphore(%run_scoped3A_255 : memref<!tpu.dma_semaphore, #tpu.memory_space<semaphore_mem>>) src(%dma_wait3A_261 : memref<624x128xf32, #tpu.memory_space<vmem_shared>>) dst(%dma_wait3A_259 : memref<624x128xf32, #tpu.memory_space<hbm>>)
      tpu.yield
    }) : () -> ()
    %eq3A = arith.constant 0 : i32
    %eq3A_253 = arith.cmpi eq, %arg1, %eq3A : i32
    %convert_element_type3A = arith.extui %eq3A_253 : i1 to i32
    %cond3A = arith.constant 0 : i32
    %cond3A_254 = arith.cmpi ne, %convert_element_type3A, %cond3A : i32
    scf.if %cond3A_254 {
      %mul3A_255 = arith.constant 128 : i32
      %mul3A_256 = arith.muli %arg0, %mul3A_255 : i32
      "tpu.region"() ({
        %run_scoped3A_257 = tpu.sem_alloc : memref<!tpu.dma_semaphore, #tpu.memory_space<semaphore_mem>>
        %dma_start3A_258 = arith.constant 9984 : i32
        %dma_start3A_259 = tpu.memref_slice %arg6[%dma_start3A_258, %mul3A_256] : memref<10000x256xf32, #tpu.memory_space<hbm>> -> memref<16x128xf32, #tpu.memory_space<hbm>>
        %dma_start3A_260 = arith.constant 9984 : i32
        %dma_start3A_261 = arith.constant 0 : i32
        %dma_start3A_262 = tpu.memref_slice %arg11[%dma_start3A_260, %dma_start3A_261] : memref<10112x128xf32, #tpu.memory_space<vmem_shared>> -> memref<16x128xf32, #tpu.memory_space<vmem_shared>>
        tpu.enqueue_dma source(%dma_start3A_262 : memref<16x128xf32, #tpu.memory_space<vmem_shared>>) target(%dma_start3A_259 : memref<16x128xf32, #tpu.memory_space<hbm>>) target_semaphore(%run_scoped3A_257 : memref<!tpu.dma_semaphore, #tpu.memory_space<semaphore_mem>>)
        %dma_wait3A_263 = arith.constant 9984 : i32
        %dma_wait3A_264 = tpu.memref_slice %arg6[%dma_wait3A_263, %mul3A_256] : memref<10000x256xf32, #tpu.memory_space<hbm>> -> memref<16x128xf32, #tpu.memory_space<hbm>>
        %dma_wait3A_265 = arith.constant 9984 : i32
        %dma_wait3A_266 = arith.constant 0 : i32
        %dma_wait3A_267 = tpu.memref_slice %arg11[%dma_wait3A_265, %dma_wait3A_266] : memref<10112x128xf32, #tpu.memory_space<vmem_shared>> -> memref<16x128xf32, #tpu.memory_space<vmem_shared>>
        tpu.wait_dma2 semaphore(%run_scoped3A_257 : memref<!tpu.dma_semaphore, #tpu.memory_space<semaphore_mem>>) src(%dma_wait3A_267 : memref<16x128xf32, #tpu.memory_space<vmem_shared>>) dst(%dma_wait3A_264 : memref<16x128xf32, #tpu.memory_space<hbm>>)
        tpu.yield
      }) : () -> ()
    } else {
    }
    return
  }
}

#map = affine_map<(d0, d1) -> (0, 0)>
#map1 = affine_map<(d0, d1) -> (0, 0, 0)>
module attributes {stable_mosaic.version = 14 : i64} {
  func.func @k(%arg0: i32, %arg1: i32, %arg2: memref<20000x128xf32, #tpu.memory_space<hbm>>, %arg3: memref<16x80x128xi32, #tpu.memory_space<hbm>>, %arg4: memref<16x80x128xi32, #tpu.memory_space<hbm>>, %arg5: memref<10112x128xf32, #tpu.memory_space<hbm>>, %arg6: memref<10000x256xf32, #tpu.memory_space<hbm>>, %arg7: memref<80x128xi32, #tpu.memory_space<vmem>>, %arg8: memref<2x128xi32, #tpu.memory_space<vmem>>, %arg9: memref<128x128xf32, #tpu.memory_space<vmem>>, %arg10: memref<128x128xf32, #tpu.memory_space<vmem>>, %arg11: memref<10112x128xf32, #tpu.memory_space<vmem_shared>>, %arg12: memref<!tpu.dma_semaphore, #tpu.memory_space<semaphore_mem>>, %arg13: memref<!tpu.dma_semaphore, #tpu.memory_space<semaphore_mem>>, %arg14: memref<!tpu.dma_semaphore, #tpu.memory_space<semaphore_mem>>, %arg15: memref<!tpu.dma_semaphore, #tpu.memory_space<semaphore_mem>>) attributes {dimension_semantics = [#tpu.dimension_semantics<core_parallel>, #tpu.dimension_semantics<subcore_parallel>], iteration_bounds = array<i64: 2, 16>, scalar_prefetch = 0 : i64, scratch_operands = 9 : i64, tpu.core_type = #tpu.core_type<sc_vector_subcore>, window_params = [{transform_indices = #map}, {transform_indices = #map1}, {transform_indices = #map1}, {transform_indices = #map}, {transform_indices = #map}]} {
    %mul3A = arith.constant 10000 : i32
    %mul3A_0 = arith.muli %arg0, %mul3A : i32
    "tpu.region"() ({
      %run_scoped3A_255 = tpu.sem_alloc : memref<!tpu.dma_semaphore, #tpu.memory_space<semaphore_mem>>
      %dma_start3A_256 = arith.constant 0 : i32
      %dma_start3A_257 = arith.constant 0 : i32
      %dma_start3A_258 = tpu.memref_slice %arg4[%arg1, %dma_start3A_256, %dma_start3A_257] : memref<16x80x128xi32, #tpu.memory_space<hbm>> -> memref<1x80x128xi32, #tpu.memory_space<hbm>>
      %dma_start3A_259 = tpu.memref_squeeze %dma_start3A_258 : memref<1x80x128xi32, #tpu.memory_space<hbm>> -> memref<80x128xi32, #tpu.memory_space<hbm>>
      %dma_start3A_260 = arith.constant 0 : i32
      %dma_start3A_261 = arith.constant 0 : i32
      %dma_start3A_262 = tpu.memref_slice %arg4[%arg1, %dma_start3A_260, %dma_start3A_261] : memref<16x80x128xi32, #tpu.memory_space<hbm>> -> memref<1x80x128xi32, #tpu.memory_space<hbm>>
      %dma_start3A_263 = tpu.memref_squeeze %dma_start3A_262 : memref<1x80x128xi32, #tpu.memory_space<hbm>> -> memref<80x128xi32, #tpu.memory_space<hbm>>
      tpu.enqueue_dma source(%dma_start3A_263 : memref<80x128xi32, #tpu.memory_space<hbm>>) target(%arg7 : memref<80x128xi32, #tpu.memory_space<vmem>>) target_semaphore(%run_scoped3A_255 : memref<!tpu.dma_semaphore, #tpu.memory_space<semaphore_mem>>)
      %dma_wait3A_264 = arith.constant 0 : i32
      %dma_wait3A_265 = arith.constant 0 : i32
      %dma_wait3A_266 = tpu.memref_slice %arg4[%arg1, %dma_wait3A_264, %dma_wait3A_265] : memref<16x80x128xi32, #tpu.memory_space<hbm>> -> memref<1x80x128xi32, #tpu.memory_space<hbm>>
      %dma_wait3A_267 = tpu.memref_squeeze %dma_wait3A_266 : memref<1x80x128xi32, #tpu.memory_space<hbm>> -> memref<80x128xi32, #tpu.memory_space<hbm>>
      %dma_wait3A_268 = arith.constant 0 : i32
      %dma_wait3A_269 = arith.constant 0 : i32
      %dma_wait3A_270 = tpu.memref_slice %arg4[%arg1, %dma_wait3A_268, %dma_wait3A_269] : memref<16x80x128xi32, #tpu.memory_space<hbm>> -> memref<1x80x128xi32, #tpu.memory_space<hbm>>
      %dma_wait3A_271 = tpu.memref_squeeze %dma_wait3A_270 : memref<1x80x128xi32, #tpu.memory_space<hbm>> -> memref<80x128xi32, #tpu.memory_space<hbm>>
      tpu.wait_dma2 semaphore(%run_scoped3A_255 : memref<!tpu.dma_semaphore, #tpu.memory_space<semaphore_mem>>) src(%dma_wait3A_271 : memref<80x128xi32, #tpu.memory_space<hbm>>) dst(%arg7 : memref<80x128xi32, #tpu.memory_space<vmem>>)
      tpu.yield
    }) : () -> ()
    %mul3A_1 = arith.constant 632 : i32
    %mul3A_2 = arith.muli %arg1, %mul3A_1 : i32
    %mul3A_3 = arith.constant 632 : i32
    %mul3A_4 = arith.muli %arg1, %mul3A_3 : i32
    "tpu.region"() ({
      %run_scoped3A_255 = tpu.sem_alloc : memref<!tpu.dma_semaphore, #tpu.memory_space<semaphore_mem>>
      %dma_start3A_256 = arith.constant 0 : i32
      %dma_start3A_257 = tpu.memref_slice %arg11[%mul3A_4, %dma_start3A_256] : memref<10112x128xf32, #tpu.memory_space<vmem_shared>> -> memref<632x128xf32, #tpu.memory_space<vmem_shared>>
      %dma_start3A_258 = arith.constant 0 : i32
      %dma_start3A_259 = tpu.memref_slice %arg5[%mul3A_2, %dma_start3A_258] : memref<10112x128xf32, #tpu.memory_space<hbm>> -> memref<632x128xf32, #tpu.memory_space<hbm>>
      tpu.enqueue_dma source(%dma_start3A_259 : memref<632x128xf32, #tpu.memory_space<hbm>>) target(%dma_start3A_257 : memref<632x128xf32, #tpu.memory_space<vmem_shared>>) target_semaphore(%run_scoped3A_255 : memref<!tpu.dma_semaphore, #tpu.memory_space<semaphore_mem>>)
      %dma_wait3A_260 = arith.constant 0 : i32
      %dma_wait3A_261 = tpu.memref_slice %arg11[%mul3A_4, %dma_wait3A_260] : memref<10112x128xf32, #tpu.memory_space<vmem_shared>> -> memref<632x128xf32, #tpu.memory_space<vmem_shared>>
      %dma_wait3A_262 = arith.constant 0 : i32
      %dma_wait3A_263 = tpu.memref_slice %arg5[%mul3A_2, %dma_wait3A_262] : memref<10112x128xf32, #tpu.memory_space<hbm>> -> memref<632x128xf32, #tpu.memory_space<hbm>>
      tpu.wait_dma2 semaphore(%run_scoped3A_255 : memref<!tpu.dma_semaphore, #tpu.memory_space<semaphore_mem>>) src(%dma_wait3A_263 : memref<632x128xf32, #tpu.memory_space<hbm>>) dst(%dma_wait3A_261 : memref<632x128xf32, #tpu.memory_space<vmem_shared>>)
      tpu.yield
    }) : () -> ()
    %barrier3A = arith.constant 0 : index
    tpu.barrier barrier_id(%barrier3A)
    %run_scoped3A = arith.constant 0 : i32
    %run_scoped3A_5 = arith.constant 0 : i32
    "tpu.region"() ({
      %run_scoped3A_255 = tpu.sem_alloc : memref<!tpu.dma_semaphore, #tpu.memory_space<semaphore_mem>>
      %dma_start3A_256 = arith.constant 0 : i32
      %dma_start3A_257 = tpu.memref_slice %arg8[%run_scoped3A_5, %dma_start3A_256] : memref<2x128xi32, #tpu.memory_space<vmem>> -> memref<1x128xi32, #tpu.memory_space<vmem>>
      %dma_start3A_258 = tpu.memref_squeeze %dma_start3A_257 : memref<1x128xi32, #tpu.memory_space<vmem>> -> memref<128xi32, #tpu.memory_space<vmem>>
      %dma_start3A_259 = arith.constant 0 : i32
      %dma_start3A_260 = tpu.memref_slice %arg3[%arg1, %run_scoped3A, %dma_start3A_259] : memref<16x80x128xi32, #tpu.memory_space<hbm>> -> memref<1x1x128xi32, #tpu.memory_space<hbm>>
      %dma_start3A_261 = tpu.memref_squeeze %dma_start3A_260 : memref<1x1x128xi32, #tpu.memory_space<hbm>> -> memref<128xi32, #tpu.memory_space<hbm>>
      %dma_start3A_262 = arith.constant 0 : i32
      %dma_start3A_263 = tpu.memref_slice %arg8[%run_scoped3A_5, %dma_start3A_262] : memref<2x128xi32, #tpu.memory_space<vmem>> -> memref<1x128xi32, #tpu.memory_space<vmem>>
      %dma_start3A_264 = tpu.memref_squeeze %dma_start3A_263 : memref<1x128xi32, #tpu.memory_space<vmem>> -> memref<128xi32, #tpu.memory_space<vmem>>
      %dma_start3A_265 = arith.constant 0 : i32
      %dma_start3A_266 = tpu.memref_slice %arg3[%arg1, %run_scoped3A, %dma_start3A_265] : memref<16x80x128xi32, #tpu.memory_space<hbm>> -> memref<1x1x128xi32, #tpu.memory_space<hbm>>
      %dma_start3A_267 = tpu.memref_squeeze %dma_start3A_266 : memref<1x1x128xi32, #tpu.memory_space<hbm>> -> memref<128xi32, #tpu.memory_space<hbm>>
      tpu.enqueue_dma source(%dma_start3A_267 : memref<128xi32, #tpu.memory_space<hbm>>) target(%dma_start3A_264 : memref<128xi32, #tpu.memory_space<vmem>>) target_semaphore(%run_scoped3A_255 : memref<!tpu.dma_semaphore, #tpu.memory_space<semaphore_mem>>)
      %dma_wait3A_268 = arith.constant 0 : i32
      %dma_wait3A_269 = tpu.memref_slice %arg8[%run_scoped3A_5, %dma_wait3A_268] : memref<2x128xi32, #tpu.memory_space<vmem>> -> memref<1x128xi32, #tpu.memory_space<vmem>>
      %dma_wait3A_270 = tpu.memref_squeeze %dma_wait3A_269 : memref<1x128xi32, #tpu.memory_space<vmem>> -> memref<128xi32, #tpu.memory_space<vmem>>
      %dma_wait3A_271 = arith.constant 0 : i32
      %dma_wait3A_272 = tpu.memref_slice %arg3[%arg1, %run_scoped3A, %dma_wait3A_271] : memref<16x80x128xi32, #tpu.memory_space<hbm>> -> memref<1x1x128xi32, #tpu.memory_space<hbm>>
      %dma_wait3A_273 = tpu.memref_squeeze %dma_wait3A_272 : memref<1x1x128xi32, #tpu.memory_space<hbm>> -> memref<128xi32, #tpu.memory_space<hbm>>
      %dma_wait3A_274 = arith.constant 0 : i32
      %dma_wait3A_275 = tpu.memref_slice %arg8[%run_scoped3A_5, %dma_wait3A_274] : memref<2x128xi32, #tpu.memory_space<vmem>> -> memref<1x128xi32, #tpu.memory_space<vmem>>
      %dma_wait3A_276 = tpu.memref_squeeze %dma_wait3A_275 : memref<1x128xi32, #tpu.memory_space<vmem>> -> memref<128xi32, #tpu.memory_space<vmem>>
      %dma_wait3A_277 = arith.constant 0 : i32
      %dma_wait3A_278 = tpu.memref_slice %arg3[%arg1, %run_scoped3A, %dma_wait3A_277] : memref<16x80x128xi32, #tpu.memory_space<hbm>> -> memref<1x1x128xi32, #tpu.memory_space<hbm>>
      %dma_wait3A_279 = tpu.memref_squeeze %dma_wait3A_278 : memref<1x1x128xi32, #tpu.memory_space<hbm>> -> memref<128xi32, #tpu.memory_space<hbm>>
      tpu.wait_dma2 semaphore(%run_scoped3A_255 : memref<!tpu.dma_semaphore, #tpu.memory_space<semaphore_mem>>) src(%dma_wait3A_279 : memref<128xi32, #tpu.memory_space<hbm>>) dst(%dma_wait3A_276 : memref<128xi32, #tpu.memory_space<vmem>>)
      tpu.yield
    }) : () -> ()
    %get3A = arith.constant 0 : i32
    %get3A_6 = arith.index_cast %get3A : i32 to index
    %get3A_7 = arith.constant 0 : index
    %get3A_8 = tpu.vector_load %arg8[%get3A_6, %get3A_7] {strides = array<i32>} : memref<2x128xi32, #tpu.memory_space<vmem>>, vector<1x16xi32>,
    %get3A_9 = vector.shape_cast %get3A_8 : vector<1x16xi32> to vector<16xi32>
    %add3A = vector.broadcast %mul3A_0 : i32 to vector<16xi32>
    %add3A_10 = arith.addi %get3A_9, %add3A : vector<16xi32>
    %swap3A = arith.constant 0 : i32
    %swap3A_11 = arith.index_cast %swap3A : i32 to index
    %swap3A_12 = arith.constant 0 : index
    %swap3A_13 = tpu.vector_load %arg8[%swap3A_11, %swap3A_12] {strides = array<i32>} : memref<2x128xi32, #tpu.memory_space<vmem>>, vector<1x16xi32>,
    %swap3A_14 = vector.shape_cast %swap3A_13 : vector<1x16xi32> to vector<16xi32>
    %swap3A_15 = vector.shape_cast %add3A_10 : vector<16xi32> to vector<1x16xi32>
    tpu.vector_store %arg8[%swap3A_11, %swap3A_12], %swap3A_15 {strides = array<i32>} : memref<2x128xi32, #tpu.memory_space<vmem>>, vector<1x16xi32>,
    %get3A_16 = arith.constant 0 : i32
    %get3A_17 = arith.index_cast %get3A_16 : i32 to index
    %get3A_18 = arith.constant 16 : index
    %get3A_19 = tpu.vector_load %arg8[%get3A_17, %get3A_18] {strides = array<i32>} : memref<2x128xi32, #tpu.memory_space<vmem>>, vector<1x16xi32>,
    %get3A_20 = vector.shape_cast %get3A_19 : vector<1x16xi32> to vector<16xi32>
    %add3A_21 = vector.broadcast %mul3A_0 : i32 to vector<16xi32>
    %add3A_22 = arith.addi %get3A_20, %add3A_21 : vector<16xi32>
    %swap3A_23 = arith.constant 0 : i32
    %swap3A_24 = arith.index_cast %swap3A_23 : i32 to index
    %swap3A_25 = arith.constant 16 : index
    %swap3A_26 = tpu.vector_load %arg8[%swap3A_24, %swap3A_25] {strides = array<i32>} : memref<2x128xi32, #tpu.memory_space<vmem>>, vector<1x16xi32>,
    %swap3A_27 = vector.shape_cast %swap3A_26 : vector<1x16xi32> to vector<16xi32>
    %swap3A_28 = vector.shape_cast %add3A_22 : vector<16xi32> to vector<1x16xi32>
    tpu.vector_store %arg8[%swap3A_24, %swap3A_25], %swap3A_28 {strides = array<i32>} : memref<2x128xi32, #tpu.memory_space<vmem>>, vector<1x16xi32>,
    %get3A_29 = arith.constant 0 : i32
    %get3A_30 = arith.index_cast %get3A_29 : i32 to index
    %get3A_31 = arith.constant 32 : index
    %get3A_32 = tpu.vector_load %arg8[%get3A_30, %get3A_31] {strides = array<i32>} : memref<2x128xi32, #tpu.memory_space<vmem>>, vector<1x16xi32>,
    %get3A_33 = vector.shape_cast %get3A_32 : vector<1x16xi32> to vector<16xi32>
    %add3A_34 = vector.broadcast %mul3A_0 : i32 to vector<16xi32>
    %add3A_35 = arith.addi %get3A_33, %add3A_34 : vector<16xi32>
    %swap3A_36 = arith.constant 0 : i32
    %swap3A_37 = arith.index_cast %swap3A_36 : i32 to index
    %swap3A_38 = arith.constant 32 : index
    %swap3A_39 = tpu.vector_load %arg8[%swap3A_37, %swap3A_38] {strides = array<i32>} : memref<2x128xi32, #tpu.memory_space<vmem>>, vector<1x16xi32>,
    %swap3A_40 = vector.shape_cast %swap3A_39 : vector<1x16xi32> to vector<16xi32>
    %swap3A_41 = vector.shape_cast %add3A_35 : vector<16xi32> to vector<1x16xi32>
    tpu.vector_store %arg8[%swap3A_37, %swap3A_38], %swap3A_41 {strides = array<i32>} : memref<2x128xi32, #tpu.memory_space<vmem>>, vector<1x16xi32>,
    %get3A_42 = arith.constant 0 : i32
    %get3A_43 = arith.index_cast %get3A_42 : i32 to index
    %get3A_44 = arith.constant 48 : index
    %get3A_45 = tpu.vector_load %arg8[%get3A_43, %get3A_44] {strides = array<i32>} : memref<2x128xi32, #tpu.memory_space<vmem>>, vector<1x16xi32>,
    %get3A_46 = vector.shape_cast %get3A_45 : vector<1x16xi32> to vector<16xi32>
    %add3A_47 = vector.broadcast %mul3A_0 : i32 to vector<16xi32>
    %add3A_48 = arith.addi %get3A_46, %add3A_47 : vector<16xi32>
    %swap3A_49 = arith.constant 0 : i32
    %swap3A_50 = arith.index_cast %swap3A_49 : i32 to index
    %swap3A_51 = arith.constant 48 : index
    %swap3A_52 = tpu.vector_load %arg8[%swap3A_50, %swap3A_51] {strides = array<i32>} : memref<2x128xi32, #tpu.memory_space<vmem>>, vector<1x16xi32>,
    %swap3A_53 = vector.shape_cast %swap3A_52 : vector<1x16xi32> to vector<16xi32>
    %swap3A_54 = vector.shape_cast %add3A_48 : vector<16xi32> to vector<1x16xi32>
    tpu.vector_store %arg8[%swap3A_50, %swap3A_51], %swap3A_54 {strides = array<i32>} : memref<2x128xi32, #tpu.memory_space<vmem>>, vector<1x16xi32>,
    %get3A_55 = arith.constant 0 : i32
    %get3A_56 = arith.index_cast %get3A_55 : i32 to index
    %get3A_57 = arith.constant 64 : index
    %get3A_58 = tpu.vector_load %arg8[%get3A_56, %get3A_57] {strides = array<i32>} : memref<2x128xi32, #tpu.memory_space<vmem>>, vector<1x16xi32>,
    %get3A_59 = vector.shape_cast %get3A_58 : vector<1x16xi32> to vector<16xi32>
    %add3A_60 = vector.broadcast %mul3A_0 : i32 to vector<16xi32>
    %add3A_61 = arith.addi %get3A_59, %add3A_60 : vector<16xi32>
    %swap3A_62 = arith.constant 0 : i32
    %swap3A_63 = arith.index_cast %swap3A_62 : i32 to index
    %swap3A_64 = arith.constant 64 : index
    %swap3A_65 = tpu.vector_load %arg8[%swap3A_63, %swap3A_64] {strides = array<i32>} : memref<2x128xi32, #tpu.memory_space<vmem>>, vector<1x16xi32>,
    %swap3A_66 = vector.shape_cast %swap3A_65 : vector<1x16xi32> to vector<16xi32>
    %swap3A_67 = vector.shape_cast %add3A_61 : vector<16xi32> to vector<1x16xi32>
    tpu.vector_store %arg8[%swap3A_63, %swap3A_64], %swap3A_67 {strides = array<i32>} : memref<2x128xi32, #tpu.memory_space<vmem>>, vector<1x16xi32>,
    %get3A_68 = arith.constant 0 : i32
    %get3A_69 = arith.index_cast %get3A_68 : i32 to index
    %get3A_70 = arith.constant 80 : index
    %get3A_71 = tpu.vector_load %arg8[%get3A_69, %get3A_70] {strides = array<i32>} : memref<2x128xi32, #tpu.memory_space<vmem>>, vector<1x16xi32>,
    %get3A_72 = vector.shape_cast %get3A_71 : vector<1x16xi32> to vector<16xi32>
    %add3A_73 = vector.broadcast %mul3A_0 : i32 to vector<16xi32>
    %add3A_74 = arith.addi %get3A_72, %add3A_73 : vector<16xi32>
    %swap3A_75 = arith.constant 0 : i32
    %swap3A_76 = arith.index_cast %swap3A_75 : i32 to index
    %swap3A_77 = arith.constant 80 : index
    %swap3A_78 = tpu.vector_load %arg8[%swap3A_76, %swap3A_77] {strides = array<i32>} : memref<2x128xi32, #tpu.memory_space<vmem>>, vector<1x16xi32>,
    %swap3A_79 = vector.shape_cast %swap3A_78 : vector<1x16xi32> to vector<16xi32>
    %swap3A_80 = vector.shape_cast %add3A_74 : vector<16xi32> to vector<1x16xi32>
    tpu.vector_store %arg8[%swap3A_76, %swap3A_77], %swap3A_80 {strides = array<i32>} : memref<2x128xi32, #tpu.memory_space<vmem>>, vector<1x16xi32>,
    %get3A_81 = arith.constant 0 : i32
    %get3A_82 = arith.index_cast %get3A_81 : i32 to index
    %get3A_83 = arith.constant 96 : index
    %get3A_84 = tpu.vector_load %arg8[%get3A_82, %get3A_83] {strides = array<i32>} : memref<2x128xi32, #tpu.memory_space<vmem>>, vector<1x16xi32>,
    %get3A_85 = vector.shape_cast %get3A_84 : vector<1x16xi32> to vector<16xi32>
    %add3A_86 = vector.broadcast %mul3A_0 : i32 to vector<16xi32>
    %add3A_87 = arith.addi %get3A_85, %add3A_86 : vector<16xi32>
    %swap3A_88 = arith.constant 0 : i32
    %swap3A_89 = arith.index_cast %swap3A_88 : i32 to index
    %swap3A_90 = arith.constant 96 : index
    %swap3A_91 = tpu.vector_load %arg8[%swap3A_89, %swap3A_90] {strides = array<i32>} : memref<2x128xi32, #tpu.memory_space<vmem>>, vector<1x16xi32>,
    %swap3A_92 = vector.shape_cast %swap3A_91 : vector<1x16xi32> to vector<16xi32>
    %swap3A_93 = vector.shape_cast %add3A_87 : vector<16xi32> to vector<1x16xi32>
    tpu.vector_store %arg8[%swap3A_89, %swap3A_90], %swap3A_93 {strides = array<i32>} : memref<2x128xi32, #tpu.memory_space<vmem>>, vector<1x16xi32>,
    %get3A_94 = arith.constant 0 : i32
    %get3A_95 = arith.index_cast %get3A_94 : i32 to index
    %get3A_96 = arith.constant 112 : index
    %get3A_97 = tpu.vector_load %arg8[%get3A_95, %get3A_96] {strides = array<i32>} : memref<2x128xi32, #tpu.memory_space<vmem>>, vector<1x16xi32>,
    %get3A_98 = vector.shape_cast %get3A_97 : vector<1x16xi32> to vector<16xi32>
    %add3A_99 = vector.broadcast %mul3A_0 : i32 to vector<16xi32>
    %add3A_100 = arith.addi %get3A_98, %add3A_99 : vector<16xi32>
    %swap3A_101 = arith.constant 0 : i32
    %swap3A_102 = arith.index_cast %swap3A_101 : i32 to index
    %swap3A_103 = arith.constant 112 : index
    %swap3A_104 = tpu.vector_load %arg8[%swap3A_102, %swap3A_103] {strides = array<i32>} : memref<2x128xi32, #tpu.memory_space<vmem>>, vector<1x16xi32>,
    %swap3A_105 = vector.shape_cast %swap3A_104 : vector<1x16xi32> to vector<16xi32>
    %swap3A_106 = vector.shape_cast %add3A_100 : vector<16xi32> to vector<1x16xi32>
    tpu.vector_store %arg8[%swap3A_102, %swap3A_103], %swap3A_106 {strides = array<i32>} : memref<2x128xi32, #tpu.memory_space<vmem>>, vector<1x16xi32>,
    %dma_start3A = arith.constant 0 : i32
    %dma_start3A_107 = arith.constant 0 : i32
    %dma_start3A_108 = tpu.memref_slice %arg8[%dma_start3A, %dma_start3A_107] : memref<2x128xi32, #tpu.memory_space<vmem>> -> memref<1x128xi32, #tpu.memory_space<vmem>>
    %dma_start3A_109 = tpu.memref_squeeze %dma_start3A_108 : memref<1x128xi32, #tpu.memory_space<vmem>> -> memref<128xi32, #tpu.memory_space<vmem>>
    %dma_start3A_110 = arith.constant 0 : i32
    %dma_start3A_111 = arith.constant 0 : i32
    %dma_start3A_112 = tpu.memref_slice %arg2[%dma_start3A_110, %dma_start3A_111] : memref<20000x128xf32, #tpu.memory_space<hbm>> -> memref<20000x128xf32, #tpu.memory_space<hbm>>
    tpu.enqueue_indirect_dma source(%dma_start3A_112 : memref<20000x128xf32, #tpu.memory_space<hbm>>) target(%arg9 : memref<128x128xf32, #tpu.memory_space<vmem>>) offsets(%dma_start3A_109 : memref<128xi32, #tpu.memory_space<vmem>>) semaphore(%arg12 : memref<!tpu.dma_semaphore, #tpu.memory_space<semaphore_mem>>)
    %run_scoped3A_113 = arith.constant 1 : i32
    %run_scoped3A_114 = arith.constant 1 : i32
    "tpu.region"() ({
      %run_scoped3A_255 = tpu.sem_alloc : memref<!tpu.dma_semaphore, #tpu.memory_space<semaphore_mem>>
      %dma_start3A_256 = arith.constant 0 : i32
      %dma_start3A_257 = tpu.memref_slice %arg8[%run_scoped3A_114, %dma_start3A_256] : memref<2x128xi32, #tpu.memory_space<vmem>> -> memref<1x128xi32, #tpu.memory_space<vmem>>
      %dma_start3A_258 = tpu.memref_squeeze %dma_start3A_257 : memref<1x128xi32, #tpu.memory_space<vmem>> -> memref<128xi32, #tpu.memory_space<vmem>>
      %dma_start3A_259 = arith.constant 0 : i32
      %dma_start3A_260 = tpu.memref_slice %arg3[%arg1, %run_scoped3A_113, %dma_start3A_259] : memref<16x80x128xi32, #tpu.memory_space<hbm>> -> memref<1x1x128xi32, #tpu.memory_space<hbm>>
      %dma_start3A_261 = tpu.memref_squeeze %dma_start3A_260 : memref<1x1x128xi32, #tpu.memory_space<hbm>> -> memref<128xi32, #tpu.memory_space<hbm>>
      %dma_start3A_262 = arith.constant 0 : i32
      %dma_start3A_263 = tpu.memref_slice %arg8[%run_scoped3A_114, %dma_start3A_262] : memref<2x128xi32, #tpu.memory_space<vmem>> -> memref<1x128xi32, #tpu.memory_space<vmem>>
      %dma_start3A_264 = tpu.memref_squeeze %dma_start3A_263 : memref<1x128xi32, #tpu.memory_space<vmem>> -> memref<128xi32, #tpu.memory_space<vmem>>
      %dma_start3A_265 = arith.constant 0 : i32
      %dma_start3A_266 = tpu.memref_slice %arg3[%arg1, %run_scoped3A_113, %dma_start3A_265] : memref<16x80x128xi32, #tpu.memory_space<hbm>> -> memref<1x1x128xi32, #tpu.memory_space<hbm>>
      %dma_start3A_267 = tpu.memref_squeeze %dma_start3A_266 : memref<1x1x128xi32, #tpu.memory_space<hbm>> -> memref<128xi32, #tpu.memory_space<hbm>>
      tpu.enqueue_dma source(%dma_start3A_267 : memref<128xi32, #tpu.memory_space<hbm>>) target(%dma_start3A_264 : memref<128xi32, #tpu.memory_space<vmem>>) target_semaphore(%run_scoped3A_255 : memref<!tpu.dma_semaphore, #tpu.memory_space<semaphore_mem>>)
      %dma_wait3A_268 = arith.constant 0 : i32
      %dma_wait3A_269 = tpu.memref_slice %arg8[%run_scoped3A_114, %dma_wait3A_268] : memref<2x128xi32, #tpu.memory_space<vmem>> -> memref<1x128xi32, #tpu.memory_space<vmem>>
      %dma_wait3A_270 = tpu.memref_squeeze %dma_wait3A_269 : memref<1x128xi32, #tpu.memory_space<vmem>> -> memref<128xi32, #tpu.memory_space<vmem>>
      %dma_wait3A_271 = arith.constant 0 : i32
      %dma_wait3A_272 = tpu.memref_slice %arg3[%arg1, %run_scoped3A_113, %dma_wait3A_271] : memref<16x80x128xi32, #tpu.memory_space<hbm>> -> memref<1x1x128xi32, #tpu.memory_space<hbm>>
      %dma_wait3A_273 = tpu.memref_squeeze %dma_wait3A_272 : memref<1x1x128xi32, #tpu.memory_space<hbm>> -> memref<128xi32, #tpu.memory_space<hbm>>
      %dma_wait3A_274 = arith.constant 0 : i32
      %dma_wait3A_275 = tpu.memref_slice %arg8[%run_scoped3A_114, %dma_wait3A_274] : memref<2x128xi32, #tpu.memory_space<vmem>> -> memref<1x128xi32, #tpu.memory_space<vmem>>
      %dma_wait3A_276 = tpu.memref_squeeze %dma_wait3A_275 : memref<1x128xi32, #tpu.memory_space<vmem>> -> memref<128xi32, #tpu.memory_space<vmem>>
      %dma_wait3A_277 = arith.constant 0 : i32
      %dma_wait3A_278 = tpu.memref_slice %arg3[%arg1, %run_scoped3A_113, %dma_wait3A_277] : memref<16x80x128xi32, #tpu.memory_space<hbm>> -> memref<1x1x128xi32, #tpu.memory_space<hbm>>
      %dma_wait3A_279 = tpu.memref_squeeze %dma_wait3A_278 : memref<1x1x128xi32, #tpu.memory_space<hbm>> -> memref<128xi32, #tpu.memory_space<hbm>>
      tpu.wait_dma2 semaphore(%run_scoped3A_255 : memref<!tpu.dma_semaphore, #tpu.memory_space<semaphore_mem>>) src(%dma_wait3A_279 : memref<128xi32, #tpu.memory_space<hbm>>) dst(%dma_wait3A_276 : memref<128xi32, #tpu.memory_space<vmem>>)
      tpu.yield
    }) : () -> ()
    %get3A_115 = arith.constant 1 : i32
    %get3A_116 = arith.index_cast %get3A_115 : i32 to index
    %get3A_117 = arith.constant 0 : index
    %get3A_118 = tpu.vector_load %arg8[%get3A_116, %get3A_117] {strides = array<i32>} : memref<2x128xi32, #tpu.memory_space<vmem>>, vector<1x16xi32>,
    %get3A_119 = vector.shape_cast %get3A_118 : vector<1x16xi32> to vector<16xi32>
    %add3A_120 = vector.broadcast %mul3A_0 : i32 to vector<16xi32>
    %add3A_121 = arith.addi %get3A_119, %add3A_120 : vector<16xi32>
    %swap3A_122 = arith.constant 1 : i32
    %swap3A_123 = arith.index_cast %swap3A_122 : i32 to index
    %swap3A_124 = arith.constant 0 : index
    %swap3A_125 = tpu.vector_load %arg8[%swap3A_123, %swap3A_124] {strides = array<i32>} : memref<2x128xi32, #tpu.memory_space<vmem>>, vector<1x16xi32>,
    %swap3A_126 = vector.shape_cast %swap3A_125 : vector<1x16xi32> to vector<16xi32>
    %swap3A_127 = vector.shape_cast %add3A_121 : vector<16xi32> to vector<1x16xi32>
    tpu.vector_store %arg8[%swap3A_123, %swap3A_124], %swap3A_127 {strides = array<i32>} : memref<2x128xi32, #tpu.memory_space<vmem>>, vector<1x16xi32>,
    %get3A_128 = arith.constant 1 : i32
    %get3A_129 = arith.index_cast %get3A_128 : i32 to index
    %get3A_130 = arith.constant 16 : index
    %get3A_131 = tpu.vector_load %arg8[%get3A_129, %get3A_130] {strides = array<i32>} : memref<2x128xi32, #tpu.memory_space<vmem>>, vector<1x16xi32>,
    %get3A_132 = vector.shape_cast %get3A_131 : vector<1x16xi32> to vector<16xi32>
    %add3A_133 = vector.broadcast %mul3A_0 : i32 to vector<16xi32>
    %add3A_134 = arith.addi %get3A_132, %add3A_133 : vector<16xi32>
    %swap3A_135 = arith.constant 1 : i32
    %swap3A_136 = arith.index_cast %swap3A_135 : i32 to index
    %swap3A_137 = arith.constant 16 : index
    %swap3A_138 = tpu.vector_load %arg8[%swap3A_136, %swap3A_137] {strides = array<i32>} : memref<2x128xi32, #tpu.memory_space<vmem>>, vector<1x16xi32>,
    %swap3A_139 = vector.shape_cast %swap3A_138 : vector<1x16xi32> to vector<16xi32>
    %swap3A_140 = vector.shape_cast %add3A_134 : vector<16xi32> to vector<1x16xi32>
    tpu.vector_store %arg8[%swap3A_136, %swap3A_137], %swap3A_140 {strides = array<i32>} : memref<2x128xi32, #tpu.memory_space<vmem>>, vector<1x16xi32>,
    %get3A_141 = arith.constant 1 : i32
    %get3A_142 = arith.index_cast %get3A_141 : i32 to index
    %get3A_143 = arith.constant 32 : index
    %get3A_144 = tpu.vector_load %arg8[%get3A_142, %get3A_143] {strides = array<i32>} : memref<2x128xi32, #tpu.memory_space<vmem>>, vector<1x16xi32>,
    %get3A_145 = vector.shape_cast %get3A_144 : vector<1x16xi32> to vector<16xi32>
    %add3A_146 = vector.broadcast %mul3A_0 : i32 to vector<16xi32>
    %add3A_147 = arith.addi %get3A_145, %add3A_146 : vector<16xi32>
    %swap3A_148 = arith.constant 1 : i32
    %swap3A_149 = arith.index_cast %swap3A_148 : i32 to index
    %swap3A_150 = arith.constant 32 : index
    %swap3A_151 = tpu.vector_load %arg8[%swap3A_149, %swap3A_150] {strides = array<i32>} : memref<2x128xi32, #tpu.memory_space<vmem>>, vector<1x16xi32>,
    %swap3A_152 = vector.shape_cast %swap3A_151 : vector<1x16xi32> to vector<16xi32>
    %swap3A_153 = vector.shape_cast %add3A_147 : vector<16xi32> to vector<1x16xi32>
    tpu.vector_store %arg8[%swap3A_149, %swap3A_150], %swap3A_153 {strides = array<i32>} : memref<2x128xi32, #tpu.memory_space<vmem>>, vector<1x16xi32>,
    %get3A_154 = arith.constant 1 : i32
    %get3A_155 = arith.index_cast %get3A_154 : i32 to index
    %get3A_156 = arith.constant 48 : index
    %get3A_157 = tpu.vector_load %arg8[%get3A_155, %get3A_156] {strides = array<i32>} : memref<2x128xi32, #tpu.memory_space<vmem>>, vector<1x16xi32>,
    %get3A_158 = vector.shape_cast %get3A_157 : vector<1x16xi32> to vector<16xi32>
    %add3A_159 = vector.broadcast %mul3A_0 : i32 to vector<16xi32>
    %add3A_160 = arith.addi %get3A_158, %add3A_159 : vector<16xi32>
    %swap3A_161 = arith.constant 1 : i32
    %swap3A_162 = arith.index_cast %swap3A_161 : i32 to index
    %swap3A_163 = arith.constant 48 : index
    %swap3A_164 = tpu.vector_load %arg8[%swap3A_162, %swap3A_163] {strides = array<i32>} : memref<2x128xi32, #tpu.memory_space<vmem>>, vector<1x16xi32>,
    %swap3A_165 = vector.shape_cast %swap3A_164 : vector<1x16xi32> to vector<16xi32>
    %swap3A_166 = vector.shape_cast %add3A_160 : vector<16xi32> to vector<1x16xi32>
    tpu.vector_store %arg8[%swap3A_162, %swap3A_163], %swap3A_166 {strides = array<i32>} : memref<2x128xi32, #tpu.memory_space<vmem>>, vector<1x16xi32>,
    %get3A_167 = arith.constant 1 : i32
    %get3A_168 = arith.index_cast %get3A_167 : i32 to index
    %get3A_169 = arith.constant 64 : index
    %get3A_170 = tpu.vector_load %arg8[%get3A_168, %get3A_169] {strides = array<i32>} : memref<2x128xi32, #tpu.memory_space<vmem>>, vector<1x16xi32>,
    %get3A_171 = vector.shape_cast %get3A_170 : vector<1x16xi32> to vector<16xi32>
    %add3A_172 = vector.broadcast %mul3A_0 : i32 to vector<16xi32>
    %add3A_173 = arith.addi %get3A_171, %add3A_172 : vector<16xi32>
    %swap3A_174 = arith.constant 1 : i32
    %swap3A_175 = arith.index_cast %swap3A_174 : i32 to index
    %swap3A_176 = arith.constant 64 : index
    %swap3A_177 = tpu.vector_load %arg8[%swap3A_175, %swap3A_176] {strides = array<i32>} : memref<2x128xi32, #tpu.memory_space<vmem>>, vector<1x16xi32>,
    %swap3A_178 = vector.shape_cast %swap3A_177 : vector<1x16xi32> to vector<16xi32>
    %swap3A_179 = vector.shape_cast %add3A_173 : vector<16xi32> to vector<1x16xi32>
    tpu.vector_store %arg8[%swap3A_175, %swap3A_176], %swap3A_179 {strides = array<i32>} : memref<2x128xi32, #tpu.memory_space<vmem>>, vector<1x16xi32>,
    %get3A_180 = arith.constant 1 : i32
    %get3A_181 = arith.index_cast %get3A_180 : i32 to index
    %get3A_182 = arith.constant 80 : index
    %get3A_183 = tpu.vector_load %arg8[%get3A_181, %get3A_182] {strides = array<i32>} : memref<2x128xi32, #tpu.memory_space<vmem>>, vector<1x16xi32>,
    %get3A_184 = vector.shape_cast %get3A_183 : vector<1x16xi32> to vector<16xi32>
    %add3A_185 = vector.broadcast %mul3A_0 : i32 to vector<16xi32>
    %add3A_186 = arith.addi %get3A_184, %add3A_185 : vector<16xi32>
    %swap3A_187 = arith.constant 1 : i32
    %swap3A_188 = arith.index_cast %swap3A_187 : i32 to index
    %swap3A_189 = arith.constant 80 : index
    %swap3A_190 = tpu.vector_load %arg8[%swap3A_188, %swap3A_189] {strides = array<i32>} : memref<2x128xi32, #tpu.memory_space<vmem>>, vector<1x16xi32>,
    %swap3A_191 = vector.shape_cast %swap3A_190 : vector<1x16xi32> to vector<16xi32>
    %swap3A_192 = vector.shape_cast %add3A_186 : vector<16xi32> to vector<1x16xi32>
    tpu.vector_store %arg8[%swap3A_188, %swap3A_189], %swap3A_192 {strides = array<i32>} : memref<2x128xi32, #tpu.memory_space<vmem>>, vector<1x16xi32>,
    %get3A_193 = arith.constant 1 : i32
    %get3A_194 = arith.index_cast %get3A_193 : i32 to index
    %get3A_195 = arith.constant 96 : index
    %get3A_196 = tpu.vector_load %arg8[%get3A_194, %get3A_195] {strides = array<i32>} : memref<2x128xi32, #tpu.memory_space<vmem>>, vector<1x16xi32>,
    %get3A_197 = vector.shape_cast %get3A_196 : vector<1x16xi32> to vector<16xi32>
    %add3A_198 = vector.broadcast %mul3A_0 : i32 to vector<16xi32>
    %add3A_199 = arith.addi %get3A_197, %add3A_198 : vector<16xi32>
    %swap3A_200 = arith.constant 1 : i32
    %swap3A_201 = arith.index_cast %swap3A_200 : i32 to index
    %swap3A_202 = arith.constant 96 : index
    %swap3A_203 = tpu.vector_load %arg8[%swap3A_201, %swap3A_202] {strides = array<i32>} : memref<2x128xi32, #tpu.memory_space<vmem>>, vector<1x16xi32>,
    %swap3A_204 = vector.shape_cast %swap3A_203 : vector<1x16xi32> to vector<16xi32>
    %swap3A_205 = vector.shape_cast %add3A_199 : vector<16xi32> to vector<1x16xi32>
    tpu.vector_store %arg8[%swap3A_201, %swap3A_202], %swap3A_205 {strides = array<i32>} : memref<2x128xi32, #tpu.memory_space<vmem>>, vector<1x16xi32>,
    %get3A_206 = arith.constant 1 : i32
    %get3A_207 = arith.index_cast %get3A_206 : i32 to index
    %get3A_208 = arith.constant 112 : index
    %get3A_209 = tpu.vector_load %arg8[%get3A_207, %get3A_208] {strides = array<i32>} : memref<2x128xi32, #tpu.memory_space<vmem>>, vector<1x16xi32>,
    %get3A_210 = vector.shape_cast %get3A_209 : vector<1x16xi32> to vector<16xi32>
    %add3A_211 = vector.broadcast %mul3A_0 : i32 to vector<16xi32>
    %add3A_212 = arith.addi %get3A_210, %add3A_211 : vector<16xi32>
    %swap3A_213 = arith.constant 1 : i32
    %swap3A_214 = arith.index_cast %swap3A_213 : i32 to index
    %swap3A_215 = arith.constant 112 : index
    %swap3A_216 = tpu.vector_load %arg8[%swap3A_214, %swap3A_215] {strides = array<i32>} : memref<2x128xi32, #tpu.memory_space<vmem>>, vector<1x16xi32>,
    %swap3A_217 = vector.shape_cast %swap3A_216 : vector<1x16xi32> to vector<16xi32>
    %swap3A_218 = vector.shape_cast %add3A_212 : vector<16xi32> to vector<1x16xi32>
    tpu.vector_store %arg8[%swap3A_214, %swap3A_215], %swap3A_218 {strides = array<i32>} : memref<2x128xi32, #tpu.memory_space<vmem>>, vector<1x16xi32>,
    %dma_start3A_219 = arith.constant 1 : i32
    %dma_start3A_220 = arith.constant 0 : i32
    %dma_start3A_221 = tpu.memref_slice %arg8[%dma_start3A_219, %dma_start3A_220] : memref<2x128xi32, #tpu.memory_space<vmem>> -> memref<1x128xi32, #tpu.memory_space<vmem>>
    %dma_start3A_222 = tpu.memref_squeeze %dma_start3A_221 : memref<1x128xi32, #tpu.memory_space<vmem>> -> memref<128xi32, #tpu.memory_space<vmem>>
    %dma_start3A_223 = arith.constant 0 : i32
    %dma_start3A_224 = arith.constant 0 : i32
    %dma_start3A_225 = tpu.memref_slice %arg2[%dma_start3A_223, %dma_start3A_224] : memref<20000x128xf32, #tpu.memory_space<hbm>> -> memref<20000x128xf32, #tpu.memory_space<hbm>>
    tpu.enqueue_indirect_dma source(%dma_start3A_225 : memref<20000x128xf32, #tpu.memory_space<hbm>>) target(%arg10 : memref<128x128xf32, #tpu.memory_space<vmem>>) offsets(%dma_start3A_222 : memref<128xi32, #tpu.memory_space<vmem>>) semaphore(%arg13 : memref<!tpu.dma_semaphore, #tpu.memory_space<semaphore_mem>>)
    %scan3A = arith.constant 0 : i32
    %scan3A_226 = arith.constant 0 : i32
    %scan3A_227 = arith.constant 39 : i32
    %scan3A_228 = arith.addi %scan3A_226, %scan3A_227 : i32
    %scan3A_229 = arith.constant 1 : i32
    scf.for %scan3A_255 = %scan3A_226 to %scan3A_228 step %scan3A_229  : i32 {
      %mul3A_256 = arith.constant 2 : i32
      %mul3A_257 = arith.muli %mul3A_256, %scan3A_255 : i32
      %add3A_258 = arith.constant 0 : i32
      %add3A_259 = arith.addi %mul3A_257, %add3A_258 : i32
      %dma_wait3A_260 = arith.constant 0 : i32
      %dma_wait3A_261 = arith.constant 0 : i32
      %dma_wait3A_262 = tpu.memref_slice %arg8[%dma_wait3A_260, %dma_wait3A_261] : memref<2x128xi32, #tpu.memory_space<vmem>> -> memref<1x128xi32, #tpu.memory_space<vmem>>
      %dma_wait3A_263 = tpu.memref_squeeze %dma_wait3A_262 : memref<1x128xi32, #tpu.memory_space<vmem>> -> memref<128xi32, #tpu.memory_space<vmem>>
      %dma_wait3A_264 = arith.constant 0 : i32
      %dma_wait3A_265 = arith.constant 0 : i32
      %dma_wait3A_266 = tpu.memref_slice %arg2[%dma_wait3A_264, %dma_wait3A_265] : memref<20000x128xf32, #tpu.memory_space<hbm>> -> memref<20000x128xf32, #tpu.memory_space<hbm>>
      tpu.wait_indirect_dma semaphore(%arg12 : memref<!tpu.dma_semaphore, #tpu.memory_space<semaphore_mem>>) src(%dma_wait3A_266 : memref<20000x128xf32, #tpu.memory_space<hbm>>) dst(%arg9 : memref<128x128xf32, #tpu.memory_space<vmem>>)
      %add3A_267 = arith.constant 2 : i32
      %add3A_268 = arith.addi %add3A_259, %add3A_267 : i32
      %dma_start3A_269 = arith.constant 0 : i32
      %dma_start3A_270 = arith.constant 0 : i32
      %dma_start3A_271 = tpu.memref_slice %arg8[%dma_start3A_269, %dma_start3A_270] : memref<2x128xi32, #tpu.memory_space<vmem>> -> memref<1x128xi32, #tpu.memory_space<vmem>>
      %dma_start3A_272 = tpu.memref_squeeze %dma_start3A_271 : memref<1x128xi32, #tpu.memory_space<vmem>> -> memref<128xi32, #tpu.memory_space<vmem>>
      %dma_start3A_273 = arith.constant 0 : i32
      %dma_start3A_274 = tpu.memref_slice %arg3[%arg1, %add3A_268, %dma_start3A_273] : memref<16x80x128xi32, #tpu.memory_space<hbm>> -> memref<1x1x128xi32, #tpu.memory_space<hbm>>
      %dma_start3A_275 = tpu.memref_squeeze %dma_start3A_274 : memref<1x1x128xi32, #tpu.memory_space<hbm>> -> memref<128xi32, #tpu.memory_space<hbm>>
      %dma_start3A_276 = arith.constant 0 : i32
      %dma_start3A_277 = tpu.memref_slice %arg8[%dma_start3A_269, %dma_start3A_276] : memref<2x128xi32, #tpu.memory_space<vmem>> -> memref<1x128xi32, #tpu.memory_space<vmem>>
      %dma_start3A_278 = tpu.memref_squeeze %dma_start3A_277 : memref<1x128xi32, #tpu.memory_space<vmem>> -> memref<128xi32, #tpu.memory_space<vmem>>
      %dma_start3A_279 = arith.constant 0 : i32
      %dma_start3A_280 = tpu.memref_slice %arg3[%arg1, %add3A_268, %dma_start3A_279] : memref<16x80x128xi32, #tpu.memory_space<hbm>> -> memref<1x1x128xi32, #tpu.memory_space<hbm>>
      %dma_start3A_281 = tpu.memref_squeeze %dma_start3A_280 : memref<1x1x128xi32, #tpu.memory_space<hbm>> -> memref<128xi32, #tpu.memory_space<hbm>>
      tpu.enqueue_dma source(%dma_start3A_281 : memref<128xi32, #tpu.memory_space<hbm>>) target(%dma_start3A_278 : memref<128xi32, #tpu.memory_space<vmem>>) target_semaphore(%arg14 : memref<!tpu.dma_semaphore, #tpu.memory_space<semaphore_mem>>)
      "tpu.region"() ({
        %run_scoped3A_560 = tpu.sem_alloc : memref<!tpu.dma_semaphore, #tpu.memory_space<semaphore_mem>>
        %dma_start3A_561 = arith.constant 0 : i32
        %dma_start3A_562 = tpu.memref_slice %arg7[%add3A_259, %dma_start3A_561] : memref<80x128xi32, #tpu.memory_space<vmem>> -> memref<1x128xi32, #tpu.memory_space<vmem>>
        %dma_start3A_563 = tpu.memref_squeeze %dma_start3A_562 : memref<1x128xi32, #tpu.memory_space<vmem>> -> memref<128xi32, #tpu.memory_space<vmem>>
        %dma_start3A_564 = arith.constant 0 : i32
        %dma_start3A_565 = arith.constant 0 : i32
        %dma_start3A_566 = tpu.memref_slice %arg11[%dma_start3A_564, %dma_start3A_565] : memref<10112x128xf32, #tpu.memory_space<vmem_shared>> -> memref<10112x128xf32, #tpu.memory_space<vmem_shared>>
        tpu.enqueue_indirect_dma source(%arg9 : memref<128x128xf32, #tpu.memory_space<vmem>>) target(%dma_start3A_566 : memref<10112x128xf32, #tpu.memory_space<vmem_shared>>) offsets(%dma_start3A_563 : memref<128xi32, #tpu.memory_space<vmem>>) semaphore(%run_scoped3A_560 : memref<!tpu.dma_semaphore, #tpu.memory_space<semaphore_mem>>) {add = true}
        %dma_wait3A_567 = arith.constant 0 : i32
        %dma_wait3A_568 = tpu.memref_slice %arg7[%add3A_259, %dma_wait3A_567] : memref<80x128xi32, #tpu.memory_space<vmem>> -> memref<1x128xi32, #tpu.memory_space<vmem>>
        %dma_wait3A_569 = tpu.memref_squeeze %dma_wait3A_568 : memref<1x128xi32, #tpu.memory_space<vmem>> -> memref<128xi32, #tpu.memory_space<vmem>>
        %dma_wait3A_570 = arith.constant 0 : i32
        %dma_wait3A_571 = arith.constant 0 : i32
        %dma_wait3A_572 = tpu.memref_slice %arg11[%dma_wait3A_570, %dma_wait3A_571] : memref<10112x128xf32, #tpu.memory_space<vmem_shared>> -> memref<10112x128xf32, #tpu.memory_space<vmem_shared>>
        tpu.wait_indirect_dma semaphore(%run_scoped3A_560 : memref<!tpu.dma_semaphore, #tpu.memory_space<semaphore_mem>>) src(%arg9 : memref<128x128xf32, #tpu.memory_space<vmem>>) dst(%dma_wait3A_572 : memref<10112x128xf32, #tpu.memory_space<vmem_shared>>)
        tpu.yield
      }) : () -> ()
      %add3A_282 = arith.constant 2 : i32
      %add3A_283 = arith.addi %add3A_259, %add3A_282 : i32
      %dma_wait3A_284 = arith.constant 0 : i32
      %dma_wait3A_285 = arith.constant 0 : i32
      %dma_wait3A_286 = tpu.memref_slice %arg8[%dma_wait3A_284, %dma_wait3A_285] : memref<2x128xi32, #tpu.memory_space<vmem>> -> memref<1x128xi32, #tpu.memory_space<vmem>>
      %dma_wait3A_287 = tpu.memref_squeeze %dma_wait3A_286 : memref<1x128xi32, #tpu.memory_space<vmem>> -> memref<128xi32, #tpu.memory_space<vmem>>
      %dma_wait3A_288 = arith.constant 0 : i32
      %dma_wait3A_289 = tpu.memref_slice %arg3[%arg1, %add3A_283, %dma_wait3A_288] : memref<16x80x128xi32, #tpu.memory_space<hbm>> -> memref<1x1x128xi32, #tpu.memory_space<hbm>>
      %dma_wait3A_290 = tpu.memref_squeeze %dma_wait3A_289 : memref<1x1x128xi32, #tpu.memory_space<hbm>> -> memref<128xi32, #tpu.memory_space<hbm>>
      %dma_wait3A_291 = arith.constant 0 : i32
      %dma_wait3A_292 = tpu.memref_slice %arg8[%dma_wait3A_284, %dma_wait3A_291] : memref<2x128xi32, #tpu.memory_space<vmem>> -> memref<1x128xi32, #tpu.memory_space<vmem>>
      %dma_wait3A_293 = tpu.memref_squeeze %dma_wait3A_292 : memref<1x128xi32, #tpu.memory_space<vmem>> -> memref<128xi32, #tpu.memory_space<vmem>>
      %dma_wait3A_294 = arith.constant 0 : i32
      %dma_wait3A_295 = tpu.memref_slice %arg3[%arg1, %add3A_283, %dma_wait3A_294] : memref<16x80x128xi32, #tpu.memory_space<hbm>> -> memref<1x1x128xi32, #tpu.memory_space<hbm>>
      %dma_wait3A_296 = tpu.memref_squeeze %dma_wait3A_295 : memref<1x1x128xi32, #tpu.memory_space<hbm>> -> memref<128xi32, #tpu.memory_space<hbm>>
      tpu.wait_dma2 semaphore(%arg14 : memref<!tpu.dma_semaphore, #tpu.memory_space<semaphore_mem>>) src(%dma_wait3A_296 : memref<128xi32, #tpu.memory_space<hbm>>) dst(%dma_wait3A_293 : memref<128xi32, #tpu.memory_space<vmem>>)
      %get3A_297 = arith.constant 0 : i32
      %get3A_298 = arith.index_cast %get3A_297 : i32 to index
      %get3A_299 = arith.constant 0 : index
      %get3A_300 = tpu.vector_load %arg8[%get3A_298, %get3A_299] {strides = array<i32>} : memref<2x128xi32, #tpu.memory_space<vmem>>, vector<1x16xi32>,
      %get3A_301 = vector.shape_cast %get3A_300 : vector<1x16xi32> to vector<16xi32>
      %add3A_302 = vector.broadcast %mul3A_0 : i32 to vector<16xi32>
      %add3A_303 = arith.addi %get3A_301, %add3A_302 : vector<16xi32>
      %swap3A_304 = arith.constant 0 : i32
      %swap3A_305 = arith.index_cast %swap3A_304 : i32 to index
      %swap3A_306 = arith.constant 0 : index
      %swap3A_307 = tpu.vector_load %arg8[%swap3A_305, %swap3A_306] {strides = array<i32>} : memref<2x128xi32, #tpu.memory_space<vmem>>, vector<1x16xi32>,
      %swap3A_308 = vector.shape_cast %swap3A_307 : vector<1x16xi32> to vector<16xi32>
      %swap3A_309 = vector.shape_cast %add3A_303 : vector<16xi32> to vector<1x16xi32>
      tpu.vector_store %arg8[%swap3A_305, %swap3A_306], %swap3A_309 {strides = array<i32>} : memref<2x128xi32, #tpu.memory_space<vmem>>, vector<1x16xi32>,
      %get3A_310 = arith.constant 0 : i32
      %get3A_311 = arith.index_cast %get3A_310 : i32 to index
      %get3A_312 = arith.constant 16 : index
      %get3A_313 = tpu.vector_load %arg8[%get3A_311, %get3A_312] {strides = array<i32>} : memref<2x128xi32, #tpu.memory_space<vmem>>, vector<1x16xi32>,
      %get3A_314 = vector.shape_cast %get3A_313 : vector<1x16xi32> to vector<16xi32>
      %add3A_315 = vector.broadcast %mul3A_0 : i32 to vector<16xi32>
      %add3A_316 = arith.addi %get3A_314, %add3A_315 : vector<16xi32>
      %swap3A_317 = arith.constant 0 : i32
      %swap3A_318 = arith.index_cast %swap3A_317 : i32 to index
      %swap3A_319 = arith.constant 16 : index
      %swap3A_320 = tpu.vector_load %arg8[%swap3A_318, %swap3A_319] {strides = array<i32>} : memref<2x128xi32, #tpu.memory_space<vmem>>, vector<1x16xi32>,
      %swap3A_321 = vector.shape_cast %swap3A_320 : vector<1x16xi32> to vector<16xi32>
      %swap3A_322 = vector.shape_cast %add3A_316 : vector<16xi32> to vector<1x16xi32>
      tpu.vector_store %arg8[%swap3A_318, %swap3A_319], %swap3A_322 {strides = array<i32>} : memref<2x128xi32, #tpu.memory_space<vmem>>, vector<1x16xi32>,
      %get3A_323 = arith.constant 0 : i32
      %get3A_324 = arith.index_cast %get3A_323 : i32 to index
      %get3A_325 = arith.constant 32 : index
      %get3A_326 = tpu.vector_load %arg8[%get3A_324, %get3A_325] {strides = array<i32>} : memref<2x128xi32, #tpu.memory_space<vmem>>, vector<1x16xi32>,
      %get3A_327 = vector.shape_cast %get3A_326 : vector<1x16xi32> to vector<16xi32>
      %add3A_328 = vector.broadcast %mul3A_0 : i32 to vector<16xi32>
      %add3A_329 = arith.addi %get3A_327, %add3A_328 : vector<16xi32>
      %swap3A_330 = arith.constant 0 : i32
      %swap3A_331 = arith.index_cast %swap3A_330 : i32 to index
      %swap3A_332 = arith.constant 32 : index
      %swap3A_333 = tpu.vector_load %arg8[%swap3A_331, %swap3A_332] {strides = array<i32>} : memref<2x128xi32, #tpu.memory_space<vmem>>, vector<1x16xi32>,
      %swap3A_334 = vector.shape_cast %swap3A_333 : vector<1x16xi32> to vector<16xi32>
      %swap3A_335 = vector.shape_cast %add3A_329 : vector<16xi32> to vector<1x16xi32>
      tpu.vector_store %arg8[%swap3A_331, %swap3A_332], %swap3A_335 {strides = array<i32>} : memref<2x128xi32, #tpu.memory_space<vmem>>, vector<1x16xi32>,
      %get3A_336 = arith.constant 0 : i32
      %get3A_337 = arith.index_cast %get3A_336 : i32 to index
      %get3A_338 = arith.constant 48 : index
      %get3A_339 = tpu.vector_load %arg8[%get3A_337, %get3A_338] {strides = array<i32>} : memref<2x128xi32, #tpu.memory_space<vmem>>, vector<1x16xi32>,
      %get3A_340 = vector.shape_cast %get3A_339 : vector<1x16xi32> to vector<16xi32>
      %add3A_341 = vector.broadcast %mul3A_0 : i32 to vector<16xi32>
      %add3A_342 = arith.addi %get3A_340, %add3A_341 : vector<16xi32>
      %swap3A_343 = arith.constant 0 : i32
      %swap3A_344 = arith.index_cast %swap3A_343 : i32 to index
      %swap3A_345 = arith.constant 48 : index
      %swap3A_346 = tpu.vector_load %arg8[%swap3A_344, %swap3A_345] {strides = array<i32>} : memref<2x128xi32, #tpu.memory_space<vmem>>, vector<1x16xi32>,
      %swap3A_347 = vector.shape_cast %swap3A_346 : vector<1x16xi32> to vector<16xi32>
      %swap3A_348 = vector.shape_cast %add3A_342 : vector<16xi32> to vector<1x16xi32>
      tpu.vector_store %arg8[%swap3A_344, %swap3A_345], %swap3A_348 {strides = array<i32>} : memref<2x128xi32, #tpu.memory_space<vmem>>, vector<1x16xi32>,
      %get3A_349 = arith.constant 0 : i32
      %get3A_350 = arith.index_cast %get3A_349 : i32 to index
      %get3A_351 = arith.constant 64 : index
      %get3A_352 = tpu.vector_load %arg8[%get3A_350, %get3A_351] {strides = array<i32>} : memref<2x128xi32, #tpu.memory_space<vmem>>, vector<1x16xi32>,
      %get3A_353 = vector.shape_cast %get3A_352 : vector<1x16xi32> to vector<16xi32>
      %add3A_354 = vector.broadcast %mul3A_0 : i32 to vector<16xi32>
      %add3A_355 = arith.addi %get3A_353, %add3A_354 : vector<16xi32>
      %swap3A_356 = arith.constant 0 : i32
      %swap3A_357 = arith.index_cast %swap3A_356 : i32 to index
      %swap3A_358 = arith.constant 64 : index
      %swap3A_359 = tpu.vector_load %arg8[%swap3A_357, %swap3A_358] {strides = array<i32>} : memref<2x128xi32, #tpu.memory_space<vmem>>, vector<1x16xi32>,
      %swap3A_360 = vector.shape_cast %swap3A_359 : vector<1x16xi32> to vector<16xi32>
      %swap3A_361 = vector.shape_cast %add3A_355 : vector<16xi32> to vector<1x16xi32>
      tpu.vector_store %arg8[%swap3A_357, %swap3A_358], %swap3A_361 {strides = array<i32>} : memref<2x128xi32, #tpu.memory_space<vmem>>, vector<1x16xi32>,
      %get3A_362 = arith.constant 0 : i32
      %get3A_363 = arith.index_cast %get3A_362 : i32 to index
      %get3A_364 = arith.constant 80 : index
      %get3A_365 = tpu.vector_load %arg8[%get3A_363, %get3A_364] {strides = array<i32>} : memref<2x128xi32, #tpu.memory_space<vmem>>, vector<1x16xi32>,
      %get3A_366 = vector.shape_cast %get3A_365 : vector<1x16xi32> to vector<16xi32>
      %add3A_367 = vector.broadcast %mul3A_0 : i32 to vector<16xi32>
      %add3A_368 = arith.addi %get3A_366, %add3A_367 : vector<16xi32>
      %swap3A_369 = arith.constant 0 : i32
      %swap3A_370 = arith.index_cast %swap3A_369 : i32 to index
      %swap3A_371 = arith.constant 80 : index
      %swap3A_372 = tpu.vector_load %arg8[%swap3A_370, %swap3A_371] {strides = array<i32>} : memref<2x128xi32, #tpu.memory_space<vmem>>, vector<1x16xi32>,
      %swap3A_373 = vector.shape_cast %swap3A_372 : vector<1x16xi32> to vector<16xi32>
      %swap3A_374 = vector.shape_cast %add3A_368 : vector<16xi32> to vector<1x16xi32>
      tpu.vector_store %arg8[%swap3A_370, %swap3A_371], %swap3A_374 {strides = array<i32>} : memref<2x128xi32, #tpu.memory_space<vmem>>, vector<1x16xi32>,
      %get3A_375 = arith.constant 0 : i32
      %get3A_376 = arith.index_cast %get3A_375 : i32 to index
      %get3A_377 = arith.constant 96 : index
      %get3A_378 = tpu.vector_load %arg8[%get3A_376, %get3A_377] {strides = array<i32>} : memref<2x128xi32, #tpu.memory_space<vmem>>, vector<1x16xi32>,
      %get3A_379 = vector.shape_cast %get3A_378 : vector<1x16xi32> to vector<16xi32>
      %add3A_380 = vector.broadcast %mul3A_0 : i32 to vector<16xi32>
      %add3A_381 = arith.addi %get3A_379, %add3A_380 : vector<16xi32>
      %swap3A_382 = arith.constant 0 : i32
      %swap3A_383 = arith.index_cast %swap3A_382 : i32 to index
      %swap3A_384 = arith.constant 96 : index
      %swap3A_385 = tpu.vector_load %arg8[%swap3A_383, %swap3A_384] {strides = array<i32>} : memref<2x128xi32, #tpu.memory_space<vmem>>, vector<1x16xi32>,
      %swap3A_386 = vector.shape_cast %swap3A_385 : vector<1x16xi32> to vector<16xi32>
      %swap3A_387 = vector.shape_cast %add3A_381 : vector<16xi32> to vector<1x16xi32>
      tpu.vector_store %arg8[%swap3A_383, %swap3A_384], %swap3A_387 {strides = array<i32>} : memref<2x128xi32, #tpu.memory_space<vmem>>, vector<1x16xi32>,
      %get3A_388 = arith.constant 0 : i32
      %get3A_389 = arith.index_cast %get3A_388 : i32 to index
      %get3A_390 = arith.constant 112 : index
      %get3A_391 = tpu.vector_load %arg8[%get3A_389, %get3A_390] {strides = array<i32>} : memref<2x128xi32, #tpu.memory_space<vmem>>, vector<1x16xi32>,
      %get3A_392 = vector.shape_cast %get3A_391 : vector<1x16xi32> to vector<16xi32>
      %add3A_393 = vector.broadcast %mul3A_0 : i32 to vector<16xi32>
      %add3A_394 = arith.addi %get3A_392, %add3A_393 : vector<16xi32>
      %swap3A_395 = arith.constant 0 : i32
      %swap3A_396 = arith.index_cast %swap3A_395 : i32 to index
      %swap3A_397 = arith.constant 112 : index
      %swap3A_398 = tpu.vector_load %arg8[%swap3A_396, %swap3A_397] {strides = array<i32>} : memref<2x128xi32, #tpu.memory_space<vmem>>, vector<1x16xi32>,
      %swap3A_399 = vector.shape_cast %swap3A_398 : vector<1x16xi32> to vector<16xi32>
      %swap3A_400 = vector.shape_cast %add3A_394 : vector<16xi32> to vector<1x16xi32>
      tpu.vector_store %arg8[%swap3A_396, %swap3A_397], %swap3A_400 {strides = array<i32>} : memref<2x128xi32, #tpu.memory_space<vmem>>, vector<1x16xi32>,
      %dma_start3A_401 = arith.constant 0 : i32
      %dma_start3A_402 = arith.constant 0 : i32
      %dma_start3A_403 = tpu.memref_slice %arg8[%dma_start3A_401, %dma_start3A_402] : memref<2x128xi32, #tpu.memory_space<vmem>> -> memref<1x128xi32, #tpu.memory_space<vmem>>
      %dma_start3A_404 = tpu.memref_squeeze %dma_start3A_403 : memref<1x128xi32, #tpu.memory_space<vmem>> -> memref<128xi32, #tpu.memory_space<vmem>>
      %dma_start3A_405 = arith.constant 0 : i32
      %dma_start3A_406 = arith.constant 0 : i32
      %dma_start3A_407 = tpu.memref_slice %arg2[%dma_start3A_405, %dma_start3A_406] : memref<20000x128xf32, #tpu.memory_space<hbm>> -> memref<20000x128xf32, #tpu.memory_space<hbm>>
      tpu.enqueue_indirect_dma source(%dma_start3A_407 : memref<20000x128xf32, #tpu.memory_space<hbm>>) target(%arg9 : memref<128x128xf32, #tpu.memory_space<vmem>>) offsets(%dma_start3A_404 : memref<128xi32, #tpu.memory_space<vmem>>) semaphore(%arg12 : memref<!tpu.dma_semaphore, #tpu.memory_space<semaphore_mem>>)
      %mul3A_408 = arith.constant 2 : i32
      %mul3A_409 = arith.muli %mul3A_408, %scan3A_255 : i32
      %add3A_410 = arith.constant 1 : i32
      %add3A_411 = arith.addi %mul3A_409, %add3A_410 : i32
      %dma_wait3A_412 = arith.constant 1 : i32
      %dma_wait3A_413 = arith.constant 0 : i32
      %dma_wait3A_414 = tpu.memref_slice %arg8[%dma_wait3A_412, %dma_wait3A_413] : memref<2x128xi32, #tpu.memory_space<vmem>> -> memref<1x128xi32, #tpu.memory_space<vmem>>
      %dma_wait3A_415 = tpu.memref_squeeze %dma_wait3A_414 : memref<1x128xi32, #tpu.memory_space<vmem>> -> memref<128xi32, #tpu.memory_space<vmem>>
      %dma_wait3A_416 = arith.constant 0 : i32
      %dma_wait3A_417 = arith.constant 0 : i32
      %dma_wait3A_418 = tpu.memref_slice %arg2[%dma_wait3A_416, %dma_wait3A_417] : memref<20000x128xf32, #tpu.memory_space<hbm>> -> memref<20000x128xf32, #tpu.memory_space<hbm>>
      tpu.wait_indirect_dma semaphore(%arg13 : memref<!tpu.dma_semaphore, #tpu.memory_space<semaphore_mem>>) src(%dma_wait3A_418 : memref<20000x128xf32, #tpu.memory_space<hbm>>) dst(%arg10 : memref<128x128xf32, #tpu.memory_space<vmem>>)
      %add3A_419 = arith.constant 2 : i32
      %add3A_420 = arith.addi %add3A_411, %add3A_419 : i32
      %dma_start3A_421 = arith.constant 1 : i32
      %dma_start3A_422 = arith.constant 0 : i32
      %dma_start3A_423 = tpu.memref_slice %arg8[%dma_start3A_421, %dma_start3A_422] : memref<2x128xi32, #tpu.memory_space<vmem>> -> memref<1x128xi32, #tpu.memory_space<vmem>>
      %dma_start3A_424 = tpu.memref_squeeze %dma_start3A_423 : memref<1x128xi32, #tpu.memory_space<vmem>> -> memref<128xi32, #tpu.memory_space<vmem>>
      %dma_start3A_425 = arith.constant 0 : i32
      %dma_start3A_426 = tpu.memref_slice %arg3[%arg1, %add3A_420, %dma_start3A_425] : memref<16x80x128xi32, #tpu.memory_space<hbm>> -> memref<1x1x128xi32, #tpu.memory_space<hbm>>
      %dma_start3A_427 = tpu.memref_squeeze %dma_start3A_426 : memref<1x1x128xi32, #tpu.memory_space<hbm>> -> memref<128xi32, #tpu.memory_space<hbm>>
      %dma_start3A_428 = arith.constant 0 : i32
      %dma_start3A_429 = tpu.memref_slice %arg8[%dma_start3A_421, %dma_start3A_428] : memref<2x128xi32, #tpu.memory_space<vmem>> -> memref<1x128xi32, #tpu.memory_space<vmem>>
      %dma_start3A_430 = tpu.memref_squeeze %dma_start3A_429 : memref<1x128xi32, #tpu.memory_space<vmem>> -> memref<128xi32, #tpu.memory_space<vmem>>
      %dma_start3A_431 = arith.constant 0 : i32
      %dma_start3A_432 = tpu.memref_slice %arg3[%arg1, %add3A_420, %dma_start3A_431] : memref<16x80x128xi32, #tpu.memory_space<hbm>> -> memref<1x1x128xi32, #tpu.memory_space<hbm>>
      %dma_start3A_433 = tpu.memref_squeeze %dma_start3A_432 : memref<1x1x128xi32, #tpu.memory_space<hbm>> -> memref<128xi32, #tpu.memory_space<hbm>>
      tpu.enqueue_dma source(%dma_start3A_433 : memref<128xi32, #tpu.memory_space<hbm>>) target(%dma_start3A_430 : memref<128xi32, #tpu.memory_space<vmem>>) target_semaphore(%arg15 : memref<!tpu.dma_semaphore, #tpu.memory_space<semaphore_mem>>)
      "tpu.region"() ({
        %run_scoped3A_560 = tpu.sem_alloc : memref<!tpu.dma_semaphore, #tpu.memory_space<semaphore_mem>>
        %dma_start3A_561 = arith.constant 0 : i32
        %dma_start3A_562 = tpu.memref_slice %arg7[%add3A_411, %dma_start3A_561] : memref<80x128xi32, #tpu.memory_space<vmem>> -> memref<1x128xi32, #tpu.memory_space<vmem>>
        %dma_start3A_563 = tpu.memref_squeeze %dma_start3A_562 : memref<1x128xi32, #tpu.memory_space<vmem>> -> memref<128xi32, #tpu.memory_space<vmem>>
        %dma_start3A_564 = arith.constant 0 : i32
        %dma_start3A_565 = arith.constant 0 : i32
        %dma_start3A_566 = tpu.memref_slice %arg11[%dma_start3A_564, %dma_start3A_565] : memref<10112x128xf32, #tpu.memory_space<vmem_shared>> -> memref<10112x128xf32, #tpu.memory_space<vmem_shared>>
        tpu.enqueue_indirect_dma source(%arg10 : memref<128x128xf32, #tpu.memory_space<vmem>>) target(%dma_start3A_566 : memref<10112x128xf32, #tpu.memory_space<vmem_shared>>) offsets(%dma_start3A_563 : memref<128xi32, #tpu.memory_space<vmem>>) semaphore(%run_scoped3A_560 : memref<!tpu.dma_semaphore, #tpu.memory_space<semaphore_mem>>) {add = true}
        %dma_wait3A_567 = arith.constant 0 : i32
        %dma_wait3A_568 = tpu.memref_slice %arg7[%add3A_411, %dma_wait3A_567] : memref<80x128xi32, #tpu.memory_space<vmem>> -> memref<1x128xi32, #tpu.memory_space<vmem>>
        %dma_wait3A_569 = tpu.memref_squeeze %dma_wait3A_568 : memref<1x128xi32, #tpu.memory_space<vmem>> -> memref<128xi32, #tpu.memory_space<vmem>>
        %dma_wait3A_570 = arith.constant 0 : i32
        %dma_wait3A_571 = arith.constant 0 : i32
        %dma_wait3A_572 = tpu.memref_slice %arg11[%dma_wait3A_570, %dma_wait3A_571] : memref<10112x128xf32, #tpu.memory_space<vmem_shared>> -> memref<10112x128xf32, #tpu.memory_space<vmem_shared>>
        tpu.wait_indirect_dma semaphore(%run_scoped3A_560 : memref<!tpu.dma_semaphore, #tpu.memory_space<semaphore_mem>>) src(%arg10 : memref<128x128xf32, #tpu.memory_space<vmem>>) dst(%dma_wait3A_572 : memref<10112x128xf32, #tpu.memory_space<vmem_shared>>)
        tpu.yield
      }) : () -> ()
      %add3A_434 = arith.constant 2 : i32
      %add3A_435 = arith.addi %add3A_411, %add3A_434 : i32
      %dma_wait3A_436 = arith.constant 1 : i32
      %dma_wait3A_437 = arith.constant 0 : i32
      %dma_wait3A_438 = tpu.memref_slice %arg8[%dma_wait3A_436, %dma_wait3A_437] : memref<2x128xi32, #tpu.memory_space<vmem>> -> memref<1x128xi32, #tpu.memory_space<vmem>>
      %dma_wait3A_439 = tpu.memref_squeeze %dma_wait3A_438 : memref<1x128xi32, #tpu.memory_space<vmem>> -> memref<128xi32, #tpu.memory_space<vmem>>
      %dma_wait3A_440 = arith.constant 0 : i32
      %dma_wait3A_441 = tpu.memref_slice %arg3[%arg1, %add3A_435, %dma_wait3A_440] : memref<16x80x128xi32, #tpu.memory_space<hbm>> -> memref<1x1x128xi32, #tpu.memory_space<hbm>>
      %dma_wait3A_442 = tpu.memref_squeeze %dma_wait3A_441 : memref<1x1x128xi32, #tpu.memory_space<hbm>> -> memref<128xi32, #tpu.memory_space<hbm>>
      %dma_wait3A_443 = arith.constant 0 : i32
      %dma_wait3A_444 = tpu.memref_slice %arg8[%dma_wait3A_436, %dma_wait3A_443] : memref<2x128xi32, #tpu.memory_space<vmem>> -> memref<1x128xi32, #tpu.memory_space<vmem>>
      %dma_wait3A_445 = tpu.memref_squeeze %dma_wait3A_444 : memref<1x128xi32, #tpu.memory_space<vmem>> -> memref<128xi32, #tpu.memory_space<vmem>>
      %dma_wait3A_446 = arith.constant 0 : i32
      %dma_wait3A_447 = tpu.memref_slice %arg3[%arg1, %add3A_435, %dma_wait3A_446] : memref<16x80x128xi32, #tpu.memory_space<hbm>> -> memref<1x1x128xi32, #tpu.memory_space<hbm>>
      %dma_wait3A_448 = tpu.memref_squeeze %dma_wait3A_447 : memref<1x1x128xi32, #tpu.memory_space<hbm>> -> memref<128xi32, #tpu.memory_space<hbm>>
      tpu.wait_dma2 semaphore(%arg15 : memref<!tpu.dma_semaphore, #tpu.memory_space<semaphore_mem>>) src(%dma_wait3A_448 : memref<128xi32, #tpu.memory_space<hbm>>) dst(%dma_wait3A_445 : memref<128xi32, #tpu.memory_space<vmem>>)
      %get3A_449 = arith.constant 1 : i32
      %get3A_450 = arith.index_cast %get3A_449 : i32 to index
      %get3A_451 = arith.constant 0 : index
      %get3A_452 = tpu.vector_load %arg8[%get3A_450, %get3A_451] {strides = array<i32>} : memref<2x128xi32, #tpu.memory_space<vmem>>, vector<1x16xi32>,
      %get3A_453 = vector.shape_cast %get3A_452 : vector<1x16xi32> to vector<16xi32>
      %add3A_454 = vector.broadcast %mul3A_0 : i32 to vector<16xi32>
      %add3A_455 = arith.addi %get3A_453, %add3A_454 : vector<16xi32>
      %swap3A_456 = arith.constant 1 : i32
      %swap3A_457 = arith.index_cast %swap3A_456 : i32 to index
      %swap3A_458 = arith.constant 0 : index
      %swap3A_459 = tpu.vector_load %arg8[%swap3A_457, %swap3A_458] {strides = array<i32>} : memref<2x128xi32, #tpu.memory_space<vmem>>, vector<1x16xi32>,
      %swap3A_460 = vector.shape_cast %swap3A_459 : vector<1x16xi32> to vector<16xi32>
      %swap3A_461 = vector.shape_cast %add3A_455 : vector<16xi32> to vector<1x16xi32>
      tpu.vector_store %arg8[%swap3A_457, %swap3A_458], %swap3A_461 {strides = array<i32>} : memref<2x128xi32, #tpu.memory_space<vmem>>, vector<1x16xi32>,
      %get3A_462 = arith.constant 1 : i32
      %get3A_463 = arith.index_cast %get3A_462 : i32 to index
      %get3A_464 = arith.constant 16 : index
      %get3A_465 = tpu.vector_load %arg8[%get3A_463, %get3A_464] {strides = array<i32>} : memref<2x128xi32, #tpu.memory_space<vmem>>, vector<1x16xi32>,
      %get3A_466 = vector.shape_cast %get3A_465 : vector<1x16xi32> to vector<16xi32>
      %add3A_467 = vector.broadcast %mul3A_0 : i32 to vector<16xi32>
      %add3A_468 = arith.addi %get3A_466, %add3A_467 : vector<16xi32>
      %swap3A_469 = arith.constant 1 : i32
      %swap3A_470 = arith.index_cast %swap3A_469 : i32 to index
      %swap3A_471 = arith.constant 16 : index
      %swap3A_472 = tpu.vector_load %arg8[%swap3A_470, %swap3A_471] {strides = array<i32>} : memref<2x128xi32, #tpu.memory_space<vmem>>, vector<1x16xi32>,
      %swap3A_473 = vector.shape_cast %swap3A_472 : vector<1x16xi32> to vector<16xi32>
      %swap3A_474 = vector.shape_cast %add3A_468 : vector<16xi32> to vector<1x16xi32>
      tpu.vector_store %arg8[%swap3A_470, %swap3A_471], %swap3A_474 {strides = array<i32>} : memref<2x128xi32, #tpu.memory_space<vmem>>, vector<1x16xi32>,
      %get3A_475 = arith.constant 1 : i32
      %get3A_476 = arith.index_cast %get3A_475 : i32 to index
      %get3A_477 = arith.constant 32 : index
      %get3A_478 = tpu.vector_load %arg8[%get3A_476, %get3A_477] {strides = array<i32>} : memref<2x128xi32, #tpu.memory_space<vmem>>, vector<1x16xi32>,
      %get3A_479 = vector.shape_cast %get3A_478 : vector<1x16xi32> to vector<16xi32>
      %add3A_480 = vector.broadcast %mul3A_0 : i32 to vector<16xi32>
      %add3A_481 = arith.addi %get3A_479, %add3A_480 : vector<16xi32>
      %swap3A_482 = arith.constant 1 : i32
      %swap3A_483 = arith.index_cast %swap3A_482 : i32 to index
      %swap3A_484 = arith.constant 32 : index
      %swap3A_485 = tpu.vector_load %arg8[%swap3A_483, %swap3A_484] {strides = array<i32>} : memref<2x128xi32, #tpu.memory_space<vmem>>, vector<1x16xi32>,
      %swap3A_486 = vector.shape_cast %swap3A_485 : vector<1x16xi32> to vector<16xi32>
      %swap3A_487 = vector.shape_cast %add3A_481 : vector<16xi32> to vector<1x16xi32>
      tpu.vector_store %arg8[%swap3A_483, %swap3A_484], %swap3A_487 {strides = array<i32>} : memref<2x128xi32, #tpu.memory_space<vmem>>, vector<1x16xi32>,
      %get3A_488 = arith.constant 1 : i32
      %get3A_489 = arith.index_cast %get3A_488 : i32 to index
      %get3A_490 = arith.constant 48 : index
      %get3A_491 = tpu.vector_load %arg8[%get3A_489, %get3A_490] {strides = array<i32>} : memref<2x128xi32, #tpu.memory_space<vmem>>, vector<1x16xi32>,
      %get3A_492 = vector.shape_cast %get3A_491 : vector<1x16xi32> to vector<16xi32>
      %add3A_493 = vector.broadcast %mul3A_0 : i32 to vector<16xi32>
      %add3A_494 = arith.addi %get3A_492, %add3A_493 : vector<16xi32>
      %swap3A_495 = arith.constant 1 : i32
      %swap3A_496 = arith.index_cast %swap3A_495 : i32 to index
      %swap3A_497 = arith.constant 48 : index
      %swap3A_498 = tpu.vector_load %arg8[%swap3A_496, %swap3A_497] {strides = array<i32>} : memref<2x128xi32, #tpu.memory_space<vmem>>, vector<1x16xi32>,
      %swap3A_499 = vector.shape_cast %swap3A_498 : vector<1x16xi32> to vector<16xi32>
      %swap3A_500 = vector.shape_cast %add3A_494 : vector<16xi32> to vector<1x16xi32>
      tpu.vector_store %arg8[%swap3A_496, %swap3A_497], %swap3A_500 {strides = array<i32>} : memref<2x128xi32, #tpu.memory_space<vmem>>, vector<1x16xi32>,
      %get3A_501 = arith.constant 1 : i32
      %get3A_502 = arith.index_cast %get3A_501 : i32 to index
      %get3A_503 = arith.constant 64 : index
      %get3A_504 = tpu.vector_load %arg8[%get3A_502, %get3A_503] {strides = array<i32>} : memref<2x128xi32, #tpu.memory_space<vmem>>, vector<1x16xi32>,
      %get3A_505 = vector.shape_cast %get3A_504 : vector<1x16xi32> to vector<16xi32>
      %add3A_506 = vector.broadcast %mul3A_0 : i32 to vector<16xi32>
      %add3A_507 = arith.addi %get3A_505, %add3A_506 : vector<16xi32>
      %swap3A_508 = arith.constant 1 : i32
      %swap3A_509 = arith.index_cast %swap3A_508 : i32 to index
      %swap3A_510 = arith.constant 64 : index
      %swap3A_511 = tpu.vector_load %arg8[%swap3A_509, %swap3A_510] {strides = array<i32>} : memref<2x128xi32, #tpu.memory_space<vmem>>, vector<1x16xi32>,
      %swap3A_512 = vector.shape_cast %swap3A_511 : vector<1x16xi32> to vector<16xi32>
      %swap3A_513 = vector.shape_cast %add3A_507 : vector<16xi32> to vector<1x16xi32>
      tpu.vector_store %arg8[%swap3A_509, %swap3A_510], %swap3A_513 {strides = array<i32>} : memref<2x128xi32, #tpu.memory_space<vmem>>, vector<1x16xi32>,
      %get3A_514 = arith.constant 1 : i32
      %get3A_515 = arith.index_cast %get3A_514 : i32 to index
      %get3A_516 = arith.constant 80 : index
      %get3A_517 = tpu.vector_load %arg8[%get3A_515, %get3A_516] {strides = array<i32>} : memref<2x128xi32, #tpu.memory_space<vmem>>, vector<1x16xi32>,
      %get3A_518 = vector.shape_cast %get3A_517 : vector<1x16xi32> to vector<16xi32>
      %add3A_519 = vector.broadcast %mul3A_0 : i32 to vector<16xi32>
      %add3A_520 = arith.addi %get3A_518, %add3A_519 : vector<16xi32>
      %swap3A_521 = arith.constant 1 : i32
      %swap3A_522 = arith.index_cast %swap3A_521 : i32 to index
      %swap3A_523 = arith.constant 80 : index
      %swap3A_524 = tpu.vector_load %arg8[%swap3A_522, %swap3A_523] {strides = array<i32>} : memref<2x128xi32, #tpu.memory_space<vmem>>, vector<1x16xi32>,
      %swap3A_525 = vector.shape_cast %swap3A_524 : vector<1x16xi32> to vector<16xi32>
      %swap3A_526 = vector.shape_cast %add3A_520 : vector<16xi32> to vector<1x16xi32>
      tpu.vector_store %arg8[%swap3A_522, %swap3A_523], %swap3A_526 {strides = array<i32>} : memref<2x128xi32, #tpu.memory_space<vmem>>, vector<1x16xi32>,
      %get3A_527 = arith.constant 1 : i32
      %get3A_528 = arith.index_cast %get3A_527 : i32 to index
      %get3A_529 = arith.constant 96 : index
      %get3A_530 = tpu.vector_load %arg8[%get3A_528, %get3A_529] {strides = array<i32>} : memref<2x128xi32, #tpu.memory_space<vmem>>, vector<1x16xi32>,
      %get3A_531 = vector.shape_cast %get3A_530 : vector<1x16xi32> to vector<16xi32>
      %add3A_532 = vector.broadcast %mul3A_0 : i32 to vector<16xi32>
      %add3A_533 = arith.addi %get3A_531, %add3A_532 : vector<16xi32>
      %swap3A_534 = arith.constant 1 : i32
      %swap3A_535 = arith.index_cast %swap3A_534 : i32 to index
      %swap3A_536 = arith.constant 96 : index
      %swap3A_537 = tpu.vector_load %arg8[%swap3A_535, %swap3A_536] {strides = array<i32>} : memref<2x128xi32, #tpu.memory_space<vmem>>, vector<1x16xi32>,
      %swap3A_538 = vector.shape_cast %swap3A_537 : vector<1x16xi32> to vector<16xi32>
      %swap3A_539 = vector.shape_cast %add3A_533 : vector<16xi32> to vector<1x16xi32>
      tpu.vector_store %arg8[%swap3A_535, %swap3A_536], %swap3A_539 {strides = array<i32>} : memref<2x128xi32, #tpu.memory_space<vmem>>, vector<1x16xi32>,
      %get3A_540 = arith.constant 1 : i32
      %get3A_541 = arith.index_cast %get3A_540 : i32 to index
      %get3A_542 = arith.constant 112 : index
      %get3A_543 = tpu.vector_load %arg8[%get3A_541, %get3A_542] {strides = array<i32>} : memref<2x128xi32, #tpu.memory_space<vmem>>, vector<1x16xi32>,
      %get3A_544 = vector.shape_cast %get3A_543 : vector<1x16xi32> to vector<16xi32>
      %add3A_545 = vector.broadcast %mul3A_0 : i32 to vector<16xi32>
      %add3A_546 = arith.addi %get3A_544, %add3A_545 : vector<16xi32>
      %swap3A_547 = arith.constant 1 : i32
      %swap3A_548 = arith.index_cast %swap3A_547 : i32 to index
      %swap3A_549 = arith.constant 112 : index
      %swap3A_550 = tpu.vector_load %arg8[%swap3A_548, %swap3A_549] {strides = array<i32>} : memref<2x128xi32, #tpu.memory_space<vmem>>, vector<1x16xi32>,
      %swap3A_551 = vector.shape_cast %swap3A_550 : vector<1x16xi32> to vector<16xi32>
      %swap3A_552 = vector.shape_cast %add3A_546 : vector<16xi32> to vector<1x16xi32>
      tpu.vector_store %arg8[%swap3A_548, %swap3A_549], %swap3A_552 {strides = array<i32>} : memref<2x128xi32, #tpu.memory_space<vmem>>, vector<1x16xi32>,
      %dma_start3A_553 = arith.constant 1 : i32
      %dma_start3A_554 = arith.constant 0 : i32
      %dma_start3A_555 = tpu.memref_slice %arg8[%dma_start3A_553, %dma_start3A_554] : memref<2x128xi32, #tpu.memory_space<vmem>> -> memref<1x128xi32, #tpu.memory_space<vmem>>
      %dma_start3A_556 = tpu.memref_squeeze %dma_start3A_555 : memref<1x128xi32, #tpu.memory_space<vmem>> -> memref<128xi32, #tpu.memory_space<vmem>>
      %dma_start3A_557 = arith.constant 0 : i32
      %dma_start3A_558 = arith.constant 0 : i32
      %dma_start3A_559 = tpu.memref_slice %arg2[%dma_start3A_557, %dma_start3A_558] : memref<20000x128xf32, #tpu.memory_space<hbm>> -> memref<20000x128xf32, #tpu.memory_space<hbm>>
      tpu.enqueue_indirect_dma source(%dma_start3A_559 : memref<20000x128xf32, #tpu.memory_space<hbm>>) target(%arg10 : memref<128x128xf32, #tpu.memory_space<vmem>>) offsets(%dma_start3A_556 : memref<128xi32, #tpu.memory_space<vmem>>) semaphore(%arg13 : memref<!tpu.dma_semaphore, #tpu.memory_space<semaphore_mem>>)
    }
    %scan3A_230 = arith.constant 39 : i32
    %dma_wait3A = arith.constant 0 : i32
    %dma_wait3A_231 = arith.constant 0 : i32
    %dma_wait3A_232 = tpu.memref_slice %arg8[%dma_wait3A, %dma_wait3A_231] : memref<2x128xi32, #tpu.memory_space<vmem>> -> memref<1x128xi32, #tpu.memory_space<vmem>>
    %dma_wait3A_233 = tpu.memref_squeeze %dma_wait3A_232 : memref<1x128xi32, #tpu.memory_space<vmem>> -> memref<128xi32, #tpu.memory_space<vmem>>
    %dma_wait3A_234 = arith.constant 0 : i32
    %dma_wait3A_235 = arith.constant 0 : i32
    %dma_wait3A_236 = tpu.memref_slice %arg2[%dma_wait3A_234, %dma_wait3A_235] : memref<20000x128xf32, #tpu.memory_space<hbm>> -> memref<20000x128xf32, #tpu.memory_space<hbm>>
    tpu.wait_indirect_dma semaphore(%arg12 : memref<!tpu.dma_semaphore, #tpu.memory_space<semaphore_mem>>) src(%dma_wait3A_236 : memref<20000x128xf32, #tpu.memory_space<hbm>>) dst(%arg9 : memref<128x128xf32, #tpu.memory_space<vmem>>)
    %run_scoped3A_237 = arith.constant 78 : i32
    "tpu.region"() ({
      %run_scoped3A_255 = tpu.sem_alloc : memref<!tpu.dma_semaphore, #tpu.memory_space<semaphore_mem>>
      %dma_start3A_256 = arith.constant 0 : i32
      %dma_start3A_257 = tpu.memref_slice %arg7[%run_scoped3A_237, %dma_start3A_256] : memref<80x128xi32, #tpu.memory_space<vmem>> -> memref<1x128xi32, #tpu.memory_space<vmem>>
      %dma_start3A_258 = tpu.memref_squeeze %dma_start3A_257 : memref<1x128xi32, #tpu.memory_space<vmem>> -> memref<128xi32, #tpu.memory_space<vmem>>
      %dma_start3A_259 = arith.constant 0 : i32
      %dma_start3A_260 = arith.constant 0 : i32
      %dma_start3A_261 = tpu.memref_slice %arg11[%dma_start3A_259, %dma_start3A_260] : memref<10112x128xf32, #tpu.memory_space<vmem_shared>> -> memref<10112x128xf32, #tpu.memory_space<vmem_shared>>
      tpu.enqueue_indirect_dma source(%arg9 : memref<128x128xf32, #tpu.memory_space<vmem>>) target(%dma_start3A_261 : memref<10112x128xf32, #tpu.memory_space<vmem_shared>>) offsets(%dma_start3A_258 : memref<128xi32, #tpu.memory_space<vmem>>) semaphore(%run_scoped3A_255 : memref<!tpu.dma_semaphore, #tpu.memory_space<semaphore_mem>>) {add = true}
      %dma_wait3A_262 = arith.constant 0 : i32
      %dma_wait3A_263 = tpu.memref_slice %arg7[%run_scoped3A_237, %dma_wait3A_262] : memref<80x128xi32, #tpu.memory_space<vmem>> -> memref<1x128xi32, #tpu.memory_space<vmem>>
      %dma_wait3A_264 = tpu.memref_squeeze %dma_wait3A_263 : memref<1x128xi32, #tpu.memory_space<vmem>> -> memref<128xi32, #tpu.memory_space<vmem>>
      %dma_wait3A_265 = arith.constant 0 : i32
      %dma_wait3A_266 = arith.constant 0 : i32
      %dma_wait3A_267 = tpu.memref_slice %arg11[%dma_wait3A_265, %dma_wait3A_266] : memref<10112x128xf32, #tpu.memory_space<vmem_shared>> -> memref<10112x128xf32, #tpu.memory_space<vmem_shared>>
      tpu.wait_indirect_dma semaphore(%run_scoped3A_255 : memref<!tpu.dma_semaphore, #tpu.memory_space<semaphore_mem>>) src(%arg9 : memref<128x128xf32, #tpu.memory_space<vmem>>) dst(%dma_wait3A_267 : memref<10112x128xf32, #tpu.memory_space<vmem_shared>>)
      tpu.yield
    }) : () -> ()
    %dma_wait3A_238 = arith.constant 1 : i32
    %dma_wait3A_239 = arith.constant 0 : i32
    %dma_wait3A_240 = tpu.memref_slice %arg8[%dma_wait3A_238, %dma_wait3A_239] : memref<2x128xi32, #tpu.memory_space<vmem>> -> memref<1x128xi32, #tpu.memory_space<vmem>>
    %dma_wait3A_241 = tpu.memref_squeeze %dma_wait3A_240 : memref<1x128xi32, #tpu.memory_space<vmem>> -> memref<128xi32, #tpu.memory_space<vmem>>
    %dma_wait3A_242 = arith.constant 0 : i32
    %dma_wait3A_243 = arith.constant 0 : i32
    %dma_wait3A_244 = tpu.memref_slice %arg2[%dma_wait3A_242, %dma_wait3A_243] : memref<20000x128xf32, #tpu.memory_space<hbm>> -> memref<20000x128xf32, #tpu.memory_space<hbm>>
    tpu.wait_indirect_dma semaphore(%arg13 : memref<!tpu.dma_semaphore, #tpu.memory_space<semaphore_mem>>) src(%dma_wait3A_244 : memref<20000x128xf32, #tpu.memory_space<hbm>>) dst(%arg10 : memref<128x128xf32, #tpu.memory_space<vmem>>)
    %run_scoped3A_245 = arith.constant 79 : i32
    "tpu.region"() ({
      %run_scoped3A_255 = tpu.sem_alloc : memref<!tpu.dma_semaphore, #tpu.memory_space<semaphore_mem>>
      %dma_start3A_256 = arith.constant 0 : i32
      %dma_start3A_257 = tpu.memref_slice %arg7[%run_scoped3A_245, %dma_start3A_256] : memref<80x128xi32, #tpu.memory_space<vmem>> -> memref<1x128xi32, #tpu.memory_space<vmem>>
      %dma_start3A_258 = tpu.memref_squeeze %dma_start3A_257 : memref<1x128xi32, #tpu.memory_space<vmem>> -> memref<128xi32, #tpu.memory_space<vmem>>
      %dma_start3A_259 = arith.constant 0 : i32
      %dma_start3A_260 = arith.constant 0 : i32
      %dma_start3A_261 = tpu.memref_slice %arg11[%dma_start3A_259, %dma_start3A_260] : memref<10112x128xf32, #tpu.memory_space<vmem_shared>> -> memref<10112x128xf32, #tpu.memory_space<vmem_shared>>
      tpu.enqueue_indirect_dma source(%arg10 : memref<128x128xf32, #tpu.memory_space<vmem>>) target(%dma_start3A_261 : memref<10112x128xf32, #tpu.memory_space<vmem_shared>>) offsets(%dma_start3A_258 : memref<128xi32, #tpu.memory_space<vmem>>) semaphore(%run_scoped3A_255 : memref<!tpu.dma_semaphore, #tpu.memory_space<semaphore_mem>>) {add = true}
      %dma_wait3A_262 = arith.constant 0 : i32
      %dma_wait3A_263 = tpu.memref_slice %arg7[%run_scoped3A_245, %dma_wait3A_262] : memref<80x128xi32, #tpu.memory_space<vmem>> -> memref<1x128xi32, #tpu.memory_space<vmem>>
      %dma_wait3A_264 = tpu.memref_squeeze %dma_wait3A_263 : memref<1x128xi32, #tpu.memory_space<vmem>> -> memref<128xi32, #tpu.memory_space<vmem>>
      %dma_wait3A_265 = arith.constant 0 : i32
      %dma_wait3A_266 = arith.constant 0 : i32
      %dma_wait3A_267 = tpu.memref_slice %arg11[%dma_wait3A_265, %dma_wait3A_266] : memref<10112x128xf32, #tpu.memory_space<vmem_shared>> -> memref<10112x128xf32, #tpu.memory_space<vmem_shared>>
      tpu.wait_indirect_dma semaphore(%run_scoped3A_255 : memref<!tpu.dma_semaphore, #tpu.memory_space<semaphore_mem>>) src(%arg10 : memref<128x128xf32, #tpu.memory_space<vmem>>) dst(%dma_wait3A_267 : memref<10112x128xf32, #tpu.memory_space<vmem_shared>>)
      tpu.yield
    }) : () -> ()
    %barrier3A_246 = arith.constant 0 : index
    tpu.barrier barrier_id(%barrier3A_246)
    %mul3A_247 = arith.constant 624 : i32
    %mul3A_248 = arith.muli %arg1, %mul3A_247 : i32
    %mul3A_249 = arith.constant 624 : i32
    %mul3A_250 = arith.muli %arg1, %mul3A_249 : i32
    %mul3A_251 = arith.constant 128 : i32
    %mul3A_252 = arith.muli %arg0, %mul3A_251 : i32
    "tpu.region"() ({
      %run_scoped3A_255 = tpu.sem_alloc : memref<!tpu.dma_semaphore, #tpu.memory_space<semaphore_mem>>
      %dma_start3A_256 = tpu.memref_slice %arg6[%mul3A_250, %mul3A_252] : memref<10000x256xf32, #tpu.memory_space<hbm>> -> memref<624x128xf32, #tpu.memory_space<hbm>>
      %dma_start3A_257 = arith.constant 0 : i32
      %dma_start3A_258 = tpu.memref_slice %arg11[%mul3A_248, %dma_start3A_257] : memref<10112x128xf32, #tpu.memory_space<vmem_shared>> -> memref<624x128xf32, #tpu.memory_space<vmem_shared>>
      tpu.enqueue_dma source(%dma_start3A_258 : memref<624x128xf32, #tpu.memory_space<vmem_shared>>) target(%dma_start3A_256 : memref<624x128xf32, #tpu.memory_space<hbm>>) target_semaphore(%run_scoped3A_255 : memref<!tpu.dma_semaphore, #tpu.memory_space<semaphore_mem>>)
      %dma_wait3A_259 = tpu.memref_slice %arg6[%mul3A_250, %mul3A_252] : memref<10000x256xf32, #tpu.memory_space<hbm>> -> memref<624x128xf32, #tpu.memory_space<hbm>>
      %dma_wait3A_260 = arith.constant 0 : i32
      %dma_wait3A_261 = tpu.memref_slice %arg11[%mul3A_248, %dma_wait3A_260] : memref<10112x128xf32, #tpu.memory_space<vmem_shared>> -> memref<624x128xf32, #tpu.memory_space<vmem_shared>>
      tpu.wait_dma2 semaphore(%run_scoped3A_255 : memref<!tpu.dma_semaphore, #tpu.memory_space<semaphore_mem>>) src(%dma_wait3A_261 : memref<624x128xf32, #tpu.memory_space<vmem_shared>>) dst(%dma_wait3A_259 : memref<624x128xf32, #tpu.memory_space<hbm>>)
      tpu.yield
    }) : () -> ()
    %eq3A = arith.constant 0 : i32
    %eq3A_253 = arith.cmpi eq, %arg1, %eq3A : i32
    %convert_element_type3A = arith.extui %eq3A_253 : i1 to i32
    %cond3A = arith.constant 0 : i32
    %cond3A_254 = arith.cmpi ne, %convert_element_type3A, %cond3A : i32
    scf.if %cond3A_254 {
      %mul3A_255 = arith.constant 128 : i32
      %mul3A_256 = arith.muli %arg0, %mul3A_255 : i32
      "tpu.region"() ({
        %run_scoped3A_257 = tpu.sem_alloc : memref<!tpu.dma_semaphore, #tpu.memory_space<semaphore_mem>>
        %dma_start3A_258 = arith.constant 9984 : i32
        %dma_start3A_259 = tpu.memref_slice %arg6[%dma_start3A_258, %mul3A_256] : memref<10000x256xf32, #tpu.memory_space<hbm>> -> memref<16x128xf32, #tpu.memory_space<hbm>>
        %dma_start3A_260 = arith.constant 9984 : i32
        %dma_start3A_261 = arith.constant 0 : i32
        %dma_start3A_262 = tpu.memref_slice %arg11[%dma_start3A_260, %dma_start3A_261] : memref<10112x128xf32, #tpu.memory_space<vmem_shared>> -> memref<16x128xf32, #tpu.memory_space<vmem_shared>>
        tpu.enqueue_dma source(%dma_start3A_262 : memref<16x128xf32, #tpu.memory_space<vmem_shared>>) target(%dma_start3A_259 : memref<16x128xf32, #tpu.memory_space<hbm>>) target_semaphore(%run_scoped3A_257 : memref<!tpu.dma_semaphore, #tpu.memory_space<semaphore_mem>>)
        %dma_wait3A_263 = arith.constant 9984 : i32
        %dma_wait3A_264 = tpu.memref_slice %arg6[%dma_wait3A_263, %mul3A_256] : memref<10000x256xf32, #tpu.memory_space<hbm>> -> memref<16x128xf32, #tpu.memory_space<hbm>>
        %dma_wait3A_265 = arith.constant 9984 : i32
        %dma_wait3A_266 = arith.constant 0 : i32
        %dma_wait3A_267 = tpu.memref_slice %arg11[%dma_wait3A_265, %dma_wait3A_266] : memref<10112x128xf32, #tpu.memory_space<vmem_shared>> -> memref<16x128xf32, #tpu.memory_space<vmem_shared>>
        tpu.wait_dma2 semaphore(%run_scoped3A_257 : memref<!tpu.dma_semaphore, #tpu.memory_space<semaphore_mem>>) src(%dma_wait3A_267 : memref<16x128xf32, #tpu.memory_space<vmem_shared>>) dst(%dma_wait3A_264 : memref<16x128xf32, #tpu.memory_space<hbm>>)
        tpu.yield
      }) : () -> ()
    } else {
    }
    return
  }
}

#map = affine_map<(d0, d1) -> (0)>
module attributes {stable_mosaic.version = 14 : i64} {
  func.func @k(%arg0: i32, %arg1: i32, %arg2: memref<163840xi32, #tpu.memory_space<hbm>>, %arg3: memref<327680xf32, #tpu.memory_space<hbm>>, %arg4: memref<5120xi32, #tpu.memory_space<vmem>>, %arg5: memref<10240xf32, #tpu.memory_space<vmem>>) attributes {dimension_semantics = [#tpu.dimension_semantics<core_parallel>, #tpu.dimension_semantics<subcore_parallel>], iteration_bounds = array<i64: 2, 16>, scalar_prefetch = 0 : i64, scratch_operands = 2 : i64, tpu.core_type = #tpu.core_type<sc_vector_subcore>, window_params = [{transform_indices = #map}, {transform_indices = #map}]} {
    %mul3A = arith.constant 2 : i32
    %mul3A_0 = arith.muli %arg1, %mul3A : i32
    %add3A = arith.addi %mul3A_0, %arg0 : i32
    %broadcast_in_dim3A = arith.constant 0.000000e+00 : f32
    %broadcast_in_dim3A_1 = vector.broadcast %broadcast_in_dim3A : f32 to vector<16xf32>
    %scan3A = arith.constant 0 : i32
    %scan3A_2 = arith.constant 0 : i32
    %scan3A_3 = arith.constant 640 : i32
    %scan3A_4 = arith.addi %scan3A_2, %scan3A_3 : i32
    %scan3A_5 = arith.constant 1 : i32
    scf.for %scan3A_19 = %scan3A_2 to %scan3A_4 step %scan3A_5  : i32 {
      %mul3A_20 = arith.constant 16 : i32
      %mul3A_21 = arith.muli %scan3A_19, %mul3A_20 : i32
      %swap3A = arith.index_cast %mul3A_21 : i32 to index
      %swap3A_22 = tpu.vector_load %arg5[%swap3A] {strides = array<i32>} : memref<10240xf32, #tpu.memory_space<vmem>>, vector<16xf32>,
      tpu.vector_store %arg5[%swap3A], %broadcast_in_dim3A_1 {strides = array<i32>} : memref<10240xf32, #tpu.memory_space<vmem>>, vector<16xf32>,
    }
    %scan3A_6 = arith.constant 640 : i32
    %mul3A_7 = arith.constant 5120 : i32
    %mul3A_8 = arith.muli %add3A, %mul3A_7 : i32
    "tpu.region"() ({
      %run_scoped3A = tpu.sem_alloc : memref<!tpu.dma_semaphore, #tpu.memory_space<semaphore_mem>>
      %dma_start3A = tpu.memref_slice %arg2[%mul3A_8] : memref<163840xi32, #tpu.memory_space<hbm>> -> memref<5120xi32, #tpu.memory_space<hbm>>
      %dma_start3A_19 = tpu.memref_slice %arg2[%mul3A_8] : memref<163840xi32, #tpu.memory_space<hbm>> -> memref<5120xi32, #tpu.memory_space<hbm>>
      tpu.enqueue_dma source(%dma_start3A_19 : memref<5120xi32, #tpu.memory_space<hbm>>) target(%arg4 : memref<5120xi32, #tpu.memory_space<vmem>>) target_semaphore(%run_scoped3A : memref<!tpu.dma_semaphore, #tpu.memory_space<semaphore_mem>>)
      %dma_wait3A = tpu.memref_slice %arg2[%mul3A_8] : memref<163840xi32, #tpu.memory_space<hbm>> -> memref<5120xi32, #tpu.memory_space<hbm>>
      %dma_wait3A_20 = tpu.memref_slice %arg2[%mul3A_8] : memref<163840xi32, #tpu.memory_space<hbm>> -> memref<5120xi32, #tpu.memory_space<hbm>>
      tpu.wait_dma2 semaphore(%run_scoped3A : memref<!tpu.dma_semaphore, #tpu.memory_space<semaphore_mem>>) src(%dma_wait3A_20 : memref<5120xi32, #tpu.memory_space<hbm>>) dst(%arg4 : memref<5120xi32, #tpu.memory_space<vmem>>)
      tpu.yield
    }) : () -> ()
    %broadcast_in_dim3A_9 = arith.constant 1.000000e+00 : f32
    %broadcast_in_dim3A_10 = vector.broadcast %broadcast_in_dim3A_9 : f32 to vector<16xf32>
    %scan3A_11 = arith.constant 0 : i32
    %scan3A_12 = arith.constant 0 : i32
    %scan3A_13 = arith.constant 320 : i32
    %scan3A_14 = arith.addi %scan3A_12, %scan3A_13 : i32
    %scan3A_15 = arith.constant 1 : i32
    scf.for %scan3A_19 = %scan3A_12 to %scan3A_14 step %scan3A_15  : i32 {
      %mul3A_20 = arith.constant 16 : i32
      %mul3A_21 = arith.muli %scan3A_19, %mul3A_20 : i32
      %get3A = arith.index_cast %mul3A_21 : i32 to index
      %get3A_22 = tpu.vector_load %arg4[%get3A] {strides = array<i32>} : memref<5120xi32, #tpu.memory_space<vmem>>, vector<16xi32>,
      tpu.vector_store_idx %arg5[%get3A_22], %broadcast_in_dim3A_10 {add = true} : memref<10240xf32, #tpu.memory_space<vmem>>[vector<16xi32>], vector<16xf32>,
    }
    %scan3A_16 = arith.constant 320 : i32
    %mul3A_17 = arith.constant 10240 : i32
    %mul3A_18 = arith.muli %add3A, %mul3A_17 : i32
    "tpu.region"() ({
      %run_scoped3A = tpu.sem_alloc : memref<!tpu.dma_semaphore, #tpu.memory_space<semaphore_mem>>
      %dma_start3A = tpu.memref_slice %arg3[%mul3A_18] : memref<327680xf32, #tpu.memory_space<hbm>> -> memref<10240xf32, #tpu.memory_space<hbm>>
      %dma_start3A_19 = tpu.memref_slice %arg3[%mul3A_18] : memref<327680xf32, #tpu.memory_space<hbm>> -> memref<10240xf32, #tpu.memory_space<hbm>>
      tpu.enqueue_dma source(%arg5 : memref<10240xf32, #tpu.memory_space<vmem>>) target(%dma_start3A_19 : memref<10240xf32, #tpu.memory_space<hbm>>) target_semaphore(%run_scoped3A : memref<!tpu.dma_semaphore, #tpu.memory_space<semaphore_mem>>)
      %dma_wait3A = tpu.memref_slice %arg3[%mul3A_18] : memref<327680xf32, #tpu.memory_space<hbm>> -> memref<10240xf32, #tpu.memory_space<hbm>>
      %dma_wait3A_20 = tpu.memref_slice %arg3[%mul3A_18] : memref<327680xf32, #tpu.memory_space<hbm>> -> memref<10240xf32, #tpu.memory_space<hbm>>
      tpu.wait_dma2 semaphore(%run_scoped3A : memref<!tpu.dma_semaphore, #tpu.memory_space<semaphore_mem>>) src(%arg5 : memref<10240xf32, #tpu.memory_space<vmem>>) dst(%dma_wait3A_20 : memref<10240xf32, #tpu.memory_space<hbm>>)
      tpu.yield
    }) : () -> ()
    return
  }
}

#map = affine_map<(d0, d1) -> (0, 0)>
#map1 = affine_map<(d0, d1) -> (0, 0, 0)>
module attributes {stable_mosaic.version = 14 : i64} {
  func.func @k(%arg0: i32, %arg1: i32, %arg2: memref<20000x128xf32, #tpu.memory_space<hbm>>, %arg3: memref<16x80x128xi32, #tpu.memory_space<hbm>>, %arg4: memref<16x80x128xi32, #tpu.memory_space<hbm>>, %arg5: memref<10112x128xf32, #tpu.memory_space<hbm>>, %arg6: memref<10000x256xf32, #tpu.memory_space<hbm>>, %arg7: memref<80x128xi32, #tpu.memory_space<vmem>>, %arg8: memref<2x128xi32, #tpu.memory_space<vmem>>, %arg9: memref<128x128xf32, #tpu.memory_space<vmem>>, %arg10: memref<128x128xf32, #tpu.memory_space<vmem>>, %arg11: memref<10112x128xf32, #tpu.memory_space<vmem_shared>>, %arg12: memref<!tpu.dma_semaphore, #tpu.memory_space<semaphore_mem>>, %arg13: memref<!tpu.dma_semaphore, #tpu.memory_space<semaphore_mem>>, %arg14: memref<!tpu.dma_semaphore, #tpu.memory_space<semaphore_mem>>, %arg15: memref<!tpu.dma_semaphore, #tpu.memory_space<semaphore_mem>>) attributes {dimension_semantics = [#tpu.dimension_semantics<core_parallel>, #tpu.dimension_semantics<subcore_parallel>], iteration_bounds = array<i64: 2, 16>, scalar_prefetch = 0 : i64, scratch_operands = 9 : i64, tpu.core_type = #tpu.core_type<sc_vector_subcore>, window_params = [{transform_indices = #map}, {transform_indices = #map1}, {transform_indices = #map1}, {transform_indices = #map}, {transform_indices = #map}]} {
    %mul3A = arith.constant 10000 : i32
    %mul3A_0 = arith.muli %arg0, %mul3A : i32
    "tpu.region"() ({
      %run_scoped3A_255 = tpu.sem_alloc : memref<!tpu.dma_semaphore, #tpu.memory_space<semaphore_mem>>
      %dma_start3A_256 = arith.constant 0 : i32
      %dma_start3A_257 = arith.constant 0 : i32
      %dma_start3A_258 = tpu.memref_slice %arg4[%arg1, %dma_start3A_256, %dma_start3A_257] : memref<16x80x128xi32, #tpu.memory_space<hbm>> -> memref<1x80x128xi32, #tpu.memory_space<hbm>>
      %dma_start3A_259 = tpu.memref_squeeze %dma_start3A_258 : memref<1x80x128xi32, #tpu.memory_space<hbm>> -> memref<80x128xi32, #tpu.memory_space<hbm>>
      %dma_start3A_260 = arith.constant 0 : i32
      %dma_start3A_261 = arith.constant 0 : i32
      %dma_start3A_262 = tpu.memref_slice %arg4[%arg1, %dma_start3A_260, %dma_start3A_261] : memref<16x80x128xi32, #tpu.memory_space<hbm>> -> memref<1x80x128xi32, #tpu.memory_space<hbm>>
      %dma_start3A_263 = tpu.memref_squeeze %dma_start3A_262 : memref<1x80x128xi32, #tpu.memory_space<hbm>> -> memref<80x128xi32, #tpu.memory_space<hbm>>
      tpu.enqueue_dma source(%dma_start3A_263 : memref<80x128xi32, #tpu.memory_space<hbm>>) target(%arg7 : memref<80x128xi32, #tpu.memory_space<vmem>>) target_semaphore(%run_scoped3A_255 : memref<!tpu.dma_semaphore, #tpu.memory_space<semaphore_mem>>)
      %dma_wait3A_264 = arith.constant 0 : i32
      %dma_wait3A_265 = arith.constant 0 : i32
      %dma_wait3A_266 = tpu.memref_slice %arg4[%arg1, %dma_wait3A_264, %dma_wait3A_265] : memref<16x80x128xi32, #tpu.memory_space<hbm>> -> memref<1x80x128xi32, #tpu.memory_space<hbm>>
      %dma_wait3A_267 = tpu.memref_squeeze %dma_wait3A_266 : memref<1x80x128xi32, #tpu.memory_space<hbm>> -> memref<80x128xi32, #tpu.memory_space<hbm>>
      %dma_wait3A_268 = arith.constant 0 : i32
      %dma_wait3A_269 = arith.constant 0 : i32
      %dma_wait3A_270 = tpu.memref_slice %arg4[%arg1, %dma_wait3A_268, %dma_wait3A_269] : memref<16x80x128xi32, #tpu.memory_space<hbm>> -> memref<1x80x128xi32, #tpu.memory_space<hbm>>
      %dma_wait3A_271 = tpu.memref_squeeze %dma_wait3A_270 : memref<1x80x128xi32, #tpu.memory_space<hbm>> -> memref<80x128xi32, #tpu.memory_space<hbm>>
      tpu.wait_dma2 semaphore(%run_scoped3A_255 : memref<!tpu.dma_semaphore, #tpu.memory_space<semaphore_mem>>) src(%dma_wait3A_271 : memref<80x128xi32, #tpu.memory_space<hbm>>) dst(%arg7 : memref<80x128xi32, #tpu.memory_space<vmem>>)
      tpu.yield
    }) : () -> ()
    %mul3A_1 = arith.constant 632 : i32
    %mul3A_2 = arith.muli %arg1, %mul3A_1 : i32
    %mul3A_3 = arith.constant 632 : i32
    %mul3A_4 = arith.muli %arg1, %mul3A_3 : i32
    "tpu.region"() ({
      %run_scoped3A_255 = tpu.sem_alloc : memref<!tpu.dma_semaphore, #tpu.memory_space<semaphore_mem>>
      %dma_start3A_256 = arith.constant 0 : i32
      %dma_start3A_257 = tpu.memref_slice %arg11[%mul3A_4, %dma_start3A_256] : memref<10112x128xf32, #tpu.memory_space<vmem_shared>> -> memref<632x128xf32, #tpu.memory_space<vmem_shared>>
      %dma_start3A_258 = arith.constant 0 : i32
      %dma_start3A_259 = tpu.memref_slice %arg5[%mul3A_2, %dma_start3A_258] : memref<10112x128xf32, #tpu.memory_space<hbm>> -> memref<632x128xf32, #tpu.memory_space<hbm>>
      tpu.enqueue_dma source(%dma_start3A_259 : memref<632x128xf32, #tpu.memory_space<hbm>>) target(%dma_start3A_257 : memref<632x128xf32, #tpu.memory_space<vmem_shared>>) target_semaphore(%run_scoped3A_255 : memref<!tpu.dma_semaphore, #tpu.memory_space<semaphore_mem>>)
      %dma_wait3A_260 = arith.constant 0 : i32
      %dma_wait3A_261 = tpu.memref_slice %arg11[%mul3A_4, %dma_wait3A_260] : memref<10112x128xf32, #tpu.memory_space<vmem_shared>> -> memref<632x128xf32, #tpu.memory_space<vmem_shared>>
      %dma_wait3A_262 = arith.constant 0 : i32
      %dma_wait3A_263 = tpu.memref_slice %arg5[%mul3A_2, %dma_wait3A_262] : memref<10112x128xf32, #tpu.memory_space<hbm>> -> memref<632x128xf32, #tpu.memory_space<hbm>>
      tpu.wait_dma2 semaphore(%run_scoped3A_255 : memref<!tpu.dma_semaphore, #tpu.memory_space<semaphore_mem>>) src(%dma_wait3A_263 : memref<632x128xf32, #tpu.memory_space<hbm>>) dst(%dma_wait3A_261 : memref<632x128xf32, #tpu.memory_space<vmem_shared>>)
      tpu.yield
    }) : () -> ()
    %barrier3A = arith.constant 0 : index
    tpu.barrier barrier_id(%barrier3A)
    %run_scoped3A = arith.constant 0 : i32
    %run_scoped3A_5 = arith.constant 0 : i32
    "tpu.region"() ({
      %run_scoped3A_255 = tpu.sem_alloc : memref<!tpu.dma_semaphore, #tpu.memory_space<semaphore_mem>>
      %dma_start3A_256 = arith.constant 0 : i32
      %dma_start3A_257 = tpu.memref_slice %arg8[%run_scoped3A_5, %dma_start3A_256] : memref<2x128xi32, #tpu.memory_space<vmem>> -> memref<1x128xi32, #tpu.memory_space<vmem>>
      %dma_start3A_258 = tpu.memref_squeeze %dma_start3A_257 : memref<1x128xi32, #tpu.memory_space<vmem>> -> memref<128xi32, #tpu.memory_space<vmem>>
      %dma_start3A_259 = arith.constant 0 : i32
      %dma_start3A_260 = tpu.memref_slice %arg3[%arg1, %run_scoped3A, %dma_start3A_259] : memref<16x80x128xi32, #tpu.memory_space<hbm>> -> memref<1x1x128xi32, #tpu.memory_space<hbm>>
      %dma_start3A_261 = tpu.memref_squeeze %dma_start3A_260 : memref<1x1x128xi32, #tpu.memory_space<hbm>> -> memref<128xi32, #tpu.memory_space<hbm>>
      %dma_start3A_262 = arith.constant 0 : i32
      %dma_start3A_263 = tpu.memref_slice %arg8[%run_scoped3A_5, %dma_start3A_262] : memref<2x128xi32, #tpu.memory_space<vmem>> -> memref<1x128xi32, #tpu.memory_space<vmem>>
      %dma_start3A_264 = tpu.memref_squeeze %dma_start3A_263 : memref<1x128xi32, #tpu.memory_space<vmem>> -> memref<128xi32, #tpu.memory_space<vmem>>
      %dma_start3A_265 = arith.constant 0 : i32
      %dma_start3A_266 = tpu.memref_slice %arg3[%arg1, %run_scoped3A, %dma_start3A_265] : memref<16x80x128xi32, #tpu.memory_space<hbm>> -> memref<1x1x128xi32, #tpu.memory_space<hbm>>
      %dma_start3A_267 = tpu.memref_squeeze %dma_start3A_266 : memref<1x1x128xi32, #tpu.memory_space<hbm>> -> memref<128xi32, #tpu.memory_space<hbm>>
      tpu.enqueue_dma source(%dma_start3A_267 : memref<128xi32, #tpu.memory_space<hbm>>) target(%dma_start3A_264 : memref<128xi32, #tpu.memory_space<vmem>>) target_semaphore(%run_scoped3A_255 : memref<!tpu.dma_semaphore, #tpu.memory_space<semaphore_mem>>)
      %dma_wait3A_268 = arith.constant 0 : i32
      %dma_wait3A_269 = tpu.memref_slice %arg8[%run_scoped3A_5, %dma_wait3A_268] : memref<2x128xi32, #tpu.memory_space<vmem>> -> memref<1x128xi32, #tpu.memory_space<vmem>>
      %dma_wait3A_270 = tpu.memref_squeeze %dma_wait3A_269 : memref<1x128xi32, #tpu.memory_space<vmem>> -> memref<128xi32, #tpu.memory_space<vmem>>
      %dma_wait3A_271 = arith.constant 0 : i32
      %dma_wait3A_272 = tpu.memref_slice %arg3[%arg1, %run_scoped3A, %dma_wait3A_271] : memref<16x80x128xi32, #tpu.memory_space<hbm>> -> memref<1x1x128xi32, #tpu.memory_space<hbm>>
      %dma_wait3A_273 = tpu.memref_squeeze %dma_wait3A_272 : memref<1x1x128xi32, #tpu.memory_space<hbm>> -> memref<128xi32, #tpu.memory_space<hbm>>
      %dma_wait3A_274 = arith.constant 0 : i32
      %dma_wait3A_275 = tpu.memref_slice %arg8[%run_scoped3A_5, %dma_wait3A_274] : memref<2x128xi32, #tpu.memory_space<vmem>> -> memref<1x128xi32, #tpu.memory_space<vmem>>
      %dma_wait3A_276 = tpu.memref_squeeze %dma_wait3A_275 : memref<1x128xi32, #tpu.memory_space<vmem>> -> memref<128xi32, #tpu.memory_space<vmem>>
      %dma_wait3A_277 = arith.constant 0 : i32
      %dma_wait3A_278 = tpu.memref_slice %arg3[%arg1, %run_scoped3A, %dma_wait3A_277] : memref<16x80x128xi32, #tpu.memory_space<hbm>> -> memref<1x1x128xi32, #tpu.memory_space<hbm>>
      %dma_wait3A_279 = tpu.memref_squeeze %dma_wait3A_278 : memref<1x1x128xi32, #tpu.memory_space<hbm>> -> memref<128xi32, #tpu.memory_space<hbm>>
      tpu.wait_dma2 semaphore(%run_scoped3A_255 : memref<!tpu.dma_semaphore, #tpu.memory_space<semaphore_mem>>) src(%dma_wait3A_279 : memref<128xi32, #tpu.memory_space<hbm>>) dst(%dma_wait3A_276 : memref<128xi32, #tpu.memory_space<vmem>>)
      tpu.yield
    }) : () -> ()
    %get3A = arith.constant 0 : i32
    %get3A_6 = arith.index_cast %get3A : i32 to index
    %get3A_7 = arith.constant 0 : index
    %get3A_8 = tpu.vector_load %arg8[%get3A_6, %get3A_7] {strides = array<i32>} : memref<2x128xi32, #tpu.memory_space<vmem>>, vector<1x16xi32>,
    %get3A_9 = vector.shape_cast %get3A_8 : vector<1x16xi32> to vector<16xi32>
    %add3A = vector.broadcast %mul3A_0 : i32 to vector<16xi32>
    %add3A_10 = arith.addi %get3A_9, %add3A : vector<16xi32>
    %swap3A = arith.constant 0 : i32
    %swap3A_11 = arith.index_cast %swap3A : i32 to index
    %swap3A_12 = arith.constant 0 : index
    %swap3A_13 = tpu.vector_load %arg8[%swap3A_11, %swap3A_12] {strides = array<i32>} : memref<2x128xi32, #tpu.memory_space<vmem>>, vector<1x16xi32>,
    %swap3A_14 = vector.shape_cast %swap3A_13 : vector<1x16xi32> to vector<16xi32>
    %swap3A_15 = vector.shape_cast %add3A_10 : vector<16xi32> to vector<1x16xi32>
    tpu.vector_store %arg8[%swap3A_11, %swap3A_12], %swap3A_15 {strides = array<i32>} : memref<2x128xi32, #tpu.memory_space<vmem>>, vector<1x16xi32>,
    %get3A_16 = arith.constant 0 : i32
    %get3A_17 = arith.index_cast %get3A_16 : i32 to index
    %get3A_18 = arith.constant 16 : index
    %get3A_19 = tpu.vector_load %arg8[%get3A_17, %get3A_18] {strides = array<i32>} : memref<2x128xi32, #tpu.memory_space<vmem>>, vector<1x16xi32>,
    %get3A_20 = vector.shape_cast %get3A_19 : vector<1x16xi32> to vector<16xi32>
    %add3A_21 = vector.broadcast %mul3A_0 : i32 to vector<16xi32>
    %add3A_22 = arith.addi %get3A_20, %add3A_21 : vector<16xi32>
    %swap3A_23 = arith.constant 0 : i32
    %swap3A_24 = arith.index_cast %swap3A_23 : i32 to index
    %swap3A_25 = arith.constant 16 : index
    %swap3A_26 = tpu.vector_load %arg8[%swap3A_24, %swap3A_25] {strides = array<i32>} : memref<2x128xi32, #tpu.memory_space<vmem>>, vector<1x16xi32>,
    %swap3A_27 = vector.shape_cast %swap3A_26 : vector<1x16xi32> to vector<16xi32>
    %swap3A_28 = vector.shape_cast %add3A_22 : vector<16xi32> to vector<1x16xi32>
    tpu.vector_store %arg8[%swap3A_24, %swap3A_25], %swap3A_28 {strides = array<i32>} : memref<2x128xi32, #tpu.memory_space<vmem>>, vector<1x16xi32>,
    %get3A_29 = arith.constant 0 : i32
    %get3A_30 = arith.index_cast %get3A_29 : i32 to index
    %get3A_31 = arith.constant 32 : index
    %get3A_32 = tpu.vector_load %arg8[%get3A_30, %get3A_31] {strides = array<i32>} : memref<2x128xi32, #tpu.memory_space<vmem>>, vector<1x16xi32>,
    %get3A_33 = vector.shape_cast %get3A_32 : vector<1x16xi32> to vector<16xi32>
    %add3A_34 = vector.broadcast %mul3A_0 : i32 to vector<16xi32>
    %add3A_35 = arith.addi %get3A_33, %add3A_34 : vector<16xi32>
    %swap3A_36 = arith.constant 0 : i32
    %swap3A_37 = arith.index_cast %swap3A_36 : i32 to index
    %swap3A_38 = arith.constant 32 : index
    %swap3A_39 = tpu.vector_load %arg8[%swap3A_37, %swap3A_38] {strides = array<i32>} : memref<2x128xi32, #tpu.memory_space<vmem>>, vector<1x16xi32>,
    %swap3A_40 = vector.shape_cast %swap3A_39 : vector<1x16xi32> to vector<16xi32>
    %swap3A_41 = vector.shape_cast %add3A_35 : vector<16xi32> to vector<1x16xi32>
    tpu.vector_store %arg8[%swap3A_37, %swap3A_38], %swap3A_41 {strides = array<i32>} : memref<2x128xi32, #tpu.memory_space<vmem>>, vector<1x16xi32>,
    %get3A_42 = arith.constant 0 : i32
    %get3A_43 = arith.index_cast %get3A_42 : i32 to index
    %get3A_44 = arith.constant 48 : index
    %get3A_45 = tpu.vector_load %arg8[%get3A_43, %get3A_44] {strides = array<i32>} : memref<2x128xi32, #tpu.memory_space<vmem>>, vector<1x16xi32>,
    %get3A_46 = vector.shape_cast %get3A_45 : vector<1x16xi32> to vector<16xi32>
    %add3A_47 = vector.broadcast %mul3A_0 : i32 to vector<16xi32>
    %add3A_48 = arith.addi %get3A_46, %add3A_47 : vector<16xi32>
    %swap3A_49 = arith.constant 0 : i32
    %swap3A_50 = arith.index_cast %swap3A_49 : i32 to index
    %swap3A_51 = arith.constant 48 : index
    %swap3A_52 = tpu.vector_load %arg8[%swap3A_50, %swap3A_51] {strides = array<i32>} : memref<2x128xi32, #tpu.memory_space<vmem>>, vector<1x16xi32>,
    %swap3A_53 = vector.shape_cast %swap3A_52 : vector<1x16xi32> to vector<16xi32>
    %swap3A_54 = vector.shape_cast %add3A_48 : vector<16xi32> to vector<1x16xi32>
    tpu.vector_store %arg8[%swap3A_50, %swap3A_51], %swap3A_54 {strides = array<i32>} : memref<2x128xi32, #tpu.memory_space<vmem>>, vector<1x16xi32>,
    %get3A_55 = arith.constant 0 : i32
    %get3A_56 = arith.index_cast %get3A_55 : i32 to index
    %get3A_57 = arith.constant 64 : index
    %get3A_58 = tpu.vector_load %arg8[%get3A_56, %get3A_57] {strides = array<i32>} : memref<2x128xi32, #tpu.memory_space<vmem>>, vector<1x16xi32>,
    %get3A_59 = vector.shape_cast %get3A_58 : vector<1x16xi32> to vector<16xi32>
    %add3A_60 = vector.broadcast %mul3A_0 : i32 to vector<16xi32>
    %add3A_61 = arith.addi %get3A_59, %add3A_60 : vector<16xi32>
    %swap3A_62 = arith.constant 0 : i32
    %swap3A_63 = arith.index_cast %swap3A_62 : i32 to index
    %swap3A_64 = arith.constant 64 : index
    %swap3A_65 = tpu.vector_load %arg8[%swap3A_63, %swap3A_64] {strides = array<i32>} : memref<2x128xi32, #tpu.memory_space<vmem>>, vector<1x16xi32>,
    %swap3A_66 = vector.shape_cast %swap3A_65 : vector<1x16xi32> to vector<16xi32>
    %swap3A_67 = vector.shape_cast %add3A_61 : vector<16xi32> to vector<1x16xi32>
    tpu.vector_store %arg8[%swap3A_63, %swap3A_64], %swap3A_67 {strides = array<i32>} : memref<2x128xi32, #tpu.memory_space<vmem>>, vector<1x16xi32>,
    %get3A_68 = arith.constant 0 : i32
    %get3A_69 = arith.index_cast %get3A_68 : i32 to index
    %get3A_70 = arith.constant 80 : index
    %get3A_71 = tpu.vector_load %arg8[%get3A_69, %get3A_70] {strides = array<i32>} : memref<2x128xi32, #tpu.memory_space<vmem>>, vector<1x16xi32>,
    %get3A_72 = vector.shape_cast %get3A_71 : vector<1x16xi32> to vector<16xi32>
    %add3A_73 = vector.broadcast %mul3A_0 : i32 to vector<16xi32>
    %add3A_74 = arith.addi %get3A_72, %add3A_73 : vector<16xi32>
    %swap3A_75 = arith.constant 0 : i32
    %swap3A_76 = arith.index_cast %swap3A_75 : i32 to index
    %swap3A_77 = arith.constant 80 : index
    %swap3A_78 = tpu.vector_load %arg8[%swap3A_76, %swap3A_77] {strides = array<i32>} : memref<2x128xi32, #tpu.memory_space<vmem>>, vector<1x16xi32>,
    %swap3A_79 = vector.shape_cast %swap3A_78 : vector<1x16xi32> to vector<16xi32>
    %swap3A_80 = vector.shape_cast %add3A_74 : vector<16xi32> to vector<1x16xi32>
    tpu.vector_store %arg8[%swap3A_76, %swap3A_77], %swap3A_80 {strides = array<i32>} : memref<2x128xi32, #tpu.memory_space<vmem>>, vector<1x16xi32>,
    %get3A_81 = arith.constant 0 : i32
    %get3A_82 = arith.index_cast %get3A_81 : i32 to index
    %get3A_83 = arith.constant 96 : index
    %get3A_84 = tpu.vector_load %arg8[%get3A_82, %get3A_83] {strides = array<i32>} : memref<2x128xi32, #tpu.memory_space<vmem>>, vector<1x16xi32>,
    %get3A_85 = vector.shape_cast %get3A_84 : vector<1x16xi32> to vector<16xi32>
    %add3A_86 = vector.broadcast %mul3A_0 : i32 to vector<16xi32>
    %add3A_87 = arith.addi %get3A_85, %add3A_86 : vector<16xi32>
    %swap3A_88 = arith.constant 0 : i32
    %swap3A_89 = arith.index_cast %swap3A_88 : i32 to index
    %swap3A_90 = arith.constant 96 : index
    %swap3A_91 = tpu.vector_load %arg8[%swap3A_89, %swap3A_90] {strides = array<i32>} : memref<2x128xi32, #tpu.memory_space<vmem>>, vector<1x16xi32>,
    %swap3A_92 = vector.shape_cast %swap3A_91 : vector<1x16xi32> to vector<16xi32>
    %swap3A_93 = vector.shape_cast %add3A_87 : vector<16xi32> to vector<1x16xi32>
    tpu.vector_store %arg8[%swap3A_89, %swap3A_90], %swap3A_93 {strides = array<i32>} : memref<2x128xi32, #tpu.memory_space<vmem>>, vector<1x16xi32>,
    %get3A_94 = arith.constant 0 : i32
    %get3A_95 = arith.index_cast %get3A_94 : i32 to index
    %get3A_96 = arith.constant 112 : index
    %get3A_97 = tpu.vector_load %arg8[%get3A_95, %get3A_96] {strides = array<i32>} : memref<2x128xi32, #tpu.memory_space<vmem>>, vector<1x16xi32>,
    %get3A_98 = vector.shape_cast %get3A_97 : vector<1x16xi32> to vector<16xi32>
    %add3A_99 = vector.broadcast %mul3A_0 : i32 to vector<16xi32>
    %add3A_100 = arith.addi %get3A_98, %add3A_99 : vector<16xi32>
    %swap3A_101 = arith.constant 0 : i32
    %swap3A_102 = arith.index_cast %swap3A_101 : i32 to index
    %swap3A_103 = arith.constant 112 : index
    %swap3A_104 = tpu.vector_load %arg8[%swap3A_102, %swap3A_103] {strides = array<i32>} : memref<2x128xi32, #tpu.memory_space<vmem>>, vector<1x16xi32>,
    %swap3A_105 = vector.shape_cast %swap3A_104 : vector<1x16xi32> to vector<16xi32>
    %swap3A_106 = vector.shape_cast %add3A_100 : vector<16xi32> to vector<1x16xi32>
    tpu.vector_store %arg8[%swap3A_102, %swap3A_103], %swap3A_106 {strides = array<i32>} : memref<2x128xi32, #tpu.memory_space<vmem>>, vector<1x16xi32>,
    %dma_start3A = arith.constant 0 : i32
    %dma_start3A_107 = arith.constant 0 : i32
    %dma_start3A_108 = tpu.memref_slice %arg8[%dma_start3A, %dma_start3A_107] : memref<2x128xi32, #tpu.memory_space<vmem>> -> memref<1x128xi32, #tpu.memory_space<vmem>>
    %dma_start3A_109 = tpu.memref_squeeze %dma_start3A_108 : memref<1x128xi32, #tpu.memory_space<vmem>> -> memref<128xi32, #tpu.memory_space<vmem>>
    %dma_start3A_110 = arith.constant 0 : i32
    %dma_start3A_111 = arith.constant 0 : i32
    %dma_start3A_112 = tpu.memref_slice %arg2[%dma_start3A_110, %dma_start3A_111] : memref<20000x128xf32, #tpu.memory_space<hbm>> -> memref<20000x128xf32, #tpu.memory_space<hbm>>
    tpu.enqueue_indirect_dma source(%dma_start3A_112 : memref<20000x128xf32, #tpu.memory_space<hbm>>) target(%arg9 : memref<128x128xf32, #tpu.memory_space<vmem>>) offsets(%dma_start3A_109 : memref<128xi32, #tpu.memory_space<vmem>>) semaphore(%arg12 : memref<!tpu.dma_semaphore, #tpu.memory_space<semaphore_mem>>)
    %run_scoped3A_113 = arith.constant 1 : i32
    %run_scoped3A_114 = arith.constant 1 : i32
    "tpu.region"() ({
      %run_scoped3A_255 = tpu.sem_alloc : memref<!tpu.dma_semaphore, #tpu.memory_space<semaphore_mem>>
      %dma_start3A_256 = arith.constant 0 : i32
      %dma_start3A_257 = tpu.memref_slice %arg8[%run_scoped3A_114, %dma_start3A_256] : memref<2x128xi32, #tpu.memory_space<vmem>> -> memref<1x128xi32, #tpu.memory_space<vmem>>
      %dma_start3A_258 = tpu.memref_squeeze %dma_start3A_257 : memref<1x128xi32, #tpu.memory_space<vmem>> -> memref<128xi32, #tpu.memory_space<vmem>>
      %dma_start3A_259 = arith.constant 0 : i32
      %dma_start3A_260 = tpu.memref_slice %arg3[%arg1, %run_scoped3A_113, %dma_start3A_259] : memref<16x80x128xi32, #tpu.memory_space<hbm>> -> memref<1x1x128xi32, #tpu.memory_space<hbm>>
      %dma_start3A_261 = tpu.memref_squeeze %dma_start3A_260 : memref<1x1x128xi32, #tpu.memory_space<hbm>> -> memref<128xi32, #tpu.memory_space<hbm>>
      %dma_start3A_262 = arith.constant 0 : i32
      %dma_start3A_263 = tpu.memref_slice %arg8[%run_scoped3A_114, %dma_start3A_262] : memref<2x128xi32, #tpu.memory_space<vmem>> -> memref<1x128xi32, #tpu.memory_space<vmem>>
      %dma_start3A_264 = tpu.memref_squeeze %dma_start3A_263 : memref<1x128xi32, #tpu.memory_space<vmem>> -> memref<128xi32, #tpu.memory_space<vmem>>
      %dma_start3A_265 = arith.constant 0 : i32
      %dma_start3A_266 = tpu.memref_slice %arg3[%arg1, %run_scoped3A_113, %dma_start3A_265] : memref<16x80x128xi32, #tpu.memory_space<hbm>> -> memref<1x1x128xi32, #tpu.memory_space<hbm>>
      %dma_start3A_267 = tpu.memref_squeeze %dma_start3A_266 : memref<1x1x128xi32, #tpu.memory_space<hbm>> -> memref<128xi32, #tpu.memory_space<hbm>>
      tpu.enqueue_dma source(%dma_start3A_267 : memref<128xi32, #tpu.memory_space<hbm>>) target(%dma_start3A_264 : memref<128xi32, #tpu.memory_space<vmem>>) target_semaphore(%run_scoped3A_255 : memref<!tpu.dma_semaphore, #tpu.memory_space<semaphore_mem>>)
      %dma_wait3A_268 = arith.constant 0 : i32
      %dma_wait3A_269 = tpu.memref_slice %arg8[%run_scoped3A_114, %dma_wait3A_268] : memref<2x128xi32, #tpu.memory_space<vmem>> -> memref<1x128xi32, #tpu.memory_space<vmem>>
      %dma_wait3A_270 = tpu.memref_squeeze %dma_wait3A_269 : memref<1x128xi32, #tpu.memory_space<vmem>> -> memref<128xi32, #tpu.memory_space<vmem>>
      %dma_wait3A_271 = arith.constant 0 : i32
      %dma_wait3A_272 = tpu.memref_slice %arg3[%arg1, %run_scoped3A_113, %dma_wait3A_271] : memref<16x80x128xi32, #tpu.memory_space<hbm>> -> memref<1x1x128xi32, #tpu.memory_space<hbm>>
      %dma_wait3A_273 = tpu.memref_squeeze %dma_wait3A_272 : memref<1x1x128xi32, #tpu.memory_space<hbm>> -> memref<128xi32, #tpu.memory_space<hbm>>
      %dma_wait3A_274 = arith.constant 0 : i32
      %dma_wait3A_275 = tpu.memref_slice %arg8[%run_scoped3A_114, %dma_wait3A_274] : memref<2x128xi32, #tpu.memory_space<vmem>> -> memref<1x128xi32, #tpu.memory_space<vmem>>
      %dma_wait3A_276 = tpu.memref_squeeze %dma_wait3A_275 : memref<1x128xi32, #tpu.memory_space<vmem>> -> memref<128xi32, #tpu.memory_space<vmem>>
      %dma_wait3A_277 = arith.constant 0 : i32
      %dma_wait3A_278 = tpu.memref_slice %arg3[%arg1, %run_scoped3A_113, %dma_wait3A_277] : memref<16x80x128xi32, #tpu.memory_space<hbm>> -> memref<1x1x128xi32, #tpu.memory_space<hbm>>
      %dma_wait3A_279 = tpu.memref_squeeze %dma_wait3A_278 : memref<1x1x128xi32, #tpu.memory_space<hbm>> -> memref<128xi32, #tpu.memory_space<hbm>>
      tpu.wait_dma2 semaphore(%run_scoped3A_255 : memref<!tpu.dma_semaphore, #tpu.memory_space<semaphore_mem>>) src(%dma_wait3A_279 : memref<128xi32, #tpu.memory_space<hbm>>) dst(%dma_wait3A_276 : memref<128xi32, #tpu.memory_space<vmem>>)
      tpu.yield
    }) : () -> ()
    %get3A_115 = arith.constant 1 : i32
    %get3A_116 = arith.index_cast %get3A_115 : i32 to index
    %get3A_117 = arith.constant 0 : index
    %get3A_118 = tpu.vector_load %arg8[%get3A_116, %get3A_117] {strides = array<i32>} : memref<2x128xi32, #tpu.memory_space<vmem>>, vector<1x16xi32>,
    %get3A_119 = vector.shape_cast %get3A_118 : vector<1x16xi32> to vector<16xi32>
    %add3A_120 = vector.broadcast %mul3A_0 : i32 to vector<16xi32>
    %add3A_121 = arith.addi %get3A_119, %add3A_120 : vector<16xi32>
    %swap3A_122 = arith.constant 1 : i32
    %swap3A_123 = arith.index_cast %swap3A_122 : i32 to index
    %swap3A_124 = arith.constant 0 : index
    %swap3A_125 = tpu.vector_load %arg8[%swap3A_123, %swap3A_124] {strides = array<i32>} : memref<2x128xi32, #tpu.memory_space<vmem>>, vector<1x16xi32>,
    %swap3A_126 = vector.shape_cast %swap3A_125 : vector<1x16xi32> to vector<16xi32>
    %swap3A_127 = vector.shape_cast %add3A_121 : vector<16xi32> to vector<1x16xi32>
    tpu.vector_store %arg8[%swap3A_123, %swap3A_124], %swap3A_127 {strides = array<i32>} : memref<2x128xi32, #tpu.memory_space<vmem>>, vector<1x16xi32>,
    %get3A_128 = arith.constant 1 : i32
    %get3A_129 = arith.index_cast %get3A_128 : i32 to index
    %get3A_130 = arith.constant 16 : index
    %get3A_131 = tpu.vector_load %arg8[%get3A_129, %get3A_130] {strides = array<i32>} : memref<2x128xi32, #tpu.memory_space<vmem>>, vector<1x16xi32>,
    %get3A_132 = vector.shape_cast %get3A_131 : vector<1x16xi32> to vector<16xi32>
    %add3A_133 = vector.broadcast %mul3A_0 : i32 to vector<16xi32>
    %add3A_134 = arith.addi %get3A_132, %add3A_133 : vector<16xi32>
    %swap3A_135 = arith.constant 1 : i32
    %swap3A_136 = arith.index_cast %swap3A_135 : i32 to index
    %swap3A_137 = arith.constant 16 : index
    %swap3A_138 = tpu.vector_load %arg8[%swap3A_136, %swap3A_137] {strides = array<i32>} : memref<2x128xi32, #tpu.memory_space<vmem>>, vector<1x16xi32>,
    %swap3A_139 = vector.shape_cast %swap3A_138 : vector<1x16xi32> to vector<16xi32>
    %swap3A_140 = vector.shape_cast %add3A_134 : vector<16xi32> to vector<1x16xi32>
    tpu.vector_store %arg8[%swap3A_136, %swap3A_137], %swap3A_140 {strides = array<i32>} : memref<2x128xi32, #tpu.memory_space<vmem>>, vector<1x16xi32>,
    %get3A_141 = arith.constant 1 : i32
    %get3A_142 = arith.index_cast %get3A_141 : i32 to index
    %get3A_143 = arith.constant 32 : index
    %get3A_144 = tpu.vector_load %arg8[%get3A_142, %get3A_143] {strides = array<i32>} : memref<2x128xi32, #tpu.memory_space<vmem>>, vector<1x16xi32>,
    %get3A_145 = vector.shape_cast %get3A_144 : vector<1x16xi32> to vector<16xi32>
    %add3A_146 = vector.broadcast %mul3A_0 : i32 to vector<16xi32>
    %add3A_147 = arith.addi %get3A_145, %add3A_146 : vector<16xi32>
    %swap3A_148 = arith.constant 1 : i32
    %swap3A_149 = arith.index_cast %swap3A_148 : i32 to index
    %swap3A_150 = arith.constant 32 : index
    %swap3A_151 = tpu.vector_load %arg8[%swap3A_149, %swap3A_150] {strides = array<i32>} : memref<2x128xi32, #tpu.memory_space<vmem>>, vector<1x16xi32>,
    %swap3A_152 = vector.shape_cast %swap3A_151 : vector<1x16xi32> to vector<16xi32>
    %swap3A_153 = vector.shape_cast %add3A_147 : vector<16xi32> to vector<1x16xi32>
    tpu.vector_store %arg8[%swap3A_149, %swap3A_150], %swap3A_153 {strides = array<i32>} : memref<2x128xi32, #tpu.memory_space<vmem>>, vector<1x16xi32>,
    %get3A_154 = arith.constant 1 : i32
    %get3A_155 = arith.index_cast %get3A_154 : i32 to index
    %get3A_156 = arith.constant 48 : index
    %get3A_157 = tpu.vector_load %arg8[%get3A_155, %get3A_156] {strides = array<i32>} : memref<2x128xi32, #tpu.memory_space<vmem>>, vector<1x16xi32>,
    %get3A_158 = vector.shape_cast %get3A_157 : vector<1x16xi32> to vector<16xi32>
    %add3A_159 = vector.broadcast %mul3A_0 : i32 to vector<16xi32>
    %add3A_160 = arith.addi %get3A_158, %add3A_159 : vector<16xi32>
    %swap3A_161 = arith.constant 1 : i32
    %swap3A_162 = arith.index_cast %swap3A_161 : i32 to index
    %swap3A_163 = arith.constant 48 : index
    %swap3A_164 = tpu.vector_load %arg8[%swap3A_162, %swap3A_163] {strides = array<i32>} : memref<2x128xi32, #tpu.memory_space<vmem>>, vector<1x16xi32>,
    %swap3A_165 = vector.shape_cast %swap3A_164 : vector<1x16xi32> to vector<16xi32>
    %swap3A_166 = vector.shape_cast %add3A_160 : vector<16xi32> to vector<1x16xi32>
    tpu.vector_store %arg8[%swap3A_162, %swap3A_163], %swap3A_166 {strides = array<i32>} : memref<2x128xi32, #tpu.memory_space<vmem>>, vector<1x16xi32>,
    %get3A_167 = arith.constant 1 : i32
    %get3A_168 = arith.index_cast %get3A_167 : i32 to index
    %get3A_169 = arith.constant 64 : index
    %get3A_170 = tpu.vector_load %arg8[%get3A_168, %get3A_169] {strides = array<i32>} : memref<2x128xi32, #tpu.memory_space<vmem>>, vector<1x16xi32>,
    %get3A_171 = vector.shape_cast %get3A_170 : vector<1x16xi32> to vector<16xi32>
    %add3A_172 = vector.broadcast %mul3A_0 : i32 to vector<16xi32>
    %add3A_173 = arith.addi %get3A_171, %add3A_172 : vector<16xi32>
    %swap3A_174 = arith.constant 1 : i32
    %swap3A_175 = arith.index_cast %swap3A_174 : i32 to index
    %swap3A_176 = arith.constant 64 : index
    %swap3A_177 = tpu.vector_load %arg8[%swap3A_175, %swap3A_176] {strides = array<i32>} : memref<2x128xi32, #tpu.memory_space<vmem>>, vector<1x16xi32>,
    %swap3A_178 = vector.shape_cast %swap3A_177 : vector<1x16xi32> to vector<16xi32>
    %swap3A_179 = vector.shape_cast %add3A_173 : vector<16xi32> to vector<1x16xi32>
    tpu.vector_store %arg8[%swap3A_175, %swap3A_176], %swap3A_179 {strides = array<i32>} : memref<2x128xi32, #tpu.memory_space<vmem>>, vector<1x16xi32>,
    %get3A_180 = arith.constant 1 : i32
    %get3A_181 = arith.index_cast %get3A_180 : i32 to index
    %get3A_182 = arith.constant 80 : index
    %get3A_183 = tpu.vector_load %arg8[%get3A_181, %get3A_182] {strides = array<i32>} : memref<2x128xi32, #tpu.memory_space<vmem>>, vector<1x16xi32>,
    %get3A_184 = vector.shape_cast %get3A_183 : vector<1x16xi32> to vector<16xi32>
    %add3A_185 = vector.broadcast %mul3A_0 : i32 to vector<16xi32>
    %add3A_186 = arith.addi %get3A_184, %add3A_185 : vector<16xi32>
    %swap3A_187 = arith.constant 1 : i32
    %swap3A_188 = arith.index_cast %swap3A_187 : i32 to index
    %swap3A_189 = arith.constant 80 : index
    %swap3A_190 = tpu.vector_load %arg8[%swap3A_188, %swap3A_189] {strides = array<i32>} : memref<2x128xi32, #tpu.memory_space<vmem>>, vector<1x16xi32>,
    %swap3A_191 = vector.shape_cast %swap3A_190 : vector<1x16xi32> to vector<16xi32>
    %swap3A_192 = vector.shape_cast %add3A_186 : vector<16xi32> to vector<1x16xi32>
    tpu.vector_store %arg8[%swap3A_188, %swap3A_189], %swap3A_192 {strides = array<i32>} : memref<2x128xi32, #tpu.memory_space<vmem>>, vector<1x16xi32>,
    %get3A_193 = arith.constant 1 : i32
    %get3A_194 = arith.index_cast %get3A_193 : i32 to index
    %get3A_195 = arith.constant 96 : index
    %get3A_196 = tpu.vector_load %arg8[%get3A_194, %get3A_195] {strides = array<i32>} : memref<2x128xi32, #tpu.memory_space<vmem>>, vector<1x16xi32>,
    %get3A_197 = vector.shape_cast %get3A_196 : vector<1x16xi32> to vector<16xi32>
    %add3A_198 = vector.broadcast %mul3A_0 : i32 to vector<16xi32>
    %add3A_199 = arith.addi %get3A_197, %add3A_198 : vector<16xi32>
    %swap3A_200 = arith.constant 1 : i32
    %swap3A_201 = arith.index_cast %swap3A_200 : i32 to index
    %swap3A_202 = arith.constant 96 : index
    %swap3A_203 = tpu.vector_load %arg8[%swap3A_201, %swap3A_202] {strides = array<i32>} : memref<2x128xi32, #tpu.memory_space<vmem>>, vector<1x16xi32>,
    %swap3A_204 = vector.shape_cast %swap3A_203 : vector<1x16xi32> to vector<16xi32>
    %swap3A_205 = vector.shape_cast %add3A_199 : vector<16xi32> to vector<1x16xi32>
    tpu.vector_store %arg8[%swap3A_201, %swap3A_202], %swap3A_205 {strides = array<i32>} : memref<2x128xi32, #tpu.memory_space<vmem>>, vector<1x16xi32>,
    %get3A_206 = arith.constant 1 : i32
    %get3A_207 = arith.index_cast %get3A_206 : i32 to index
    %get3A_208 = arith.constant 112 : index
    %get3A_209 = tpu.vector_load %arg8[%get3A_207, %get3A_208] {strides = array<i32>} : memref<2x128xi32, #tpu.memory_space<vmem>>, vector<1x16xi32>,
    %get3A_210 = vector.shape_cast %get3A_209 : vector<1x16xi32> to vector<16xi32>
    %add3A_211 = vector.broadcast %mul3A_0 : i32 to vector<16xi32>
    %add3A_212 = arith.addi %get3A_210, %add3A_211 : vector<16xi32>
    %swap3A_213 = arith.constant 1 : i32
    %swap3A_214 = arith.index_cast %swap3A_213 : i32 to index
    %swap3A_215 = arith.constant 112 : index
    %swap3A_216 = tpu.vector_load %arg8[%swap3A_214, %swap3A_215] {strides = array<i32>} : memref<2x128xi32, #tpu.memory_space<vmem>>, vector<1x16xi32>,
    %swap3A_217 = vector.shape_cast %swap3A_216 : vector<1x16xi32> to vector<16xi32>
    %swap3A_218 = vector.shape_cast %add3A_212 : vector<16xi32> to vector<1x16xi32>
    tpu.vector_store %arg8[%swap3A_214, %swap3A_215], %swap3A_218 {strides = array<i32>} : memref<2x128xi32, #tpu.memory_space<vmem>>, vector<1x16xi32>,
    %dma_start3A_219 = arith.constant 1 : i32
    %dma_start3A_220 = arith.constant 0 : i32
    %dma_start3A_221 = tpu.memref_slice %arg8[%dma_start3A_219, %dma_start3A_220] : memref<2x128xi32, #tpu.memory_space<vmem>> -> memref<1x128xi32, #tpu.memory_space<vmem>>
    %dma_start3A_222 = tpu.memref_squeeze %dma_start3A_221 : memref<1x128xi32, #tpu.memory_space<vmem>> -> memref<128xi32, #tpu.memory_space<vmem>>
    %dma_start3A_223 = arith.constant 0 : i32
    %dma_start3A_224 = arith.constant 0 : i32
    %dma_start3A_225 = tpu.memref_slice %arg2[%dma_start3A_223, %dma_start3A_224] : memref<20000x128xf32, #tpu.memory_space<hbm>> -> memref<20000x128xf32, #tpu.memory_space<hbm>>
    tpu.enqueue_indirect_dma source(%dma_start3A_225 : memref<20000x128xf32, #tpu.memory_space<hbm>>) target(%arg10 : memref<128x128xf32, #tpu.memory_space<vmem>>) offsets(%dma_start3A_222 : memref<128xi32, #tpu.memory_space<vmem>>) semaphore(%arg13 : memref<!tpu.dma_semaphore, #tpu.memory_space<semaphore_mem>>)
    %scan3A = arith.constant 0 : i32
    %scan3A_226 = arith.constant 0 : i32
    %scan3A_227 = arith.constant 39 : i32
    %scan3A_228 = arith.addi %scan3A_226, %scan3A_227 : i32
    %scan3A_229 = arith.constant 1 : i32
    scf.for %scan3A_255 = %scan3A_226 to %scan3A_228 step %scan3A_229  : i32 {
      %mul3A_256 = arith.constant 2 : i32
      %mul3A_257 = arith.muli %mul3A_256, %scan3A_255 : i32
      %add3A_258 = arith.constant 0 : i32
      %add3A_259 = arith.addi %mul3A_257, %add3A_258 : i32
      %dma_wait3A_260 = arith.constant 0 : i32
      %dma_wait3A_261 = arith.constant 0 : i32
      %dma_wait3A_262 = tpu.memref_slice %arg8[%dma_wait3A_260, %dma_wait3A_261] : memref<2x128xi32, #tpu.memory_space<vmem>> -> memref<1x128xi32, #tpu.memory_space<vmem>>
      %dma_wait3A_263 = tpu.memref_squeeze %dma_wait3A_262 : memref<1x128xi32, #tpu.memory_space<vmem>> -> memref<128xi32, #tpu.memory_space<vmem>>
      %dma_wait3A_264 = arith.constant 0 : i32
      %dma_wait3A_265 = arith.constant 0 : i32
      %dma_wait3A_266 = tpu.memref_slice %arg2[%dma_wait3A_264, %dma_wait3A_265] : memref<20000x128xf32, #tpu.memory_space<hbm>> -> memref<20000x128xf32, #tpu.memory_space<hbm>>
      tpu.wait_indirect_dma semaphore(%arg12 : memref<!tpu.dma_semaphore, #tpu.memory_space<semaphore_mem>>) src(%dma_wait3A_266 : memref<20000x128xf32, #tpu.memory_space<hbm>>) dst(%arg9 : memref<128x128xf32, #tpu.memory_space<vmem>>)
      %add3A_267 = arith.constant 2 : i32
      %add3A_268 = arith.addi %add3A_259, %add3A_267 : i32
      %dma_start3A_269 = arith.constant 0 : i32
      %dma_start3A_270 = arith.constant 0 : i32
      %dma_start3A_271 = tpu.memref_slice %arg8[%dma_start3A_269, %dma_start3A_270] : memref<2x128xi32, #tpu.memory_space<vmem>> -> memref<1x128xi32, #tpu.memory_space<vmem>>
      %dma_start3A_272 = tpu.memref_squeeze %dma_start3A_271 : memref<1x128xi32, #tpu.memory_space<vmem>> -> memref<128xi32, #tpu.memory_space<vmem>>
      %dma_start3A_273 = arith.constant 0 : i32
      %dma_start3A_274 = tpu.memref_slice %arg3[%arg1, %add3A_268, %dma_start3A_273] : memref<16x80x128xi32, #tpu.memory_space<hbm>> -> memref<1x1x128xi32, #tpu.memory_space<hbm>>
      %dma_start3A_275 = tpu.memref_squeeze %dma_start3A_274 : memref<1x1x128xi32, #tpu.memory_space<hbm>> -> memref<128xi32, #tpu.memory_space<hbm>>
      %dma_start3A_276 = arith.constant 0 : i32
      %dma_start3A_277 = tpu.memref_slice %arg8[%dma_start3A_269, %dma_start3A_276] : memref<2x128xi32, #tpu.memory_space<vmem>> -> memref<1x128xi32, #tpu.memory_space<vmem>>
      %dma_start3A_278 = tpu.memref_squeeze %dma_start3A_277 : memref<1x128xi32, #tpu.memory_space<vmem>> -> memref<128xi32, #tpu.memory_space<vmem>>
      %dma_start3A_279 = arith.constant 0 : i32
      %dma_start3A_280 = tpu.memref_slice %arg3[%arg1, %add3A_268, %dma_start3A_279] : memref<16x80x128xi32, #tpu.memory_space<hbm>> -> memref<1x1x128xi32, #tpu.memory_space<hbm>>
      %dma_start3A_281 = tpu.memref_squeeze %dma_start3A_280 : memref<1x1x128xi32, #tpu.memory_space<hbm>> -> memref<128xi32, #tpu.memory_space<hbm>>
      tpu.enqueue_dma source(%dma_start3A_281 : memref<128xi32, #tpu.memory_space<hbm>>) target(%dma_start3A_278 : memref<128xi32, #tpu.memory_space<vmem>>) target_semaphore(%arg14 : memref<!tpu.dma_semaphore, #tpu.memory_space<semaphore_mem>>)
      "tpu.region"() ({
        %run_scoped3A_560 = tpu.sem_alloc : memref<!tpu.dma_semaphore, #tpu.memory_space<semaphore_mem>>
        %dma_start3A_561 = arith.constant 0 : i32
        %dma_start3A_562 = tpu.memref_slice %arg7[%add3A_259, %dma_start3A_561] : memref<80x128xi32, #tpu.memory_space<vmem>> -> memref<1x128xi32, #tpu.memory_space<vmem>>
        %dma_start3A_563 = tpu.memref_squeeze %dma_start3A_562 : memref<1x128xi32, #tpu.memory_space<vmem>> -> memref<128xi32, #tpu.memory_space<vmem>>
        %dma_start3A_564 = arith.constant 0 : i32
        %dma_start3A_565 = arith.constant 0 : i32
        %dma_start3A_566 = tpu.memref_slice %arg11[%dma_start3A_564, %dma_start3A_565] : memref<10112x128xf32, #tpu.memory_space<vmem_shared>> -> memref<10112x128xf32, #tpu.memory_space<vmem_shared>>
        tpu.enqueue_indirect_dma source(%arg9 : memref<128x128xf32, #tpu.memory_space<vmem>>) target(%dma_start3A_566 : memref<10112x128xf32, #tpu.memory_space<vmem_shared>>) offsets(%dma_start3A_563 : memref<128xi32, #tpu.memory_space<vmem>>) semaphore(%run_scoped3A_560 : memref<!tpu.dma_semaphore, #tpu.memory_space<semaphore_mem>>) {add = true}
        %dma_wait3A_567 = arith.constant 0 : i32
        %dma_wait3A_568 = tpu.memref_slice %arg7[%add3A_259, %dma_wait3A_567] : memref<80x128xi32, #tpu.memory_space<vmem>> -> memref<1x128xi32, #tpu.memory_space<vmem>>
        %dma_wait3A_569 = tpu.memref_squeeze %dma_wait3A_568 : memref<1x128xi32, #tpu.memory_space<vmem>> -> memref<128xi32, #tpu.memory_space<vmem>>
        %dma_wait3A_570 = arith.constant 0 : i32
        %dma_wait3A_571 = arith.constant 0 : i32
        %dma_wait3A_572 = tpu.memref_slice %arg11[%dma_wait3A_570, %dma_wait3A_571] : memref<10112x128xf32, #tpu.memory_space<vmem_shared>> -> memref<10112x128xf32, #tpu.memory_space<vmem_shared>>
        tpu.wait_indirect_dma semaphore(%run_scoped3A_560 : memref<!tpu.dma_semaphore, #tpu.memory_space<semaphore_mem>>) src(%arg9 : memref<128x128xf32, #tpu.memory_space<vmem>>) dst(%dma_wait3A_572 : memref<10112x128xf32, #tpu.memory_space<vmem_shared>>)
        tpu.yield
      }) : () -> ()
      %add3A_282 = arith.constant 2 : i32
      %add3A_283 = arith.addi %add3A_259, %add3A_282 : i32
      %dma_wait3A_284 = arith.constant 0 : i32
      %dma_wait3A_285 = arith.constant 0 : i32
      %dma_wait3A_286 = tpu.memref_slice %arg8[%dma_wait3A_284, %dma_wait3A_285] : memref<2x128xi32, #tpu.memory_space<vmem>> -> memref<1x128xi32, #tpu.memory_space<vmem>>
      %dma_wait3A_287 = tpu.memref_squeeze %dma_wait3A_286 : memref<1x128xi32, #tpu.memory_space<vmem>> -> memref<128xi32, #tpu.memory_space<vmem>>
      %dma_wait3A_288 = arith.constant 0 : i32
      %dma_wait3A_289 = tpu.memref_slice %arg3[%arg1, %add3A_283, %dma_wait3A_288] : memref<16x80x128xi32, #tpu.memory_space<hbm>> -> memref<1x1x128xi32, #tpu.memory_space<hbm>>
      %dma_wait3A_290 = tpu.memref_squeeze %dma_wait3A_289 : memref<1x1x128xi32, #tpu.memory_space<hbm>> -> memref<128xi32, #tpu.memory_space<hbm>>
      %dma_wait3A_291 = arith.constant 0 : i32
      %dma_wait3A_292 = tpu.memref_slice %arg8[%dma_wait3A_284, %dma_wait3A_291] : memref<2x128xi32, #tpu.memory_space<vmem>> -> memref<1x128xi32, #tpu.memory_space<vmem>>
      %dma_wait3A_293 = tpu.memref_squeeze %dma_wait3A_292 : memref<1x128xi32, #tpu.memory_space<vmem>> -> memref<128xi32, #tpu.memory_space<vmem>>
      %dma_wait3A_294 = arith.constant 0 : i32
      %dma_wait3A_295 = tpu.memref_slice %arg3[%arg1, %add3A_283, %dma_wait3A_294] : memref<16x80x128xi32, #tpu.memory_space<hbm>> -> memref<1x1x128xi32, #tpu.memory_space<hbm>>
      %dma_wait3A_296 = tpu.memref_squeeze %dma_wait3A_295 : memref<1x1x128xi32, #tpu.memory_space<hbm>> -> memref<128xi32, #tpu.memory_space<hbm>>
      tpu.wait_dma2 semaphore(%arg14 : memref<!tpu.dma_semaphore, #tpu.memory_space<semaphore_mem>>) src(%dma_wait3A_296 : memref<128xi32, #tpu.memory_space<hbm>>) dst(%dma_wait3A_293 : memref<128xi32, #tpu.memory_space<vmem>>)
      %get3A_297 = arith.constant 0 : i32
      %get3A_298 = arith.index_cast %get3A_297 : i32 to index
      %get3A_299 = arith.constant 0 : index
      %get3A_300 = tpu.vector_load %arg8[%get3A_298, %get3A_299] {strides = array<i32>} : memref<2x128xi32, #tpu.memory_space<vmem>>, vector<1x16xi32>,
      %get3A_301 = vector.shape_cast %get3A_300 : vector<1x16xi32> to vector<16xi32>
      %add3A_302 = vector.broadcast %mul3A_0 : i32 to vector<16xi32>
      %add3A_303 = arith.addi %get3A_301, %add3A_302 : vector<16xi32>
      %swap3A_304 = arith.constant 0 : i32
      %swap3A_305 = arith.index_cast %swap3A_304 : i32 to index
      %swap3A_306 = arith.constant 0 : index
      %swap3A_307 = tpu.vector_load %arg8[%swap3A_305, %swap3A_306] {strides = array<i32>} : memref<2x128xi32, #tpu.memory_space<vmem>>, vector<1x16xi32>,
      %swap3A_308 = vector.shape_cast %swap3A_307 : vector<1x16xi32> to vector<16xi32>
      %swap3A_309 = vector.shape_cast %add3A_303 : vector<16xi32> to vector<1x16xi32>
      tpu.vector_store %arg8[%swap3A_305, %swap3A_306], %swap3A_309 {strides = array<i32>} : memref<2x128xi32, #tpu.memory_space<vmem>>, vector<1x16xi32>,
      %get3A_310 = arith.constant 0 : i32
      %get3A_311 = arith.index_cast %get3A_310 : i32 to index
      %get3A_312 = arith.constant 16 : index
      %get3A_313 = tpu.vector_load %arg8[%get3A_311, %get3A_312] {strides = array<i32>} : memref<2x128xi32, #tpu.memory_space<vmem>>, vector<1x16xi32>,
      %get3A_314 = vector.shape_cast %get3A_313 : vector<1x16xi32> to vector<16xi32>
      %add3A_315 = vector.broadcast %mul3A_0 : i32 to vector<16xi32>
      %add3A_316 = arith.addi %get3A_314, %add3A_315 : vector<16xi32>
      %swap3A_317 = arith.constant 0 : i32
      %swap3A_318 = arith.index_cast %swap3A_317 : i32 to index
      %swap3A_319 = arith.constant 16 : index
      %swap3A_320 = tpu.vector_load %arg8[%swap3A_318, %swap3A_319] {strides = array<i32>} : memref<2x128xi32, #tpu.memory_space<vmem>>, vector<1x16xi32>,
      %swap3A_321 = vector.shape_cast %swap3A_320 : vector<1x16xi32> to vector<16xi32>
      %swap3A_322 = vector.shape_cast %add3A_316 : vector<16xi32> to vector<1x16xi32>
      tpu.vector_store %arg8[%swap3A_318, %swap3A_319], %swap3A_322 {strides = array<i32>} : memref<2x128xi32, #tpu.memory_space<vmem>>, vector<1x16xi32>,
      %get3A_323 = arith.constant 0 : i32
      %get3A_324 = arith.index_cast %get3A_323 : i32 to index
      %get3A_325 = arith.constant 32 : index
      %get3A_326 = tpu.vector_load %arg8[%get3A_324, %get3A_325] {strides = array<i32>} : memref<2x128xi32, #tpu.memory_space<vmem>>, vector<1x16xi32>,
      %get3A_327 = vector.shape_cast %get3A_326 : vector<1x16xi32> to vector<16xi32>
      %add3A_328 = vector.broadcast %mul3A_0 : i32 to vector<16xi32>
      %add3A_329 = arith.addi %get3A_327, %add3A_328 : vector<16xi32>
      %swap3A_330 = arith.constant 0 : i32
      %swap3A_331 = arith.index_cast %swap3A_330 : i32 to index
      %swap3A_332 = arith.constant 32 : index
      %swap3A_333 = tpu.vector_load %arg8[%swap3A_331, %swap3A_332] {strides = array<i32>} : memref<2x128xi32, #tpu.memory_space<vmem>>, vector<1x16xi32>,
      %swap3A_334 = vector.shape_cast %swap3A_333 : vector<1x16xi32> to vector<16xi32>
      %swap3A_335 = vector.shape_cast %add3A_329 : vector<16xi32> to vector<1x16xi32>
      tpu.vector_store %arg8[%swap3A_331, %swap3A_332], %swap3A_335 {strides = array<i32>} : memref<2x128xi32, #tpu.memory_space<vmem>>, vector<1x16xi32>,
      %get3A_336 = arith.constant 0 : i32
      %get3A_337 = arith.index_cast %get3A_336 : i32 to index
      %get3A_338 = arith.constant 48 : index
      %get3A_339 = tpu.vector_load %arg8[%get3A_337, %get3A_338] {strides = array<i32>} : memref<2x128xi32, #tpu.memory_space<vmem>>, vector<1x16xi32>,
      %get3A_340 = vector.shape_cast %get3A_339 : vector<1x16xi32> to vector<16xi32>
      %add3A_341 = vector.broadcast %mul3A_0 : i32 to vector<16xi32>
      %add3A_342 = arith.addi %get3A_340, %add3A_341 : vector<16xi32>
      %swap3A_343 = arith.constant 0 : i32
      %swap3A_344 = arith.index_cast %swap3A_343 : i32 to index
      %swap3A_345 = arith.constant 48 : index
      %swap3A_346 = tpu.vector_load %arg8[%swap3A_344, %swap3A_345] {strides = array<i32>} : memref<2x128xi32, #tpu.memory_space<vmem>>, vector<1x16xi32>,
      %swap3A_347 = vector.shape_cast %swap3A_346 : vector<1x16xi32> to vector<16xi32>
      %swap3A_348 = vector.shape_cast %add3A_342 : vector<16xi32> to vector<1x16xi32>
      tpu.vector_store %arg8[%swap3A_344, %swap3A_345], %swap3A_348 {strides = array<i32>} : memref<2x128xi32, #tpu.memory_space<vmem>>, vector<1x16xi32>,
      %get3A_349 = arith.constant 0 : i32
      %get3A_350 = arith.index_cast %get3A_349 : i32 to index
      %get3A_351 = arith.constant 64 : index
      %get3A_352 = tpu.vector_load %arg8[%get3A_350, %get3A_351] {strides = array<i32>} : memref<2x128xi32, #tpu.memory_space<vmem>>, vector<1x16xi32>,
      %get3A_353 = vector.shape_cast %get3A_352 : vector<1x16xi32> to vector<16xi32>
      %add3A_354 = vector.broadcast %mul3A_0 : i32 to vector<16xi32>
      %add3A_355 = arith.addi %get3A_353, %add3A_354 : vector<16xi32>
      %swap3A_356 = arith.constant 0 : i32
      %swap3A_357 = arith.index_cast %swap3A_356 : i32 to index
      %swap3A_358 = arith.constant 64 : index
      %swap3A_359 = tpu.vector_load %arg8[%swap3A_357, %swap3A_358] {strides = array<i32>} : memref<2x128xi32, #tpu.memory_space<vmem>>, vector<1x16xi32>,
      %swap3A_360 = vector.shape_cast %swap3A_359 : vector<1x16xi32> to vector<16xi32>
      %swap3A_361 = vector.shape_cast %add3A_355 : vector<16xi32> to vector<1x16xi32>
      tpu.vector_store %arg8[%swap3A_357, %swap3A_358], %swap3A_361 {strides = array<i32>} : memref<2x128xi32, #tpu.memory_space<vmem>>, vector<1x16xi32>,
      %get3A_362 = arith.constant 0 : i32
      %get3A_363 = arith.index_cast %get3A_362 : i32 to index
      %get3A_364 = arith.constant 80 : index
      %get3A_365 = tpu.vector_load %arg8[%get3A_363, %get3A_364] {strides = array<i32>} : memref<2x128xi32, #tpu.memory_space<vmem>>, vector<1x16xi32>,
      %get3A_366 = vector.shape_cast %get3A_365 : vector<1x16xi32> to vector<16xi32>
      %add3A_367 = vector.broadcast %mul3A_0 : i32 to vector<16xi32>
      %add3A_368 = arith.addi %get3A_366, %add3A_367 : vector<16xi32>
      %swap3A_369 = arith.constant 0 : i32
      %swap3A_370 = arith.index_cast %swap3A_369 : i32 to index
      %swap3A_371 = arith.constant 80 : index
      %swap3A_372 = tpu.vector_load %arg8[%swap3A_370, %swap3A_371] {strides = array<i32>} : memref<2x128xi32, #tpu.memory_space<vmem>>, vector<1x16xi32>,
      %swap3A_373 = vector.shape_cast %swap3A_372 : vector<1x16xi32> to vector<16xi32>
      %swap3A_374 = vector.shape_cast %add3A_368 : vector<16xi32> to vector<1x16xi32>
      tpu.vector_store %arg8[%swap3A_370, %swap3A_371], %swap3A_374 {strides = array<i32>} : memref<2x128xi32, #tpu.memory_space<vmem>>, vector<1x16xi32>,
      %get3A_375 = arith.constant 0 : i32
      %get3A_376 = arith.index_cast %get3A_375 : i32 to index
      %get3A_377 = arith.constant 96 : index
      %get3A_378 = tpu.vector_load %arg8[%get3A_376, %get3A_377] {strides = array<i32>} : memref<2x128xi32, #tpu.memory_space<vmem>>, vector<1x16xi32>,
      %get3A_379 = vector.shape_cast %get3A_378 : vector<1x16xi32> to vector<16xi32>
      %add3A_380 = vector.broadcast %mul3A_0 : i32 to vector<16xi32>
      %add3A_381 = arith.addi %get3A_379, %add3A_380 : vector<16xi32>
      %swap3A_382 = arith.constant 0 : i32
      %swap3A_383 = arith.index_cast %swap3A_382 : i32 to index
      %swap3A_384 = arith.constant 96 : index
      %swap3A_385 = tpu.vector_load %arg8[%swap3A_383, %swap3A_384] {strides = array<i32>} : memref<2x128xi32, #tpu.memory_space<vmem>>, vector<1x16xi32>,
      %swap3A_386 = vector.shape_cast %swap3A_385 : vector<1x16xi32> to vector<16xi32>
      %swap3A_387 = vector.shape_cast %add3A_381 : vector<16xi32> to vector<1x16xi32>
      tpu.vector_store %arg8[%swap3A_383, %swap3A_384], %swap3A_387 {strides = array<i32>} : memref<2x128xi32, #tpu.memory_space<vmem>>, vector<1x16xi32>,
      %get3A_388 = arith.constant 0 : i32
      %get3A_389 = arith.index_cast %get3A_388 : i32 to index
      %get3A_390 = arith.constant 112 : index
      %get3A_391 = tpu.vector_load %arg8[%get3A_389, %get3A_390] {strides = array<i32>} : memref<2x128xi32, #tpu.memory_space<vmem>>, vector<1x16xi32>,
      %get3A_392 = vector.shape_cast %get3A_391 : vector<1x16xi32> to vector<16xi32>
      %add3A_393 = vector.broadcast %mul3A_0 : i32 to vector<16xi32>
      %add3A_394 = arith.addi %get3A_392, %add3A_393 : vector<16xi32>
      %swap3A_395 = arith.constant 0 : i32
      %swap3A_396 = arith.index_cast %swap3A_395 : i32 to index
      %swap3A_397 = arith.constant 112 : index
      %swap3A_398 = tpu.vector_load %arg8[%swap3A_396, %swap3A_397] {strides = array<i32>} : memref<2x128xi32, #tpu.memory_space<vmem>>, vector<1x16xi32>,
      %swap3A_399 = vector.shape_cast %swap3A_398 : vector<1x16xi32> to vector<16xi32>
      %swap3A_400 = vector.shape_cast %add3A_394 : vector<16xi32> to vector<1x16xi32>
      tpu.vector_store %arg8[%swap3A_396, %swap3A_397], %swap3A_400 {strides = array<i32>} : memref<2x128xi32, #tpu.memory_space<vmem>>, vector<1x16xi32>,
      %dma_start3A_401 = arith.constant 0 : i32
      %dma_start3A_402 = arith.constant 0 : i32
      %dma_start3A_403 = tpu.memref_slice %arg8[%dma_start3A_401, %dma_start3A_402] : memref<2x128xi32, #tpu.memory_space<vmem>> -> memref<1x128xi32, #tpu.memory_space<vmem>>
      %dma_start3A_404 = tpu.memref_squeeze %dma_start3A_403 : memref<1x128xi32, #tpu.memory_space<vmem>> -> memref<128xi32, #tpu.memory_space<vmem>>
      %dma_start3A_405 = arith.constant 0 : i32
      %dma_start3A_406 = arith.constant 0 : i32
      %dma_start3A_407 = tpu.memref_slice %arg2[%dma_start3A_405, %dma_start3A_406] : memref<20000x128xf32, #tpu.memory_space<hbm>> -> memref<20000x128xf32, #tpu.memory_space<hbm>>
      tpu.enqueue_indirect_dma source(%dma_start3A_407 : memref<20000x128xf32, #tpu.memory_space<hbm>>) target(%arg9 : memref<128x128xf32, #tpu.memory_space<vmem>>) offsets(%dma_start3A_404 : memref<128xi32, #tpu.memory_space<vmem>>) semaphore(%arg12 : memref<!tpu.dma_semaphore, #tpu.memory_space<semaphore_mem>>)
      %mul3A_408 = arith.constant 2 : i32
      %mul3A_409 = arith.muli %mul3A_408, %scan3A_255 : i32
      %add3A_410 = arith.constant 1 : i32
      %add3A_411 = arith.addi %mul3A_409, %add3A_410 : i32
      %dma_wait3A_412 = arith.constant 1 : i32
      %dma_wait3A_413 = arith.constant 0 : i32
      %dma_wait3A_414 = tpu.memref_slice %arg8[%dma_wait3A_412, %dma_wait3A_413] : memref<2x128xi32, #tpu.memory_space<vmem>> -> memref<1x128xi32, #tpu.memory_space<vmem>>
      %dma_wait3A_415 = tpu.memref_squeeze %dma_wait3A_414 : memref<1x128xi32, #tpu.memory_space<vmem>> -> memref<128xi32, #tpu.memory_space<vmem>>
      %dma_wait3A_416 = arith.constant 0 : i32
      %dma_wait3A_417 = arith.constant 0 : i32
      %dma_wait3A_418 = tpu.memref_slice %arg2[%dma_wait3A_416, %dma_wait3A_417] : memref<20000x128xf32, #tpu.memory_space<hbm>> -> memref<20000x128xf32, #tpu.memory_space<hbm>>
      tpu.wait_indirect_dma semaphore(%arg13 : memref<!tpu.dma_semaphore, #tpu.memory_space<semaphore_mem>>) src(%dma_wait3A_418 : memref<20000x128xf32, #tpu.memory_space<hbm>>) dst(%arg10 : memref<128x128xf32, #tpu.memory_space<vmem>>)
      %add3A_419 = arith.constant 2 : i32
      %add3A_420 = arith.addi %add3A_411, %add3A_419 : i32
      %dma_start3A_421 = arith.constant 1 : i32
      %dma_start3A_422 = arith.constant 0 : i32
      %dma_start3A_423 = tpu.memref_slice %arg8[%dma_start3A_421, %dma_start3A_422] : memref<2x128xi32, #tpu.memory_space<vmem>> -> memref<1x128xi32, #tpu.memory_space<vmem>>
      %dma_start3A_424 = tpu.memref_squeeze %dma_start3A_423 : memref<1x128xi32, #tpu.memory_space<vmem>> -> memref<128xi32, #tpu.memory_space<vmem>>
      %dma_start3A_425 = arith.constant 0 : i32
      %dma_start3A_426 = tpu.memref_slice %arg3[%arg1, %add3A_420, %dma_start3A_425] : memref<16x80x128xi32, #tpu.memory_space<hbm>> -> memref<1x1x128xi32, #tpu.memory_space<hbm>>
      %dma_start3A_427 = tpu.memref_squeeze %dma_start3A_426 : memref<1x1x128xi32, #tpu.memory_space<hbm>> -> memref<128xi32, #tpu.memory_space<hbm>>
      %dma_start3A_428 = arith.constant 0 : i32
      %dma_start3A_429 = tpu.memref_slice %arg8[%dma_start3A_421, %dma_start3A_428] : memref<2x128xi32, #tpu.memory_space<vmem>> -> memref<1x128xi32, #tpu.memory_space<vmem>>
      %dma_start3A_430 = tpu.memref_squeeze %dma_start3A_429 : memref<1x128xi32, #tpu.memory_space<vmem>> -> memref<128xi32, #tpu.memory_space<vmem>>
      %dma_start3A_431 = arith.constant 0 : i32
      %dma_start3A_432 = tpu.memref_slice %arg3[%arg1, %add3A_420, %dma_start3A_431] : memref<16x80x128xi32, #tpu.memory_space<hbm>> -> memref<1x1x128xi32, #tpu.memory_space<hbm>>
      %dma_start3A_433 = tpu.memref_squeeze %dma_start3A_432 : memref<1x1x128xi32, #tpu.memory_space<hbm>> -> memref<128xi32, #tpu.memory_space<hbm>>
      tpu.enqueue_dma source(%dma_start3A_433 : memref<128xi32, #tpu.memory_space<hbm>>) target(%dma_start3A_430 : memref<128xi32, #tpu.memory_space<vmem>>) target_semaphore(%arg15 : memref<!tpu.dma_semaphore, #tpu.memory_space<semaphore_mem>>)
      "tpu.region"() ({
        %run_scoped3A_560 = tpu.sem_alloc : memref<!tpu.dma_semaphore, #tpu.memory_space<semaphore_mem>>
        %dma_start3A_561 = arith.constant 0 : i32
        %dma_start3A_562 = tpu.memref_slice %arg7[%add3A_411, %dma_start3A_561] : memref<80x128xi32, #tpu.memory_space<vmem>> -> memref<1x128xi32, #tpu.memory_space<vmem>>
        %dma_start3A_563 = tpu.memref_squeeze %dma_start3A_562 : memref<1x128xi32, #tpu.memory_space<vmem>> -> memref<128xi32, #tpu.memory_space<vmem>>
        %dma_start3A_564 = arith.constant 0 : i32
        %dma_start3A_565 = arith.constant 0 : i32
        %dma_start3A_566 = tpu.memref_slice %arg11[%dma_start3A_564, %dma_start3A_565] : memref<10112x128xf32, #tpu.memory_space<vmem_shared>> -> memref<10112x128xf32, #tpu.memory_space<vmem_shared>>
        tpu.enqueue_indirect_dma source(%arg10 : memref<128x128xf32, #tpu.memory_space<vmem>>) target(%dma_start3A_566 : memref<10112x128xf32, #tpu.memory_space<vmem_shared>>) offsets(%dma_start3A_563 : memref<128xi32, #tpu.memory_space<vmem>>) semaphore(%run_scoped3A_560 : memref<!tpu.dma_semaphore, #tpu.memory_space<semaphore_mem>>) {add = true}
        %dma_wait3A_567 = arith.constant 0 : i32
        %dma_wait3A_568 = tpu.memref_slice %arg7[%add3A_411, %dma_wait3A_567] : memref<80x128xi32, #tpu.memory_space<vmem>> -> memref<1x128xi32, #tpu.memory_space<vmem>>
        %dma_wait3A_569 = tpu.memref_squeeze %dma_wait3A_568 : memref<1x128xi32, #tpu.memory_space<vmem>> -> memref<128xi32, #tpu.memory_space<vmem>>
        %dma_wait3A_570 = arith.constant 0 : i32
        %dma_wait3A_571 = arith.constant 0 : i32
        %dma_wait3A_572 = tpu.memref_slice %arg11[%dma_wait3A_570, %dma_wait3A_571] : memref<10112x128xf32, #tpu.memory_space<vmem_shared>> -> memref<10112x128xf32, #tpu.memory_space<vmem_shared>>
        tpu.wait_indirect_dma semaphore(%run_scoped3A_560 : memref<!tpu.dma_semaphore, #tpu.memory_space<semaphore_mem>>) src(%arg10 : memref<128x128xf32, #tpu.memory_space<vmem>>) dst(%dma_wait3A_572 : memref<10112x128xf32, #tpu.memory_space<vmem_shared>>)
        tpu.yield
      }) : () -> ()
      %add3A_434 = arith.constant 2 : i32
      %add3A_435 = arith.addi %add3A_411, %add3A_434 : i32
      %dma_wait3A_436 = arith.constant 1 : i32
      %dma_wait3A_437 = arith.constant 0 : i32
      %dma_wait3A_438 = tpu.memref_slice %arg8[%dma_wait3A_436, %dma_wait3A_437] : memref<2x128xi32, #tpu.memory_space<vmem>> -> memref<1x128xi32, #tpu.memory_space<vmem>>
      %dma_wait3A_439 = tpu.memref_squeeze %dma_wait3A_438 : memref<1x128xi32, #tpu.memory_space<vmem>> -> memref<128xi32, #tpu.memory_space<vmem>>
      %dma_wait3A_440 = arith.constant 0 : i32
      %dma_wait3A_441 = tpu.memref_slice %arg3[%arg1, %add3A_435, %dma_wait3A_440] : memref<16x80x128xi32, #tpu.memory_space<hbm>> -> memref<1x1x128xi32, #tpu.memory_space<hbm>>
      %dma_wait3A_442 = tpu.memref_squeeze %dma_wait3A_441 : memref<1x1x128xi32, #tpu.memory_space<hbm>> -> memref<128xi32, #tpu.memory_space<hbm>>
      %dma_wait3A_443 = arith.constant 0 : i32
      %dma_wait3A_444 = tpu.memref_slice %arg8[%dma_wait3A_436, %dma_wait3A_443] : memref<2x128xi32, #tpu.memory_space<vmem>> -> memref<1x128xi32, #tpu.memory_space<vmem>>
      %dma_wait3A_445 = tpu.memref_squeeze %dma_wait3A_444 : memref<1x128xi32, #tpu.memory_space<vmem>> -> memref<128xi32, #tpu.memory_space<vmem>>
      %dma_wait3A_446 = arith.constant 0 : i32
      %dma_wait3A_447 = tpu.memref_slice %arg3[%arg1, %add3A_435, %dma_wait3A_446] : memref<16x80x128xi32, #tpu.memory_space<hbm>> -> memref<1x1x128xi32, #tpu.memory_space<hbm>>
      %dma_wait3A_448 = tpu.memref_squeeze %dma_wait3A_447 : memref<1x1x128xi32, #tpu.memory_space<hbm>> -> memref<128xi32, #tpu.memory_space<hbm>>
      tpu.wait_dma2 semaphore(%arg15 : memref<!tpu.dma_semaphore, #tpu.memory_space<semaphore_mem>>) src(%dma_wait3A_448 : memref<128xi32, #tpu.memory_space<hbm>>) dst(%dma_wait3A_445 : memref<128xi32, #tpu.memory_space<vmem>>)
      %get3A_449 = arith.constant 1 : i32
      %get3A_450 = arith.index_cast %get3A_449 : i32 to index
      %get3A_451 = arith.constant 0 : index
      %get3A_452 = tpu.vector_load %arg8[%get3A_450, %get3A_451] {strides = array<i32>} : memref<2x128xi32, #tpu.memory_space<vmem>>, vector<1x16xi32>,
      %get3A_453 = vector.shape_cast %get3A_452 : vector<1x16xi32> to vector<16xi32>
      %add3A_454 = vector.broadcast %mul3A_0 : i32 to vector<16xi32>
      %add3A_455 = arith.addi %get3A_453, %add3A_454 : vector<16xi32>
      %swap3A_456 = arith.constant 1 : i32
      %swap3A_457 = arith.index_cast %swap3A_456 : i32 to index
      %swap3A_458 = arith.constant 0 : index
      %swap3A_459 = tpu.vector_load %arg8[%swap3A_457, %swap3A_458] {strides = array<i32>} : memref<2x128xi32, #tpu.memory_space<vmem>>, vector<1x16xi32>,
      %swap3A_460 = vector.shape_cast %swap3A_459 : vector<1x16xi32> to vector<16xi32>
      %swap3A_461 = vector.shape_cast %add3A_455 : vector<16xi32> to vector<1x16xi32>
      tpu.vector_store %arg8[%swap3A_457, %swap3A_458], %swap3A_461 {strides = array<i32>} : memref<2x128xi32, #tpu.memory_space<vmem>>, vector<1x16xi32>,
      %get3A_462 = arith.constant 1 : i32
      %get3A_463 = arith.index_cast %get3A_462 : i32 to index
      %get3A_464 = arith.constant 16 : index
      %get3A_465 = tpu.vector_load %arg8[%get3A_463, %get3A_464] {strides = array<i32>} : memref<2x128xi32, #tpu.memory_space<vmem>>, vector<1x16xi32>,
      %get3A_466 = vector.shape_cast %get3A_465 : vector<1x16xi32> to vector<16xi32>
      %add3A_467 = vector.broadcast %mul3A_0 : i32 to vector<16xi32>
      %add3A_468 = arith.addi %get3A_466, %add3A_467 : vector<16xi32>
      %swap3A_469 = arith.constant 1 : i32
      %swap3A_470 = arith.index_cast %swap3A_469 : i32 to index
      %swap3A_471 = arith.constant 16 : index
      %swap3A_472 = tpu.vector_load %arg8[%swap3A_470, %swap3A_471] {strides = array<i32>} : memref<2x128xi32, #tpu.memory_space<vmem>>, vector<1x16xi32>,
      %swap3A_473 = vector.shape_cast %swap3A_472 : vector<1x16xi32> to vector<16xi32>
      %swap3A_474 = vector.shape_cast %add3A_468 : vector<16xi32> to vector<1x16xi32>
      tpu.vector_store %arg8[%swap3A_470, %swap3A_471], %swap3A_474 {strides = array<i32>} : memref<2x128xi32, #tpu.memory_space<vmem>>, vector<1x16xi32>,
      %get3A_475 = arith.constant 1 : i32
      %get3A_476 = arith.index_cast %get3A_475 : i32 to index
      %get3A_477 = arith.constant 32 : index
      %get3A_478 = tpu.vector_load %arg8[%get3A_476, %get3A_477] {strides = array<i32>} : memref<2x128xi32, #tpu.memory_space<vmem>>, vector<1x16xi32>,
      %get3A_479 = vector.shape_cast %get3A_478 : vector<1x16xi32> to vector<16xi32>
      %add3A_480 = vector.broadcast %mul3A_0 : i32 to vector<16xi32>
      %add3A_481 = arith.addi %get3A_479, %add3A_480 : vector<16xi32>
      %swap3A_482 = arith.constant 1 : i32
      %swap3A_483 = arith.index_cast %swap3A_482 : i32 to index
      %swap3A_484 = arith.constant 32 : index
      %swap3A_485 = tpu.vector_load %arg8[%swap3A_483, %swap3A_484] {strides = array<i32>} : memref<2x128xi32, #tpu.memory_space<vmem>>, vector<1x16xi32>,
      %swap3A_486 = vector.shape_cast %swap3A_485 : vector<1x16xi32> to vector<16xi32>
      %swap3A_487 = vector.shape_cast %add3A_481 : vector<16xi32> to vector<1x16xi32>
      tpu.vector_store %arg8[%swap3A_483, %swap3A_484], %swap3A_487 {strides = array<i32>} : memref<2x128xi32, #tpu.memory_space<vmem>>, vector<1x16xi32>,
      %get3A_488 = arith.constant 1 : i32
      %get3A_489 = arith.index_cast %get3A_488 : i32 to index
      %get3A_490 = arith.constant 48 : index
      %get3A_491 = tpu.vector_load %arg8[%get3A_489, %get3A_490] {strides = array<i32>} : memref<2x128xi32, #tpu.memory_space<vmem>>, vector<1x16xi32>,
      %get3A_492 = vector.shape_cast %get3A_491 : vector<1x16xi32> to vector<16xi32>
      %add3A_493 = vector.broadcast %mul3A_0 : i32 to vector<16xi32>
      %add3A_494 = arith.addi %get3A_492, %add3A_493 : vector<16xi32>
      %swap3A_495 = arith.constant 1 : i32
      %swap3A_496 = arith.index_cast %swap3A_495 : i32 to index
      %swap3A_497 = arith.constant 48 : index
      %swap3A_498 = tpu.vector_load %arg8[%swap3A_496, %swap3A_497] {strides = array<i32>} : memref<2x128xi32, #tpu.memory_space<vmem>>, vector<1x16xi32>,
      %swap3A_499 = vector.shape_cast %swap3A_498 : vector<1x16xi32> to vector<16xi32>
      %swap3A_500 = vector.shape_cast %add3A_494 : vector<16xi32> to vector<1x16xi32>
      tpu.vector_store %arg8[%swap3A_496, %swap3A_497], %swap3A_500 {strides = array<i32>} : memref<2x128xi32, #tpu.memory_space<vmem>>, vector<1x16xi32>,
      %get3A_501 = arith.constant 1 : i32
      %get3A_502 = arith.index_cast %get3A_501 : i32 to index
      %get3A_503 = arith.constant 64 : index
      %get3A_504 = tpu.vector_load %arg8[%get3A_502, %get3A_503] {strides = array<i32>} : memref<2x128xi32, #tpu.memory_space<vmem>>, vector<1x16xi32>,
      %get3A_505 = vector.shape_cast %get3A_504 : vector<1x16xi32> to vector<16xi32>
      %add3A_506 = vector.broadcast %mul3A_0 : i32 to vector<16xi32>
      %add3A_507 = arith.addi %get3A_505, %add3A_506 : vector<16xi32>
      %swap3A_508 = arith.constant 1 : i32
      %swap3A_509 = arith.index_cast %swap3A_508 : i32 to index
      %swap3A_510 = arith.constant 64 : index
      %swap3A_511 = tpu.vector_load %arg8[%swap3A_509, %swap3A_510] {strides = array<i32>} : memref<2x128xi32, #tpu.memory_space<vmem>>, vector<1x16xi32>,
      %swap3A_512 = vector.shape_cast %swap3A_511 : vector<1x16xi32> to vector<16xi32>
      %swap3A_513 = vector.shape_cast %add3A_507 : vector<16xi32> to vector<1x16xi32>
      tpu.vector_store %arg8[%swap3A_509, %swap3A_510], %swap3A_513 {strides = array<i32>} : memref<2x128xi32, #tpu.memory_space<vmem>>, vector<1x16xi32>,
      %get3A_514 = arith.constant 1 : i32
      %get3A_515 = arith.index_cast %get3A_514 : i32 to index
      %get3A_516 = arith.constant 80 : index
      %get3A_517 = tpu.vector_load %arg8[%get3A_515, %get3A_516] {strides = array<i32>} : memref<2x128xi32, #tpu.memory_space<vmem>>, vector<1x16xi32>,
      %get3A_518 = vector.shape_cast %get3A_517 : vector<1x16xi32> to vector<16xi32>
      %add3A_519 = vector.broadcast %mul3A_0 : i32 to vector<16xi32>
      %add3A_520 = arith.addi %get3A_518, %add3A_519 : vector<16xi32>
      %swap3A_521 = arith.constant 1 : i32
      %swap3A_522 = arith.index_cast %swap3A_521 : i32 to index
      %swap3A_523 = arith.constant 80 : index
      %swap3A_524 = tpu.vector_load %arg8[%swap3A_522, %swap3A_523] {strides = array<i32>} : memref<2x128xi32, #tpu.memory_space<vmem>>, vector<1x16xi32>,
      %swap3A_525 = vector.shape_cast %swap3A_524 : vector<1x16xi32> to vector<16xi32>
      %swap3A_526 = vector.shape_cast %add3A_520 : vector<16xi32> to vector<1x16xi32>
      tpu.vector_store %arg8[%swap3A_522, %swap3A_523], %swap3A_526 {strides = array<i32>} : memref<2x128xi32, #tpu.memory_space<vmem>>, vector<1x16xi32>,
      %get3A_527 = arith.constant 1 : i32
      %get3A_528 = arith.index_cast %get3A_527 : i32 to index
      %get3A_529 = arith.constant 96 : index
      %get3A_530 = tpu.vector_load %arg8[%get3A_528, %get3A_529] {strides = array<i32>} : memref<2x128xi32, #tpu.memory_space<vmem>>, vector<1x16xi32>,
      %get3A_531 = vector.shape_cast %get3A_530 : vector<1x16xi32> to vector<16xi32>
      %add3A_532 = vector.broadcast %mul3A_0 : i32 to vector<16xi32>
      %add3A_533 = arith.addi %get3A_531, %add3A_532 : vector<16xi32>
      %swap3A_534 = arith.constant 1 : i32
      %swap3A_535 = arith.index_cast %swap3A_534 : i32 to index
      %swap3A_536 = arith.constant 96 : index
      %swap3A_537 = tpu.vector_load %arg8[%swap3A_535, %swap3A_536] {strides = array<i32>} : memref<2x128xi32, #tpu.memory_space<vmem>>, vector<1x16xi32>,
      %swap3A_538 = vector.shape_cast %swap3A_537 : vector<1x16xi32> to vector<16xi32>
      %swap3A_539 = vector.shape_cast %add3A_533 : vector<16xi32> to vector<1x16xi32>
      tpu.vector_store %arg8[%swap3A_535, %swap3A_536], %swap3A_539 {strides = array<i32>} : memref<2x128xi32, #tpu.memory_space<vmem>>, vector<1x16xi32>,
      %get3A_540 = arith.constant 1 : i32
      %get3A_541 = arith.index_cast %get3A_540 : i32 to index
      %get3A_542 = arith.constant 112 : index
      %get3A_543 = tpu.vector_load %arg8[%get3A_541, %get3A_542] {strides = array<i32>} : memref<2x128xi32, #tpu.memory_space<vmem>>, vector<1x16xi32>,
      %get3A_544 = vector.shape_cast %get3A_543 : vector<1x16xi32> to vector<16xi32>
      %add3A_545 = vector.broadcast %mul3A_0 : i32 to vector<16xi32>
      %add3A_546 = arith.addi %get3A_544, %add3A_545 : vector<16xi32>
      %swap3A_547 = arith.constant 1 : i32
      %swap3A_548 = arith.index_cast %swap3A_547 : i32 to index
      %swap3A_549 = arith.constant 112 : index
      %swap3A_550 = tpu.vector_load %arg8[%swap3A_548, %swap3A_549] {strides = array<i32>} : memref<2x128xi32, #tpu.memory_space<vmem>>, vector<1x16xi32>,
      %swap3A_551 = vector.shape_cast %swap3A_550 : vector<1x16xi32> to vector<16xi32>
      %swap3A_552 = vector.shape_cast %add3A_546 : vector<16xi32> to vector<1x16xi32>
      tpu.vector_store %arg8[%swap3A_548, %swap3A_549], %swap3A_552 {strides = array<i32>} : memref<2x128xi32, #tpu.memory_space<vmem>>, vector<1x16xi32>,
      %dma_start3A_553 = arith.constant 1 : i32
      %dma_start3A_554 = arith.constant 0 : i32
      %dma_start3A_555 = tpu.memref_slice %arg8[%dma_start3A_553, %dma_start3A_554] : memref<2x128xi32, #tpu.memory_space<vmem>> -> memref<1x128xi32, #tpu.memory_space<vmem>>
      %dma_start3A_556 = tpu.memref_squeeze %dma_start3A_555 : memref<1x128xi32, #tpu.memory_space<vmem>> -> memref<128xi32, #tpu.memory_space<vmem>>
      %dma_start3A_557 = arith.constant 0 : i32
      %dma_start3A_558 = arith.constant 0 : i32
      %dma_start3A_559 = tpu.memref_slice %arg2[%dma_start3A_557, %dma_start3A_558] : memref<20000x128xf32, #tpu.memory_space<hbm>> -> memref<20000x128xf32, #tpu.memory_space<hbm>>
      tpu.enqueue_indirect_dma source(%dma_start3A_559 : memref<20000x128xf32, #tpu.memory_space<hbm>>) target(%arg10 : memref<128x128xf32, #tpu.memory_space<vmem>>) offsets(%dma_start3A_556 : memref<128xi32, #tpu.memory_space<vmem>>) semaphore(%arg13 : memref<!tpu.dma_semaphore, #tpu.memory_space<semaphore_mem>>)
    }
    %scan3A_230 = arith.constant 39 : i32
    %dma_wait3A = arith.constant 0 : i32
    %dma_wait3A_231 = arith.constant 0 : i32
    %dma_wait3A_232 = tpu.memref_slice %arg8[%dma_wait3A, %dma_wait3A_231] : memref<2x128xi32, #tpu.memory_space<vmem>> -> memref<1x128xi32, #tpu.memory_space<vmem>>
    %dma_wait3A_233 = tpu.memref_squeeze %dma_wait3A_232 : memref<1x128xi32, #tpu.memory_space<vmem>> -> memref<128xi32, #tpu.memory_space<vmem>>
    %dma_wait3A_234 = arith.constant 0 : i32
    %dma_wait3A_235 = arith.constant 0 : i32
    %dma_wait3A_236 = tpu.memref_slice %arg2[%dma_wait3A_234, %dma_wait3A_235] : memref<20000x128xf32, #tpu.memory_space<hbm>> -> memref<20000x128xf32, #tpu.memory_space<hbm>>
    tpu.wait_indirect_dma semaphore(%arg12 : memref<!tpu.dma_semaphore, #tpu.memory_space<semaphore_mem>>) src(%dma_wait3A_236 : memref<20000x128xf32, #tpu.memory_space<hbm>>) dst(%arg9 : memref<128x128xf32, #tpu.memory_space<vmem>>)
    %run_scoped3A_237 = arith.constant 78 : i32
    "tpu.region"() ({
      %run_scoped3A_255 = tpu.sem_alloc : memref<!tpu.dma_semaphore, #tpu.memory_space<semaphore_mem>>
      %dma_start3A_256 = arith.constant 0 : i32
      %dma_start3A_257 = tpu.memref_slice %arg7[%run_scoped3A_237, %dma_start3A_256] : memref<80x128xi32, #tpu.memory_space<vmem>> -> memref<1x128xi32, #tpu.memory_space<vmem>>
      %dma_start3A_258 = tpu.memref_squeeze %dma_start3A_257 : memref<1x128xi32, #tpu.memory_space<vmem>> -> memref<128xi32, #tpu.memory_space<vmem>>
      %dma_start3A_259 = arith.constant 0 : i32
      %dma_start3A_260 = arith.constant 0 : i32
      %dma_start3A_261 = tpu.memref_slice %arg11[%dma_start3A_259, %dma_start3A_260] : memref<10112x128xf32, #tpu.memory_space<vmem_shared>> -> memref<10112x128xf32, #tpu.memory_space<vmem_shared>>
      tpu.enqueue_indirect_dma source(%arg9 : memref<128x128xf32, #tpu.memory_space<vmem>>) target(%dma_start3A_261 : memref<10112x128xf32, #tpu.memory_space<vmem_shared>>) offsets(%dma_start3A_258 : memref<128xi32, #tpu.memory_space<vmem>>) semaphore(%run_scoped3A_255 : memref<!tpu.dma_semaphore, #tpu.memory_space<semaphore_mem>>) {add = true}
      %dma_wait3A_262 = arith.constant 0 : i32
      %dma_wait3A_263 = tpu.memref_slice %arg7[%run_scoped3A_237, %dma_wait3A_262] : memref<80x128xi32, #tpu.memory_space<vmem>> -> memref<1x128xi32, #tpu.memory_space<vmem>>
      %dma_wait3A_264 = tpu.memref_squeeze %dma_wait3A_263 : memref<1x128xi32, #tpu.memory_space<vmem>> -> memref<128xi32, #tpu.memory_space<vmem>>
      %dma_wait3A_265 = arith.constant 0 : i32
      %dma_wait3A_266 = arith.constant 0 : i32
      %dma_wait3A_267 = tpu.memref_slice %arg11[%dma_wait3A_265, %dma_wait3A_266] : memref<10112x128xf32, #tpu.memory_space<vmem_shared>> -> memref<10112x128xf32, #tpu.memory_space<vmem_shared>>
      tpu.wait_indirect_dma semaphore(%run_scoped3A_255 : memref<!tpu.dma_semaphore, #tpu.memory_space<semaphore_mem>>) src(%arg9 : memref<128x128xf32, #tpu.memory_space<vmem>>) dst(%dma_wait3A_267 : memref<10112x128xf32, #tpu.memory_space<vmem_shared>>)
      tpu.yield
    }) : () -> ()
    %dma_wait3A_238 = arith.constant 1 : i32
    %dma_wait3A_239 = arith.constant 0 : i32
    %dma_wait3A_240 = tpu.memref_slice %arg8[%dma_wait3A_238, %dma_wait3A_239] : memref<2x128xi32, #tpu.memory_space<vmem>> -> memref<1x128xi32, #tpu.memory_space<vmem>>
    %dma_wait3A_241 = tpu.memref_squeeze %dma_wait3A_240 : memref<1x128xi32, #tpu.memory_space<vmem>> -> memref<128xi32, #tpu.memory_space<vmem>>
    %dma_wait3A_242 = arith.constant 0 : i32
    %dma_wait3A_243 = arith.constant 0 : i32
    %dma_wait3A_244 = tpu.memref_slice %arg2[%dma_wait3A_242, %dma_wait3A_243] : memref<20000x128xf32, #tpu.memory_space<hbm>> -> memref<20000x128xf32, #tpu.memory_space<hbm>>
    tpu.wait_indirect_dma semaphore(%arg13 : memref<!tpu.dma_semaphore, #tpu.memory_space<semaphore_mem>>) src(%dma_wait3A_244 : memref<20000x128xf32, #tpu.memory_space<hbm>>) dst(%arg10 : memref<128x128xf32, #tpu.memory_space<vmem>>)
    %run_scoped3A_245 = arith.constant 79 : i32
    "tpu.region"() ({
      %run_scoped3A_255 = tpu.sem_alloc : memref<!tpu.dma_semaphore, #tpu.memory_space<semaphore_mem>>
      %dma_start3A_256 = arith.constant 0 : i32
      %dma_start3A_257 = tpu.memref_slice %arg7[%run_scoped3A_245, %dma_start3A_256] : memref<80x128xi32, #tpu.memory_space<vmem>> -> memref<1x128xi32, #tpu.memory_space<vmem>>
      %dma_start3A_258 = tpu.memref_squeeze %dma_start3A_257 : memref<1x128xi32, #tpu.memory_space<vmem>> -> memref<128xi32, #tpu.memory_space<vmem>>
      %dma_start3A_259 = arith.constant 0 : i32
      %dma_start3A_260 = arith.constant 0 : i32
      %dma_start3A_261 = tpu.memref_slice %arg11[%dma_start3A_259, %dma_start3A_260] : memref<10112x128xf32, #tpu.memory_space<vmem_shared>> -> memref<10112x128xf32, #tpu.memory_space<vmem_shared>>
      tpu.enqueue_indirect_dma source(%arg10 : memref<128x128xf32, #tpu.memory_space<vmem>>) target(%dma_start3A_261 : memref<10112x128xf32, #tpu.memory_space<vmem_shared>>) offsets(%dma_start3A_258 : memref<128xi32, #tpu.memory_space<vmem>>) semaphore(%run_scoped3A_255 : memref<!tpu.dma_semaphore, #tpu.memory_space<semaphore_mem>>) {add = true}
      %dma_wait3A_262 = arith.constant 0 : i32
      %dma_wait3A_263 = tpu.memref_slice %arg7[%run_scoped3A_245, %dma_wait3A_262] : memref<80x128xi32, #tpu.memory_space<vmem>> -> memref<1x128xi32, #tpu.memory_space<vmem>>
      %dma_wait3A_264 = tpu.memref_squeeze %dma_wait3A_263 : memref<1x128xi32, #tpu.memory_space<vmem>> -> memref<128xi32, #tpu.memory_space<vmem>>
      %dma_wait3A_265 = arith.constant 0 : i32
      %dma_wait3A_266 = arith.constant 0 : i32
      %dma_wait3A_267 = tpu.memref_slice %arg11[%dma_wait3A_265, %dma_wait3A_266] : memref<10112x128xf32, #tpu.memory_space<vmem_shared>> -> memref<10112x128xf32, #tpu.memory_space<vmem_shared>>
      tpu.wait_indirect_dma semaphore(%run_scoped3A_255 : memref<!tpu.dma_semaphore, #tpu.memory_space<semaphore_mem>>) src(%arg10 : memref<128x128xf32, #tpu.memory_space<vmem>>) dst(%dma_wait3A_267 : memref<10112x128xf32, #tpu.memory_space<vmem_shared>>)
      tpu.yield
    }) : () -> ()
    %barrier3A_246 = arith.constant 0 : index
    tpu.barrier barrier_id(%barrier3A_246)
    %mul3A_247 = arith.constant 624 : i32
    %mul3A_248 = arith.muli %arg1, %mul3A_247 : i32
    %mul3A_249 = arith.constant 624 : i32
    %mul3A_250 = arith.muli %arg1, %mul3A_249 : i32
    %mul3A_251 = arith.constant 128 : i32
    %mul3A_252 = arith.muli %arg0, %mul3A_251 : i32
    "tpu.region"() ({
      %run_scoped3A_255 = tpu.sem_alloc : memref<!tpu.dma_semaphore, #tpu.memory_space<semaphore_mem>>
      %dma_start3A_256 = tpu.memref_slice %arg6[%mul3A_250, %mul3A_252] : memref<10000x256xf32, #tpu.memory_space<hbm>> -> memref<624x128xf32, #tpu.memory_space<hbm>>
      %dma_start3A_257 = arith.constant 0 : i32
      %dma_start3A_258 = tpu.memref_slice %arg11[%mul3A_248, %dma_start3A_257] : memref<10112x128xf32, #tpu.memory_space<vmem_shared>> -> memref<624x128xf32, #tpu.memory_space<vmem_shared>>
      tpu.enqueue_dma source(%dma_start3A_258 : memref<624x128xf32, #tpu.memory_space<vmem_shared>>) target(%dma_start3A_256 : memref<624x128xf32, #tpu.memory_space<hbm>>) target_semaphore(%run_scoped3A_255 : memref<!tpu.dma_semaphore, #tpu.memory_space<semaphore_mem>>)
      %dma_wait3A_259 = tpu.memref_slice %arg6[%mul3A_250, %mul3A_252] : memref<10000x256xf32, #tpu.memory_space<hbm>> -> memref<624x128xf32, #tpu.memory_space<hbm>>
      %dma_wait3A_260 = arith.constant 0 : i32
      %dma_wait3A_261 = tpu.memref_slice %arg11[%mul3A_248, %dma_wait3A_260] : memref<10112x128xf32, #tpu.memory_space<vmem_shared>> -> memref<624x128xf32, #tpu.memory_space<vmem_shared>>
      tpu.wait_dma2 semaphore(%run_scoped3A_255 : memref<!tpu.dma_semaphore, #tpu.memory_space<semaphore_mem>>) src(%dma_wait3A_261 : memref<624x128xf32, #tpu.memory_space<vmem_shared>>) dst(%dma_wait3A_259 : memref<624x128xf32, #tpu.memory_space<hbm>>)
      tpu.yield
    }) : () -> ()
    %eq3A = arith.constant 0 : i32
    %eq3A_253 = arith.cmpi eq, %arg1, %eq3A : i32
    %convert_element_type3A = arith.extui %eq3A_253 : i1 to i32
    %cond3A = arith.constant 0 : i32
    %cond3A_254 = arith.cmpi ne, %convert_element_type3A, %cond3A : i32
    scf.if %cond3A_254 {
      %mul3A_255 = arith.constant 128 : i32
      %mul3A_256 = arith.muli %arg0, %mul3A_255 : i32
      "tpu.region"() ({
        %run_scoped3A_257 = tpu.sem_alloc : memref<!tpu.dma_semaphore, #tpu.memory_space<semaphore_mem>>
        %dma_start3A_258 = arith.constant 9984 : i32
        %dma_start3A_259 = tpu.memref_slice %arg6[%dma_start3A_258, %mul3A_256] : memref<10000x256xf32, #tpu.memory_space<hbm>> -> memref<16x128xf32, #tpu.memory_space<hbm>>
        %dma_start3A_260 = arith.constant 9984 : i32
        %dma_start3A_261 = arith.constant 0 : i32
        %dma_start3A_262 = tpu.memref_slice %arg11[%dma_start3A_260, %dma_start3A_261] : memref<10112x128xf32, #tpu.memory_space<vmem_shared>> -> memref<16x128xf32, #tpu.memory_space<vmem_shared>>
        tpu.enqueue_dma source(%dma_start3A_262 : memref<16x128xf32, #tpu.memory_space<vmem_shared>>) target(%dma_start3A_259 : memref<16x128xf32, #tpu.memory_space<hbm>>) target_semaphore(%run_scoped3A_257 : memref<!tpu.dma_semaphore, #tpu.memory_space<semaphore_mem>>)
        %dma_wait3A_263 = arith.constant 9984 : i32
        %dma_wait3A_264 = tpu.memref_slice %arg6[%dma_wait3A_263, %mul3A_256] : memref<10000x256xf32, #tpu.memory_space<hbm>> -> memref<16x128xf32, #tpu.memory_space<hbm>>
        %dma_wait3A_265 = arith.constant 9984 : i32
        %dma_wait3A_266 = arith.constant 0 : i32
        %dma_wait3A_267 = tpu.memref_slice %arg11[%dma_wait3A_265, %dma_wait3A_266] : memref<10112x128xf32, #tpu.memory_space<vmem_shared>> -> memref<16x128xf32, #tpu.memory_space<vmem_shared>>
        tpu.wait_dma2 semaphore(%run_scoped3A_257 : memref<!tpu.dma_semaphore, #tpu.memory_space<semaphore_mem>>) src(%dma_wait3A_267 : memref<16x128xf32, #tpu.memory_space<vmem_shared>>) dst(%dma_wait3A_264 : memref<16x128xf32, #tpu.memory_space<hbm>>)
        tpu.yield
      }) : () -> ()
    } else {
    }
    return
  }
}

module attributes {stable_mosaic.version = 14 : i64} {
  func.func @body(%arg0: i32, %arg1: memref<1024x256xf32, #tpu.memory_space<vmem>>, %arg2: memref<256x256xf32, #tpu.memory_space<vmem>>, %arg3: memref<256x256xf32, #tpu.memory_space<vmem>>, %arg4: memref<8x256xf32, #tpu.memory_space<vmem>>, %arg5: memref<2x1024x128xf32, #tpu.memory_space<vmem>>, %arg6: memref<1024x256xf32, #tpu.memory_space<vmem>>) attributes {dimension_semantics = [#tpu.dimension_semantics<arbitrary>], iteration_bounds = array<i64: 10>, scalar_prefetch = 0 : i64, scratch_operands = 0 : i64, tpu.core_type = #tpu.core_type<tc>, window_params = [{transform_indices = @transform_0, window_bounds = array<i64: 1024, 256>}, {pipeline_mode = #tpu.pipeline_mode<synchronous>, transform_indices = @transform_1, window_bounds = array<i64: 256, 256>}, {pipeline_mode = #tpu.pipeline_mode<synchronous>, transform_indices = @transform_2, window_bounds = array<i64: 256, 256>}, {pipeline_mode = #tpu.pipeline_mode<synchronous>, transform_indices = @transform_3, window_bounds = array<i64: 8, 256>}, {transform_indices = @transform_4, window_bounds = array<i64: 2, 1024, 128>}, {transform_indices = @transform_5, window_bounds = array<i64: 1024, 256>}]} {
    %get3A = arith.constant 0 : index
    %get3A_0 = arith.constant 0 : index
    %get3A_1 = vector.load %arg1[%get3A, %get3A_0] : memref<1024x256xf32, #tpu.memory_space<vmem>>, vector<1024x256xf32>
    %get3A_2 = arith.constant 0 : index
    %get3A_3 = arith.constant 0 : index
    %get3A_4 = vector.load %arg2[%get3A_2, %get3A_3] : memref<256x256xf32, #tpu.memory_space<vmem>>, vector<256x256xf32>
    %dot_general3A = arith.constant dense<0.000000e+00> : vector<1024x256xf32>
    %dot_general3A_5 = tpu.matmul %get3A_1, %get3A_4, %dot_general3A {dimension_numbers = #tpu.dot_dimension_numbers<[1], [0], [0], [1], [0, 0, 1, 1], [], []>, transpose_lhs_hint = false} : vector<1024x256xf32>, vector<256x256xf32>, vector<1024x256xf32> -> vector<1024x256xf32>
    %slice3A = vector.extract_strided_slice %dot_general3A_5 {offsets = [0, 0], sizes = [1024, 128], strides = [1, 1]} : vector<1024x256xf32> to vector<1024x128xf32>
    %swap3A = arith.constant 0 : index
    %swap3A_6 = arith.constant 0 : index
    %swap3A_7 = arith.constant 0 : index
    %swap3A_8 = vector.load %arg5[%swap3A, %swap3A_6, %swap3A_7] : memref<2x1024x128xf32, #tpu.memory_space<vmem>>, vector<1x1024x128xf32>
    %swap3A_9 = vector.shape_cast %swap3A_8 : vector<1x1024x128xf32> to vector<1024x128xf32>
    %swap3A_10 = vector.shape_cast %slice3A : vector<1024x128xf32> to vector<1x1024x128xf32>
    tpu.vector_store %arg5[%swap3A, %swap3A_6, %swap3A_7], %swap3A_10 {strides = array<i32>} : memref<2x1024x128xf32, #tpu.memory_space<vmem>>, vector<1x1024x128xf32>,
    %slice3A_11 = vector.extract_strided_slice %dot_general3A_5 {offsets = [0, 128], sizes = [1024, 128], strides = [1, 1]} : vector<1024x256xf32> to vector<1024x128xf32>
    %swap3A_12 = arith.constant 1 : index
    %swap3A_13 = arith.constant 0 : index
    %swap3A_14 = arith.constant 0 : index
    %swap3A_15 = vector.load %arg5[%swap3A_12, %swap3A_13, %swap3A_14] : memref<2x1024x128xf32, #tpu.memory_space<vmem>>, vector<1x1024x128xf32>
    %swap3A_16 = vector.shape_cast %swap3A_15 : vector<1x1024x128xf32> to vector<1024x128xf32>
    %swap3A_17 = vector.shape_cast %slice3A_11 : vector<1024x128xf32> to vector<1x1024x128xf32>
    tpu.vector_store %arg5[%swap3A_12, %swap3A_13, %swap3A_14], %swap3A_17 {strides = array<i32>} : memref<2x1024x128xf32, #tpu.memory_space<vmem>>, vector<1x1024x128xf32>,
    %get3A_18 = arith.constant 0 : index
    %get3A_19 = arith.constant 0 : index
    %get3A_20 = vector.load %arg3[%get3A_18, %get3A_19] : memref<256x256xf32, #tpu.memory_space<vmem>>, vector<256x256xf32>
    %dot_general3A_21 = arith.constant dense<0.000000e+00> : vector<1024x256xf32>
    %dot_general3A_22 = tpu.matmul %get3A_1, %get3A_20, %dot_general3A_21 {dimension_numbers = #tpu.dot_dimension_numbers<[1], [0], [0], [1], [0, 0, 1, 1], [], []>, transpose_lhs_hint = false} : vector<1024x256xf32>, vector<256x256xf32>, vector<1024x256xf32> -> vector<1024x256xf32>
    %get3A_23 = arith.constant 0 : index
    %get3A_24 = arith.constant 0 : index
    %get3A_25 = vector.load %arg4[%get3A_23, %get3A_24] : memref<8x256xf32, #tpu.memory_space<vmem>>, vector<1x256xf32>
    %get3A_26 = vector.shape_cast %get3A_25 : vector<1x256xf32> to vector<256xf32>
    %broadcast_in_dim3A = vector.shape_cast %get3A_26 : vector<256xf32> to vector<1x256xf32>
    %add3A = vector.broadcast %broadcast_in_dim3A : vector<1x256xf32> to vector<1024x256xf32>
    %add3A_27 = arith.addf %dot_general3A_22, %add3A : vector<1024x256xf32>
    %swap3A_28 = arith.constant 0 : index
    %swap3A_29 = arith.constant 0 : index
    %swap3A_30 = vector.load %arg6[%swap3A_28, %swap3A_29] : memref<1024x256xf32, #tpu.memory_space<vmem>>, vector<1024x256xf32>
    tpu.vector_store %arg6[%swap3A_28, %swap3A_29], %add3A_27 {strides = array<i32>} : memref<1024x256xf32, #tpu.memory_space<vmem>>, vector<1024x256xf32>,
    return
  }
  func.func @transform_0(%arg0: i32) -> (i32, i32) {
    %c0_i32 = arith.constant 0 : i32
    %c0_i32_0 = arith.constant 0 : i32
    return %arg0, %c0_i32 : i32, i32
  }
  func.func @transform_1(%arg0: i32) -> (i32, i32) {
    %c0_i32 = arith.constant 0 : i32
    %c0_i32_0 = arith.constant 0 : i32
    %c0_i32_1 = arith.constant 0 : i32
    return %c0_i32, %c0_i32_0 : i32, i32
  }
  func.func @transform_2(%arg0: i32) -> (i32, i32) {
    %c0_i32 = arith.constant 0 : i32
    %c0_i32_0 = arith.constant 0 : i32
    %c0_i32_1 = arith.constant 0 : i32
    return %c0_i32, %c0_i32_0 : i32, i32
  }
  func.func @transform_3(%arg0: i32) -> (i32, i32) {
    %c0_i32 = arith.constant 0 : i32
    %c0_i32_0 = arith.constant 0 : i32
    %c0_i32_1 = arith.constant 0 : i32
    return %c0_i32, %c0_i32_0 : i32, i32
  }
  func.func @transform_4(%arg0: i32) -> (i32, i32, i32) {
    %c0_i32 = arith.constant 0 : i32
    %c0_i32_0 = arith.constant 0 : i32
    %c0_i32_1 = arith.constant 0 : i32
    return %c0_i32, %arg0, %c0_i32_0 : i32, i32, i32
  }
  func.func @transform_5(%arg0: i32) -> (i32, i32) {
    %c0_i32 = arith.constant 0 : i32
    %c0_i32_0 = arith.constant 0 : i32
    return %arg0, %c0_i32 : i32, i32
  }
}

module attributes {stable_mosaic.version = 14 : i64} {
  func.func @body(%arg0: i32, %arg1: memref<1024x256xf32, #tpu.memory_space<vmem>>, %arg2: memref<32x1024xf32, #tpu.memory_space<vmem>>, %arg3: memref<1024x256xf32, #tpu.memory_space<vmem>>, %arg4: memref<256x256xf32, #tpu.memory_space<vmem>>, %arg5: memref<256x256xf32, #tpu.memory_space<vmem>>, %arg6: memref<8x256xf32, #tpu.memory_space<vmem>>, %arg7: memref<2x1024x128xf32, #tpu.memory_space<vmem>>, %arg8: memref<1024x256xf32, #tpu.memory_space<vmem>>) attributes {dimension_semantics = [#tpu.dimension_semantics<arbitrary>], iteration_bounds = array<i64: 10>, scalar_prefetch = 0 : i64, scratch_operands = 0 : i64, tpu.core_type = #tpu.core_type<tc>, window_params = [{transform_indices = @transform_0, window_bounds = array<i64: 1024, 256>}, {transform_indices = @transform_1, window_bounds = array<i64: 32, 1024>}, {transform_indices = @transform_2, window_bounds = array<i64: 1024, 256>}, {pipeline_mode = #tpu.pipeline_mode<synchronous>, transform_indices = @transform_3, window_bounds = array<i64: 256, 256>}, {pipeline_mode = #tpu.pipeline_mode<synchronous>, transform_indices = @transform_4, window_bounds = array<i64: 256, 256>}, {pipeline_mode = #tpu.pipeline_mode<synchronous>, transform_indices = @transform_5, window_bounds = array<i64: 8, 256>}, {transform_indices = @transform_6, window_bounds = array<i64: 2, 1024, 128>}, {transform_indices = @transform_7, window_bounds = array<i64: 1024, 256>}]} {
    %get3A = arith.constant 0 : index
    %get3A_0 = arith.constant 0 : index
    %get3A_1 = vector.load %arg2[%get3A, %get3A_0] : memref<32x1024xf32, #tpu.memory_space<vmem>>, vector<32x1024xf32>
    %reduce_sum3A = arith.constant dense<0.000000e+00> : vector<1024xf32>
    %reduce_sum3A_2 = vector.multi_reduction <add>, %get3A_1, %reduce_sum3A [0] : vector<32x1024xf32> to vector<1024xf32>
    %max3A = arith.constant 1.000000e+00 : f32
    %max3A_3 = vector.broadcast %max3A : f32 to vector<1024xf32>
    %max3A_4 = arith.maximumf %reduce_sum3A_2, %max3A_3 : vector<1024xf32>
    %div3A = arith.constant 1.000000e+00 : f32
    %div3A_5 = vector.broadcast %div3A : f32 to vector<1024xf32>
    %div3A_6 = arith.divf %div3A_5, %max3A_4 : vector<1024xf32>
    %get3A_7 = arith.constant 0 : index
    %get3A_8 = arith.constant 0 : index
    %get3A_9 = vector.load %arg1[%get3A_7, %get3A_8] : memref<1024x256xf32, #tpu.memory_space<vmem>>, vector<1024x256xf32>
    %broadcast_in_dim3A = vector.shape_cast %div3A_6 : vector<1024xf32> to vector<1024x1xf32>
    %mul3A = vector.broadcast %broadcast_in_dim3A : vector<1024x1xf32> to vector<1024x256xf32>
    %mul3A_10 = arith.mulf %get3A_9, %mul3A : vector<1024x256xf32>
    %get3A_11 = arith.constant 0 : index
    %get3A_12 = arith.constant 0 : index
    %get3A_13 = vector.load %arg3[%get3A_11, %get3A_12] : memref<1024x256xf32, #tpu.memory_space<vmem>>, vector<1024x256xf32>
    %add3A = arith.addf %mul3A_10, %get3A_13 : vector<1024x256xf32>
    %max3A_14 = arith.constant 0.000000e+00 : f32
    %max3A_15 = vector.broadcast %max3A_14 : f32 to vector<1024x256xf32>
    %max3A_16 = arith.maximumf %add3A, %max3A_15 : vector<1024x256xf32>
    %get3A_17 = arith.constant 0 : index
    %get3A_18 = arith.constant 0 : index
    %get3A_19 = vector.load %arg4[%get3A_17, %get3A_18] : memref<256x256xf32, #tpu.memory_space<vmem>>, vector<256x256xf32>
    %dot_general3A = arith.constant dense<0.000000e+00> : vector<1024x256xf32>
    %dot_general3A_20 = tpu.matmul %max3A_16, %get3A_19, %dot_general3A {dimension_numbers = #tpu.dot_dimension_numbers<[1], [0], [0], [1], [0, 0, 1, 1], [], []>, transpose_lhs_hint = false} : vector<1024x256xf32>, vector<256x256xf32>, vector<1024x256xf32> -> vector<1024x256xf32>
    %slice3A = vector.extract_strided_slice %dot_general3A_20 {offsets = [0, 0], sizes = [1024, 128], strides = [1, 1]} : vector<1024x256xf32> to vector<1024x128xf32>
    %swap3A = arith.constant 0 : index
    %swap3A_21 = arith.constant 0 : index
    %swap3A_22 = arith.constant 0 : index
    %swap3A_23 = vector.load %arg7[%swap3A, %swap3A_21, %swap3A_22] : memref<2x1024x128xf32, #tpu.memory_space<vmem>>, vector<1x1024x128xf32>
    %swap3A_24 = vector.shape_cast %swap3A_23 : vector<1x1024x128xf32> to vector<1024x128xf32>
    %swap3A_25 = vector.shape_cast %slice3A : vector<1024x128xf32> to vector<1x1024x128xf32>
    tpu.vector_store %arg7[%swap3A, %swap3A_21, %swap3A_22], %swap3A_25 {strides = array<i32>} : memref<2x1024x128xf32, #tpu.memory_space<vmem>>, vector<1x1024x128xf32>,
    %slice3A_26 = vector.extract_strided_slice %dot_general3A_20 {offsets = [0, 128], sizes = [1024, 128], strides = [1, 1]} : vector<1024x256xf32> to vector<1024x128xf32>
    %swap3A_27 = arith.constant 1 : index
    %swap3A_28 = arith.constant 0 : index
    %swap3A_29 = arith.constant 0 : index
    %swap3A_30 = vector.load %arg7[%swap3A_27, %swap3A_28, %swap3A_29] : memref<2x1024x128xf32, #tpu.memory_space<vmem>>, vector<1x1024x128xf32>
    %swap3A_31 = vector.shape_cast %swap3A_30 : vector<1x1024x128xf32> to vector<1024x128xf32>
    %swap3A_32 = vector.shape_cast %slice3A_26 : vector<1024x128xf32> to vector<1x1024x128xf32>
    tpu.vector_store %arg7[%swap3A_27, %swap3A_28, %swap3A_29], %swap3A_32 {strides = array<i32>} : memref<2x1024x128xf32, #tpu.memory_space<vmem>>, vector<1x1024x128xf32>,
    %get3A_33 = arith.constant 0 : index
    %get3A_34 = arith.constant 0 : index
    %get3A_35 = vector.load %arg5[%get3A_33, %get3A_34] : memref<256x256xf32, #tpu.memory_space<vmem>>, vector<256x256xf32>
    %dot_general3A_36 = arith.constant dense<0.000000e+00> : vector<1024x256xf32>
    %dot_general3A_37 = tpu.matmul %max3A_16, %get3A_35, %dot_general3A_36 {dimension_numbers = #tpu.dot_dimension_numbers<[1], [0], [0], [1], [0, 0, 1, 1], [], []>, transpose_lhs_hint = false} : vector<1024x256xf32>, vector<256x256xf32>, vector<1024x256xf32> -> vector<1024x256xf32>
    %get3A_38 = arith.constant 0 : index
    %get3A_39 = arith.constant 0 : index
    %get3A_40 = vector.load %arg6[%get3A_38, %get3A_39] : memref<8x256xf32, #tpu.memory_space<vmem>>, vector<1x256xf32>
    %get3A_41 = vector.shape_cast %get3A_40 : vector<1x256xf32> to vector<256xf32>
    %broadcast_in_dim3A_42 = vector.shape_cast %get3A_41 : vector<256xf32> to vector<1x256xf32>
    %add3A_43 = vector.broadcast %broadcast_in_dim3A_42 : vector<1x256xf32> to vector<1024x256xf32>
    %add3A_44 = arith.addf %dot_general3A_37, %add3A_43 : vector<1024x256xf32>
    %swap3A_45 = arith.constant 0 : index
    %swap3A_46 = arith.constant 0 : index
    %swap3A_47 = vector.load %arg8[%swap3A_45, %swap3A_46] : memref<1024x256xf32, #tpu.memory_space<vmem>>, vector<1024x256xf32>
    tpu.vector_store %arg8[%swap3A_45, %swap3A_46], %add3A_44 {strides = array<i32>} : memref<1024x256xf32, #tpu.memory_space<vmem>>, vector<1024x256xf32>,
    return
  }
  func.func @transform_0(%arg0: i32) -> (i32, i32) {
    %c0_i32 = arith.constant 0 : i32
    %c0_i32_0 = arith.constant 0 : i32
    return %arg0, %c0_i32 : i32, i32
  }
  func.func @transform_1(%arg0: i32) -> (i32, i32) {
    %c0_i32 = arith.constant 0 : i32
    %c0_i32_0 = arith.constant 0 : i32
    return %c0_i32, %arg0 : i32, i32
  }
  func.func @transform_2(%arg0: i32) -> (i32, i32) {
    %c0_i32 = arith.constant 0 : i32
    %c0_i32_0 = arith.constant 0 : i32
    return %arg0, %c0_i32 : i32, i32
  }
  func.func @transform_3(%arg0: i32) -> (i32, i32) {
    %c0_i32 = arith.constant 0 : i32
    %c0_i32_0 = arith.constant 0 : i32
    %c0_i32_1 = arith.constant 0 : i32
    return %c0_i32, %c0_i32_0 : i32, i32
  }
  func.func @transform_4(%arg0: i32) -> (i32, i32) {
    %c0_i32 = arith.constant 0 : i32
    %c0_i32_0 = arith.constant 0 : i32
    %c0_i32_1 = arith.constant 0 : i32
    return %c0_i32, %c0_i32_0 : i32, i32
  }
  func.func @transform_5(%arg0: i32) -> (i32, i32) {
    %c0_i32 = arith.constant 0 : i32
    %c0_i32_0 = arith.constant 0 : i32
    %c0_i32_1 = arith.constant 0 : i32
    return %c0_i32, %c0_i32_0 : i32, i32
  }
  func.func @transform_6(%arg0: i32) -> (i32, i32, i32) {
    %c0_i32 = arith.constant 0 : i32
    %c0_i32_0 = arith.constant 0 : i32
    %c0_i32_1 = arith.constant 0 : i32
    return %c0_i32, %arg0, %c0_i32_0 : i32, i32, i32
  }
  func.func @transform_7(%arg0: i32) -> (i32, i32) {
    %c0_i32 = arith.constant 0 : i32
    %c0_i32_0 = arith.constant 0 : i32
    return %arg0, %c0_i32 : i32, i32
  }
}

module attributes {stable_mosaic.version = 14 : i64} {
  func.func @body(%arg0: i32, %arg1: memref<1024x256xf32, #tpu.memory_space<vmem>>, %arg2: memref<32x1024xf32, #tpu.memory_space<vmem>>, %arg3: memref<1024x256xf32, #tpu.memory_space<vmem>>, %arg4: memref<1024x256xf32, #tpu.memory_space<vmem>>) attributes {dimension_semantics = [#tpu.dimension_semantics<arbitrary>], iteration_bounds = array<i64: 10>, scalar_prefetch = 0 : i64, scratch_operands = 0 : i64, tpu.core_type = #tpu.core_type<tc>, window_params = [{transform_indices = @transform_0, window_bounds = array<i64: 1024, 256>}, {transform_indices = @transform_1, window_bounds = array<i64: 32, 1024>}, {transform_indices = @transform_2, window_bounds = array<i64: 1024, 256>}, {transform_indices = @transform_3, window_bounds = array<i64: 1024, 256>}]} {
    %get3A = arith.constant 0 : index
    %get3A_0 = arith.constant 0 : index
    %get3A_1 = vector.load %arg2[%get3A, %get3A_0] : memref<32x1024xf32, #tpu.memory_space<vmem>>, vector<32x1024xf32>
    %reduce_sum3A = arith.constant dense<0.000000e+00> : vector<1024xf32>
    %reduce_sum3A_2 = vector.multi_reduction <add>, %get3A_1, %reduce_sum3A [0] : vector<32x1024xf32> to vector<1024xf32>
    %max3A = arith.constant 1.000000e+00 : f32
    %max3A_3 = vector.broadcast %max3A : f32 to vector<1024xf32>
    %max3A_4 = arith.maximumf %reduce_sum3A_2, %max3A_3 : vector<1024xf32>
    %div3A = arith.constant 1.000000e+00 : f32
    %div3A_5 = vector.broadcast %div3A : f32 to vector<1024xf32>
    %div3A_6 = arith.divf %div3A_5, %max3A_4 : vector<1024xf32>
    %get3A_7 = arith.constant 0 : index
    %get3A_8 = arith.constant 0 : index
    %get3A_9 = vector.load %arg1[%get3A_7, %get3A_8] : memref<1024x256xf32, #tpu.memory_space<vmem>>, vector<1024x256xf32>
    %broadcast_in_dim3A = vector.shape_cast %div3A_6 : vector<1024xf32> to vector<1024x1xf32>
    %mul3A = vector.broadcast %broadcast_in_dim3A : vector<1024x1xf32> to vector<1024x256xf32>
    %mul3A_10 = arith.mulf %get3A_9, %mul3A : vector<1024x256xf32>
    %get3A_11 = arith.constant 0 : index
    %get3A_12 = arith.constant 0 : index
    %get3A_13 = vector.load %arg3[%get3A_11, %get3A_12] : memref<1024x256xf32, #tpu.memory_space<vmem>>, vector<1024x256xf32>
    %add3A = arith.addf %mul3A_10, %get3A_13 : vector<1024x256xf32>
    %swap3A = arith.constant 0 : index
    %swap3A_14 = arith.constant 0 : index
    %swap3A_15 = vector.load %arg4[%swap3A, %swap3A_14] : memref<1024x256xf32, #tpu.memory_space<vmem>>, vector<1024x256xf32>
    tpu.vector_store %arg4[%swap3A, %swap3A_14], %add3A {strides = array<i32>} : memref<1024x256xf32, #tpu.memory_space<vmem>>, vector<1024x256xf32>,
    return
  }
  func.func @transform_0(%arg0: i32) -> (i32, i32) {
    %c0_i32 = arith.constant 0 : i32
    %c0_i32_0 = arith.constant 0 : i32
    return %arg0, %c0_i32 : i32, i32
  }
  func.func @transform_1(%arg0: i32) -> (i32, i32) {
    %c0_i32 = arith.constant 0 : i32
    %c0_i32_0 = arith.constant 0 : i32
    return %c0_i32, %arg0 : i32, i32
  }
  func.func @transform_2(%arg0: i32) -> (i32, i32) {
    %c0_i32 = arith.constant 0 : i32
    %c0_i32_0 = arith.constant 0 : i32
    return %arg0, %c0_i32 : i32, i32
  }
  func.func @transform_3(%arg0: i32) -> (i32, i32) {
    %c0_i32 = arith.constant 0 : i32
    %c0_i32_0 = arith.constant 0 : i32
    return %arg0, %c0_i32 : i32, i32
  }
}

</mosaic_0001>

<sc_bundles>
// kernel: kernel.10.cloned.1.call-start
scs
__scs_entry_jumppad:
0x0: {  	(pc) =	sbr.rel $0x88, $3  }
0x1: {  	(tag) =	ssettag $0x0;
	lr =	simm.s32 $0x1  }
0x2: {  	[smem:$0x3F96] =	sst lr;
	_ =	strace $0xD0000000  }
0x3: {  	_ = 	snop  }
0x4: {  	_ = 	snop  }
0x5: {  	_ = 	snop  }
0x6: {  	_ = 	snop  }
0x7: {  	_ = 	snop  }
__scs_overlays_trampoline_lowered:
0x8: {  	[smem:$0x3FA5] =	sst s0  }
0x9: {  	[smem:$0x3FA6] =	sst s1  }
0xa: {  	[smem:$0x3FA7] =	sst s2  }
0xb: {  	[smem:$0x3FA8] =	sst s3  }
0xc: {  	[smem:$0x3FA9] =	sst s4  }
0xd: {  	[smem:$0x3FAA] =	sst s5  }
0xe: {  	[smem:$0x3FAB] =	sst s6  }
0xf: {  	[smem:$0x3FAC] =	sst s7  }
0x10: {  	[smem:$0x3FAD] =	sst s8  }
0x11: {  	[smem:$0x3FAE] =	sst s9;
	s0 =	simm.s32 @!p0 $0x0  }
0x12: {  	s1 =	sld [smem:$0x3F94];
	s0 =	simm.s32 @p0 $0x1  }
0x13: {  	[smem:$0x3FAF] =	sst s0;
	s0 =	simm.s32 @!p1 $0x0  }
0x14: {  	s2 =	sld [smem:$0x3F93];
	s0 =	simm.s32 @p1 $0x1  }
0x15: {  	[smem:$0x3FB0] =	sst s0;
	s0 =	simm.s32 @!p2 $0x0  }
0x16: {  	s3 =	sld [smem:$0x3FDB];
	s0 =	simm.s32 @p2 $0x1  }
0x17: {  	s4 =	simm.s32 $0x1BF5;
	[smem:$0x3FB2] =	sst s0  }
0x18: {  	s0 =	sld [smem:$0x3F95];
	_ =	swait.ge [sflag:s4], $0x0  }
0x19: {  	s7 =	sld [smem:$0x3F96]  }
0x1a: {  	s8 =	sadd.s32 $0xFFFFE003, lr  }
0x1b: {  	s9 =	sadd.s32 $0xFFFFFEF7, lr;
	s5 =	simm.s32 $0xFFFFFFFF;
	p2 =	slt.u32 s8, $0xFFFFF086  }
0x1c: {  	p1 =	slt.u32 s9, $0xF7A;
	s5 =	simm.s32 @!p2 $0x0  }
0x1d: {  	s5 =	simm.s32 @p1 $0x1;
	p0 =	seq.s32 s7, s2  }
0x1e: {  	s7 =	smul.u32 @!p0 $0xF7A, s2;
	p2 =	seq.s32 @!p0 s5, $0x0  }
0x1f: {  	s9 =	smul.u32 $0xF7A, s1;
	s8 =	simm.s32 @!p0 $0x1BF5;
	p2 =	por !p2, p0  }
0x20: {  	[sflag:s8] =	ssyncset.s32 @!p0 $0xFFFFF086;
	s6 =	sadd.s32 @!p0 s3, s7;
	s7 =	simm.s32 @!p0 $0x108  }
0x21: {  	s3 =	sadd.s32 s3, s9;
	s6 =	sadd.s32 @!p0 $0x88, s6;
	s7 =	simm.s32 @p2 $0x1082  }
0x22: {  	[simem:s7], [sflag:s8] =	dma.local @!p0 [hbm:s6], $0xF7A  }
0x23: {  	s9 =	sor.u32 $0xD0000000, s2;
	s6 =	simm.s32 $0x108;
	_ =	swait.ge @!p0 [sflag:s8], $0x0  }
0x24: {  	s3 =	sadd.s32 $0x88, s3;
	s6 =	simm.s32 @!p1 $0x1082;
	[sflag:s4] =	ssyncset.s32 $0xFFFFF086  }
0x25: {  	[simem:s6], [sflag:s4] =	dma.local [hbm:s3], $0xF7A  }
0x26: {  	[smem:$0x3F96] =	sst s1;
	(tag) =	ssettag s2;
	_ =	strace s9  }
0x27: {  	s1 =	sld [smem:$0x3FA6]  }
0x28: {  	s2 =	sld [smem:$0x3FA7]  }
0x29: {  	s4 =	sld [smem:$0x3FA9]  }
0x2a: {  	p0 =	seq.s32 s5, $0x0;
	s5 =	sld [smem:$0x3FAA]  }
0x2b: {  	s6 =	sld [smem:$0x3FAB]  }
0x2c: {  	s7 =	sld [smem:$0x3FAC]  }
0x2d: {  	s3 =	simm.s32 $0x108;
	s8 =	sld [smem:$0x3FAD]  }
0x2e: {  	s3 =	simm.s32 @!p0 $0x1082;
	s9 =	sld [smem:$0x3FAE]  }
0x2f: {  	lr =	sadd.s32 s0, s3;
	s0 =	sld [smem:$0x3FA5]  }
0x30: {  	s3 =	sld [smem:$0x3FA8]  }
0x31: {  	[smem:$0x3FB1] =	sst s10  }
0x32: {  	s10 =	sld [smem:$0x3FAF];
	_ =	sdelay $0x3  }
0x33: {  	p0 =	seq.s32 s10, $0x1;
	s10 =	sld [smem:$0x3FB1];
	_ =	sdelay $0x3  }
0x34: {  	[smem:$0x3FB1] =	sst s10  }
0x35: {  	s10 =	sld [smem:$0x3FB0];
	_ =	sdelay $0x3  }
0x36: {  	p1 =	seq.s32 s10, $0x1;
	s10 =	sld [smem:$0x3FB1];
	_ =	sdelay $0x3  }
0x37: {  	[smem:$0x3FB1] =	sst s10  }
0x38: {  	s10 =	sld [smem:$0x3FB2]  }
0x39: {  	_ = 	snop;
	(pc) =	sbr.ind lr, $3  }
0x3a: {  	_ = 	snop  }
0x3b: {  	_ = 	snop  }
0x3c: {  	p2 =	seq.s32 s10, $0x1;
	s10 =	sld [smem:$0x3FB1]  }
0x3d: {  	_ =	shalt  }
0x3e: {  	_ =	shalt  }
0x3f: {  	_ =	shalt  }
0x40: {  	_ =	shalt  }
0x41: {  	_ =	shalt  }
0x42: {  	_ =	shalt  }
0x43: {  	_ =	shalt  }
0x44: {  	_ =	shalt  }
0x45: {  	_ =	shalt  }
0x46: {  	_ =	shalt  }
0x47: {  	_ =	shalt  }
0x48: {  	_ =	shalt  }
0x49: {  	_ =	shalt  }
0x4a: {  	_ =	shalt  }
0x4b: {  	_ =	shalt  }
0x4c: {  	_ =	shalt  }
0x4d: {  	_ =	shalt  }
0x4e: {  	_ =	shalt  }
0x4f: {  	_ =	shalt  }
0x50: {  	_ =	shalt  }
0x51: {  	_ =	shalt  }
0x52: {  	_ =	shalt  }
0x53: {  	_ =	shalt  }
0x54: {  	_ =	shalt  }
0x55: {  	_ =	shalt  }
0x56: {  	_ =	shalt  }
0x57: {  	_ =	shalt  }
0x58: {  	_ =	shalt  }
0x59: {  	_ =	shalt  }
0x5a: {  	_ =	shalt  }
0x5b: {  	_ =	shalt  }
0x5c: {  	_ =	shalt  }
0x5d: {  	_ =	shalt  }
0x5e: {  	_ =	shalt  }
0x5f: {  	_ =	shalt  }
0x60: {  	_ =	shalt  }
0x61: {  	_ =	shalt  }
0x62: {  	_ =	shalt  }
0x63: {  	_ =	shalt  }
0x64: {  	_ =	shalt  }
0x65: {  	_ =	shalt  }
0x66: {  	_ =	shalt  }
0x67: {  	_ =	shalt  }
0x68: {  	_ =	shalt  }
0x69: {  	_ =	shalt  }
0x6a: {  	_ =	shalt  }
0x6b: {  	_ =	shalt  }
0x6c: {  	_ =	shalt  }
0x6d: {  	_ =	shalt  }
0x6e: {  	_ =	shalt  }
0x6f: {  	_ =	shalt  }
0x70: {  	_ =	shalt  }
0x71: {  	_ =	shalt  }
0x72: {  	_ =	shalt  }
0x73: {  	_ =	shalt  }
0x74: {  	_ =	shalt  }
0x75: {  	_ =	shalt  }
0x76: {  	_ =	shalt  }
0x77: {  	_ =	shalt  }
0x78: {  	_ =	shalt  }
0x79: {  	_ =	shalt  }
0x7a: {  	_ =	shalt  }
0x7b: {  	_ =	shalt  }
0x7c: {  	_ =	shalt  }
0x7d: {  	_ =	shalt  }
0x7e: {  	_ =	shalt  }
0x7f: {  	_ =	shalt  }
0x80: {  	_ =	shalt  }
0x81: {  	_ =	shalt  }
0x82: {  	_ =	shalt  }
0x83: {  	_ =	shalt  }
0x84: {  	_ =	shalt  }
0x85: {  	_ =	shalt  }
0x86: {  	_ =	shalt  }
0x87: {  	_ =	shalt  }
.Lfunc_end0:
.L_simem_size_0:
called_computation_lowered:
.L_overlay_start_0:
0x88: {  	s2 =	sld [smem:$0x3FD9]  }
0x89: {  	s3 =	sld [smem:$0x3FFE];
	_ =	sdelay $0x1  }
0x8a: {  	s1 =	srdreg.scid  }
0x8b: {  	s0 =	sand.u32 $0x1, s1  }
0x8c: {  	s16 =	sshll.u32 s0, $0xA;
	s2 =	sadd.s32 s3, s2  }
0x8d: {  	s2 =	sadd.s32 s2, s16  }
0x8e: {  	[smem:$0x3FBD] =	sst s2  }
0x8f: {  	_ = 	snop  }
0x90: {  	(tm) =	ssettm $0x1  }
0x91: {  	s17 =	sld [smem:$0x3FFB];
	_ =	sdelay $0x3  }
0x92: {  	_ =	strace s17  }
0x93: {  	s2 =	sld [smem:$0x3FFC];
	_ =	sdelay $0x3  }
0x94: {  	_ =	strace s2  }
0x95: {  	s2 =	sld [smem:$0x3FFD];
	_ =	sdelay $0x3  }
0x96: {  	_ =	strace s2  }
0x97: {  	_ =	strace $0x8FFFFFFF  }
0x98: {  	s18 =	sld [smem:$0x3FDB];
	_ =	sdelay $0x1  }
0x99: {  	s19 =	simm.s32 $_scs_section_size  }
0x9a: {  	s4 =	simm.s32 $_size__tile_overlayer_lowered;
	s5 =	simm.s32 $_tile_overlayer_lowered  }
0x9b: {  	s22 =	simm.s32 $0x1BFF;
	s21 =	sshll.u32 s5, $0x1;
	s2 =	sadd.s32 s19, s18  }
0x9c: {  	s6 =	simm.s32 $0x0;
	s20 =	sshll.u32 s4, $0x1;
	s4 =	sadd.s32 s21, s2  }
0x9d: {  	[timem:s6], [sflag:s22] =	dma.local [hbm:s4], s20  }
0x9e: {  	_ =	swait.ge [sflag:s22], s20  }
0x9f: {  	s3 =	ssub.s32 $0x0, s20;
	[sflag:s22] =	ssyncset.done $0x0  }
0xa0: {  	[sflag:s22] =	ssyncadd.s32 s3;
	_ =	sdelay $0x1  }
0xa1: {  	s23 =	simm.s32 $0x1B8B  }
0xa2: {  	_ =	swait.ge [sflag:s23], $0x1  }
0xa3: {  	[sflag:s23] =	ssyncset.done $0x0  }
0xa4: {  	s25 =	simm.s32 $0x1B8E;
	s24 =	sld [smem:$0x3FFE];
	[sflag:s23] =	ssyncadd.s32 $0xFFFFFFFF  }
0xa5: {  	s26 =	simm.s32 $execute0_lowered;
	[smem:$0x3FD2] =	sst s25  }
0xa6: {  	s4 =	sshll.u32 s26, $0x1;
	_ =	strace $0x80000046;
	[dreg:$0x1] =	wrdreg $0xFFFFFFFF  }
0xa7: {  	s28 =	simm.s32 $_size_execute0_lowered;
	s2 =	sadd.s32 s2, s4;
	[dreg:$0x0] =	wrdreg $0x0  }
0xa8: {  	s4 =	sshll.u32 s28, $0x1;
	[dreg:$0x2] =	wrdreg s2  }
0xa9: {  	[dreg:$0x3] =	wrdreg s4  }
0xaa: {  	[dreg:$0x4] =	wrdreg $0xC0  }
0xab: {  	_ =	task [dreg:s6], $0x5FFFF  }
0xac: {  	[dreg:$0x1] =	wrdreg $0xFFFFFFFF  }
0xad: {  	[dreg:$0x0] =	wrdreg $0x60  }
0xae: {  	[dreg:$0x2] =	wrdreg s24  }
0xaf: {  	[dreg:$0x3] =	wrdreg $0x9  }
0xb0: {  	_ =	task.clear_ibuf [dreg:s6], $0x4FFFF;
	_ =	strace $0x90000046  }
0xb1: {  	s29 =	simm.s32 $0x9;
	_ =	strace $0x80000048  }
0xb2: {  	_ =	swait.ge [sflag:s29], $0x1  }
0xb3: {  	[sflag:s29] =	ssyncadd.s32 $0xFFFFFFFF  }
0xb4: {  	_ =	strace $0x90000048  }
0xb5: {  	_ =	sfence  }
0xb6: {  	s30 =	sld [smem:$0x0];
	_ =	sdelay $0x2  }
0xb7: {  	s31 =	sshll.u32 s1, $0xD;
	s1 =	sshrl.u32 s1, $0x2  }
0xb8: {  	s3 =	sand.u32 $0x4000, s31;
	s1 =	sadd.s32 s1, s30  }
0xb9: {  	s0 =	sor.u32 s3, s0;
	s1 =	sshll.u32 s1, $0x11  }
0xba: {  	s0 =	sor.u32 s1, s0  }
0xbb: {  	s0 =	sadd.s32 $0x8F2B, s0  }
0xbc: {  	[sflag:s0] =	ssyncadd.remote.s32 $0x1  }
0xbd: {  	_ =	sfence.sel $0xFFFF  }
0xbe: {  	[dreg:$0x0] =	wrdreg $0xFFFFFFFF;
	(pc) =	sbr.abs _section_cstart, $3  }
0xbf: {  	[dreg:$0x1] =	wrdreg $0xFFFFFFFF  }
0xc0: {  	_ =	task.clear_ibuf [dreg:s6], $0x2FFFF;
	_ =	strace $0x9FFFFFFF  }
0xc1: {  	(tm) =	ssettm $0x7FFFFFFF  }
tec
execute0_lowered:
.L_overlay_start_1:
0x0: {  	(tag) =	ssettag $0x1  }
0x1: {  	s1 =	srdreg.scid;
	s0 =	stileid.u32  }
0x2: {  	s4 =	rddreg [dreg:$0x0];
	s3 =	sand.u32 $0x1, s1;
	s30 =	sshll.u32 s0, $0x1  }
0x3: {  	s2 =	simm.s32 $0x0;
	s8 =	simm.s32 $0x0;
	s5 =	sor.u32 s3, s30  }
0x4: {  	s1 =	rddreg [dreg:$0x1];
	s3 =	ssub.s32 $0x2, s3;
	s6 =	smul.u32 $0x280, s5  }
0x5: {  	[smem:$0x7FF] =	sst s2;
	s5 =	smul.u32 $0x500, s5;
	s7 =	sshrl.u32 s3, $0x1  }
0x6: {  	_ =	strace $0x80000047;
	s31 =	ssub.s32 s3, s7;
	s7 =	simm.s32 $0x1400  }
0x7: {  	s6 =	sadd.s32 s6, s4;
	s4 =	sadd.s32 s5, s4;
	s5 =	smax.u32 s31, $0x1  }
0x8: {  	v0 =	vimm.f32 $0.0e+00;
	v1 =	vimm.f32 $1.000000000e+00;
	s3 =	sadd.s32 $0x7E00, s6;
	s4 =	sadd.s32 $0xCE00, s4;
	s6 =	simm.s32 $0x1  }
.LBB2_1:
0x9: {  	s9 =	simm.s32 $0x40;
	s10 =	simm.s32 $0x0  }
.LBB2_2:
0xa: {  	p0 =	sne.s32 s9, $0x9FC0;
	[tilespmem:s10+$0x1400] =	vst v0;
	s10 =	smov.u32 s9;
	s9 =	sadd.s32 $0x40, s9  }
.Ltmp0:
0xb: {  	(pc) =	sbr.rel @p0 .LBB2_2-.Ltmp0, $2  }
0xc: {  	_ =	sdelay $0x2  }
0xd: {  	s10 =	sshra.s32 s10, $0x2  }
0xe: {  	[tilespmem:s10+$0x1400] =	vst v0;
	s9 =	simm.s32 $0x0  }
0xf: {  	[tilespmem:s9], [sflag:$0x1] =	stream.linear.gather [hbm4b:s3+s9], $0x1400, $0x38;
	[tilespmem:$0x3C00] =	vst v63  }
0x10: {  	_ =	swait.ge [sflag:s6], $0x1400  }
0x11: {  	[sflag:s6] =	ssyncset.done $0x0  }
0x12: {  	s10 =	simm.s32 $0x0;
	s9 =	simm.s32 $0x40;
	[sflag:s6] =	ssyncadd.s32 $0xFFFFEC00  }
.LBB2_4:
0x13: {  	p0 =	sne.s32 s9, $0x4FC0;
	v2 =	vld [tilespmem:s10+$0x0];
	_ =	sdelay $0x3  }
.Ltmp1:
0x14: {  	(pc) =	sbr.rel @p0 .LBB2_4-.Ltmp1, $2  }
0x15: {  	_ =	sdelay $0x2  }
0x16: {  	s10 =	sshra.s32 s9, $0x2;
	s9 =	sadd.s32 $0x40, s9;
	[tilespmem:v2+s7+$0x0] =	vst.idx.add.f32.msk $0xffff, v1  }
0x17: {  	v2 =	vld [tilespmem:s10+$0x0];
	_ =	sdelay $0x5  }
0x18: {  	s8 =	sadd.s32 $0x1, s8  }
0x19: {  	p0 =	sne.s32 s8, s5  }
.Ltmp2:
0x1a: {  	[tilespmem:v2+s7+$0x0] =	vst.idx.add.f32.msk $0xffff, v1;
	(pc) =	sbr.rel @p0 .LBB2_1-.Ltmp2, $4  }
0x1b: {  	[hbm4b:s4+s2] =	stream.linear.scatter [tilespmem:s7], [sflag:$0x1], $0x2800, $0x38;
	[tilespmem:$0x3C00] =	vst v63  }
0x1c: {  	_ =	swait.ge [sflag:s6], $0x2800  }
0x1d: {  	[sflag:s6] =	ssyncset.done $0x0  }
0x1e: {  	[sflag:s6] =	ssyncadd.s32 $0xFFFFD800  }
0x1f: {  	_ =	sfence.sel $0x180000  }
0x20: {  	[bflag:$0x0] =	sbarrier.arrive $0xFFFF  }
0x21: {  	p0 =	sne.s32 s0, $0x0;
	_ =	strace $0x90000047  }
0x22: {  	s0 =	sadd.s32 @!p0 $0x100000, s1;
	[bflag:$0x2] =	sbarrier.arrive $0xFFFF  }
0x23: {  	[sflag:s0] =	ssyncadd.tile.s32 @!p0 $0x1;
	_ =	shalt  }
.Lfunc_end2:
_tile_overlayer_lowered:
.L_overlay_start_2:
0x24: {  	(tag) =	ssettag $0x2  }
0x25: {  	s0 =	rddreg [dreg:$0x0];
	s2 =	stileid.u32  }
0x26: {  	s1 =	rddreg [dreg:$0x1];
	p0 =	sne.s32 s2, $0x0  }
0x27: {  	s3 =	rddreg [dreg:$0x2];
	[bflag:$0x3] =	sbarrier.arrive $0xFFFF;
	s2 =	simm.s32 @!p0 $0x1C01  }
0x28: {  	[timem:s3], [sflag:s2] =	dma.local @!p0 [hbm:s0], s1  }
0x29: {  	s0 =	simm.s32 @!p0 $0x1  }
0x2a: {  	_ =	swait.ge @!p0 [sflag:s0], s1  }
0x2b: {  	s1 =	ssub.s32 @!p0 $0x0, s1;
	[sflag:s0] =	ssyncset.done @!p0 $0x0  }
0x2c: {  	[sflag:s0] =	ssyncadd.s32 @!p0 s1  }
0x2d: {  	[bflag:$0x3] =	sbarrier.arrive $0xFFFF  }
0x2e: {  	_ =	shalt  }

// kernel: kernel.13.cloned.1.call-start
scs
__scs_entry_jumppad:
0x0: {  	(pc) =	sbr.rel $0x88, $3  }
0x1: {  	(tag) =	ssettag $0x0;
	lr =	simm.s32 $0x1  }
0x2: {  	[smem:$0x3F96] =	sst lr;
	_ =	strace $0xD0000000  }
0x3: {  	_ = 	snop  }
0x4: {  	_ = 	snop  }
0x5: {  	_ = 	snop  }
0x6: {  	_ = 	snop  }
0x7: {  	_ = 	snop  }
__scs_overlays_trampoline_lowered:
0x8: {  	[smem:$0x3FA5] =	sst s0  }
0x9: {  	[smem:$0x3FA6] =	sst s1  }
0xa: {  	[smem:$0x3FA7] =	sst s2  }
0xb: {  	[smem:$0x3FA8] =	sst s3  }
0xc: {  	[smem:$0x3FA9] =	sst s4  }
0xd: {  	[smem:$0x3FAA] =	sst s5  }
0xe: {  	[smem:$0x3FAB] =	sst s6  }
0xf: {  	[smem:$0x3FAC] =	sst s7  }
0x10: {  	[smem:$0x3FAD] =	sst s8  }
0x11: {  	[smem:$0x3FAE] =	sst s9;
	s0 =	simm.s32 @!p0 $0x0  }
0x12: {  	s1 =	sld [smem:$0x3F94];
	s0 =	simm.s32 @p0 $0x1  }
0x13: {  	[smem:$0x3FAF] =	sst s0;
	s0 =	simm.s32 @!p1 $0x0  }
0x14: {  	s2 =	sld [smem:$0x3F93];
	s0 =	simm.s32 @p1 $0x1  }
0x15: {  	[smem:$0x3FB0] =	sst s0;
	s0 =	simm.s32 @!p2 $0x0  }
0x16: {  	s3 =	sld [smem:$0x3FDB];
	s0 =	simm.s32 @p2 $0x1  }
0x17: {  	s4 =	simm.s32 $0x1BF5;
	[smem:$0x3FB2] =	sst s0  }
0x18: {  	s0 =	sld [smem:$0x3F95];
	_ =	swait.ge [sflag:s4], $0x0  }
0x19: {  	s7 =	sld [smem:$0x3F96]  }
0x1a: {  	s8 =	sadd.s32 $0xFFFFE003, lr  }
0x1b: {  	s9 =	sadd.s32 $0xFFFFFEF7, lr;
	s5 =	simm.s32 $0xFFFFFFFF;
	p2 =	slt.u32 s8, $0xFFFFF086  }
0x1c: {  	p1 =	slt.u32 s9, $0xF7A;
	s5 =	simm.s32 @!p2 $0x0  }
0x1d: {  	s5 =	simm.s32 @p1 $0x1;
	p0 =	seq.s32 s7, s2  }
0x1e: {  	s7 =	smul.u32 @!p0 $0xF7A, s2;
	p2 =	seq.s32 @!p0 s5, $0x0  }
0x1f: {  	s9 =	smul.u32 $0xF7A, s1;
	s8 =	simm.s32 @!p0 $0x1BF5;
	p2 =	por !p2, p0  }
0x20: {  	[sflag:s8] =	ssyncset.s32 @!p0 $0xFFFFF086;
	s6 =	sadd.s32 @!p0 s3, s7;
	s7 =	simm.s32 @!p0 $0x108  }
0x21: {  	s3 =	sadd.s32 s3, s9;
	s6 =	sadd.s32 @!p0 $0x88, s6;
	s7 =	simm.s32 @p2 $0x1082  }
0x22: {  	[simem:s7], [sflag:s8] =	dma.local @!p0 [hbm:s6], $0xF7A  }
0x23: {  	s9 =	sor.u32 $0xD0000000, s2;
	s6 =	simm.s32 $0x108;
	_ =	swait.ge @!p0 [sflag:s8], $0x0  }
0x24: {  	s3 =	sadd.s32 $0x88, s3;
	s6 =	simm.s32 @!p1 $0x1082;
	[sflag:s4] =	ssyncset.s32 $0xFFFFF086  }
0x25: {  	[simem:s6], [sflag:s4] =	dma.local [hbm:s3], $0xF7A  }
0x26: {  	[smem:$0x3F96] =	sst s1;
	(tag) =	ssettag s2;
	_ =	strace s9  }
0x27: {  	s1 =	sld [smem:$0x3FA6]  }
0x28: {  	s2 =	sld [smem:$0x3FA7]  }
0x29: {  	s4 =	sld [smem:$0x3FA9]  }
0x2a: {  	p0 =	seq.s32 s5, $0x0;
	s5 =	sld [smem:$0x3FAA]  }
0x2b: {  	s6 =	sld [smem:$0x3FAB]  }
0x2c: {  	s7 =	sld [smem:$0x3FAC]  }
0x2d: {  	s3 =	simm.s32 $0x108;
	s8 =	sld [smem:$0x3FAD]  }
0x2e: {  	s3 =	simm.s32 @!p0 $0x1082;
	s9 =	sld [smem:$0x3FAE]  }
0x2f: {  	lr =	sadd.s32 s0, s3;
	s0 =	sld [smem:$0x3FA5]  }
0x30: {  	s3 =	sld [smem:$0x3FA8]  }
0x31: {  	[smem:$0x3FB1] =	sst s10  }
0x32: {  	s10 =	sld [smem:$0x3FAF];
	_ =	sdelay $0x3  }
0x33: {  	p0 =	seq.s32 s10, $0x1;
	s10 =	sld [smem:$0x3FB1];
	_ =	sdelay $0x3  }
0x34: {  	[smem:$0x3FB1] =	sst s10  }
0x35: {  	s10 =	sld [smem:$0x3FB0];
	_ =	sdelay $0x3  }
0x36: {  	p1 =	seq.s32 s10, $0x1;
	s10 =	sld [smem:$0x3FB1];
	_ =	sdelay $0x3  }
0x37: {  	[smem:$0x3FB1] =	sst s10  }
0x38: {  	s10 =	sld [smem:$0x3FB2]  }
0x39: {  	_ = 	snop;
	(pc) =	sbr.ind lr, $3  }
0x3a: {  	_ = 	snop  }
0x3b: {  	_ = 	snop  }
0x3c: {  	p2 =	seq.s32 s10, $0x1;
	s10 =	sld [smem:$0x3FB1]  }
0x3d: {  	_ =	shalt  }
0x3e: {  	_ =	shalt  }
0x3f: {  	_ =	shalt  }
0x40: {  	_ =	shalt  }
0x41: {  	_ =	shalt  }
0x42: {  	_ =	shalt  }
0x43: {  	_ =	shalt  }
0x44: {  	_ =	shalt  }
0x45: {  	_ =	shalt  }
0x46: {  	_ =	shalt  }
0x47: {  	_ =	shalt  }
0x48: {  	_ =	shalt  }
0x49: {  	_ =	shalt  }
0x4a: {  	_ =	shalt  }
0x4b: {  	_ =	shalt  }
0x4c: {  	_ =	shalt  }
0x4d: {  	_ =	shalt  }
0x4e: {  	_ =	shalt  }
0x4f: {  	_ =	shalt  }
0x50: {  	_ =	shalt  }
0x51: {  	_ =	shalt  }
0x52: {  	_ =	shalt  }
0x53: {  	_ =	shalt  }
0x54: {  	_ =	shalt  }
0x55: {  	_ =	shalt  }
0x56: {  	_ =	shalt  }
0x57: {  	_ =	shalt  }
0x58: {  	_ =	shalt  }
0x59: {  	_ =	shalt  }
0x5a: {  	_ =	shalt  }
0x5b: {  	_ =	shalt  }
0x5c: {  	_ =	shalt  }
0x5d: {  	_ =	shalt  }
0x5e: {  	_ =	shalt  }
0x5f: {  	_ =	shalt  }
0x60: {  	_ =	shalt  }
0x61: {  	_ =	shalt  }
0x62: {  	_ =	shalt  }
0x63: {  	_ =	shalt  }
0x64: {  	_ =	shalt  }
0x65: {  	_ =	shalt  }
0x66: {  	_ =	shalt  }
0x67: {  	_ =	shalt  }
0x68: {  	_ =	shalt  }
0x69: {  	_ =	shalt  }
0x6a: {  	_ =	shalt  }
0x6b: {  	_ =	shalt  }
0x6c: {  	_ =	shalt  }
0x6d: {  	_ =	shalt  }
0x6e: {  	_ =	shalt  }
0x6f: {  	_ =	shalt  }
0x70: {  	_ =	shalt  }
0x71: {  	_ =	shalt  }
0x72: {  	_ =	shalt  }
0x73: {  	_ =	shalt  }
0x74: {  	_ =	shalt  }
0x75: {  	_ =	shalt  }
0x76: {  	_ =	shalt  }
0x77: {  	_ =	shalt  }
0x78: {  	_ =	shalt  }
0x79: {  	_ =	shalt  }
0x7a: {  	_ =	shalt  }
0x7b: {  	_ =	shalt  }
0x7c: {  	_ =	shalt  }
0x7d: {  	_ =	shalt  }
0x7e: {  	_ =	shalt  }
0x7f: {  	_ =	shalt  }
0x80: {  	_ =	shalt  }
0x81: {  	_ =	shalt  }
0x82: {  	_ =	shalt  }
0x83: {  	_ =	shalt  }
0x84: {  	_ =	shalt  }
0x85: {  	_ =	shalt  }
0x86: {  	_ =	shalt  }
0x87: {  	_ =	shalt  }
.Lfunc_end0:
.L_simem_size_0:
called_computation.1_lowered:
.L_overlay_start_0:
0x88: {  	s2 =	sld [smem:$0x3FD9]  }
0x89: {  	s3 =	sld [smem:$0x3FFE];
	_ =	sdelay $0x1  }
0x8a: {  	s1 =	srdreg.scid  }
0x8b: {  	s0 =	sand.u32 $0x1, s1  }
0x8c: {  	s17 =	sshll.u32 s0, $0xA;
	s2 =	sadd.s32 s3, s2  }
0x8d: {  	s2 =	sadd.s32 s2, s17  }
0x8e: {  	[smem:$0x3FBD] =	sst s2  }
0x8f: {  	_ = 	snop  }
0x90: {  	s18 =	sld [smem:$0x3FD0];
	(tm) =	ssettm $0x1  }
0x91: {  	s19 =	sld [smem:$0x3FFB];
	_ =	sdelay $0x3  }
0x92: {  	_ =	strace s19  }
0x93: {  	s2 =	sld [smem:$0x3FFC];
	_ =	sdelay $0x3  }
0x94: {  	_ =	strace s2  }
0x95: {  	s2 =	sld [smem:$0x3FFD];
	_ =	sdelay $0x3  }
0x96: {  	_ =	strace s2  }
0x97: {  	_ =	strace $0x8FFFFFFF  }
0x98: {  	s20 =	sld [smem:$0x3FDB];
	_ =	sdelay $0x1  }
0x99: {  	s4 =	simm.s32 $_scs_section_size  }
0x9a: {  	s5 =	simm.s32 $_size__tile_overlayer_lowered;
	s6 =	simm.s32 $_tile_overlayer_lowered  }
0x9b: {  	s7 =	simm.s32 $0x1BFF;
	s21 =	sshll.u32 s6, $0x1;
	s4 =	sadd.s32 s4, s20  }
0x9c: {  	s22 =	simm.s32 $0x0;
	s5 =	sshll.u32 s5, $0x1;
	s6 =	sadd.s32 s21, s4  }
0x9d: {  	[timem:s22], [sflag:s7] =	dma.local [hbm:s6], s5  }
0x9e: {  	_ =	swait.ge [sflag:s7], s5  }
0x9f: {  	s5 =	ssub.s32 $0x0, s5;
	[sflag:s7] =	ssyncset.done $0x0  }
0xa0: {  	[sflag:s7] =	ssyncadd.s32 s5;
	_ =	sdelay $0x1  }
0xa1: {  	s23 =	simm.s32 $0x1B8B  }
0xa2: {  	_ =	swait.ge [sflag:s23], $0x1  }
0xa3: {  	[sflag:s23] =	ssyncset.done $0x0  }
0xa4: {  	[sflag:s23] =	ssyncadd.s32 $0xFFFFFFFF  }
0xa5: {  	s5 =	sld [smem:$0x0]  }
0xa6: {  	s6 =	sand.u32 $0xFFFFFFFE, s1  }
0xa7: {  	p0 =	sne.s32 s1, s6  }
0xa8: {  	s6 =	sshll.u32 @p0 s6, $0xE  }
0xa9: {  	s6 =	sadd.s32 @p0 $0x11B8D, s6;
	s7 =	sshll.u32 @p0 s5, $0x11  }
0xaa: {  	s6 =	sor.u32 @p0 s7, s6  }
0xab: {  	[sflag:s6] =	ssyncadd.remote.s32 @p0 $0x1;
	_ =	sdelay $0x1  }
0xac: {  	s6 =	simm.s32 @p0 $0x1B8D  }
0xad: {  	_ =	swait.eq @p0 [sflag:s6], $0x1  }
0xae: {  	[sflag:s6] =	ssyncadd.s32 @p0 $0xFFFFFFFF  }
0xaf: {  	s7 =	sshll.u32 @!p0 s1, $0xE  }
0xb0: {  	s7 =	sor.u32 @!p0 $0x4000, s7;
	s6 =	simm.s32 @!p0 $0x1B8D  }
0xb1: {  	s5 =	sshll.u32 @!p0 s5, $0x11;
	s7 =	sadd.s32 @!p0 $0x11B8D, s7;
	_ =	swait.eq @!p0 [sflag:s6], $0x1  }
0xb2: {  	s5 =	sor.u32 @!p0 s5, s7;
	[sflag:s6] =	ssyncadd.s32 @!p0 $0xFFFFFFFF  }
0xb3: {  	s25 =	simm.s32 $0x1B8E;
	s24 =	sld [smem:$0x3FFE];
	[sflag:s5] =	ssyncadd.remote.s32 @!p0 $0x1  }
0xb4: {  	s26 =	simm.s32 $execute0_lowered;
	[smem:$0x3FD2] =	sst s25  }
0xb5: {  	s6 =	sshll.u32 s26, $0x1;
	_ =	strace $0x80000049;
	[dreg:$0x1] =	wrdreg $0xFFFFFFFF  }
0xb6: {  	s28 =	simm.s32 $_size_execute0_lowered;
	s4 =	sadd.s32 s4, s6;
	[dreg:$0x0] =	wrdreg $0x0  }
0xb7: {  	s6 =	sshll.u32 s28, $0x1;
	[dreg:$0x2] =	wrdreg s4  }
0xb8: {  	[dreg:$0x3] =	wrdreg s6  }
0xb9: {  	[dreg:$0x4] =	wrdreg $0xC0  }
0xba: {  	_ =	task [dreg:s22], $0x5FFFF  }
0xbb: {  	[dreg:$0x1] =	wrdreg $0xFFFFFFFF  }
0xbc: {  	[dreg:$0x0] =	wrdreg $0x60  }
0xbd: {  	[dreg:$0x2] =	wrdreg s18  }
0xbe: {  	[dreg:$0x3] =	wrdreg s24  }
0xbf: {  	[dreg:$0x4] =	wrdreg $0xA9000  }
0xc0: {  	[dreg:$0x5] =	wrdreg $0xA  }
0xc1: {  	_ =	task.clear_ibuf [dreg:s22], $0x6FFFF;
	_ =	strace $0x90000049  }
0xc2: {  	s29 =	simm.s32 $0xA;
	_ =	strace $0x8000004B  }
0xc3: {  	_ =	swait.ge [sflag:s29], $0x1  }
0xc4: {  	[sflag:s29] =	ssyncadd.s32 $0xFFFFFFFF  }
0xc5: {  	_ =	strace $0x9000004B  }
0xc6: {  	_ =	sfence  }
0xc7: {  	s30 =	sld [smem:$0x0];
	_ =	sdelay $0x2  }
0xc8: {  	s31 =	sshll.u32 s1, $0xD;
	s1 =	sshrl.u32 s1, $0x2  }
0xc9: {  	s4 =	sand.u32 $0x4000, s31;
	s1 =	sadd.s32 s1, s30  }
0xca: {  	s0 =	sor.u32 s4, s0;
	s1 =	sshll.u32 s1, $0x11  }
0xcb: {  	s0 =	sor.u32 s1, s0  }
0xcc: {  	s0 =	sadd.s32 $0x8F2B, s0  }
0xcd: {  	[sflag:s0] =	ssyncadd.remote.s32 $0x1  }
0xce: {  	_ =	sfence.sel $0xFFFF  }
0xcf: {  	[dreg:$0x0] =	wrdreg $0xFFFFFFFF;
	(pc) =	sbr.abs _section_cstart, $3  }
0xd0: {  	[dreg:$0x1] =	wrdreg $0xFFFFFFFF  }
0xd1: {  	_ =	task.clear_ibuf [dreg:s22], $0x2FFFF;
	_ =	strace $0x9FFFFFFF  }
0xd2: {  	(tm) =	ssettm $0x7FFFFFFF  }
0xd3: {  	_ =	shalt  }
tec
execute0_lowered:
.L_overlay_start_1:
0x0: {  	(tag) =	ssettag $0x1  }
0x1: {  	s1 =	rddreg [dreg:$0x0]  }
0x2: {  	s0 =	rddreg [dreg:$0x1]  }
0x3: {  	s2 =	rddreg [dreg:$0x2]  }
0x4: {  	s3 =	simm.s32 $0x0;
	s22 =	stileid.u32;
	s6 =	srdreg.scid  }
0x5: {  	s16 =	simm.s32 $0x2800;
	s17 =	simm.s32 $0x2900;
	s4 =	smul.u32 $0x2800, s22  }
0x6: {  	s18 =	simm.s32 $0x2880;
	s19 =	simm.s32 $0x6900;
	s8 =	smul.u32 $0x2780, s22  }
0x7: {  	s20 =	simm.s32 $0x1;
	[smem:$0x7FF] =	sst s3;
	s11 =	smul.u32 $0x4F000, s22  }
0x8: {  	s5 =	sadd.s32 $0x2E00, s0;
	s10 =	sand.u32 $0x1, s6;
	s24 =	smul.u32 $0x27000, s22  }
0x9: {  	s14 =	smul.u32 $0x4E000, s22;
	s31 =	sshll.u32 s22, $0x6;
	p0 =	sne.s32 s22, $0x0  }
0xa: {  	s22 =	simm.s32 $0x3;
	_ =	strace $0x8000004A;
	s9 =	ssub.s32 $0x2, s10  }
0xb: {  	s28 =	smul.u32 $0x2710, s10;
	s13 =	sshll.u32 s10, $0xA;
	s30 =	sshll.u32 s10, $0x7  }
0xc: {  	s7 =	sshrl.u32 s4, $0x3;
	s8 =	sadd.s32 s8, s0;
	s12 =	sshrl.u32 s9, $0x1  }
0xd: {  	s23 =	sshrl.u32 s11, $0x2;
	s11 =	sor.u32 s13, s24;
	s29 =	sshrl.u32 s14, $0x2  }
0xe: {  	s24 =	sadd.s32 $0x138000, s2;
	s13 =	simm.s32 $0x5;
	s14 =	sor.u32 $0x1C05, s31  }
0xf: {  	s21 =	sadd.s32 s7, s0;
	s0 =	sadd.s32 $0x8C800, s0;
	s12 =	ssub.s32 s9, s12  }
0x10: {  	s15 =	sadd.s32 s23, s2;
	s7 =	sadd.s32 s5, s7;
	s25 =	sadd.s32 $0x65000, s8  }
0x11: {  	s11 =	sshrl.u32 s11, $0x3;
	s23 =	sadd.s32 s29, s2;
	s24 =	sshrl.u32 @!p0 s24, $0x3  }
0x12: {  	s6 =	sadd.s32 $0x7E00, s21;
	[dreg:$0x5] =	wrdreg s25;
	s26 =	sadd.s32 $0x10, s7  }
0x13: {  	s10 =	sadd.s32 s0, s11;
	s0 =	sadd.s32 s30, s0;
	s12 =	smax.u32 s12, $0x1  }
0x14: {  	s15 =	sshrl.u32 s15, $0x3;
	s21 =	simm.s32 $0x80;
	[dreg:$0x4] =	wrdreg s6  }
0x15: {  	s23 =	sshrl.u32 s23, $0x3;
	s25 =	simm.s32 $0x2;
	[dreg:$0x6] =	wrdreg s26  }
0x16: {  	v0 =	vmov s28;
	s11 =	sadd.s32 $0x4E000, s0;
	s26 =	simm.s32 $0x4;
	s0 =	simm.s32 $0x0  }
.LBB2_1:
0x17: {  	s6 =	rddreg [dreg:$0x4]  }
0x18: {  	[tilespmem:s3], [sflag:$0x5] =	stream.linear.gather [hbm4b:s6+s3], $0x2800, $0x38;
	[tilespmem:$0x1E500] =	vst v63  }
0x19: {  	_ =	swait.ge [sflag:s13], $0x2800  }
0x1a: {  	[sflag:s13] =	ssyncset.done $0x0  }
0x1b: {  	s8 =	rddreg [dreg:$0x5];
	[sflag:s13] =	ssyncadd.s32 $0xFFFFD800  }
0x1c: {  	[spmem:s15], [sflag:s14] =	dma.local [hbm:s8], $0x2780  }
0x1d: {  	_ =	swait.ge [sflag:s13], $0x2780  }
0x1e: {  	[sflag:s13] =	ssyncset.done $0x0  }
0x1f: {  	[sflag:s13] =	ssyncadd.s32 $0xFFFFD880  }
0x20: {  	[bflag:$0x0] =	sbarrier.arrive $0xFFFF  }
0x21: {  	[tilespmem:s16], [sflag:$0x5] =	stream.linear.gather [hbm4b:s7+s3], $0x80, $0x38;
	[tilespmem:$0x1E500] =	vst v63  }
0x22: {  	_ =	swait.ge [sflag:s13], $0x80  }
0x23: {  	[sflag:s13] =	ssyncset.done $0x0  }
0x24: {  	[sflag:s13] =	ssyncadd.s32 $0xFFFFFF80  }
0x25: {  	v1 =	vld [tilespmem:$0x2800]  }
0x26: {  	v2 =	vld [tilespmem:$0x2810]  }
0x27: {  	v3 =	vld [tilespmem:$0x2820]  }
0x28: {  	v4 =	vld [tilespmem:$0x2830]  }
0x29: {  	v5 =	vld [tilespmem:$0x2840]  }
0x2a: {  	v6 =	vld [tilespmem:$0x2850];
	v1 =	vadd.s32 v0, v1  }
0x2b: {  	[tilespmem:$0x2800] =	vst v1;
	v1 =	vadd.s32 v0, v2;
	v2 =	vld [tilespmem:$0x2860]  }
0x2c: {  	[tilespmem:$0x2810] =	vst v1;
	v1 =	vadd.s32 v0, v3;
	v3 =	vld [tilespmem:$0x2870]  }
0x2d: {  	[tilespmem:$0x2820] =	vst v1;
	v1 =	vadd.s32 v0, v4  }
0x2e: {  	[tilespmem:$0x2830] =	vst v1;
	v1 =	vadd.s32 v0, v5  }
0x2f: {  	[tilespmem:$0x2840] =	vst v1;
	v1 =	vadd.s32 v0, v6  }
0x30: {  	[tilespmem:$0x2850] =	vst v1;
	v1 =	vadd.s32 v0, v2  }
0x31: {  	[tilespmem:$0x2860] =	vst v1;
	v1 =	vadd.s32 v0, v3  }
0x32: {  	[tilespmem:$0x2870] =	vst v1  }
0x33: {  	[tilespmem:s17], [sflag:$0x1] =	stream.indirect.gather [hbm4b:s1+s21], $0x80, s16, s21, $0xb8;
	[tilespmem:$0x1E500] =	vst v63  }
0x34: {  	s9 =	rddreg [dreg:$0x6]  }
0x35: {  	[tilespmem:s18], [sflag:$0x5] =	stream.linear.gather [hbm4b:s9+s3], $0x80, $0x38;
	[tilespmem:$0x1E500] =	vst v63  }
0x36: {  	_ =	swait.ge [sflag:s13], $0x80  }
0x37: {  	[sflag:s13] =	ssyncset.done $0x0  }
0x38: {  	[sflag:s13] =	ssyncadd.s32 $0xFFFFFF80  }
0x39: {  	v1 =	vld [tilespmem:$0x2880]  }
0x3a: {  	v2 =	vld [tilespmem:$0x2890]  }
0x3b: {  	v3 =	vld [tilespmem:$0x28A0]  }
0x3c: {  	v61 =	vld [tilespmem:$0x28B0]  }
0x3d: {  	v62 =	vld [tilespmem:$0x28C0]  }
0x3e: {  	v63 =	vld [tilespmem:$0x28D0];
	v1 =	vadd.s32 v0, v1  }
0x3f: {  	[tilespmem:$0x2880] =	vst v1;
	v1 =	vadd.s32 v0, v2;
	v2 =	vld [tilespmem:$0x28E0]  }
0x40: {  	[tilespmem:$0x2890] =	vst v1;
	v1 =	vadd.s32 v0, v3;
	v3 =	vld [tilespmem:$0x28F0]  }
0x41: {  	[tilespmem:$0x28A0] =	vst v1;
	v1 =	vadd.s32 v0, v61  }
0x42: {  	s28 =	simm.s32 $0x100;
	[tilespmem:$0x28B0] =	vst v1;
	v1 =	vadd.s32 v0, v62  }
0x43: {  	s29 =	sand.u32 $0x7C00, s28;
	[tilespmem:$0x28C0] =	vst v1;
	v1 =	vadd.s32 v0, v63  }
0x44: {  	s28 =	sand.u32 $0x300, s28;
	s30 =	sadd.s32 s4, s29;
	[tilespmem:$0x28D0] =	vst v1;
	v1 =	vadd.s32 v0, v2  }
0x45: {  	s29 =	simm.s32 $0x180;
	s28 =	sor.u32 s28, s30;
	[tilespmem:$0x28E0] =	vst v1;
	v1 =	vadd.s32 v0, v3  }
0x46: {  	s30 =	simm.s32 $0x280;
	s31 =	sshrl.u32 s28, $0x3;
	s28 =	simm.s32 $0x80;
	[tilespmem:$0x28F0] =	vst v1  }
0x47: {  	[tilespmem:s19], [sflag:$0x2] =	stream.indirect.gather [hbm4b:s1+s21], $0x80, s18, s21, $0xb8;
	[tilespmem:$0x1E500] =	vst v63  }
.LBB2_2:
0x48: {  	p1 =	sne.s32 s30, $0x2780  }
0x49: {  	_ =	swait.ge [sflag:s20], $0x4000;
	s6 =	smov.u32 s30;
	s30 =	sadd.s32 $0x100, s30  }
0x4a: {  	[sflag:s20] =	ssyncset.done $0x0  }
0x4b: {  	s31 =	sadd.s32 s5, s31;
	[sflag:s20] =	ssyncadd.s32 $0xFFFFC000  }
0x4c: {  	[tilespmem:s16], [sflag:$0x3] =	stream.linear.gather [hbm4b:s31+s3], $0x80, $0x38;
	[tilespmem:$0x1E500] =	vst v63  }
0x4d: {  	s31 =	sadd.s32 $0xFFFFFF80, s28  }
0x4e: {  	[spmem:s2] =	stream.indirect.scatter.add.f32 [tilespmem:s17], [sflag:$0x5], $0x80, s31, s21, $0xb8;
	[tilespmem:$0x1E500] =	vst v63  }
0x4f: {  	_ =	swait.ge [sflag:s13], $0x4000  }
0x50: {  	[sflag:s13] =	ssyncset.done $0x0  }
0x51: {  	[sflag:s13] =	ssyncadd.s32 $0xFFFFC000  }
0x52: {  	_ =	swait.ge [sflag:s22], $0x80  }
0x53: {  	[sflag:s22] =	ssyncset.done $0x0  }
0x54: {  	[sflag:s22] =	ssyncadd.s32 $0xFFFFFF80  }
0x55: {  	v1 =	vld [tilespmem:$0x2800]  }
0x56: {  	s31 =	sadd.s32 $0xFFFFFF80, s6;
	v2 =	vld [tilespmem:$0x2810]  }
0x57: {  	v3 =	vld [tilespmem:$0x2820]  }
0x58: {  	s8 =	sand.u32 $0x7C00, s31;
	s31 =	sand.u32 $0x300, s31;
	v4 =	vld [tilespmem:$0x2830]  }
0x59: {  	s8 =	sadd.s32 s4, s8;
	v5 =	vld [tilespmem:$0x2860]  }
0x5a: {  	s9 =	sand.u32 $0x7C00, s29;
	s8 =	sor.u32 s31, s8;
	v6 =	vld [tilespmem:$0x2840]  }
0x5b: {  	s31 =	sshrl.u32 s8, $0x3;
	s8 =	sadd.s32 s4, s9;
	v1 =	vadd.s32 v0, v1;
	v2 =	vadd.s32 v0, v2;
	v7 =	vld [tilespmem:$0x2870]  }
0x5c: {  	s9 =	sand.u32 $0x380, s29;
	s29 =	smov.u32 s6;
	[tilespmem:$0x2800] =	vst v1;
	v1 =	vadd.s32 v0, v3;
	v3 =	vld [tilespmem:$0x2850]  }
0x5d: {  	s6 =	sor.u32 s9, s8;
	[tilespmem:$0x2810] =	vst v2;
	v2 =	vadd.s32 v0, v4  }
0x5e: {  	s6 =	sshrl.u32 s6, $0x3;
	[tilespmem:$0x2820] =	vst v1;
	v1 =	vadd.s32 v0, v5  }
0x5f: {  	s6 =	sadd.s32 s5, s6;
	[tilespmem:$0x2830] =	vst v2;
	v2 =	vadd.s32 v0, v6  }
0x60: {  	[tilespmem:$0x2840] =	vst v2;
	v2 =	vadd.s32 v0, v7  }
0x61: {  	v3 =	vadd.s32 v0, v3;
	[tilespmem:$0x2870] =	vst v2  }
0x62: {  	[tilespmem:$0x2850] =	vst v3  }
0x63: {  	[tilespmem:$0x2860] =	vst v1  }
0x64: {  	[tilespmem:s17], [sflag:$0x1] =	stream.indirect.gather [hbm4b:s1+s21], $0x80, s16, s21, $0xb8;
	[tilespmem:$0x1E500] =	vst v63  }
0x65: {  	_ =	swait.ge [sflag:s25], $0x4000  }
0x66: {  	[sflag:s25] =	ssyncset.done $0x0  }
0x67: {  	[sflag:s25] =	ssyncadd.s32 $0xFFFFC000  }
0x68: {  	[tilespmem:s18], [sflag:$0x4] =	stream.linear.gather [hbm4b:s6+s3], $0x80, $0x38;
	[tilespmem:$0x1E500] =	vst v63  }
0x69: {  	_ = 	snop  }
0x6a: {  	[spmem:s2] =	stream.indirect.scatter.add.f32 [tilespmem:s19], [sflag:$0x5], $0x80, s28, s21, $0xb8;
	[tilespmem:$0x1E500] =	vst v63  }
0x6b: {  	_ =	swait.ge [sflag:s13], $0x4000  }
0x6c: {  	[sflag:s13] =	ssyncset.done $0x0  }
0x6d: {  	[sflag:s13] =	ssyncadd.s32 $0xFFFFC000  }
0x6e: {  	_ =	swait.ge [sflag:s26], $0x80  }
0x6f: {  	[sflag:s26] =	ssyncset.done $0x0  }
0x70: {  	[sflag:s26] =	ssyncadd.s32 $0xFFFFFF80  }
0x71: {  	v1 =	vld [tilespmem:$0x2880]  }
0x72: {  	v2 =	vld [tilespmem:$0x2890]  }
0x73: {  	v3 =	vld [tilespmem:$0x28A0]  }
0x74: {  	v4 =	vld [tilespmem:$0x28B0]  }
0x75: {  	v5 =	vld [tilespmem:$0x28C0]  }
0x76: {  	v1 =	vadd.s32 v0, v1;
	v6 =	vld [tilespmem:$0x28D0]  }
0x77: {  	[tilespmem:$0x2880] =	vst v1;
	v1 =	vadd.s32 v0, v2;
	v2 =	vld [tilespmem:$0x28E0]  }
0x78: {  	[tilespmem:$0x2890] =	vst v1;
	v1 =	vadd.s32 v0, v3;
	v3 =	vld [tilespmem:$0x28F0]  }
0x79: {  	[tilespmem:$0x28A0] =	vst v1;
	v1 =	vadd.s32 v0, v4  }
0x7a: {  	s28 =	sadd.s32 $0x100, s28;
	[tilespmem:$0x28B0] =	vst v1;
	v1 =	vadd.s32 v0, v5  }
.Ltmp0:
0x7b: {  	[tilespmem:$0x28C0] =	vst v1;
	v1 =	vadd.s32 v0, v6;
	(pc) =	sbr.rel @p1 .LBB2_2-.Ltmp0, $4  }
0x7c: {  	[tilespmem:$0x28D0] =	vst v1;
	v1 =	vadd.s32 v0, v2  }
0x7d: {  	[tilespmem:$0x28E0] =	vst v1;
	v1 =	vadd.s32 v0, v3  }
0x7e: {  	[tilespmem:$0x28F0] =	vst v1  }
0x7f: {  	[tilespmem:s19], [sflag:$0x2] =	stream.indirect.gather [hbm4b:s1+s21], $0x80, s18, s21, $0xb8;
	[tilespmem:$0x1E500] =	vst v63  }
0x80: {  	_ =	swait.ge [sflag:s20], $0x4000  }
0x81: {  	[sflag:s20] =	ssyncset.done $0x0  }
0x82: {  	s6 =	sadd.s32 s5, s31;
	[sflag:s20] =	ssyncadd.s32 $0xFFFFC000  }
0x83: {  	[tilespmem:s16], [sflag:$0x3] =	stream.linear.gather [hbm4b:s6+s3], $0x80, $0x38;
	[tilespmem:$0x1E500] =	vst v63  }
0x84: {  	s8 =	sadd.s32 $0xFFFFFF80, s28  }
0x85: {  	[spmem:s2] =	stream.indirect.scatter.add.f32 [tilespmem:s17], [sflag:$0x5], $0x80, s8, s21, $0xb8;
	[tilespmem:$0x1E500] =	vst v63  }
0x86: {  	_ =	swait.ge [sflag:s13], $0x4000  }
0x87: {  	[sflag:s13] =	ssyncset.done $0x0  }
0x88: {  	[sflag:s13] =	ssyncadd.s32 $0xFFFFC000  }
0x89: {  	_ =	swait.ge [sflag:s22], $0x80  }
0x8a: {  	[sflag:s22] =	ssyncset.done $0x0  }
0x8b: {  	[sflag:s22] =	ssyncadd.s32 $0xFFFFFF80  }
0x8c: {  	v1 =	vld [tilespmem:$0x2800]  }
0x8d: {  	v2 =	vld [tilespmem:$0x2810]  }
0x8e: {  	v3 =	vld [tilespmem:$0x2820]  }
0x8f: {  	v4 =	vld [tilespmem:$0x2830]  }
0x90: {  	v5 =	vld [tilespmem:$0x2840]  }
0x91: {  	v6 =	vld [tilespmem:$0x2870];
	v1 =	vadd.s32 v0, v1  }
0x92: {  	v7 =	vld [tilespmem:$0x2860];
	v2 =	vadd.s32 v0, v2;
	[tilespmem:$0x2800] =	vst v1  }
0x93: {  	v3 =	vadd.s32 v0, v3;
	v1 =	vld [tilespmem:$0x2850];
	[tilespmem:$0x2810] =	vst v2  }
0x94: {  	v2 =	vadd.s32 v0, v4;
	[tilespmem:$0x2820] =	vst v3  }
0x95: {  	[tilespmem:$0x2830] =	vst v2;
	v2 =	vadd.s32 v0, v5  }
0x96: {  	[tilespmem:$0x2840] =	vst v2;
	v2 =	vadd.s32 v0, v6  }
0x97: {  	[tilespmem:$0x2870] =	vst v2;
	v2 =	vadd.s32 v0, v7  }
0x98: {  	s9 =	sand.u32 $0x7C00, s29;
	[tilespmem:$0x2860] =	vst v2;
	v1 =	vadd.s32 v0, v1  }
0x99: {  	s6 =	sadd.s32 s4, s9;
	s8 =	sand.u32 $0x380, s29;
	[tilespmem:$0x2850] =	vst v1  }
0x9a: {  	[tilespmem:s17], [sflag:$0x1] =	stream.indirect.gather [hbm4b:s1+s21], $0x80, s16, s21, $0xb8;
	[tilespmem:$0x1E500] =	vst v63  }
0x9b: {  	s6 =	sor.u32 s8, s6;
	_ =	swait.ge [sflag:s25], $0x4000  }
0x9c: {  	s6 =	sshrl.u32 s6, $0x3;
	[sflag:s25] =	ssyncset.done $0x0  }
0x9d: {  	s6 =	sadd.s32 s5, s6;
	[sflag:s25] =	ssyncadd.s32 $0xFFFFC000  }
0x9e: {  	[tilespmem:s18], [sflag:$0x4] =	stream.linear.gather [hbm4b:s6+s3], $0x80, $0x38;
	[tilespmem:$0x1E500] =	vst v63  }
0x9f: {  	_ = 	snop  }
0xa0: {  	[spmem:s2] =	stream.indirect.scatter.add.f32 [tilespmem:s19], [sflag:$0x5], $0x80, s28, s21, $0xb8;
	[tilespmem:$0x1E500] =	vst v63  }
0xa1: {  	_ =	swait.ge [sflag:s13], $0x4000  }
0xa2: {  	[sflag:s13] =	ssyncset.done $0x0  }
0xa3: {  	[sflag:s13] =	ssyncadd.s32 $0xFFFFC000  }
0xa4: {  	_ =	swait.ge [sflag:s26], $0x80  }
0xa5: {  	[sflag:s26] =	ssyncset.done $0x0  }
0xa6: {  	[sflag:s26] =	ssyncadd.s32 $0xFFFFFF80  }
0xa7: {  	v1 =	vld [tilespmem:$0x2880]  }
0xa8: {  	v2 =	vld [tilespmem:$0x2890]  }
0xa9: {  	v3 =	vld [tilespmem:$0x28A0]  }
0xaa: {  	v61 =	vld [tilespmem:$0x28B0]  }
0xab: {  	v62 =	vld [tilespmem:$0x28C0]  }
0xac: {  	v63 =	vld [tilespmem:$0x28D0];
	v1 =	vadd.s32 v0, v1  }
0xad: {  	[tilespmem:$0x2880] =	vst v1;
	v1 =	vadd.s32 v0, v2;
	v2 =	vld [tilespmem:$0x28E0]  }
0xae: {  	[tilespmem:$0x2890] =	vst v1;
	v1 =	vadd.s32 v0, v3;
	v3 =	vld [tilespmem:$0x28F0]  }
0xaf: {  	[tilespmem:$0x28A0] =	vst v1;
	v1 =	vadd.s32 v0, v61  }
0xb0: {  	[tilespmem:$0x28B0] =	vst v1;
	v1 =	vadd.s32 v0, v62  }
0xb1: {  	[tilespmem:$0x28C0] =	vst v1;
	v1 =	vadd.s32 v0, v63  }
0xb2: {  	[tilespmem:$0x28D0] =	vst v1;
	v1 =	vadd.s32 v0, v2  }
0xb3: {  	[tilespmem:$0x28E0] =	vst v1;
	v1 =	vadd.s32 v0, v3  }
0xb4: {  	[tilespmem:$0x28F0] =	vst v1  }
0xb5: {  	[tilespmem:s19], [sflag:$0x2] =	stream.indirect.gather [hbm4b:s1+s21], $0x80, s18, s21, $0xb8;
	[tilespmem:$0x1E500] =	vst v63  }
0xb6: {  	_ =	swait.ge [sflag:s20], $0x4000  }
0xb7: {  	[sflag:s20] =	ssyncset.done $0x0  }
0xb8: {  	s28 =	simm.s32 $0x2700;
	[sflag:s20] =	ssyncadd.s32 $0xFFFFC000  }
0xb9: {  	[spmem:s2] =	stream.indirect.scatter.add.f32 [tilespmem:s17], [sflag:$0x5], $0x80, s28, s21, $0xb8;
	[tilespmem:$0x1E500] =	vst v63  }
0xba: {  	_ =	swait.ge [sflag:s13], $0x4000  }
0xbb: {  	[sflag:s13] =	ssyncset.done $0x0  }
0xbc: {  	[sflag:s13] =	ssyncadd.s32 $0xFFFFC000  }
0xbd: {  	_ =	swait.ge [sflag:s25], $0x4000  }
0xbe: {  	[sflag:s25] =	ssyncset.done $0x0  }
0xbf: {  	s29 =	simm.s32 $0x2780;
	[sflag:s25] =	ssyncadd.s32 $0xFFFFC000  }
0xc0: {  	[spmem:s2] =	stream.indirect.scatter.add.f32 [tilespmem:s19], [sflag:$0x5], $0x80, s29, s21, $0xb8;
	[tilespmem:$0x1E500] =	vst v63  }
0xc1: {  	_ =	swait.ge [sflag:s13], $0x4000  }
0xc2: {  	[sflag:s13] =	ssyncset.done $0x0  }
0xc3: {  	[sflag:s13] =	ssyncadd.s32 $0xFFFFC000  }
0xc4: {  	s30 =	simm.s32 $0x8;
	s31 =	simm.s32 $0x100;
	[bflag:$0x0] =	sbarrier.arrive $0xFFFF  }
0xc5: {  	[hbm:s10@s31], [sflag:s14] =	dma.strided [spmem:s23@s21], $0x2700, s30, $0x10   }
0xc6: {  	s0 =	sadd.s32 $0x1, s0;
	_ =	swait.ge [sflag:s13], $0x2700  }
0xc7: {  	p1 =	sne.s32 s0, s12;
	s9 =	simm.s32 @!p0 $0x80;
	[sflag:s13] =	ssyncset.done $0x0  }
0xc8: {  	s8 =	simm.s32 @!p0 $0x100;
	s6 =	simm.s32 @!p0 $0x8;
	[sflag:s13] =	ssyncadd.s32 $0xFFFFD900  }
0xc9: {  	[hbm:s11@s8], [sflag:s14] =	dma.strided @!p0 [spmem:s24@s9], $0x100, s6, $0x10   }
.Ltmp1:
0xca: {  	_ = 	snop;
	(pc) =	sbr.rel @p1 .LBB2_1-.Ltmp1, $4  }
0xcb: {  	s6 =	simm.s32 @!p0 $0x5  }
0xcc: {  	_ =	swait.ge @!p0 [sflag:s6], $0x100  }
0xcd: {  	[sflag:s6] =	ssyncset.done @!p0 $0x0  }
0xce: {  	[sflag:s6] =	ssyncadd.s32 @!p0 $0xFFFFFF00  }
0xcf: {  	_ =	sfence.sel $0x180000  }
0xd0: {  	[bflag:$0x0] =	sbarrier.arrive $0xFFFF  }
0xd1: {  	_ =	strace $0x9000004A  }
0xd2: {  	[bflag:$0x2] =	sbarrier.arrive $0xFFFF  }
0xd3: {  	s0 =	rddreg [dreg:$0x3]  }
0xd4: {  	s0 =	sadd.s32 @!p0 $0x100000, s0  }
0xd5: {  	[sflag:s0] =	ssyncadd.tile.s32 @!p0 $0x1;
	_ =	shalt  }
.Lfunc_end2:
_tile_overlayer_lowered:
.L_overlay_start_2:
0xd6: {  	(tag) =	ssettag $0x2  }
0xd7: {  	s0 =	rddreg [dreg:$0x0];
	s2 =	stileid.u32  }
0xd8: {  	s1 =	rddreg [dreg:$0x1];
	p0 =	sne.s32 s2, $0x0  }
0xd9: {  	s3 =	rddreg [dreg:$0x2];
	[bflag:$0x3] =	sbarrier.arrive $0xFFFF;
	s2 =	simm.s32 @!p0 $0x1C05  }
0xda: {  	[timem:s3], [sflag:s2] =	dma.local @!p0 [hbm:s0], s1  }
0xdb: {  	s0 =	simm.s32 @!p0 $0x5  }
0xdc: {  	_ =	swait.ge @!p0 [sflag:s0], s1  }
0xdd: {  	s1 =	ssub.s32 @!p0 $0x0, s1;
	[sflag:s0] =	ssyncset.done @!p0 $0x0  }
0xde: {  	[sflag:s0] =	ssyncadd.s32 @!p0 s1  }
0xdf: {  	[bflag:$0x3] =	sbarrier.arrive $0xFFFF  }
0xe0: {  	_ =	shalt  }

// kernel: kernel.16.cloned.1.call-start
scs
__scs_entry_jumppad:
0x0: {  	(pc) =	sbr.rel $0x88, $3  }
0x1: {  	(tag) =	ssettag $0x0;
	lr =	simm.s32 $0x1  }
0x2: {  	[smem:$0x3F96] =	sst lr;
	_ =	strace $0xD0000000  }
0x3: {  	_ = 	snop  }
0x4: {  	_ = 	snop  }
0x5: {  	_ = 	snop  }
0x6: {  	_ = 	snop  }
0x7: {  	_ = 	snop  }
__scs_overlays_trampoline_lowered:
0x8: {  	[smem:$0x3FA5] =	sst s0  }
0x9: {  	[smem:$0x3FA6] =	sst s1  }
0xa: {  	[smem:$0x3FA7] =	sst s2  }
0xb: {  	[smem:$0x3FA8] =	sst s3  }
0xc: {  	[smem:$0x3FA9] =	sst s4  }
0xd: {  	[smem:$0x3FAA] =	sst s5  }
0xe: {  	[smem:$0x3FAB] =	sst s6  }
0xf: {  	[smem:$0x3FAC] =	sst s7  }
0x10: {  	[smem:$0x3FAD] =	sst s8  }
0x11: {  	[smem:$0x3FAE] =	sst s9;
	s0 =	simm.s32 @!p0 $0x0  }
0x12: {  	s1 =	sld [smem:$0x3F94];
	s0 =	simm.s32 @p0 $0x1  }
0x13: {  	[smem:$0x3FAF] =	sst s0;
	s0 =	simm.s32 @!p1 $0x0  }
0x14: {  	s2 =	sld [smem:$0x3F93];
	s0 =	simm.s32 @p1 $0x1  }
0x15: {  	[smem:$0x3FB0] =	sst s0;
	s0 =	simm.s32 @!p2 $0x0  }
0x16: {  	s3 =	sld [smem:$0x3FDB];
	s0 =	simm.s32 @p2 $0x1  }
0x17: {  	s4 =	simm.s32 $0x1BF5;
	[smem:$0x3FB2] =	sst s0  }
0x18: {  	s0 =	sld [smem:$0x3F95];
	_ =	swait.ge [sflag:s4], $0x0  }
0x19: {  	s7 =	sld [smem:$0x3F96]  }
0x1a: {  	s8 =	sadd.s32 $0xFFFFE003, lr  }
0x1b: {  	s9 =	sadd.s32 $0xFFFFFEF7, lr;
	s5 =	simm.s32 $0xFFFFFFFF;
	p2 =	slt.u32 s8, $0xFFFFF086  }
0x1c: {  	p1 =	slt.u32 s9, $0xF7A;
	s5 =	simm.s32 @!p2 $0x0  }
0x1d: {  	s5 =	simm.s32 @p1 $0x1;
	p0 =	seq.s32 s7, s2  }
0x1e: {  	s7 =	smul.u32 @!p0 $0xF7A, s2;
	p2 =	seq.s32 @!p0 s5, $0x0  }
0x1f: {  	s9 =	smul.u32 $0xF7A, s1;
	s8 =	simm.s32 @!p0 $0x1BF5;
	p2 =	por !p2, p0  }
0x20: {  	[sflag:s8] =	ssyncset.s32 @!p0 $0xFFFFF086;
	s6 =	sadd.s32 @!p0 s3, s7;
	s7 =	simm.s32 @!p0 $0x108  }
0x21: {  	s3 =	sadd.s32 s3, s9;
	s6 =	sadd.s32 @!p0 $0x88, s6;
	s7 =	simm.s32 @p2 $0x1082  }
0x22: {  	[simem:s7], [sflag:s8] =	dma.local @!p0 [hbm:s6], $0xF7A  }
0x23: {  	s9 =	sor.u32 $0xD0000000, s2;
	s6 =	simm.s32 $0x108;
	_ =	swait.ge @!p0 [sflag:s8], $0x0  }
0x24: {  	s3 =	sadd.s32 $0x88, s3;
	s6 =	simm.s32 @!p1 $0x1082;
	[sflag:s4] =	ssyncset.s32 $0xFFFFF086  }
0x25: {  	[simem:s6], [sflag:s4] =	dma.local [hbm:s3], $0xF7A  }
0x26: {  	[smem:$0x3F96] =	sst s1;
	(tag) =	ssettag s2;
	_ =	strace s9  }
0x27: {  	s1 =	sld [smem:$0x3FA6]  }
0x28: {  	s2 =	sld [smem:$0x3FA7]  }
0x29: {  	s4 =	sld [smem:$0x3FA9]  }
0x2a: {  	p0 =	seq.s32 s5, $0x0;
	s5 =	sld [smem:$0x3FAA]  }
0x2b: {  	s6 =	sld [smem:$0x3FAB]  }
0x2c: {  	s7 =	sld [smem:$0x3FAC]  }
0x2d: {  	s3 =	simm.s32 $0x108;
	s8 =	sld [smem:$0x3FAD]  }
0x2e: {  	s3 =	simm.s32 @!p0 $0x1082;
	s9 =	sld [smem:$0x3FAE]  }
0x2f: {  	lr =	sadd.s32 s0, s3;
	s0 =	sld [smem:$0x3FA5]  }
0x30: {  	s3 =	sld [smem:$0x3FA8]  }
0x31: {  	[smem:$0x3FB1] =	sst s10  }
0x32: {  	s10 =	sld [smem:$0x3FAF];
	_ =	sdelay $0x3  }
0x33: {  	p0 =	seq.s32 s10, $0x1;
	s10 =	sld [smem:$0x3FB1];
	_ =	sdelay $0x3  }
0x34: {  	[smem:$0x3FB1] =	sst s10  }
0x35: {  	s10 =	sld [smem:$0x3FB0];
	_ =	sdelay $0x3  }
0x36: {  	p1 =	seq.s32 s10, $0x1;
	s10 =	sld [smem:$0x3FB1];
	_ =	sdelay $0x3  }
0x37: {  	[smem:$0x3FB1] =	sst s10  }
0x38: {  	s10 =	sld [smem:$0x3FB2]  }
0x39: {  	_ = 	snop;
	(pc) =	sbr.ind lr, $3  }
0x3a: {  	_ = 	snop  }
0x3b: {  	_ = 	snop  }
0x3c: {  	p2 =	seq.s32 s10, $0x1;
	s10 =	sld [smem:$0x3FB1]  }
0x3d: {  	_ =	shalt  }
0x3e: {  	_ =	shalt  }
0x3f: {  	_ =	shalt  }
0x40: {  	_ =	shalt  }
0x41: {  	_ =	shalt  }
0x42: {  	_ =	shalt  }
0x43: {  	_ =	shalt  }
0x44: {  	_ =	shalt  }
0x45: {  	_ =	shalt  }
0x46: {  	_ =	shalt  }
0x47: {  	_ =	shalt  }
0x48: {  	_ =	shalt  }
0x49: {  	_ =	shalt  }
0x4a: {  	_ =	shalt  }
0x4b: {  	_ =	shalt  }
0x4c: {  	_ =	shalt  }
0x4d: {  	_ =	shalt  }
0x4e: {  	_ =	shalt  }
0x4f: {  	_ =	shalt  }
0x50: {  	_ =	shalt  }
0x51: {  	_ =	shalt  }
0x52: {  	_ =	shalt  }
0x53: {  	_ =	shalt  }
0x54: {  	_ =	shalt  }
0x55: {  	_ =	shalt  }
0x56: {  	_ =	shalt  }
0x57: {  	_ =	shalt  }
0x58: {  	_ =	shalt  }
0x59: {  	_ =	shalt  }
0x5a: {  	_ =	shalt  }
0x5b: {  	_ =	shalt  }
0x5c: {  	_ =	shalt  }
0x5d: {  	_ =	shalt  }
0x5e: {  	_ =	shalt  }
0x5f: {  	_ =	shalt  }
0x60: {  	_ =	shalt  }
0x61: {  	_ =	shalt  }
0x62: {  	_ =	shalt  }
0x63: {  	_ =	shalt  }
0x64: {  	_ =	shalt  }
0x65: {  	_ =	shalt  }
0x66: {  	_ =	shalt  }
0x67: {  	_ =	shalt  }
0x68: {  	_ =	shalt  }
0x69: {  	_ =	shalt  }
0x6a: {  	_ =	shalt  }
0x6b: {  	_ =	shalt  }
0x6c: {  	_ =	shalt  }
0x6d: {  	_ =	shalt  }
0x6e: {  	_ =	shalt  }
0x6f: {  	_ =	shalt  }
0x70: {  	_ =	shalt  }
0x71: {  	_ =	shalt  }
0x72: {  	_ =	shalt  }
0x73: {  	_ =	shalt  }
0x74: {  	_ =	shalt  }
0x75: {  	_ =	shalt  }
0x76: {  	_ =	shalt  }
0x77: {  	_ =	shalt  }
0x78: {  	_ =	shalt  }
0x79: {  	_ =	shalt  }
0x7a: {  	_ =	shalt  }
0x7b: {  	_ =	shalt  }
0x7c: {  	_ =	shalt  }
0x7d: {  	_ =	shalt  }
0x7e: {  	_ =	shalt  }
0x7f: {  	_ =	shalt  }
0x80: {  	_ =	shalt  }
0x81: {  	_ =	shalt  }
0x82: {  	_ =	shalt  }
0x83: {  	_ =	shalt  }
0x84: {  	_ =	shalt  }
0x85: {  	_ =	shalt  }
0x86: {  	_ =	shalt  }
0x87: {  	_ =	shalt  }
.Lfunc_end0:
.L_simem_size_0:
called_computation.2_lowered:
.L_overlay_start_0:
0x88: {  	s2 =	sld [smem:$0x3FD9]  }
0x89: {  	s3 =	sld [smem:$0x3FFE];
	_ =	sdelay $0x1  }
0x8a: {  	s1 =	srdreg.scid  }
0x8b: {  	s0 =	sand.u32 $0x1, s1  }
0x8c: {  	s17 =	sshll.u32 s0, $0xA;
	s2 =	sadd.s32 s3, s2  }
0x8d: {  	s2 =	sadd.s32 s2, s17  }
0x8e: {  	[smem:$0x3FBD] =	sst s2  }
0x8f: {  	_ = 	snop  }
0x90: {  	s2 =	sld [smem:$0x3FD0];
	(tm) =	ssettm $0x1  }
0x91: {  	s18 =	sld [smem:$0x3FFB];
	_ =	sdelay $0x3  }
0x92: {  	_ =	strace s18  }
0x93: {  	s3 =	sld [smem:$0x3FFC];
	_ =	sdelay $0x3  }
0x94: {  	_ =	strace s3  }
0x95: {  	s3 =	sld [smem:$0x3FFD];
	_ =	sdelay $0x3  }
0x96: {  	_ =	strace s3  }
0x97: {  	_ =	strace $0x8FFFFFFF  }
0x98: {  	s19 =	sld [smem:$0x3FDB];
	_ =	sdelay $0x1  }
0x99: {  	s4 =	simm.s32 $_scs_section_size  }
0x9a: {  	s5 =	simm.s32 $_size__tile_overlayer_lowered;
	s6 =	simm.s32 $_tile_overlayer_lowered  }
0x9b: {  	s22 =	simm.s32 $0x1BFF;
	s21 =	sshll.u32 s6, $0x1;
	s3 =	sadd.s32 s4, s19  }
0x9c: {  	s7 =	simm.s32 $0x0;
	s20 =	sshll.u32 s5, $0x1;
	s5 =	sadd.s32 s21, s3  }
0x9d: {  	[timem:s7], [sflag:s22] =	dma.local [hbm:s5], s20  }
0x9e: {  	_ =	swait.ge [sflag:s22], s20  }
0x9f: {  	s4 =	ssub.s32 $0x0, s20;
	[sflag:s22] =	ssyncset.done $0x0  }
0xa0: {  	[sflag:s22] =	ssyncadd.s32 s4;
	_ =	sdelay $0x1  }
0xa1: {  	s23 =	simm.s32 $0x1B8B  }
0xa2: {  	_ =	swait.ge [sflag:s23], $0x1  }
0xa3: {  	[sflag:s23] =	ssyncset.done $0x0  }
0xa4: {  	s25 =	simm.s32 $0x1B8E;
	s24 =	sld [smem:$0x3FFE];
	[sflag:s23] =	ssyncadd.s32 $0xFFFFFFFF  }
0xa5: {  	s26 =	simm.s32 $execute0_lowered;
	[smem:$0x3FD2] =	sst s25  }
0xa6: {  	s5 =	sshll.u32 s26, $0x1;
	_ =	strace $0x8000004C;
	[dreg:$0x1] =	wrdreg $0xFFFFFFFF  }
0xa7: {  	s28 =	simm.s32 $_size_execute0_lowered;
	s3 =	sadd.s32 s3, s5;
	[dreg:$0x0] =	wrdreg $0x0  }
0xa8: {  	s5 =	sshll.u32 s28, $0x1;
	[dreg:$0x2] =	wrdreg s3  }
0xa9: {  	[dreg:$0x3] =	wrdreg s5  }
0xaa: {  	[dreg:$0x4] =	wrdreg $0xC0  }
0xab: {  	_ =	task [dreg:s7], $0x5FFFF  }
0xac: {  	[dreg:$0x1] =	wrdreg $0xFFFFFFFF  }
0xad: {  	[dreg:$0x0] =	wrdreg $0x60  }
0xae: {  	[dreg:$0x2] =	wrdreg s2  }
0xaf: {  	[dreg:$0x3] =	wrdreg s24  }
0xb0: {  	[dreg:$0x4] =	wrdreg $0xA9000  }
0xb1: {  	[dreg:$0x5] =	wrdreg $0x9  }
0xb2: {  	_ =	task.clear_ibuf [dreg:s7], $0x6FFFF;
	_ =	strace $0x9000004C  }
0xb3: {  	s29 =	simm.s32 $0x9;
	_ =	strace $0x8000004E  }
0xb4: {  	_ =	swait.ge [sflag:s29], $0x1  }
0xb5: {  	[sflag:s29] =	ssyncadd.s32 $0xFFFFFFFF  }
0xb6: {  	_ =	strace $0x9000004E  }
0xb7: {  	_ =	sfence  }
0xb8: {  	s30 =	sld [smem:$0x0];
	_ =	sdelay $0x2  }
0xb9: {  	s31 =	sshll.u32 s1, $0xD;
	s1 =	sshrl.u32 s1, $0x2  }
0xba: {  	s3 =	sand.u32 $0x4000, s31;
	s1 =	sadd.s32 s1, s30  }
0xbb: {  	s0 =	sor.u32 s3, s0;
	s1 =	sshll.u32 s1, $0x11  }
0xbc: {  	s0 =	sor.u32 s1, s0  }
0xbd: {  	s0 =	sadd.s32 $0x8F2B, s0  }
0xbe: {  	[sflag:s0] =	ssyncadd.remote.s32 $0x1  }
0xbf: {  	_ =	sfence.sel $0xFFFF  }
0xc0: {  	[dreg:$0x0] =	wrdreg $0xFFFFFFFF;
	(pc) =	sbr.abs _section_cstart, $3  }
0xc1: {  	[dreg:$0x1] =	wrdreg $0xFFFFFFFF  }
0xc2: {  	_ =	task.clear_ibuf [dreg:s7], $0x2FFFF;
	_ =	strace $0x9FFFFFFF  }
0xc3: {  	(tm) =	ssettm $0x7FFFFFFF  }
tec
execute0_lowered:
.L_overlay_start_1:
0x0: {  	(tag) =	ssettag $0x1  }
0x1: {  	s1 =	rddreg [dreg:$0x0]  }
0x2: {  	s0 =	rddreg [dreg:$0x1]  }
0x3: {  	s2 =	rddreg [dreg:$0x2]  }
0x4: {  	s3 =	simm.s32 $0x0;
	s22 =	stileid.u32;
	s6 =	srdreg.scid  }
0x5: {  	s16 =	simm.s32 $0x2800;
	s17 =	simm.s32 $0x2900;
	s4 =	smul.u32 $0x2800, s22  }
0x6: {  	s18 =	simm.s32 $0x2880;
	s19 =	simm.s32 $0x6900;
	s8 =	smul.u32 $0x2780, s22  }
0x7: {  	s20 =	simm.s32 $0x1;
	[smem:$0x7FF] =	sst s3;
	s11 =	smul.u32 $0x4F000, s22  }
0x8: {  	s5 =	sadd.s32 $0x2E00, s0;
	s10 =	sand.u32 $0x1, s6;
	s24 =	smul.u32 $0x27000, s22  }
0x9: {  	s14 =	smul.u32 $0x4E000, s22;
	s31 =	sshll.u32 s22, $0x6;
	p0 =	sne.s32 s22, $0x0  }
0xa: {  	s22 =	simm.s32 $0x3;
	_ =	strace $0x8000004D;
	s9 =	ssub.s32 $0x2, s10  }
0xb: {  	s28 =	smul.u32 $0x2710, s10;
	s13 =	sshll.u32 s10, $0xA;
	s30 =	sshll.u32 s10, $0x7  }
0xc: {  	s7 =	sshrl.u32 s4, $0x3;
	s8 =	sadd.s32 s8, s0;
	s12 =	sshrl.u32 s9, $0x1  }
0xd: {  	s23 =	sshrl.u32 s11, $0x2;
	s11 =	sor.u32 s13, s24;
	s29 =	sshrl.u32 s14, $0x2  }
0xe: {  	s24 =	sadd.s32 $0x138000, s2;
	s13 =	simm.s32 $0x5;
	s14 =	sor.u32 $0x1C05, s31  }
0xf: {  	s21 =	sadd.s32 s7, s0;
	s0 =	sadd.s32 $0x8C800, s0;
	s12 =	ssub.s32 s9, s12  }
0x10: {  	s15 =	sadd.s32 s23, s2;
	s7 =	sadd.s32 s5, s7;
	s25 =	sadd.s32 $0x65000, s8  }
0x11: {  	s11 =	sshrl.u32 s11, $0x3;
	s23 =	sadd.s32 s29, s2;
	s24 =	sshrl.u32 @!p0 s24, $0x3  }
0x12: {  	s6 =	sadd.s32 $0x7E00, s21;
	[dreg:$0x5] =	wrdreg s25;
	s26 =	sadd.s32 $0x10, s7  }
0x13: {  	s10 =	sadd.s32 s0, s11;
	s0 =	sadd.s32 s30, s0;
	s12 =	smax.u32 s12, $0x1  }
0x14: {  	s15 =	sshrl.u32 s15, $0x3;
	s21 =	simm.s32 $0x80;
	[dreg:$0x4] =	wrdreg s6  }
0x15: {  	s23 =	sshrl.u32 s23, $0x3;
	s25 =	simm.s32 $0x2;
	[dreg:$0x6] =	wrdreg s26  }
0x16: {  	v0 =	vmov s28;
	s11 =	sadd.s32 $0x4E000, s0;
	s26 =	simm.s32 $0x4;
	s0 =	simm.s32 $0x0  }
.LBB2_1:
0x17: {  	s6 =	rddreg [dreg:$0x4]  }
0x18: {  	[tilespmem:s3], [sflag:$0x5] =	stream.linear.gather [hbm4b:s6+s3], $0x2800, $0x38;
	[tilespmem:$0x1E500] =	vst v63  }
0x19: {  	_ =	swait.ge [sflag:s13], $0x2800  }
0x1a: {  	[sflag:s13] =	ssyncset.done $0x0  }
0x1b: {  	s8 =	rddreg [dreg:$0x5];
	[sflag:s13] =	ssyncadd.s32 $0xFFFFD800  }
0x1c: {  	[spmem:s15], [sflag:s14] =	dma.local [hbm:s8], $0x2780  }
0x1d: {  	_ =	swait.ge [sflag:s13], $0x2780  }
0x1e: {  	[sflag:s13] =	ssyncset.done $0x0  }
0x1f: {  	[sflag:s13] =	ssyncadd.s32 $0xFFFFD880  }
0x20: {  	[bflag:$0x0] =	sbarrier.arrive $0xFFFF  }
0x21: {  	[tilespmem:s16], [sflag:$0x5] =	stream.linear.gather [hbm4b:s7+s3], $0x80, $0x38;
	[tilespmem:$0x1E500] =	vst v63  }
0x22: {  	_ =	swait.ge [sflag:s13], $0x80  }
0x23: {  	[sflag:s13] =	ssyncset.done $0x0  }
0x24: {  	[sflag:s13] =	ssyncadd.s32 $0xFFFFFF80  }
0x25: {  	v1 =	vld [tilespmem:$0x2800]  }
0x26: {  	v2 =	vld [tilespmem:$0x2810]  }
0x27: {  	v3 =	vld [tilespmem:$0x2820]  }
0x28: {  	v4 =	vld [tilespmem:$0x2830]  }
0x29: {  	v5 =	vld [tilespmem:$0x2840]  }
0x2a: {  	v6 =	vld [tilespmem:$0x2850];
	v1 =	vadd.s32 v0, v1  }
0x2b: {  	[tilespmem:$0x2800] =	vst v1;
	v1 =	vadd.s32 v0, v2;
	v2 =	vld [tilespmem:$0x2860]  }
0x2c: {  	[tilespmem:$0x2810] =	vst v1;
	v1 =	vadd.s32 v0, v3;
	v3 =	vld [tilespmem:$0x2870]  }
0x2d: {  	[tilespmem:$0x2820] =	vst v1;
	v1 =	vadd.s32 v0, v4  }
0x2e: {  	[tilespmem:$0x2830] =	vst v1;
	v1 =	vadd.s32 v0, v5  }
0x2f: {  	[tilespmem:$0x2840] =	vst v1;
	v1 =	vadd.s32 v0, v6  }
0x30: {  	[tilespmem:$0x2850] =	vst v1;
	v1 =	vadd.s32 v0, v2  }
0x31: {  	[tilespmem:$0x2860] =	vst v1;
	v1 =	vadd.s32 v0, v3  }
0x32: {  	[tilespmem:$0x2870] =	vst v1  }
0x33: {  	[tilespmem:s17], [sflag:$0x1] =	stream.indirect.gather [hbm4b:s1+s21], $0x80, s16, s21, $0xb8;
	[tilespmem:$0x1E500] =	vst v63  }
0x34: {  	s9 =	rddreg [dreg:$0x6]  }
0x35: {  	[tilespmem:s18], [sflag:$0x5] =	stream.linear.gather [hbm4b:s9+s3], $0x80, $0x38;
	[tilespmem:$0x1E500] =	vst v63  }
0x36: {  	_ =	swait.ge [sflag:s13], $0x80  }
0x37: {  	[sflag:s13] =	ssyncset.done $0x0  }
0x38: {  	[sflag:s13] =	ssyncadd.s32 $0xFFFFFF80  }
0x39: {  	v1 =	vld [tilespmem:$0x2880]  }
0x3a: {  	v2 =	vld [tilespmem:$0x2890]  }
0x3b: {  	v3 =	vld [tilespmem:$0x28A0]  }
0x3c: {  	v61 =	vld [tilespmem:$0x28B0]  }
0x3d: {  	v62 =	vld [tilespmem:$0x28C0]  }
0x3e: {  	v63 =	vld [tilespmem:$0x28D0];
	v1 =	vadd.s32 v0, v1  }
0x3f: {  	[tilespmem:$0x2880] =	vst v1;
	v1 =	vadd.s32 v0, v2;
	v2 =	vld [tilespmem:$0x28E0]  }
0x40: {  	[tilespmem:$0x2890] =	vst v1;
	v1 =	vadd.s32 v0, v3;
	v3 =	vld [tilespmem:$0x28F0]  }
0x41: {  	[tilespmem:$0x28A0] =	vst v1;
	v1 =	vadd.s32 v0, v61  }
0x42: {  	s28 =	simm.s32 $0x100;
	[tilespmem:$0x28B0] =	vst v1;
	v1 =	vadd.s32 v0, v62  }
0x43: {  	s29 =	sand.u32 $0x7C00, s28;
	[tilespmem:$0x28C0] =	vst v1;
	v1 =	vadd.s32 v0, v63  }
0x44: {  	s28 =	sand.u32 $0x300, s28;
	s30 =	sadd.s32 s4, s29;
	[tilespmem:$0x28D0] =	vst v1;
	v1 =	vadd.s32 v0, v2  }
0x45: {  	s29 =	simm.s32 $0x180;
	s28 =	sor.u32 s28, s30;
	[tilespmem:$0x28E0] =	vst v1;
	v1 =	vadd.s32 v0, v3  }
0x46: {  	s30 =	simm.s32 $0x280;
	s31 =	sshrl.u32 s28, $0x3;
	s28 =	simm.s32 $0x80;
	[tilespmem:$0x28F0] =	vst v1  }
0x47: {  	[tilespmem:s19], [sflag:$0x2] =	stream.indirect.gather [hbm4b:s1+s21], $0x80, s18, s21, $0xb8;
	[tilespmem:$0x1E500] =	vst v63  }
.LBB2_2:
0x48: {  	p1 =	sne.s32 s30, $0x2780  }
0x49: {  	_ =	swait.ge [sflag:s20], $0x4000;
	s6 =	smov.u32 s30;
	s30 =	sadd.s32 $0x100, s30  }
0x4a: {  	[sflag:s20] =	ssyncset.done $0x0  }
0x4b: {  	s31 =	sadd.s32 s5, s31;
	[sflag:s20] =	ssyncadd.s32 $0xFFFFC000  }
0x4c: {  	[tilespmem:s16], [sflag:$0x3] =	stream.linear.gather [hbm4b:s31+s3], $0x80, $0x38;
	[tilespmem:$0x1E500] =	vst v63  }
0x4d: {  	s31 =	sadd.s32 $0xFFFFFF80, s28  }
0x4e: {  	[spmem:s2] =	stream.indirect.scatter.add.f32 [tilespmem:s17], [sflag:$0x5], $0x80, s31, s21, $0xb8;
	[tilespmem:$0x1E500] =	vst v63  }
0x4f: {  	_ =	swait.ge [sflag:s13], $0x4000  }
0x50: {  	[sflag:s13] =	ssyncset.done $0x0  }
0x51: {  	[sflag:s13] =	ssyncadd.s32 $0xFFFFC000  }
0x52: {  	_ =	swait.ge [sflag:s22], $0x80  }
0x53: {  	[sflag:s22] =	ssyncset.done $0x0  }
0x54: {  	[sflag:s22] =	ssyncadd.s32 $0xFFFFFF80  }
0x55: {  	v1 =	vld [tilespmem:$0x2800]  }
0x56: {  	s31 =	sadd.s32 $0xFFFFFF80, s6;
	v2 =	vld [tilespmem:$0x2810]  }
0x57: {  	v3 =	vld [tilespmem:$0x2820]  }
0x58: {  	s8 =	sand.u32 $0x7C00, s31;
	s31 =	sand.u32 $0x300, s31;
	v4 =	vld [tilespmem:$0x2830]  }
0x59: {  	s8 =	sadd.s32 s4, s8;
	v5 =	vld [tilespmem:$0x2860]  }
0x5a: {  	s9 =	sand.u32 $0x7C00, s29;
	s8 =	sor.u32 s31, s8;
	v6 =	vld [tilespmem:$0x2840]  }
0x5b: {  	s31 =	sshrl.u32 s8, $0x3;
	s8 =	sadd.s32 s4, s9;
	v1 =	vadd.s32 v0, v1;
	v2 =	vadd.s32 v0, v2;
	v7 =	vld [tilespmem:$0x2870]  }
0x5c: {  	s9 =	sand.u32 $0x380, s29;
	s29 =	smov.u32 s6;
	[tilespmem:$0x2800] =	vst v1;
	v1 =	vadd.s32 v0, v3;
	v3 =	vld [tilespmem:$0x2850]  }
0x5d: {  	s6 =	sor.u32 s9, s8;
	[tilespmem:$0x2810] =	vst v2;
	v2 =	vadd.s32 v0, v4  }
0x5e: {  	s6 =	sshrl.u32 s6, $0x3;
	[tilespmem:$0x2820] =	vst v1;
	v1 =	vadd.s32 v0, v5  }
0x5f: {  	s6 =	sadd.s32 s5, s6;
	[tilespmem:$0x2830] =	vst v2;
	v2 =	vadd.s32 v0, v6  }
0x60: {  	[tilespmem:$0x2840] =	vst v2;
	v2 =	vadd.s32 v0, v7  }
0x61: {  	v3 =	vadd.s32 v0, v3;
	[tilespmem:$0x2870] =	vst v2  }
0x62: {  	[tilespmem:$0x2850] =	vst v3  }
0x63: {  	[tilespmem:$0x2860] =	vst v1  }
0x64: {  	[tilespmem:s17], [sflag:$0x1] =	stream.indirect.gather [hbm4b:s1+s21], $0x80, s16, s21, $0xb8;
	[tilespmem:$0x1E500] =	vst v63  }
0x65: {  	_ =	swait.ge [sflag:s25], $0x4000  }
0x66: {  	[sflag:s25] =	ssyncset.done $0x0  }
0x67: {  	[sflag:s25] =	ssyncadd.s32 $0xFFFFC000  }
0x68: {  	[tilespmem:s18], [sflag:$0x4] =	stream.linear.gather [hbm4b:s6+s3], $0x80, $0x38;
	[tilespmem:$0x1E500] =	vst v63  }
0x69: {  	_ = 	snop  }
0x6a: {  	[spmem:s2] =	stream.indirect.scatter.add.f32 [tilespmem:s19], [sflag:$0x5], $0x80, s28, s21, $0xb8;
	[tilespmem:$0x1E500] =	vst v63  }
0x6b: {  	_ =	swait.ge [sflag:s13], $0x4000  }
0x6c: {  	[sflag:s13] =	ssyncset.done $0x0  }
0x6d: {  	[sflag:s13] =	ssyncadd.s32 $0xFFFFC000  }
0x6e: {  	_ =	swait.ge [sflag:s26], $0x80  }
0x6f: {  	[sflag:s26] =	ssyncset.done $0x0  }
0x70: {  	[sflag:s26] =	ssyncadd.s32 $0xFFFFFF80  }
0x71: {  	v1 =	vld [tilespmem:$0x2880]  }
0x72: {  	v2 =	vld [tilespmem:$0x2890]  }
0x73: {  	v3 =	vld [tilespmem:$0x28A0]  }
0x74: {  	v4 =	vld [tilespmem:$0x28B0]  }
0x75: {  	v5 =	vld [tilespmem:$0x28C0]  }
0x76: {  	v1 =	vadd.s32 v0, v1;
	v6 =	vld [tilespmem:$0x28D0]  }
0x77: {  	[tilespmem:$0x2880] =	vst v1;
	v1 =	vadd.s32 v0, v2;
	v2 =	vld [tilespmem:$0x28E0]  }
0x78: {  	[tilespmem:$0x2890] =	vst v1;
	v1 =	vadd.s32 v0, v3;
	v3 =	vld [tilespmem:$0x28F0]  }
0x79: {  	[tilespmem:$0x28A0] =	vst v1;
	v1 =	vadd.s32 v0, v4  }
0x7a: {  	s28 =	sadd.s32 $0x100, s28;
	[tilespmem:$0x28B0] =	vst v1;
	v1 =	vadd.s32 v0, v5  }
.Ltmp0:
0x7b: {  	[tilespmem:$0x28C0] =	vst v1;
	v1 =	vadd.s32 v0, v6;
	(pc) =	sbr.rel @p1 .LBB2_2-.Ltmp0, $4  }
0x7c: {  	[tilespmem:$0x28D0] =	vst v1;
	v1 =	vadd.s32 v0, v2  }
0x7d: {  	[tilespmem:$0x28E0] =	vst v1;
	v1 =	vadd.s32 v0, v3  }
0x7e: {  	[tilespmem:$0x28F0] =	vst v1  }
0x7f: {  	[tilespmem:s19], [sflag:$0x2] =	stream.indirect.gather [hbm4b:s1+s21], $0x80, s18, s21, $0xb8;
	[tilespmem:$0x1E500] =	vst v63  }
0x80: {  	_ =	swait.ge [sflag:s20], $0x4000  }
0x81: {  	[sflag:s20] =	ssyncset.done $0x0  }
0x82: {  	s6 =	sadd.s32 s5, s31;
	[sflag:s20] =	ssyncadd.s32 $0xFFFFC000  }
0x83: {  	[tilespmem:s16], [sflag:$0x3] =	stream.linear.gather [hbm4b:s6+s3], $0x80, $0x38;
	[tilespmem:$0x1E500] =	vst v63  }
0x84: {  	s8 =	sadd.s32 $0xFFFFFF80, s28  }
0x85: {  	[spmem:s2] =	stream.indirect.scatter.add.f32 [tilespmem:s17], [sflag:$0x5], $0x80, s8, s21, $0xb8;
	[tilespmem:$0x1E500] =	vst v63  }
0x86: {  	_ =	swait.ge [sflag:s13], $0x4000  }
0x87: {  	[sflag:s13] =	ssyncset.done $0x0  }
0x88: {  	[sflag:s13] =	ssyncadd.s32 $0xFFFFC000  }
0x89: {  	_ =	swait.ge [sflag:s22], $0x80  }
0x8a: {  	[sflag:s22] =	ssyncset.done $0x0  }
0x8b: {  	[sflag:s22] =	ssyncadd.s32 $0xFFFFFF80  }
0x8c: {  	v1 =	vld [tilespmem:$0x2800]  }
0x8d: {  	v2 =	vld [tilespmem:$0x2810]  }
0x8e: {  	v3 =	vld [tilespmem:$0x2820]  }
0x8f: {  	v4 =	vld [tilespmem:$0x2830]  }
0x90: {  	v5 =	vld [tilespmem:$0x2840]  }
0x91: {  	v6 =	vld [tilespmem:$0x2870];
	v1 =	vadd.s32 v0, v1  }
0x92: {  	v7 =	vld [tilespmem:$0x2860];
	v2 =	vadd.s32 v0, v2;
	[tilespmem:$0x2800] =	vst v1  }
0x93: {  	v3 =	vadd.s32 v0, v3;
	v1 =	vld [tilespmem:$0x2850];
	[tilespmem:$0x2810] =	vst v2  }
0x94: {  	v2 =	vadd.s32 v0, v4;
	[tilespmem:$0x2820] =	vst v3  }
0x95: {  	[tilespmem:$0x2830] =	vst v2;
	v2 =	vadd.s32 v0, v5  }
0x96: {  	[tilespmem:$0x2840] =	vst v2;
	v2 =	vadd.s32 v0, v6  }
0x97: {  	[tilespmem:$0x2870] =	vst v2;
	v2 =	vadd.s32 v0, v7  }
0x98: {  	s9 =	sand.u32 $0x7C00, s29;
	[tilespmem:$0x2860] =	vst v2;
	v1 =	vadd.s32 v0, v1  }
0x99: {  	s6 =	sadd.s32 s4, s9;
	s8 =	sand.u32 $0x380, s29;
	[tilespmem:$0x2850] =	vst v1  }
0x9a: {  	[tilespmem:s17], [sflag:$0x1] =	stream.indirect.gather [hbm4b:s1+s21], $0x80, s16, s21, $0xb8;
	[tilespmem:$0x1E500] =	vst v63  }
0x9b: {  	s6 =	sor.u32 s8, s6;
	_ =	swait.ge [sflag:s25], $0x4000  }
0x9c: {  	s6 =	sshrl.u32 s6, $0x3;
	[sflag:s25] =	ssyncset.done $0x0  }
0x9d: {  	s6 =	sadd.s32 s5, s6;
	[sflag:s25] =	ssyncadd.s32 $0xFFFFC000  }
0x9e: {  	[tilespmem:s18], [sflag:$0x4] =	stream.linear.gather [hbm4b:s6+s3], $0x80, $0x38;
	[tilespmem:$0x1E500] =	vst v63  }
0x9f: {  	_ = 	snop  }
0xa0: {  	[spmem:s2] =	stream.indirect.scatter.add.f32 [tilespmem:s19], [sflag:$0x5], $0x80, s28, s21, $0xb8;
	[tilespmem:$0x1E500] =	vst v63  }
0xa1: {  	_ =	swait.ge [sflag:s13], $0x4000  }
0xa2: {  	[sflag:s13] =	ssyncset.done $0x0  }
0xa3: {  	[sflag:s13] =	ssyncadd.s32 $0xFFFFC000  }
0xa4: {  	_ =	swait.ge [sflag:s26], $0x80  }
0xa5: {  	[sflag:s26] =	ssyncset.done $0x0  }
0xa6: {  	[sflag:s26] =	ssyncadd.s32 $0xFFFFFF80  }
0xa7: {  	v1 =	vld [tilespmem:$0x2880]  }
0xa8: {  	v2 =	vld [tilespmem:$0x2890]  }
0xa9: {  	v3 =	vld [tilespmem:$0x28A0]  }
0xaa: {  	v61 =	vld [tilespmem:$0x28B0]  }
0xab: {  	v62 =	vld [tilespmem:$0x28C0]  }
0xac: {  	v63 =	vld [tilespmem:$0x28D0];
	v1 =	vadd.s32 v0, v1  }
0xad: {  	[tilespmem:$0x2880] =	vst v1;
	v1 =	vadd.s32 v0, v2;
	v2 =	vld [tilespmem:$0x28E0]  }
0xae: {  	[tilespmem:$0x2890] =	vst v1;
	v1 =	vadd.s32 v0, v3;
	v3 =	vld [tilespmem:$0x28F0]  }
0xaf: {  	[tilespmem:$0x28A0] =	vst v1;
	v1 =	vadd.s32 v0, v61  }
0xb0: {  	[tilespmem:$0x28B0] =	vst v1;
	v1 =	vadd.s32 v0, v62  }
0xb1: {  	[tilespmem:$0x28C0] =	vst v1;
	v1 =	vadd.s32 v0, v63  }
0xb2: {  	[tilespmem:$0x28D0] =	vst v1;
	v1 =	vadd.s32 v0, v2  }
0xb3: {  	[tilespmem:$0x28E0] =	vst v1;
	v1 =	vadd.s32 v0, v3  }
0xb4: {  	[tilespmem:$0x28F0] =	vst v1  }
0xb5: {  	[tilespmem:s19], [sflag:$0x2] =	stream.indirect.gather [hbm4b:s1+s21], $0x80, s18, s21, $0xb8;
	[tilespmem:$0x1E500] =	vst v63  }
0xb6: {  	_ =	swait.ge [sflag:s20], $0x4000  }
0xb7: {  	[sflag:s20] =	ssyncset.done $0x0  }
0xb8: {  	s28 =	simm.s32 $0x2700;
	[sflag:s20] =	ssyncadd.s32 $0xFFFFC000  }
0xb9: {  	[spmem:s2] =	stream.indirect.scatter.add.f32 [tilespmem:s17], [sflag:$0x5], $0x80, s28, s21, $0xb8;
	[tilespmem:$0x1E500] =	vst v63  }
0xba: {  	_ =	swait.ge [sflag:s13], $0x4000  }
0xbb: {  	[sflag:s13] =	ssyncset.done $0x0  }
0xbc: {  	[sflag:s13] =	ssyncadd.s32 $0xFFFFC000  }
0xbd: {  	_ =	swait.ge [sflag:s25], $0x4000  }
0xbe: {  	[sflag:s25] =	ssyncset.done $0x0  }
0xbf: {  	s29 =	simm.s32 $0x2780;
	[sflag:s25] =	ssyncadd.s32 $0xFFFFC000  }
0xc0: {  	[spmem:s2] =	stream.indirect.scatter.add.f32 [tilespmem:s19], [sflag:$0x5], $0x80, s29, s21, $0xb8;
	[tilespmem:$0x1E500] =	vst v63  }
0xc1: {  	_ =	swait.ge [sflag:s13], $0x4000  }
0xc2: {  	[sflag:s13] =	ssyncset.done $0x0  }
0xc3: {  	[sflag:s13] =	ssyncadd.s32 $0xFFFFC000  }
0xc4: {  	s30 =	simm.s32 $0x8;
	s31 =	simm.s32 $0x100;
	[bflag:$0x0] =	sbarrier.arrive $0xFFFF  }
0xc5: {  	[hbm:s10@s31], [sflag:s14] =	dma.strided [spmem:s23@s21], $0x2700, s30, $0x10   }
0xc6: {  	s0 =	sadd.s32 $0x1, s0;
	_ =	swait.ge [sflag:s13], $0x2700  }
0xc7: {  	p1 =	sne.s32 s0, s12;
	s9 =	simm.s32 @!p0 $0x80;
	[sflag:s13] =	ssyncset.done $0x0  }
0xc8: {  	s8 =	simm.s32 @!p0 $0x100;
	s6 =	simm.s32 @!p0 $0x8;
	[sflag:s13] =	ssyncadd.s32 $0xFFFFD900  }
0xc9: {  	[hbm:s11@s8], [sflag:s14] =	dma.strided @!p0 [spmem:s24@s9], $0x100, s6, $0x10   }
.Ltmp1:
0xca: {  	_ = 	snop;
	(pc) =	sbr.rel @p1 .LBB2_1-.Ltmp1, $4  }
0xcb: {  	s6 =	simm.s32 @!p0 $0x5  }
0xcc: {  	_ =	swait.ge @!p0 [sflag:s6], $0x100  }
0xcd: {  	[sflag:s6] =	ssyncset.done @!p0 $0x0  }
0xce: {  	[sflag:s6] =	ssyncadd.s32 @!p0 $0xFFFFFF00  }
0xcf: {  	_ =	sfence.sel $0x180000  }
0xd0: {  	[bflag:$0x0] =	sbarrier.arrive $0xFFFF  }
0xd1: {  	_ =	strace $0x9000004D  }
0xd2: {  	[bflag:$0x2] =	sbarrier.arrive $0xFFFF  }
0xd3: {  	s0 =	rddreg [dreg:$0x3]  }
0xd4: {  	s0 =	sadd.s32 @!p0 $0x100000, s0  }
0xd5: {  	[sflag:s0] =	ssyncadd.tile.s32 @!p0 $0x1;
	_ =	shalt  }
.Lfunc_end2:
_tile_overlayer_lowered:
.L_overlay_start_2:
0xd6: {  	(tag) =	ssettag $0x2  }
0xd7: {  	s0 =	rddreg [dreg:$0x0];
	s2 =	stileid.u32  }
0xd8: {  	s1 =	rddreg [dreg:$0x1];
	p0 =	sne.s32 s2, $0x0  }
0xd9: {  	s3 =	rddreg [dreg:$0x2];
	[bflag:$0x3] =	sbarrier.arrive $0xFFFF;
	s2 =	simm.s32 @!p0 $0x1C05  }
0xda: {  	[timem:s3], [sflag:s2] =	dma.local @!p0 [hbm:s0], s1  }
0xdb: {  	s0 =	simm.s32 @!p0 $0x5  }
0xdc: {  	_ =	swait.ge @!p0 [sflag:s0], s1  }
0xdd: {  	s1 =	ssub.s32 @!p0 $0x0, s1;
	[sflag:s0] =	ssyncset.done @!p0 $0x0  }
0xde: {  	[sflag:s0] =	ssyncadd.s32 @!p0 s1  }
0xdf: {  	[bflag:$0x3] =	sbarrier.arrive $0xFFFF  }
0xe0: {  	_ =	shalt  }

// kernel: kernel.19.cloned.1.call-start
scs
__scs_entry_jumppad:
0x0: {  	(pc) =	sbr.rel $0x88, $3  }
0x1: {  	(tag) =	ssettag $0x0;
	lr =	simm.s32 $0x1  }
0x2: {  	[smem:$0x3F96] =	sst lr;
	_ =	strace $0xD0000000  }
0x3: {  	_ = 	snop  }
0x4: {  	_ = 	snop  }
0x5: {  	_ = 	snop  }
0x6: {  	_ = 	snop  }
0x7: {  	_ = 	snop  }
__scs_overlays_trampoline_lowered:
0x8: {  	[smem:$0x3FA5] =	sst s0  }
0x9: {  	[smem:$0x3FA6] =	sst s1  }
0xa: {  	[smem:$0x3FA7] =	sst s2  }
0xb: {  	[smem:$0x3FA8] =	sst s3  }
0xc: {  	[smem:$0x3FA9] =	sst s4  }
0xd: {  	[smem:$0x3FAA] =	sst s5  }
0xe: {  	[smem:$0x3FAB] =	sst s6  }
0xf: {  	[smem:$0x3FAC] =	sst s7  }
0x10: {  	[smem:$0x3FAD] =	sst s8  }
0x11: {  	[smem:$0x3FAE] =	sst s9;
	s0 =	simm.s32 @!p0 $0x0  }
0x12: {  	s1 =	sld [smem:$0x3F94];
	s0 =	simm.s32 @p0 $0x1  }
0x13: {  	[smem:$0x3FAF] =	sst s0;
	s0 =	simm.s32 @!p1 $0x0  }
0x14: {  	s2 =	sld [smem:$0x3F93];
	s0 =	simm.s32 @p1 $0x1  }
0x15: {  	[smem:$0x3FB0] =	sst s0;
	s0 =	simm.s32 @!p2 $0x0  }
0x16: {  	s3 =	sld [smem:$0x3FDB];
	s0 =	simm.s32 @p2 $0x1  }
0x17: {  	s4 =	simm.s32 $0x1BF5;
	[smem:$0x3FB2] =	sst s0  }
0x18: {  	s0 =	sld [smem:$0x3F95];
	_ =	swait.ge [sflag:s4], $0x0  }
0x19: {  	s7 =	sld [smem:$0x3F96]  }
0x1a: {  	s8 =	sadd.s32 $0xFFFFE003, lr  }
0x1b: {  	s9 =	sadd.s32 $0xFFFFFEF7, lr;
	s5 =	simm.s32 $0xFFFFFFFF;
	p2 =	slt.u32 s8, $0xFFFFF086  }
0x1c: {  	p1 =	slt.u32 s9, $0xF7A;
	s5 =	simm.s32 @!p2 $0x0  }
0x1d: {  	s5 =	simm.s32 @p1 $0x1;
	p0 =	seq.s32 s7, s2  }
0x1e: {  	s7 =	smul.u32 @!p0 $0xF7A, s2;
	p2 =	seq.s32 @!p0 s5, $0x0  }
0x1f: {  	s9 =	smul.u32 $0xF7A, s1;
	s8 =	simm.s32 @!p0 $0x1BF5;
	p2 =	por !p2, p0  }
0x20: {  	[sflag:s8] =	ssyncset.s32 @!p0 $0xFFFFF086;
	s6 =	sadd.s32 @!p0 s3, s7;
	s7 =	simm.s32 @!p0 $0x108  }
0x21: {  	s3 =	sadd.s32 s3, s9;
	s6 =	sadd.s32 @!p0 $0x88, s6;
	s7 =	simm.s32 @p2 $0x1082  }
0x22: {  	[simem:s7], [sflag:s8] =	dma.local @!p0 [hbm:s6], $0xF7A  }
0x23: {  	s9 =	sor.u32 $0xD0000000, s2;
	s6 =	simm.s32 $0x108;
	_ =	swait.ge @!p0 [sflag:s8], $0x0  }
0x24: {  	s3 =	sadd.s32 $0x88, s3;
	s6 =	simm.s32 @!p1 $0x1082;
	[sflag:s4] =	ssyncset.s32 $0xFFFFF086  }
0x25: {  	[simem:s6], [sflag:s4] =	dma.local [hbm:s3], $0xF7A  }
0x26: {  	[smem:$0x3F96] =	sst s1;
	(tag) =	ssettag s2;
	_ =	strace s9  }
0x27: {  	s1 =	sld [smem:$0x3FA6]  }
0x28: {  	s2 =	sld [smem:$0x3FA7]  }
0x29: {  	s4 =	sld [smem:$0x3FA9]  }
0x2a: {  	p0 =	seq.s32 s5, $0x0;
	s5 =	sld [smem:$0x3FAA]  }
0x2b: {  	s6 =	sld [smem:$0x3FAB]  }
0x2c: {  	s7 =	sld [smem:$0x3FAC]  }
0x2d: {  	s3 =	simm.s32 $0x108;
	s8 =	sld [smem:$0x3FAD]  }
0x2e: {  	s3 =	simm.s32 @!p0 $0x1082;
	s9 =	sld [smem:$0x3FAE]  }
0x2f: {  	lr =	sadd.s32 s0, s3;
	s0 =	sld [smem:$0x3FA5]  }
0x30: {  	s3 =	sld [smem:$0x3FA8]  }
0x31: {  	[smem:$0x3FB1] =	sst s10  }
0x32: {  	s10 =	sld [smem:$0x3FAF];
	_ =	sdelay $0x3  }
0x33: {  	p0 =	seq.s32 s10, $0x1;
	s10 =	sld [smem:$0x3FB1];
	_ =	sdelay $0x3  }
0x34: {  	[smem:$0x3FB1] =	sst s10  }
0x35: {  	s10 =	sld [smem:$0x3FB0];
	_ =	sdelay $0x3  }
0x36: {  	p1 =	seq.s32 s10, $0x1;
	s10 =	sld [smem:$0x3FB1];
	_ =	sdelay $0x3  }
0x37: {  	[smem:$0x3FB1] =	sst s10  }
0x38: {  	s10 =	sld [smem:$0x3FB2]  }
0x39: {  	_ = 	snop;
	(pc) =	sbr.ind lr, $3  }
0x3a: {  	_ = 	snop  }
0x3b: {  	_ = 	snop  }
0x3c: {  	p2 =	seq.s32 s10, $0x1;
	s10 =	sld [smem:$0x3FB1]  }
0x3d: {  	_ =	shalt  }
0x3e: {  	_ =	shalt  }
0x3f: {  	_ =	shalt  }
0x40: {  	_ =	shalt  }
0x41: {  	_ =	shalt  }
0x42: {  	_ =	shalt  }
0x43: {  	_ =	shalt  }
0x44: {  	_ =	shalt  }
0x45: {  	_ =	shalt  }
0x46: {  	_ =	shalt  }
0x47: {  	_ =	shalt  }
0x48: {  	_ =	shalt  }
0x49: {  	_ =	shalt  }
0x4a: {  	_ =	shalt  }
0x4b: {  	_ =	shalt  }
0x4c: {  	_ =	shalt  }
0x4d: {  	_ =	shalt  }
0x4e: {  	_ =	shalt  }
0x4f: {  	_ =	shalt  }
0x50: {  	_ =	shalt  }
0x51: {  	_ =	shalt  }
0x52: {  	_ =	shalt  }
0x53: {  	_ =	shalt  }
0x54: {  	_ =	shalt  }
0x55: {  	_ =	shalt  }
0x56: {  	_ =	shalt  }
0x57: {  	_ =	shalt  }
0x58: {  	_ =	shalt  }
0x59: {  	_ =	shalt  }
0x5a: {  	_ =	shalt  }
0x5b: {  	_ =	shalt  }
0x5c: {  	_ =	shalt  }
0x5d: {  	_ =	shalt  }
0x5e: {  	_ =	shalt  }
0x5f: {  	_ =	shalt  }
0x60: {  	_ =	shalt  }
0x61: {  	_ =	shalt  }
0x62: {  	_ =	shalt  }
0x63: {  	_ =	shalt  }
0x64: {  	_ =	shalt  }
0x65: {  	_ =	shalt  }
0x66: {  	_ =	shalt  }
0x67: {  	_ =	shalt  }
0x68: {  	_ =	shalt  }
0x69: {  	_ =	shalt  }
0x6a: {  	_ =	shalt  }
0x6b: {  	_ =	shalt  }
0x6c: {  	_ =	shalt  }
0x6d: {  	_ =	shalt  }
0x6e: {  	_ =	shalt  }
0x6f: {  	_ =	shalt  }
0x70: {  	_ =	shalt  }
0x71: {  	_ =	shalt  }
0x72: {  	_ =	shalt  }
0x73: {  	_ =	shalt  }
0x74: {  	_ =	shalt  }
0x75: {  	_ =	shalt  }
0x76: {  	_ =	shalt  }
0x77: {  	_ =	shalt  }
0x78: {  	_ =	shalt  }
0x79: {  	_ =	shalt  }
0x7a: {  	_ =	shalt  }
0x7b: {  	_ =	shalt  }
0x7c: {  	_ =	shalt  }
0x7d: {  	_ =	shalt  }
0x7e: {  	_ =	shalt  }
0x7f: {  	_ =	shalt  }
0x80: {  	_ =	shalt  }
0x81: {  	_ =	shalt  }
0x82: {  	_ =	shalt  }
0x83: {  	_ =	shalt  }
0x84: {  	_ =	shalt  }
0x85: {  	_ =	shalt  }
0x86: {  	_ =	shalt  }
0x87: {  	_ =	shalt  }
.Lfunc_end0:
.L_simem_size_0:
called_computation.3_lowered:
.L_overlay_start_0:
0x88: {  	s2 =	sld [smem:$0x3FD9]  }
0x89: {  	s3 =	sld [smem:$0x3FFE];
	_ =	sdelay $0x1  }
0x8a: {  	s1 =	srdreg.scid  }
0x8b: {  	s0 =	sand.u32 $0x1, s1  }
0x8c: {  	s17 =	sshll.u32 s0, $0xA;
	s2 =	sadd.s32 s3, s2  }
0x8d: {  	s2 =	sadd.s32 s2, s17  }
0x8e: {  	[smem:$0x3FBD] =	sst s2  }
0x8f: {  	_ = 	snop  }
0x90: {  	s2 =	sld [smem:$0x3FD0];
	(tm) =	ssettm $0x1  }
0x91: {  	s18 =	sld [smem:$0x3FFB];
	_ =	sdelay $0x3  }
0x92: {  	_ =	strace s18  }
0x93: {  	s3 =	sld [smem:$0x3FFC];
	_ =	sdelay $0x3  }
0x94: {  	_ =	strace s3  }
0x95: {  	s3 =	sld [smem:$0x3FFD];
	_ =	sdelay $0x3  }
0x96: {  	_ =	strace s3  }
0x97: {  	_ =	strace $0x8FFFFFFF  }
0x98: {  	s19 =	sld [smem:$0x3FDB];
	_ =	sdelay $0x1  }
0x99: {  	s4 =	simm.s32 $_scs_section_size  }
0x9a: {  	s5 =	simm.s32 $_size__tile_overlayer_lowered;
	s6 =	simm.s32 $_tile_overlayer_lowered  }
0x9b: {  	s22 =	simm.s32 $0x1BFF;
	s21 =	sshll.u32 s6, $0x1;
	s3 =	sadd.s32 s4, s19  }
0x9c: {  	s7 =	simm.s32 $0x0;
	s20 =	sshll.u32 s5, $0x1;
	s5 =	sadd.s32 s21, s3  }
0x9d: {  	[timem:s7], [sflag:s22] =	dma.local [hbm:s5], s20  }
0x9e: {  	_ =	swait.ge [sflag:s22], s20  }
0x9f: {  	s4 =	ssub.s32 $0x0, s20;
	[sflag:s22] =	ssyncset.done $0x0  }
0xa0: {  	[sflag:s22] =	ssyncadd.s32 s4;
	_ =	sdelay $0x1  }
0xa1: {  	s23 =	simm.s32 $0x1B8B  }
0xa2: {  	_ =	swait.ge [sflag:s23], $0x1  }
0xa3: {  	[sflag:s23] =	ssyncset.done $0x0  }
0xa4: {  	s25 =	simm.s32 $0x1B8E;
	s24 =	sld [smem:$0x3FFE];
	[sflag:s23] =	ssyncadd.s32 $0xFFFFFFFF  }
0xa5: {  	s26 =	simm.s32 $execute0_lowered;
	[smem:$0x3FD2] =	sst s25  }
0xa6: {  	s5 =	sshll.u32 s26, $0x1;
	_ =	strace $0x8000004F;
	[dreg:$0x1] =	wrdreg $0xFFFFFFFF  }
0xa7: {  	s28 =	simm.s32 $_size_execute0_lowered;
	s3 =	sadd.s32 s3, s5;
	[dreg:$0x0] =	wrdreg $0x0  }
0xa8: {  	s5 =	sshll.u32 s28, $0x1;
	[dreg:$0x2] =	wrdreg s3  }
0xa9: {  	[dreg:$0x3] =	wrdreg s5  }
0xaa: {  	[dreg:$0x4] =	wrdreg $0xC0  }
0xab: {  	_ =	task [dreg:s7], $0x5FFFF  }
0xac: {  	[dreg:$0x1] =	wrdreg $0xFFFFFFFF  }
0xad: {  	[dreg:$0x0] =	wrdreg $0x60  }
0xae: {  	[dreg:$0x2] =	wrdreg s2  }
0xaf: {  	[dreg:$0x3] =	wrdreg s24  }
0xb0: {  	[dreg:$0x4] =	wrdreg $0xA9000  }
0xb1: {  	[dreg:$0x5] =	wrdreg $0x9  }
0xb2: {  	_ =	task.clear_ibuf [dreg:s7], $0x6FFFF;
	_ =	strace $0x9000004F  }
0xb3: {  	s29 =	simm.s32 $0x9;
	_ =	strace $0x80000051  }
0xb4: {  	_ =	swait.ge [sflag:s29], $0x1  }
0xb5: {  	[sflag:s29] =	ssyncadd.s32 $0xFFFFFFFF  }
0xb6: {  	_ =	strace $0x90000051  }
0xb7: {  	_ =	sfence  }
0xb8: {  	s30 =	sld [smem:$0x0];
	_ =	sdelay $0x2  }
0xb9: {  	s31 =	sshll.u32 s1, $0xD;
	s1 =	sshrl.u32 s1, $0x2  }
0xba: {  	s3 =	sand.u32 $0x4000, s31;
	s1 =	sadd.s32 s1, s30  }
0xbb: {  	s0 =	sor.u32 s3, s0;
	s1 =	sshll.u32 s1, $0x11  }
0xbc: {  	s0 =	sor.u32 s1, s0  }
0xbd: {  	s0 =	sadd.s32 $0x8F2B, s0  }
0xbe: {  	[sflag:s0] =	ssyncadd.remote.s32 $0x1  }
0xbf: {  	_ =	sfence.sel $0xFFFF  }
0xc0: {  	[dreg:$0x0] =	wrdreg $0xFFFFFFFF;
	(pc) =	sbr.abs _section_cstart, $3  }
0xc1: {  	[dreg:$0x1] =	wrdreg $0xFFFFFFFF  }
0xc2: {  	_ =	task.clear_ibuf [dreg:s7], $0x2FFFF;
	_ =	strace $0x9FFFFFFF  }
0xc3: {  	(tm) =	ssettm $0x7FFFFFFF  }
tec
execute0_lowered:
.L_overlay_start_1:
0x0: {  	(tag) =	ssettag $0x1  }
0x1: {  	s1 =	rddreg [dreg:$0x0]  }
0x2: {  	s0 =	rddreg [dreg:$0x1]  }
0x3: {  	s2 =	rddreg [dreg:$0x2]  }
0x4: {  	s3 =	simm.s32 $0x0;
	s22 =	stileid.u32;
	s6 =	srdreg.scid  }
0x5: {  	s16 =	simm.s32 $0x2800;
	s17 =	simm.s32 $0x2900;
	s4 =	smul.u32 $0x2800, s22  }
0x6: {  	s18 =	simm.s32 $0x2880;
	s19 =	simm.s32 $0x6900;
	s8 =	smul.u32 $0x2780, s22  }
0x7: {  	s20 =	simm.s32 $0x1;
	[smem:$0x7FF] =	sst s3;
	s11 =	smul.u32 $0x4F000, s22  }
0x8: {  	s5 =	sadd.s32 $0x2E00, s0;
	s10 =	sand.u32 $0x1, s6;
	s24 =	smul.u32 $0x27000, s22  }
0x9: {  	s14 =	smul.u32 $0x4E000, s22;
	s31 =	sshll.u32 s22, $0x6;
	p0 =	sne.s32 s22, $0x0  }
0xa: {  	s22 =	simm.s32 $0x3;
	_ =	strace $0x80000050;
	s9 =	ssub.s32 $0x2, s10  }
0xb: {  	s28 =	smul.u32 $0x2710, s10;
	s13 =	sshll.u32 s10, $0xA;
	s30 =	sshll.u32 s10, $0x7  }
0xc: {  	s7 =	sshrl.u32 s4, $0x3;
	s8 =	sadd.s32 s8, s0;
	s12 =	sshrl.u32 s9, $0x1  }
0xd: {  	s23 =	sshrl.u32 s11, $0x2;
	s11 =	sor.u32 s13, s24;
	s29 =	sshrl.u32 s14, $0x2  }
0xe: {  	s24 =	sadd.s32 $0x138000, s2;
	s13 =	simm.s32 $0x5;
	s14 =	sor.u32 $0x1C05, s31  }
0xf: {  	s21 =	sadd.s32 s7, s0;
	s0 =	sadd.s32 $0xCE00, s0;
	s12 =	ssub.s32 s9, s12  }
0x10: {  	s15 =	sadd.s32 s23, s2;
	s7 =	sadd.s32 s5, s7;
	s25 =	sadd.s32 $0x65000, s8  }
0x11: {  	s11 =	sshrl.u32 s11, $0x3;
	s23 =	sadd.s32 s29, s2;
	s24 =	sshrl.u32 @!p0 s24, $0x3  }
0x12: {  	s6 =	sadd.s32 $0x7E00, s21;
	[dreg:$0x5] =	wrdreg s25;
	s26 =	sadd.s32 $0x10, s7  }
0x13: {  	s10 =	sadd.s32 s0, s11;
	s0 =	sadd.s32 s30, s0;
	s12 =	smax.u32 s12, $0x1  }
0x14: {  	s15 =	sshrl.u32 s15, $0x3;
	s21 =	simm.s32 $0x80;
	[dreg:$0x4] =	wrdreg s6  }
0x15: {  	s23 =	sshrl.u32 s23, $0x3;
	s25 =	simm.s32 $0x2;
	[dreg:$0x6] =	wrdreg s26  }
0x16: {  	v0 =	vmov s28;
	s11 =	sadd.s32 $0x4E000, s0;
	s26 =	simm.s32 $0x4;
	s0 =	simm.s32 $0x0  }
.LBB2_1:
0x17: {  	s6 =	rddreg [dreg:$0x4]  }
0x18: {  	[tilespmem:s3], [sflag:$0x5] =	stream.linear.gather [hbm4b:s6+s3], $0x2800, $0x38;
	[tilespmem:$0x1E500] =	vst v63  }
0x19: {  	_ =	swait.ge [sflag:s13], $0x2800  }
0x1a: {  	[sflag:s13] =	ssyncset.done $0x0  }
0x1b: {  	s8 =	rddreg [dreg:$0x5];
	[sflag:s13] =	ssyncadd.s32 $0xFFFFD800  }
0x1c: {  	[spmem:s15], [sflag:s14] =	dma.local [hbm:s8], $0x2780  }
0x1d: {  	_ =	swait.ge [sflag:s13], $0x2780  }
0x1e: {  	[sflag:s13] =	ssyncset.done $0x0  }
0x1f: {  	[sflag:s13] =	ssyncadd.s32 $0xFFFFD880  }
0x20: {  	[bflag:$0x0] =	sbarrier.arrive $0xFFFF  }
0x21: {  	[tilespmem:s16], [sflag:$0x5] =	stream.linear.gather [hbm4b:s7+s3], $0x80, $0x38;
	[tilespmem:$0x1E500] =	vst v63  }
0x22: {  	_ =	swait.ge [sflag:s13], $0x80  }
0x23: {  	[sflag:s13] =	ssyncset.done $0x0  }
0x24: {  	[sflag:s13] =	ssyncadd.s32 $0xFFFFFF80  }
0x25: {  	v1 =	vld [tilespmem:$0x2800]  }
0x26: {  	v2 =	vld [tilespmem:$0x2810]  }
0x27: {  	v3 =	vld [tilespmem:$0x2820]  }
0x28: {  	v4 =	vld [tilespmem:$0x2830]  }
0x29: {  	v5 =	vld [tilespmem:$0x2840]  }
0x2a: {  	v6 =	vld [tilespmem:$0x2850];
	v1 =	vadd.s32 v0, v1  }
0x2b: {  	[tilespmem:$0x2800] =	vst v1;
	v1 =	vadd.s32 v0, v2;
	v2 =	vld [tilespmem:$0x2860]  }
0x2c: {  	[tilespmem:$0x2810] =	vst v1;
	v1 =	vadd.s32 v0, v3;
	v3 =	vld [tilespmem:$0x2870]  }
0x2d: {  	[tilespmem:$0x2820] =	vst v1;
	v1 =	vadd.s32 v0, v4  }
0x2e: {  	[tilespmem:$0x2830] =	vst v1;
	v1 =	vadd.s32 v0, v5  }
0x2f: {  	[tilespmem:$0x2840] =	vst v1;
	v1 =	vadd.s32 v0, v6  }
0x30: {  	[tilespmem:$0x2850] =	vst v1;
	v1 =	vadd.s32 v0, v2  }
0x31: {  	[tilespmem:$0x2860] =	vst v1;
	v1 =	vadd.s32 v0, v3  }
0x32: {  	[tilespmem:$0x2870] =	vst v1  }
0x33: {  	[tilespmem:s17], [sflag:$0x1] =	stream.indirect.gather [hbm4b:s1+s21], $0x80, s16, s21, $0xb8;
	[tilespmem:$0x1E500] =	vst v63  }
0x34: {  	s9 =	rddreg [dreg:$0x6]  }
0x35: {  	[tilespmem:s18], [sflag:$0x5] =	stream.linear.gather [hbm4b:s9+s3], $0x80, $0x38;
	[tilespmem:$0x1E500] =	vst v63  }
0x36: {  	_ =	swait.ge [sflag:s13], $0x80  }
0x37: {  	[sflag:s13] =	ssyncset.done $0x0  }
0x38: {  	[sflag:s13] =	ssyncadd.s32 $0xFFFFFF80  }
0x39: {  	v1 =	vld [tilespmem:$0x2880]  }
0x3a: {  	v2 =	vld [tilespmem:$0x2890]  }
0x3b: {  	v3 =	vld [tilespmem:$0x28A0]  }
0x3c: {  	v61 =	vld [tilespmem:$0x28B0]  }
0x3d: {  	v62 =	vld [tilespmem:$0x28C0]  }
0x3e: {  	v63 =	vld [tilespmem:$0x28D0];
	v1 =	vadd.s32 v0, v1  }
0x3f: {  	[tilespmem:$0x2880] =	vst v1;
	v1 =	vadd.s32 v0, v2;
	v2 =	vld [tilespmem:$0x28E0]  }
0x40: {  	[tilespmem:$0x2890] =	vst v1;
	v1 =	vadd.s32 v0, v3;
	v3 =	vld [tilespmem:$0x28F0]  }
0x41: {  	[tilespmem:$0x28A0] =	vst v1;
	v1 =	vadd.s32 v0, v61  }
0x42: {  	s28 =	simm.s32 $0x100;
	[tilespmem:$0x28B0] =	vst v1;
	v1 =	vadd.s32 v0, v62  }
0x43: {  	s29 =	sand.u32 $0x7C00, s28;
	[tilespmem:$0x28C0] =	vst v1;
	v1 =	vadd.s32 v0, v63  }
0x44: {  	s28 =	sand.u32 $0x300, s28;
	s30 =	sadd.s32 s4, s29;
	[tilespmem:$0x28D0] =	vst v1;
	v1 =	vadd.s32 v0, v2  }
0x45: {  	s29 =	simm.s32 $0x180;
	s28 =	sor.u32 s28, s30;
	[tilespmem:$0x28E0] =	vst v1;
	v1 =	vadd.s32 v0, v3  }
0x46: {  	s30 =	simm.s32 $0x280;
	s31 =	sshrl.u32 s28, $0x3;
	s28 =	simm.s32 $0x80;
	[tilespmem:$0x28F0] =	vst v1  }
0x47: {  	[tilespmem:s19], [sflag:$0x2] =	stream.indirect.gather [hbm4b:s1+s21], $0x80, s18, s21, $0xb8;
	[tilespmem:$0x1E500] =	vst v63  }
.LBB2_2:
0x48: {  	p1 =	sne.s32 s30, $0x2780  }
0x49: {  	_ =	swait.ge [sflag:s20], $0x4000;
	s6 =	smov.u32 s30;
	s30 =	sadd.s32 $0x100, s30  }
0x4a: {  	[sflag:s20] =	ssyncset.done $0x0  }
0x4b: {  	s31 =	sadd.s32 s5, s31;
	[sflag:s20] =	ssyncadd.s32 $0xFFFFC000  }
0x4c: {  	[tilespmem:s16], [sflag:$0x3] =	stream.linear.gather [hbm4b:s31+s3], $0x80, $0x38;
	[tilespmem:$0x1E500] =	vst v63  }
0x4d: {  	s31 =	sadd.s32 $0xFFFFFF80, s28  }
0x4e: {  	[spmem:s2] =	stream.indirect.scatter.add.f32 [tilespmem:s17], [sflag:$0x5], $0x80, s31, s21, $0xb8;
	[tilespmem:$0x1E500] =	vst v63  }
0x4f: {  	_ =	swait.ge [sflag:s13], $0x4000  }
0x50: {  	[sflag:s13] =	ssyncset.done $0x0  }
0x51: {  	[sflag:s13] =	ssyncadd.s32 $0xFFFFC000  }
0x52: {  	_ =	swait.ge [sflag:s22], $0x80  }
0x53: {  	[sflag:s22] =	ssyncset.done $0x0  }
0x54: {  	[sflag:s22] =	ssyncadd.s32 $0xFFFFFF80  }
0x55: {  	v1 =	vld [tilespmem:$0x2800]  }
0x56: {  	s31 =	sadd.s32 $0xFFFFFF80, s6;
	v2 =	vld [tilespmem:$0x2810]  }
0x57: {  	v3 =	vld [tilespmem:$0x2820]  }
0x58: {  	s8 =	sand.u32 $0x7C00, s31;
	s31 =	sand.u32 $0x300, s31;
	v4 =	vld [tilespmem:$0x2830]  }
0x59: {  	s8 =	sadd.s32 s4, s8;
	v5 =	vld [tilespmem:$0x2860]  }
0x5a: {  	s9 =	sand.u32 $0x7C00, s29;
	s8 =	sor.u32 s31, s8;
	v6 =	vld [tilespmem:$0x2840]  }
0x5b: {  	s31 =	sshrl.u32 s8, $0x3;
	s8 =	sadd.s32 s4, s9;
	v1 =	vadd.s32 v0, v1;
	v2 =	vadd.s32 v0, v2;
	v7 =	vld [tilespmem:$0x2870]  }
0x5c: {  	s9 =	sand.u32 $0x380, s29;
	s29 =	smov.u32 s6;
	[tilespmem:$0x2800] =	vst v1;
	v1 =	vadd.s32 v0, v3;
	v3 =	vld [tilespmem:$0x2850]  }
0x5d: {  	s6 =	sor.u32 s9, s8;
	[tilespmem:$0x2810] =	vst v2;
	v2 =	vadd.s32 v0, v4  }
0x5e: {  	s6 =	sshrl.u32 s6, $0x3;
	[tilespmem:$0x2820] =	vst v1;
	v1 =	vadd.s32 v0, v5  }
0x5f: {  	s6 =	sadd.s32 s5, s6;
	[tilespmem:$0x2830] =	vst v2;
	v2 =	vadd.s32 v0, v6  }
0x60: {  	[tilespmem:$0x2840] =	vst v2;
	v2 =	vadd.s32 v0, v7  }
0x61: {  	v3 =	vadd.s32 v0, v3;
	[tilespmem:$0x2870] =	vst v2  }
0x62: {  	[tilespmem:$0x2850] =	vst v3  }
0x63: {  	[tilespmem:$0x2860] =	vst v1  }
0x64: {  	[tilespmem:s17], [sflag:$0x1] =	stream.indirect.gather [hbm4b:s1+s21], $0x80, s16, s21, $0xb8;
	[tilespmem:$0x1E500] =	vst v63  }
0x65: {  	_ =	swait.ge [sflag:s25], $0x4000  }
0x66: {  	[sflag:s25] =	ssyncset.done $0x0  }
0x67: {  	[sflag:s25] =	ssyncadd.s32 $0xFFFFC000  }
0x68: {  	[tilespmem:s18], [sflag:$0x4] =	stream.linear.gather [hbm4b:s6+s3], $0x80, $0x38;
	[tilespmem:$0x1E500] =	vst v63  }
0x69: {  	_ = 	snop  }
0x6a: {  	[spmem:s2] =	stream.indirect.scatter.add.f32 [tilespmem:s19], [sflag:$0x5], $0x80, s28, s21, $0xb8;
	[tilespmem:$0x1E500] =	vst v63  }
0x6b: {  	_ =	swait.ge [sflag:s13], $0x4000  }
0x6c: {  	[sflag:s13] =	ssyncset.done $0x0  }
0x6d: {  	[sflag:s13] =	ssyncadd.s32 $0xFFFFC000  }
0x6e: {  	_ =	swait.ge [sflag:s26], $0x80  }
0x6f: {  	[sflag:s26] =	ssyncset.done $0x0  }
0x70: {  	[sflag:s26] =	ssyncadd.s32 $0xFFFFFF80  }
0x71: {  	v1 =	vld [tilespmem:$0x2880]  }
0x72: {  	v2 =	vld [tilespmem:$0x2890]  }
0x73: {  	v3 =	vld [tilespmem:$0x28A0]  }
0x74: {  	v4 =	vld [tilespmem:$0x28B0]  }
0x75: {  	v5 =	vld [tilespmem:$0x28C0]  }
0x76: {  	v1 =	vadd.s32 v0, v1;
	v6 =	vld [tilespmem:$0x28D0]  }
0x77: {  	[tilespmem:$0x2880] =	vst v1;
	v1 =	vadd.s32 v0, v2;
	v2 =	vld [tilespmem:$0x28E0]  }
0x78: {  	[tilespmem:$0x2890] =	vst v1;
	v1 =	vadd.s32 v0, v3;
	v3 =	vld [tilespmem:$0x28F0]  }
0x79: {  	[tilespmem:$0x28A0] =	vst v1;
	v1 =	vadd.s32 v0, v4  }
0x7a: {  	s28 =	sadd.s32 $0x100, s28;
	[tilespmem:$0x28B0] =	vst v1;
	v1 =	vadd.s32 v0, v5  }
.Ltmp0:
0x7b: {  	[tilespmem:$0x28C0] =	vst v1;
	v1 =	vadd.s32 v0, v6;
	(pc) =	sbr.rel @p1 .LBB2_2-.Ltmp0, $4  }
0x7c: {  	[tilespmem:$0x28D0] =	vst v1;
	v1 =	vadd.s32 v0, v2  }
0x7d: {  	[tilespmem:$0x28E0] =	vst v1;
	v1 =	vadd.s32 v0, v3  }
0x7e: {  	[tilespmem:$0x28F0] =	vst v1  }
0x7f: {  	[tilespmem:s19], [sflag:$0x2] =	stream.indirect.gather [hbm4b:s1+s21], $0x80, s18, s21, $0xb8;
	[tilespmem:$0x1E500] =	vst v63  }
0x80: {  	_ =	swait.ge [sflag:s20], $0x4000  }
0x81: {  	[sflag:s20] =	ssyncset.done $0x0  }
0x82: {  	s6 =	sadd.s32 s5, s31;
	[sflag:s20] =	ssyncadd.s32 $0xFFFFC000  }
0x83: {  	[tilespmem:s16], [sflag:$0x3] =	stream.linear.gather [hbm4b:s6+s3], $0x80, $0x38;
	[tilespmem:$0x1E500] =	vst v63  }
0x84: {  	s8 =	sadd.s32 $0xFFFFFF80, s28  }
0x85: {  	[spmem:s2] =	stream.indirect.scatter.add.f32 [tilespmem:s17], [sflag:$0x5], $0x80, s8, s21, $0xb8;
	[tilespmem:$0x1E500] =	vst v63  }
0x86: {  	_ =	swait.ge [sflag:s13], $0x4000  }
0x87: {  	[sflag:s13] =	ssyncset.done $0x0  }
0x88: {  	[sflag:s13] =	ssyncadd.s32 $0xFFFFC000  }
0x89: {  	_ =	swait.ge [sflag:s22], $0x80  }
0x8a: {  	[sflag:s22] =	ssyncset.done $0x0  }
0x8b: {  	[sflag:s22] =	ssyncadd.s32 $0xFFFFFF80  }
0x8c: {  	v1 =	vld [tilespmem:$0x2800]  }
0x8d: {  	v2 =	vld [tilespmem:$0x2810]  }
0x8e: {  	v3 =	vld [tilespmem:$0x2820]  }
0x8f: {  	v4 =	vld [tilespmem:$0x2830]  }
0x90: {  	v5 =	vld [tilespmem:$0x2840]  }
0x91: {  	v6 =	vld [tilespmem:$0x2870];
	v1 =	vadd.s32 v0, v1  }
0x92: {  	v7 =	vld [tilespmem:$0x2860];
	v2 =	vadd.s32 v0, v2;
	[tilespmem:$0x2800] =	vst v1  }
0x93: {  	v3 =	vadd.s32 v0, v3;
	v1 =	vld [tilespmem:$0x2850];
	[tilespmem:$0x2810] =	vst v2  }
0x94: {  	v2 =	vadd.s32 v0, v4;
	[tilespmem:$0x2820] =	vst v3  }
0x95: {  	[tilespmem:$0x2830] =	vst v2;
	v2 =	vadd.s32 v0, v5  }
0x96: {  	[tilespmem:$0x2840] =	vst v2;
	v2 =	vadd.s32 v0, v6  }
0x97: {  	[tilespmem:$0x2870] =	vst v2;
	v2 =	vadd.s32 v0, v7  }
0x98: {  	s9 =	sand.u32 $0x7C00, s29;
	[tilespmem:$0x2860] =	vst v2;
	v1 =	vadd.s32 v0, v1  }
0x99: {  	s6 =	sadd.s32 s4, s9;
	s8 =	sand.u32 $0x380, s29;
	[tilespmem:$0x2850] =	vst v1  }
0x9a: {  	[tilespmem:s17], [sflag:$0x1] =	stream.indirect.gather [hbm4b:s1+s21], $0x80, s16, s21, $0xb8;
	[tilespmem:$0x1E500] =	vst v63  }
0x9b: {  	s6 =	sor.u32 s8, s6;
	_ =	swait.ge [sflag:s25], $0x4000  }
0x9c: {  	s6 =	sshrl.u32 s6, $0x3;
	[sflag:s25] =	ssyncset.done $0x0  }
0x9d: {  	s6 =	sadd.s32 s5, s6;
	[sflag:s25] =	ssyncadd.s32 $0xFFFFC000  }
0x9e: {  	[tilespmem:s18], [sflag:$0x4] =	stream.linear.gather [hbm4b:s6+s3], $0x80, $0x38;
	[tilespmem:$0x1E500] =	vst v63  }
0x9f: {  	_ = 	snop  }
0xa0: {  	[spmem:s2] =	stream.indirect.scatter.add.f32 [tilespmem:s19], [sflag:$0x5], $0x80, s28, s21, $0xb8;
	[tilespmem:$0x1E500] =	vst v63  }
0xa1: {  	_ =	swait.ge [sflag:s13], $0x4000  }
0xa2: {  	[sflag:s13] =	ssyncset.done $0x0  }
0xa3: {  	[sflag:s13] =	ssyncadd.s32 $0xFFFFC000  }
0xa4: {  	_ =	swait.ge [sflag:s26], $0x80  }
0xa5: {  	[sflag:s26] =	ssyncset.done $0x0  }
0xa6: {  	[sflag:s26] =	ssyncadd.s32 $0xFFFFFF80  }
0xa7: {  	v1 =	vld [tilespmem:$0x2880]  }
0xa8: {  	v2 =	vld [tilespmem:$0x2890]  }
0xa9: {  	v3 =	vld [tilespmem:$0x28A0]  }
0xaa: {  	v61 =	vld [tilespmem:$0x28B0]  }
0xab: {  	v62 =	vld [tilespmem:$0x28C0]  }
0xac: {  	v63 =	vld [tilespmem:$0x28D0];
	v1 =	vadd.s32 v0, v1  }
0xad: {  	[tilespmem:$0x2880] =	vst v1;
	v1 =	vadd.s32 v0, v2;
	v2 =	vld [tilespmem:$0x28E0]  }
0xae: {  	[tilespmem:$0x2890] =	vst v1;
	v1 =	vadd.s32 v0, v3;
	v3 =	vld [tilespmem:$0x28F0]  }
0xaf: {  	[tilespmem:$0x28A0] =	vst v1;
	v1 =	vadd.s32 v0, v61  }
0xb0: {  	[tilespmem:$0x28B0] =	vst v1;
	v1 =	vadd.s32 v0, v62  }
0xb1: {  	[tilespmem:$0x28C0] =	vst v1;
	v1 =	vadd.s32 v0, v63  }
0xb2: {  	[tilespmem:$0x28D0] =	vst v1;
	v1 =	vadd.s32 v0, v2  }
0xb3: {  	[tilespmem:$0x28E0] =	vst v1;
	v1 =	vadd.s32 v0, v3  }
0xb4: {  	[tilespmem:$0x28F0] =	vst v1  }
0xb5: {  	[tilespmem:s19], [sflag:$0x2] =	stream.indirect.gather [hbm4b:s1+s21], $0x80, s18, s21, $0xb8;
	[tilespmem:$0x1E500] =	vst v63  }
0xb6: {  	_ =	swait.ge [sflag:s20], $0x4000  }
0xb7: {  	[sflag:s20] =	ssyncset.done $0x0  }
0xb8: {  	s28 =	simm.s32 $0x2700;
	[sflag:s20] =	ssyncadd.s32 $0xFFFFC000  }
0xb9: {  	[spmem:s2] =	stream.indirect.scatter.add.f32 [tilespmem:s17], [sflag:$0x5], $0x80, s28, s21, $0xb8;
	[tilespmem:$0x1E500] =	vst v63  }
0xba: {  	_ =	swait.ge [sflag:s13], $0x4000  }
0xbb: {  	[sflag:s13] =	ssyncset.done $0x0  }
0xbc: {  	[sflag:s13] =	ssyncadd.s32 $0xFFFFC000  }
0xbd: {  	_ =	swait.ge [sflag:s25], $0x4000  }
0xbe: {  	[sflag:s25] =	ssyncset.done $0x0  }
0xbf: {  	s29 =	simm.s32 $0x2780;
	[sflag:s25] =	ssyncadd.s32 $0xFFFFC000  }
0xc0: {  	[spmem:s2] =	stream.indirect.scatter.add.f32 [tilespmem:s19], [sflag:$0x5], $0x80, s29, s21, $0xb8;
	[tilespmem:$0x1E500] =	vst v63  }
0xc1: {  	_ =	swait.ge [sflag:s13], $0x4000  }
0xc2: {  	[sflag:s13] =	ssyncset.done $0x0  }
0xc3: {  	[sflag:s13] =	ssyncadd.s32 $0xFFFFC000  }
0xc4: {  	s30 =	simm.s32 $0x8;
	s31 =	simm.s32 $0x100;
	[bflag:$0x0] =	sbarrier.arrive $0xFFFF  }
0xc5: {  	[hbm:s10@s31], [sflag:s14] =	dma.strided [spmem:s23@s21], $0x2700, s30, $0x10   }
0xc6: {  	s0 =	sadd.s32 $0x1, s0;
	_ =	swait.ge [sflag:s13], $0x2700  }
0xc7: {  	p1 =	sne.s32 s0, s12;
	s9 =	simm.s32 @!p0 $0x80;
	[sflag:s13] =	ssyncset.done $0x0  }
0xc8: {  	s8 =	simm.s32 @!p0 $0x100;
	s6 =	simm.s32 @!p0 $0x8;
	[sflag:s13] =	ssyncadd.s32 $0xFFFFD900  }
0xc9: {  	[hbm:s11@s8], [sflag:s14] =	dma.strided @!p0 [spmem:s24@s9], $0x100, s6, $0x10   }
.Ltmp1:
0xca: {  	_ = 	snop;
	(pc) =	sbr.rel @p1 .LBB2_1-.Ltmp1, $4  }
0xcb: {  	s6 =	simm.s32 @!p0 $0x5  }
0xcc: {  	_ =	swait.ge @!p0 [sflag:s6], $0x100  }
0xcd: {  	[sflag:s6] =	ssyncset.done @!p0 $0x0  }
0xce: {  	[sflag:s6] =	ssyncadd.s32 @!p0 $0xFFFFFF00  }
0xcf: {  	_ =	sfence.sel $0x180000  }
0xd0: {  	[bflag:$0x0] =	sbarrier.arrive $0xFFFF  }
0xd1: {  	_ =	strace $0x90000050  }
0xd2: {  	[bflag:$0x2] =	sbarrier.arrive $0xFFFF  }
0xd3: {  	s0 =	rddreg [dreg:$0x3]  }
0xd4: {  	s0 =	sadd.s32 @!p0 $0x100000, s0  }
0xd5: {  	[sflag:s0] =	ssyncadd.tile.s32 @!p0 $0x1;
	_ =	shalt  }
.Lfunc_end2:
_tile_overlayer_lowered:
.L_overlay_start_2:
0xd6: {  	(tag) =	ssettag $0x2  }
0xd7: {  	s0 =	rddreg [dreg:$0x0];
	s2 =	stileid.u32  }
0xd8: {  	s1 =	rddreg [dreg:$0x1];
	p0 =	sne.s32 s2, $0x0  }
0xd9: {  	s3 =	rddreg [dreg:$0x2];
	[bflag:$0x3] =	sbarrier.arrive $0xFFFF;
	s2 =	simm.s32 @!p0 $0x1C05  }
0xda: {  	[timem:s3], [sflag:s2] =	dma.local @!p0 [hbm:s0], s1  }
0xdb: {  	s0 =	simm.s32 @!p0 $0x5  }
0xdc: {  	_ =	swait.ge @!p0 [sflag:s0], s1  }
0xdd: {  	s1 =	ssub.s32 @!p0 $0x0, s1;
	[sflag:s0] =	ssyncset.done @!p0 $0x0  }
0xde: {  	[sflag:s0] =	ssyncadd.s32 @!p0 s1  }
0xdf: {  	[bflag:$0x3] =	sbarrier.arrive $0xFFFF  }
0xe0: {  	_ =	shalt  }

</sc_bundles>
